<compile_context>
chip_gen: v7x
topology: tpu7x:2x2x1
jax: 0.10.2.dev20260603
libtpu: 0.0.44.dev20260713+nightly
codegen_flags: <defaults>
</compile_context>

<pallas_src>
import functools

import jax
import jax.numpy as jnp
from jax import lax
from jax.experimental import pallas as pl
from jax.experimental.pallas import tpu as pltpu
from jax.experimental.pallas import tpu_sc as plsc

_B, _C = 128, 8192
_N = _B * _C
_NT = 16
_SHARD = _N // _NT
_VECS = _SHARD // 16
_LEVELS = ((23, 8), (15, 8), (7, 8), (0, 7))


def _tc_prep(epoch_ref, logits_ref, targets_ref, bits_ref, total_ref, k_ref):
    l = logits_ref[...]
    t = targets_ref[...]
    nan_mask = jnp.isnan(t)
    t0 = jnp.where(nan_mask, 0.0, t)
    loss = jnp.maximum(l, 0.0) - l * t0 + jnp.log1p(jnp.exp(-jnp.abs(l)))
    ull = jnp.where(nan_mask, loss, 0.0)
    bits_ref[...] = lax.bitcast_convert_type(ull, jnp.int32)
    total_ref[0] = jnp.sum(loss)
    n = jnp.sum(jnp.where(nan_mask & (loss != 0.0), 1, 0).astype(jnp.int32))
    epoch = epoch_ref[0]
    percent = epoch.astype(jnp.float32) * 0.1 / 100.0
    num = n * epoch
    q = num // 1000
    r = num - q * 1000
    k = jnp.where(r > 500, q + 1, jnp.where(r == 500, q + (q % 2), q))
    k = jnp.where(percent > 1.0, n, k)
    k_ref[0] = jnp.where(k == 0, 1, k)


def _splat(x):
    return lax.broadcast_in_dim(x, (16,), ())


def _sc_body(bits_hbm, k_hbm, tot_hbm, out_hbm, hslots_hbm, dslots_hbm,
             data_v, hist_v, gh_v, th_all_v, sv_v, res2_v, kloc_v,
             dall_v, dall2_v, out_v, sh_r0, sh_r1, sh_r2, sh_r3):
    sh_refs = (sh_r0, sh_r1, sh_r2, sh_r3)
    sid = lax.axis_index("s")
    lanes = lax.iota(jnp.int32, 16)
    zeros16 = jnp.zeros((16,), jnp.int32)
    ones16 = jnp.ones((16,), jnp.int32)

    pltpu.sync_copy(bits_hbm.at[pl.ds(sid * _SHARD, _SHARD)], data_v)
    pltpu.sync_copy(k_hbm, sv_v)
    kloc_v[...] = sv_v[...]

    prefixv = zeros16
    for lvl, (shift, nbits) in enumerate(_LEVELS):
        nb = 1 << nbits
        nrows = nb // 16
        lane_base = lanes * nb

        def zh(i, _):
            for u in range(4):
                hist_v[pl.ds(i * 64 + u * 16, 16)] = zeros16
            return 0
        lax.fori_loop(0, nb // 4, zh, 0)

        def hp(i, _, shift=shift, nb=nb, lane_base=lane_base,
               prefixv=prefixv, nbits=nbits):
            for u in range(8):
                v = data_v[pl.ds(i * 128 + u * 16, 16)]
                m = lax.shift_right_logical(v, shift + nbits) == prefixv
                b = jnp.bitwise_and(lax.shift_right_logical(v, shift), nb - 1)
                plsc.addupdate_scatter(
                    hist_v, [lane_base + b], ones16, mask=m)
            return 0
        lax.fori_loop(0, _VECS // 8, hp, 0)

        def col(i, _, nb=nb):
            acc = hist_v[pl.ds(i * 16, 16)]
            for ln in range(1, 16):
                acc = acc + hist_v[pl.ds(ln * nb + i * 16, 16)]
            gh_v[i] = acc
            return 0
        lax.fori_loop(0, nrows, col, 0)
        pltpu.sync_copy(gh_v, hslots_hbm.at[sid])
        plsc.subcore_barrier()

        @pl.when(sid == 0)
        def _(nrows=nrows, lvl=lvl):
            pltpu.sync_copy(hslots_hbm, th_all_v)
            def row0(i, _):
                gh_v[i] = th_all_v[0, i]
                return 0
            lax.fori_loop(0, nrows, row0, 0)
            def addt(t, _):
                def row(i, _):
                    gh_v[i] = gh_v[i] + th_all_v[t, i]
                    return 0
                lax.fori_loop(0, nrows, row, 0)
                return 0
            lax.fori_loop(1, _NT, addt, 0)

            k0 = kloc_v[...][0]

            def sbody(j, carry, nrows=nrows):
                acc, found, bsel, ssel, csel = carry
                i = nrows - 1 - j
                v = gh_v[i]
                for lane in range(15, -1, -1):
                    c = v[lane]
                    binid = i * 16 + lane
                    acc2 = acc + c
                    newf = jnp.logical_and(found == 0, acc2 >= k0)
                    found = jnp.where(newf, jnp.int32(1), found)
                    bsel = jnp.where(newf, binid, bsel)
                    ssel = jnp.where(newf, acc2, ssel)
                    csel = jnp.where(newf, c, csel)
                    acc = acc2
                return (acc, found, bsel, ssel, csel)

            z = jnp.int32(0)
            _a, _f, bsel, ssel, csel = lax.fori_loop(
                0, nrows, sbody, (z, z, z, z, z))
            kloc_v[...] = _splat(k0 - (ssel - csel))
            res2_v[0] = _splat(bsel)
            pltpu.sync_copy(res2_v, sh_refs[lvl])
        plsc.subcore_barrier()
        pltpu.sync_copy(sh_refs[lvl], res2_v)
        prefixv = jnp.bitwise_or(
            lax.shift_left(prefixv, nbits), res2_v[0])

    def dsum(i, acc):
        for u in range(8):
            v = data_v[pl.ds(i * 128 + u * 16, 16)]
            f = plsc.bitcast(v, jnp.float32)
            acc = acc + jnp.where(v > prefixv, f, jnp.float32(0.0))
        return acc
    drop = lax.fori_loop(0, _VECS // 8, dsum, jnp.zeros((16,), jnp.float32))
    dall_v[...] = drop
    pltpu.sync_copy(dall_v, dslots_hbm.at[sid])
    plsc.subcore_barrier()

    @pl.when(sid == 0)
    def _():
        pltpu.sync_copy(tot_hbm, sv_v)
        totalv = plsc.bitcast(sv_v[...], jnp.float32)
        pltpu.sync_copy(dslots_hbm, dall2_v)
        def addd(t, acc):
            return acc + dall2_v[t]
        dvec = lax.fori_loop(0, _NT, addd, jnp.zeros((16,), jnp.float32))
        dropped = dvec[0]
        for lane in range(1, 16):
            dropped = dropped + dvec[lane]
        out_v[...] = (totalv - _splat(dropped)) * jnp.float32(1.0 / _N)
        pltpu.sync_copy(out_v, out_hbm)


@functools.cache
def _sc_select():
  return pl.kernel(
    _sc_body,
    out_type=(
        jax.ShapeDtypeStruct((16,), jnp.float32),
        jax.ShapeDtypeStruct((_NT, 16, 16), jnp.int32),
        jax.ShapeDtypeStruct((_NT, 16), jnp.float32),
    ),
    mesh=plsc.VectorSubcoreMesh(
        core_axis_name="c", subcore_axis_name="s", num_cores=1,
        num_subcores=_NT),
    scratch_types=[
        pltpu.VMEM((_SHARD,), jnp.int32),
        pltpu.VMEM((256 * 16,), jnp.int32),
        pltpu.VMEM((16, 16), jnp.int32),
        pltpu.VMEM((_NT, 16, 16), jnp.int32),
        pltpu.VMEM((16,), jnp.int32),
        pltpu.VMEM((16, 16), jnp.int32),
        pltpu.VMEM((16,), jnp.int32),
        pltpu.VMEM((16,), jnp.float32),
        pltpu.VMEM((_NT, 16), jnp.float32),
        pltpu.VMEM((16,), jnp.float32),
        pltpu.VMEM_SHARED((16, 16), jnp.int32),
        pltpu.VMEM_SHARED((16, 16), jnp.int32),
        pltpu.VMEM_SHARED((16, 16), jnp.int32),
        pltpu.VMEM_SHARED((16, 16), jnp.int32),
    ],
    compiler_params=pltpu.CompilerParams(needs_layout_passes=False),
  )


def kernel(logits, targets, epoch):
    epoch_arr = jnp.asarray(epoch, jnp.int32).reshape((1,))
    bits, total, k = pl.pallas_call(
        _tc_prep,
        out_shape=(
            jax.ShapeDtypeStruct((_B, _C), jnp.int32),
            jax.ShapeDtypeStruct((1,), jnp.float32),
            jax.ShapeDtypeStruct((1,), jnp.int32),
        ),
        in_specs=[
            pl.BlockSpec(memory_space=pltpu.SMEM),
            pl.BlockSpec(memory_space=pltpu.VMEM),
            pl.BlockSpec(memory_space=pltpu.VMEM),
        ],
        out_specs=(
            pl.BlockSpec(memory_space=pltpu.VMEM),
            pl.BlockSpec(memory_space=pltpu.SMEM),
            pl.BlockSpec(memory_space=pltpu.SMEM),
        ),
    )(epoch_arr, logits, targets)
    kv = jnp.broadcast_to(k, (16,))
    tb = jnp.broadcast_to(
        lax.bitcast_convert_type(total, jnp.int32), (16,))
    out, _hs, _ds = _sc_select()(bits.reshape(_N), kv, tb)
    return out[0]

# --- scband reference (transcript-rebuilt; emitter-appended) ---
"""Pipeline reference for scband-large-loss-rejection-13984413516041 (READ-ONLY COPY).

The authoritative reference and input builder live on the scoring server;
editing this copy changes nothing except your own understanding.
"""

import jax, jax.numpy as jnp
import numpy as np


def _bce_partial_negative(logits, targets):
    # PartialNegativeBCEWithLogitLoss: unknown (NaN) labels are assumed negative (0).
    t = jnp.where(jnp.isnan(targets), 0.0, targets)
    # numerically stable BCE-with-logits, reduction=None
    return jnp.maximum(logits, 0.0) - logits * t + jnp.log1p(jnp.exp(-jnp.abs(logits)))


def setup_inputs(seed: int = 0):
    key = jax.random.key(seed)
    k1, k2, k3 = jax.random.split(key, 3)
    B, C = 128, 8192
    logits = jax.random.normal(k1, (B, C), dtype=jnp.float32)
    labels = jax.random.bernoulli(k2, 0.5, (B, C)).astype(jnp.float32)
    unk = jax.random.uniform(k3, (B, C)) < 0.3
    targets = jnp.where(unk, jnp.nan, labels)
    return {"logits": logits, "targets": targets, "epoch": 50}


def reference(logits, targets, epoch):
    delta_rel = 0.1
    losses = _bce_partial_negative(logits, targets)
    mask = jnp.isnan(targets)
    unknown_label_losses = losses * mask
    percent = epoch * delta_rel / 100.0
    n = jnp.count_nonzero(unknown_label_losses)
    num = n * epoch
    q = num // 1000
    r = num % 1000
    k = jnp.where(r > 500, q + 1, jnp.where(r == 500, q + (q % 2), q))
    k = jnp.where(percent > 1, n, k)
    k = jnp.where(k == 0, 1, k)
    sorted_desc = -jnp.sort(-unknown_label_losses.reshape(-1))
    loss_threshold = sorted_desc[k - 1]
    lambdas = jnp.where(unknown_label_losses > loss_threshold, 0.0, 1.0)
    final_loss = losses * lambdas
    return jnp.mean(final_loss)

if __name__ == "__main__":
    import jax
    _d = setup_inputs()
    print(jax.jit(kernel)(*tuple(_d.values())))

</pallas_src>

<mosaic_0001>
#map = affine_map<(d0, d1) -> (0)>
#map1 = affine_map<(d0, d1) -> (0, 0, 0)>
#map2 = affine_map<(d0, d1) -> (0, 0)>
module attributes {stable_mosaic.version = 14 : i64} {
  func.func @_sc_body(%arg0: i32, %arg1: i32, %arg2: memref<1048576xi32, #tpu.memory_space<hbm>>, %arg3: memref<16xi32, #tpu.memory_space<hbm>>, %arg4: memref<16xi32, #tpu.memory_space<hbm>>, %arg5: memref<16xf32, #tpu.memory_space<hbm>>, %arg6: memref<16x16x16xi32, #tpu.memory_space<hbm>>, %arg7: memref<16x16xf32, #tpu.memory_space<hbm>>, %arg8: memref<65536xi32, #tpu.memory_space<vmem>>, %arg9: memref<4096xi32, #tpu.memory_space<vmem>>, %arg10: memref<16x16xi32, #tpu.memory_space<vmem>>, %arg11: memref<16x16x16xi32, #tpu.memory_space<vmem>>, %arg12: memref<16xi32, #tpu.memory_space<vmem>>, %arg13: memref<16x16xi32, #tpu.memory_space<vmem>>, %arg14: memref<16xi32, #tpu.memory_space<vmem>>, %arg15: memref<16xf32, #tpu.memory_space<vmem>>, %arg16: memref<16x16xf32, #tpu.memory_space<vmem>>, %arg17: memref<16xf32, #tpu.memory_space<vmem>>, %arg18: memref<16x16xi32, #tpu.memory_space<vmem_shared>>, %arg19: memref<16x16xi32, #tpu.memory_space<vmem_shared>>, %arg20: memref<16x16xi32, #tpu.memory_space<vmem_shared>>, %arg21: memref<16x16xi32, #tpu.memory_space<vmem_shared>>) attributes {dimension_semantics = [#tpu.dimension_semantics<core_parallel>, #tpu.dimension_semantics<subcore_parallel>], iteration_bounds = array<i64: 1, 16>, scalar_prefetch = 0 : i64, scratch_operands = 14 : i64, tpu.core_type = #tpu.core_type<sc_vector_subcore>, window_params = [{transform_indices = #map}, {transform_indices = #map}, {transform_indices = #map}, {transform_indices = #map}, {transform_indices = #map1}, {transform_indices = #map2}]} {
    %iota3A = tpu.iota {dimensions = array<i32: 0>} : vector<16xi32>
    %broadcast_in_dim3A = arith.constant 0 : i32
    %broadcast_in_dim3A_0 = vector.broadcast %broadcast_in_dim3A : i32 to vector<16xi32>
    %broadcast_in_dim3A_1 = arith.constant 1 : i32
    %broadcast_in_dim3A_2 = vector.broadcast %broadcast_in_dim3A_1 : i32 to vector<16xi32>
    %mul3A = arith.constant 65536 : i32
    %mul3A_3 = arith.muli %arg1, %mul3A : i32
    "tpu.region"() ({
      %run_scoped3A = tpu.sem_alloc : memref<!tpu.dma_semaphore, #tpu.memory_space<semaphore_mem>>
      %dma_start3A = tpu.memref_slice %arg2[%mul3A_3] : memref<1048576xi32, #tpu.memory_space<hbm>> -> memref<65536xi32, #tpu.memory_space<hbm>>
      %dma_start3A_171 = tpu.memref_slice %arg2[%mul3A_3] : memref<1048576xi32, #tpu.memory_space<hbm>> -> memref<65536xi32, #tpu.memory_space<hbm>>
      tpu.enqueue_dma source(%dma_start3A_171 : memref<65536xi32, #tpu.memory_space<hbm>>) target(%arg8 : memref<65536xi32, #tpu.memory_space<vmem>>) target_semaphore(%run_scoped3A : memref<!tpu.dma_semaphore, #tpu.memory_space<semaphore_mem>>)
      %dma_wait3A = tpu.memref_slice %arg2[%mul3A_3] : memref<1048576xi32, #tpu.memory_space<hbm>> -> memref<65536xi32, #tpu.memory_space<hbm>>
      %dma_wait3A_172 = tpu.memref_slice %arg2[%mul3A_3] : memref<1048576xi32, #tpu.memory_space<hbm>> -> memref<65536xi32, #tpu.memory_space<hbm>>
      tpu.wait_dma2 semaphore(%run_scoped3A : memref<!tpu.dma_semaphore, #tpu.memory_space<semaphore_mem>>) src(%dma_wait3A_172 : memref<65536xi32, #tpu.memory_space<hbm>>) dst(%arg8 : memref<65536xi32, #tpu.memory_space<vmem>>)
      tpu.yield
    }) : () -> ()
    "tpu.region"() ({
      %run_scoped3A = tpu.sem_alloc : memref<!tpu.dma_semaphore, #tpu.memory_space<semaphore_mem>>
      tpu.enqueue_dma source(%arg3 : memref<16xi32, #tpu.memory_space<hbm>>) target(%arg12 : memref<16xi32, #tpu.memory_space<vmem>>) target_semaphore(%run_scoped3A : memref<!tpu.dma_semaphore, #tpu.memory_space<semaphore_mem>>)
      tpu.wait_dma2 semaphore(%run_scoped3A : memref<!tpu.dma_semaphore, #tpu.memory_space<semaphore_mem>>) src(%arg3 : memref<16xi32, #tpu.memory_space<hbm>>) dst(%arg12 : memref<16xi32, #tpu.memory_space<vmem>>)
      tpu.yield
    }) : () -> ()
    %get3A = arith.constant 0 : index
    %get3A_4 = tpu.vector_load %arg12[%get3A] {strides = array<i32>} : memref<16xi32, #tpu.memory_space<vmem>>, vector<16xi32>,
    %swap3A = arith.constant 0 : index
    %swap3A_5 = tpu.vector_load %arg14[%swap3A] {strides = array<i32>} : memref<16xi32, #tpu.memory_space<vmem>>, vector<16xi32>,
    tpu.vector_store %arg14[%swap3A], %get3A_4 {strides = array<i32>} : memref<16xi32, #tpu.memory_space<vmem>>, vector<16xi32>,
    %mul3A_6 = arith.constant 256 : i32
    %mul3A_7 = vector.broadcast %mul3A_6 : i32 to vector<16xi32>
    %mul3A_8 = arith.muli %iota3A, %mul3A_7 : vector<16xi32>
    %scan3A = arith.constant 0 : i32
    %scan3A_9 = arith.constant 0 : i32
    %scan3A_10 = arith.constant 64 : i32
    %scan3A_11 = arith.addi %scan3A_9, %scan3A_10 : i32
    %scan3A_12 = arith.constant 1 : i32
    %scan3A_13 = scf.for %scan3A_171 = %scan3A_9 to %scan3A_11 step %scan3A_12 iter_args(%scan3A_172 = %scan3A) -> (i32)  : i32 {
      %mul3A_173 = arith.constant 64 : i32
      %mul3A_174 = arith.muli %scan3A_171, %mul3A_173 : i32
      %add3A = arith.constant 0 : i32
      %add3A_175 = arith.addi %mul3A_174, %add3A : i32
      %swap3A_176 = arith.index_cast %add3A_175 : i32 to index
      %swap3A_177 = tpu.vector_load %arg9[%swap3A_176] {strides = array<i32>} : memref<4096xi32, #tpu.memory_space<vmem>>, vector<16xi32>,
      tpu.vector_store %arg9[%swap3A_176], %broadcast_in_dim3A_0 {strides = array<i32>} : memref<4096xi32, #tpu.memory_space<vmem>>, vector<16xi32>,
      %mul3A_178 = arith.constant 64 : i32
      %mul3A_179 = arith.muli %scan3A_171, %mul3A_178 : i32
      %add3A_180 = arith.constant 16 : i32
      %add3A_181 = arith.addi %mul3A_179, %add3A_180 : i32
      %swap3A_182 = arith.index_cast %add3A_181 : i32 to index
      %swap3A_183 = tpu.vector_load %arg9[%swap3A_182] {strides = array<i32>} : memref<4096xi32, #tpu.memory_space<vmem>>, vector<16xi32>,
      tpu.vector_store %arg9[%swap3A_182], %broadcast_in_dim3A_0 {strides = array<i32>} : memref<4096xi32, #tpu.memory_space<vmem>>, vector<16xi32>,
      %mul3A_184 = arith.constant 64 : i32
      %mul3A_185 = arith.muli %scan3A_171, %mul3A_184 : i32
      %add3A_186 = arith.constant 32 : i32
      %add3A_187 = arith.addi %mul3A_185, %add3A_186 : i32
      %swap3A_188 = arith.index_cast %add3A_187 : i32 to index
      %swap3A_189 = tpu.vector_load %arg9[%swap3A_188] {strides = array<i32>} : memref<4096xi32, #tpu.memory_space<vmem>>, vector<16xi32>,
      tpu.vector_store %arg9[%swap3A_188], %broadcast_in_dim3A_0 {strides = array<i32>} : memref<4096xi32, #tpu.memory_space<vmem>>, vector<16xi32>,
      %mul3A_190 = arith.constant 64 : i32
      %mul3A_191 = arith.muli %scan3A_171, %mul3A_190 : i32
      %add3A_192 = arith.constant 48 : i32
      %add3A_193 = arith.addi %mul3A_191, %add3A_192 : i32
      %swap3A_194 = arith.index_cast %add3A_193 : i32 to index
      %swap3A_195 = tpu.vector_load %arg9[%swap3A_194] {strides = array<i32>} : memref<4096xi32, #tpu.memory_space<vmem>>, vector<16xi32>,
      tpu.vector_store %arg9[%swap3A_194], %broadcast_in_dim3A_0 {strides = array<i32>} : memref<4096xi32, #tpu.memory_space<vmem>>, vector<16xi32>,
      %scan3A_196 = arith.constant 0 : i32
      scf.yield %scan3A_196 : i32
    }
    %scan3A_14 = arith.constant 64 : i32
    %scan3A_15 = arith.constant 0 : i32
    %scan3A_16 = arith.constant 0 : i32
    %scan3A_17 = arith.constant 512 : i32
    %scan3A_18 = arith.addi %scan3A_16, %scan3A_17 : i32
    %scan3A_19 = arith.constant 1 : i32
    %scan3A_20 = scf.for %scan3A_171 = %scan3A_16 to %scan3A_18 step %scan3A_19 iter_args(%scan3A_172 = %scan3A_15) -> (i32)  : i32 {
      %mul3A_173 = arith.constant 128 : i32
      %mul3A_174 = arith.muli %scan3A_171, %mul3A_173 : i32
      %add3A = arith.constant 0 : i32
      %add3A_175 = arith.addi %mul3A_174, %add3A : i32
      %get3A_176 = arith.index_cast %add3A_175 : i32 to index
      %get3A_177 = tpu.vector_load %arg8[%get3A_176] {strides = array<i32>} : memref<65536xi32, #tpu.memory_space<vmem>>, vector<16xi32>,
      %shift_right_logical3A = arith.constant 31 : i32
      %shift_right_logical3A_178 = vector.broadcast %shift_right_logical3A : i32 to vector<16xi32>
      %shift_right_logical3A_179 = arith.shrui %get3A_177, %shift_right_logical3A_178 : vector<16xi32>
      %eq3A_180 = arith.cmpi eq, %shift_right_logical3A_179, %broadcast_in_dim3A_0 : vector<16xi32>
      %shift_right_logical3A_181 = arith.constant 23 : i32
      %shift_right_logical3A_182 = vector.broadcast %shift_right_logical3A_181 : i32 to vector<16xi32>
      %shift_right_logical3A_183 = arith.shrui %get3A_177, %shift_right_logical3A_182 : vector<16xi32>
      %and3A = arith.constant 255 : i32
      %and3A_184 = vector.broadcast %and3A : i32 to vector<16xi32>
      %and3A_185 = arith.andi %shift_right_logical3A_183, %and3A_184 : vector<16xi32>
      %add3A_186 = arith.addi %mul3A_8, %and3A_185 : vector<16xi32>
      tpu.vector_store_idx %arg9[%add3A_186], %broadcast_in_dim3A_2 masked %eq3A_180 {add = true} : memref<4096xi32, #tpu.memory_space<vmem>>[vector<16xi32>], vector<16xi32>, vector<16xi1>
      %mul3A_187 = arith.constant 128 : i32
      %mul3A_188 = arith.muli %scan3A_171, %mul3A_187 : i32
      %add3A_189 = arith.constant 16 : i32
      %add3A_190 = arith.addi %mul3A_188, %add3A_189 : i32
      %get3A_191 = arith.index_cast %add3A_190 : i32 to index
      %get3A_192 = tpu.vector_load %arg8[%get3A_191] {strides = array<i32>} : memref<65536xi32, #tpu.memory_space<vmem>>, vector<16xi32>,
      %shift_right_logical3A_193 = arith.constant 31 : i32
      %shift_right_logical3A_194 = vector.broadcast %shift_right_logical3A_193 : i32 to vector<16xi32>
      %shift_right_logical3A_195 = arith.shrui %get3A_192, %shift_right_logical3A_194 : vector<16xi32>
      %eq3A_196 = arith.cmpi eq, %shift_right_logical3A_195, %broadcast_in_dim3A_0 : vector<16xi32>
      %shift_right_logical3A_197 = arith.constant 23 : i32
      %shift_right_logical3A_198 = vector.broadcast %shift_right_logical3A_197 : i32 to vector<16xi32>
      %shift_right_logical3A_199 = arith.shrui %get3A_192, %shift_right_logical3A_198 : vector<16xi32>
      %and3A_200 = arith.constant 255 : i32
      %and3A_201 = vector.broadcast %and3A_200 : i32 to vector<16xi32>
      %and3A_202 = arith.andi %shift_right_logical3A_199, %and3A_201 : vector<16xi32>
      %add3A_203 = arith.addi %mul3A_8, %and3A_202 : vector<16xi32>
      tpu.vector_store_idx %arg9[%add3A_203], %broadcast_in_dim3A_2 masked %eq3A_196 {add = true} : memref<4096xi32, #tpu.memory_space<vmem>>[vector<16xi32>], vector<16xi32>, vector<16xi1>
      %mul3A_204 = arith.constant 128 : i32
      %mul3A_205 = arith.muli %scan3A_171, %mul3A_204 : i32
      %add3A_206 = arith.constant 32 : i32
      %add3A_207 = arith.addi %mul3A_205, %add3A_206 : i32
      %get3A_208 = arith.index_cast %add3A_207 : i32 to index
      %get3A_209 = tpu.vector_load %arg8[%get3A_208] {strides = array<i32>} : memref<65536xi32, #tpu.memory_space<vmem>>, vector<16xi32>,
      %shift_right_logical3A_210 = arith.constant 31 : i32
      %shift_right_logical3A_211 = vector.broadcast %shift_right_logical3A_210 : i32 to vector<16xi32>
      %shift_right_logical3A_212 = arith.shrui %get3A_209, %shift_right_logical3A_211 : vector<16xi32>
      %eq3A_213 = arith.cmpi eq, %shift_right_logical3A_212, %broadcast_in_dim3A_0 : vector<16xi32>
      %shift_right_logical3A_214 = arith.constant 23 : i32
      %shift_right_logical3A_215 = vector.broadcast %shift_right_logical3A_214 : i32 to vector<16xi32>
      %shift_right_logical3A_216 = arith.shrui %get3A_209, %shift_right_logical3A_215 : vector<16xi32>
      %and3A_217 = arith.constant 255 : i32
      %and3A_218 = vector.broadcast %and3A_217 : i32 to vector<16xi32>
      %and3A_219 = arith.andi %shift_right_logical3A_216, %and3A_218 : vector<16xi32>
      %add3A_220 = arith.addi %mul3A_8, %and3A_219 : vector<16xi32>
      tpu.vector_store_idx %arg9[%add3A_220], %broadcast_in_dim3A_2 masked %eq3A_213 {add = true} : memref<4096xi32, #tpu.memory_space<vmem>>[vector<16xi32>], vector<16xi32>, vector<16xi1>
      %mul3A_221 = arith.constant 128 : i32
      %mul3A_222 = arith.muli %scan3A_171, %mul3A_221 : i32
      %add3A_223 = arith.constant 48 : i32
      %add3A_224 = arith.addi %mul3A_222, %add3A_223 : i32
      %get3A_225 = arith.index_cast %add3A_224 : i32 to index
      %get3A_226 = tpu.vector_load %arg8[%get3A_225] {strides = array<i32>} : memref<65536xi32, #tpu.memory_space<vmem>>, vector<16xi32>,
      %shift_right_logical3A_227 = arith.constant 31 : i32
      %shift_right_logical3A_228 = vector.broadcast %shift_right_logical3A_227 : i32 to vector<16xi32>
      %shift_right_logical3A_229 = arith.shrui %get3A_226, %shift_right_logical3A_228 : vector<16xi32>
      %eq3A_230 = arith.cmpi eq, %shift_right_logical3A_229, %broadcast_in_dim3A_0 : vector<16xi32>
      %shift_right_logical3A_231 = arith.constant 23 : i32
      %shift_right_logical3A_232 = vector.broadcast %shift_right_logical3A_231 : i32 to vector<16xi32>
      %shift_right_logical3A_233 = arith.shrui %get3A_226, %shift_right_logical3A_232 : vector<16xi32>
      %and3A_234 = arith.constant 255 : i32
      %and3A_235 = vector.broadcast %and3A_234 : i32 to vector<16xi32>
      %and3A_236 = arith.andi %shift_right_logical3A_233, %and3A_235 : vector<16xi32>
      %add3A_237 = arith.addi %mul3A_8, %and3A_236 : vector<16xi32>
      tpu.vector_store_idx %arg9[%add3A_237], %broadcast_in_dim3A_2 masked %eq3A_230 {add = true} : memref<4096xi32, #tpu.memory_space<vmem>>[vector<16xi32>], vector<16xi32>, vector<16xi1>
      %mul3A_238 = arith.constant 128 : i32
      %mul3A_239 = arith.muli %scan3A_171, %mul3A_238 : i32
      %add3A_240 = arith.constant 64 : i32
      %add3A_241 = arith.addi %mul3A_239, %add3A_240 : i32
      %get3A_242 = arith.index_cast %add3A_241 : i32 to index
      %get3A_243 = tpu.vector_load %arg8[%get3A_242] {strides = array<i32>} : memref<65536xi32, #tpu.memory_space<vmem>>, vector<16xi32>,
      %shift_right_logical3A_244 = arith.constant 31 : i32
      %shift_right_logical3A_245 = vector.broadcast %shift_right_logical3A_244 : i32 to vector<16xi32>
      %shift_right_logical3A_246 = arith.shrui %get3A_243, %shift_right_logical3A_245 : vector<16xi32>
      %eq3A_247 = arith.cmpi eq, %shift_right_logical3A_246, %broadcast_in_dim3A_0 : vector<16xi32>
      %shift_right_logical3A_248 = arith.constant 23 : i32
      %shift_right_logical3A_249 = vector.broadcast %shift_right_logical3A_248 : i32 to vector<16xi32>
      %shift_right_logical3A_250 = arith.shrui %get3A_243, %shift_right_logical3A_249 : vector<16xi32>
      %and3A_251 = arith.constant 255 : i32
      %and3A_252 = vector.broadcast %and3A_251 : i32 to vector<16xi32>
      %and3A_253 = arith.andi %shift_right_logical3A_250, %and3A_252 : vector<16xi32>
      %add3A_254 = arith.addi %mul3A_8, %and3A_253 : vector<16xi32>
      tpu.vector_store_idx %arg9[%add3A_254], %broadcast_in_dim3A_2 masked %eq3A_247 {add = true} : memref<4096xi32, #tpu.memory_space<vmem>>[vector<16xi32>], vector<16xi32>, vector<16xi1>
      %mul3A_255 = arith.constant 128 : i32
      %mul3A_256 = arith.muli %scan3A_171, %mul3A_255 : i32
      %add3A_257 = arith.constant 80 : i32
      %add3A_258 = arith.addi %mul3A_256, %add3A_257 : i32
      %get3A_259 = arith.index_cast %add3A_258 : i32 to index
      %get3A_260 = tpu.vector_load %arg8[%get3A_259] {strides = array<i32>} : memref<65536xi32, #tpu.memory_space<vmem>>, vector<16xi32>,
      %shift_right_logical3A_261 = arith.constant 31 : i32
      %shift_right_logical3A_262 = vector.broadcast %shift_right_logical3A_261 : i32 to vector<16xi32>
      %shift_right_logical3A_263 = arith.shrui %get3A_260, %shift_right_logical3A_262 : vector<16xi32>
      %eq3A_264 = arith.cmpi eq, %shift_right_logical3A_263, %broadcast_in_dim3A_0 : vector<16xi32>
      %shift_right_logical3A_265 = arith.constant 23 : i32
      %shift_right_logical3A_266 = vector.broadcast %shift_right_logical3A_265 : i32 to vector<16xi32>
      %shift_right_logical3A_267 = arith.shrui %get3A_260, %shift_right_logical3A_266 : vector<16xi32>
      %and3A_268 = arith.constant 255 : i32
      %and3A_269 = vector.broadcast %and3A_268 : i32 to vector<16xi32>
      %and3A_270 = arith.andi %shift_right_logical3A_267, %and3A_269 : vector<16xi32>
      %add3A_271 = arith.addi %mul3A_8, %and3A_270 : vector<16xi32>
      tpu.vector_store_idx %arg9[%add3A_271], %broadcast_in_dim3A_2 masked %eq3A_264 {add = true} : memref<4096xi32, #tpu.memory_space<vmem>>[vector<16xi32>], vector<16xi32>, vector<16xi1>
      %mul3A_272 = arith.constant 128 : i32
      %mul3A_273 = arith.muli %scan3A_171, %mul3A_272 : i32
      %add3A_274 = arith.constant 96 : i32
      %add3A_275 = arith.addi %mul3A_273, %add3A_274 : i32
      %get3A_276 = arith.index_cast %add3A_275 : i32 to index
      %get3A_277 = tpu.vector_load %arg8[%get3A_276] {strides = array<i32>} : memref<65536xi32, #tpu.memory_space<vmem>>, vector<16xi32>,
      %shift_right_logical3A_278 = arith.constant 31 : i32
      %shift_right_logical3A_279 = vector.broadcast %shift_right_logical3A_278 : i32 to vector<16xi32>
      %shift_right_logical3A_280 = arith.shrui %get3A_277, %shift_right_logical3A_279 : vector<16xi32>
      %eq3A_281 = arith.cmpi eq, %shift_right_logical3A_280, %broadcast_in_dim3A_0 : vector<16xi32>
      %shift_right_logical3A_282 = arith.constant 23 : i32
      %shift_right_logical3A_283 = vector.broadcast %shift_right_logical3A_282 : i32 to vector<16xi32>
      %shift_right_logical3A_284 = arith.shrui %get3A_277, %shift_right_logical3A_283 : vector<16xi32>
      %and3A_285 = arith.constant 255 : i32
      %and3A_286 = vector.broadcast %and3A_285 : i32 to vector<16xi32>
      %and3A_287 = arith.andi %shift_right_logical3A_284, %and3A_286 : vector<16xi32>
      %add3A_288 = arith.addi %mul3A_8, %and3A_287 : vector<16xi32>
      tpu.vector_store_idx %arg9[%add3A_288], %broadcast_in_dim3A_2 masked %eq3A_281 {add = true} : memref<4096xi32, #tpu.memory_space<vmem>>[vector<16xi32>], vector<16xi32>, vector<16xi1>
      %mul3A_289 = arith.constant 128 : i32
      %mul3A_290 = arith.muli %scan3A_171, %mul3A_289 : i32
      %add3A_291 = arith.constant 112 : i32
      %add3A_292 = arith.addi %mul3A_290, %add3A_291 : i32
      %get3A_293 = arith.index_cast %add3A_292 : i32 to index
      %get3A_294 = tpu.vector_load %arg8[%get3A_293] {strides = array<i32>} : memref<65536xi32, #tpu.memory_space<vmem>>, vector<16xi32>,
      %shift_right_logical3A_295 = arith.constant 31 : i32
      %shift_right_logical3A_296 = vector.broadcast %shift_right_logical3A_295 : i32 to vector<16xi32>
      %shift_right_logical3A_297 = arith.shrui %get3A_294, %shift_right_logical3A_296 : vector<16xi32>
      %eq3A_298 = arith.cmpi eq, %shift_right_logical3A_297, %broadcast_in_dim3A_0 : vector<16xi32>
      %shift_right_logical3A_299 = arith.constant 23 : i32
      %shift_right_logical3A_300 = vector.broadcast %shift_right_logical3A_299 : i32 to vector<16xi32>
      %shift_right_logical3A_301 = arith.shrui %get3A_294, %shift_right_logical3A_300 : vector<16xi32>
      %and3A_302 = arith.constant 255 : i32
      %and3A_303 = vector.broadcast %and3A_302 : i32 to vector<16xi32>
      %and3A_304 = arith.andi %shift_right_logical3A_301, %and3A_303 : vector<16xi32>
      %add3A_305 = arith.addi %mul3A_8, %and3A_304 : vector<16xi32>
      tpu.vector_store_idx %arg9[%add3A_305], %broadcast_in_dim3A_2 masked %eq3A_298 {add = true} : memref<4096xi32, #tpu.memory_space<vmem>>[vector<16xi32>], vector<16xi32>, vector<16xi1>
      %scan3A_306 = arith.constant 0 : i32
      scf.yield %scan3A_306 : i32
    }
    %scan3A_21 = arith.constant 512 : i32
    %scan3A_22 = arith.constant 0 : i32
    %scan3A_23 = arith.constant 0 : i32
    %scan3A_24 = arith.constant 16 : i32
    %scan3A_25 = arith.addi %scan3A_23, %scan3A_24 : i32
    %scan3A_26 = arith.constant 1 : i32
    %scan3A_27 = scf.for %scan3A_171 = %scan3A_23 to %scan3A_25 step %scan3A_26 iter_args(%scan3A_172 = %scan3A_22) -> (i32)  : i32 {
      %mul3A_173 = arith.constant 16 : i32
      %mul3A_174 = arith.muli %scan3A_171, %mul3A_173 : i32
      %get3A_175 = arith.index_cast %mul3A_174 : i32 to index
      %get3A_176 = tpu.vector_load %arg9[%get3A_175] {strides = array<i32>} : memref<4096xi32, #tpu.memory_space<vmem>>, vector<16xi32>,
      %mul3A_177 = arith.constant 16 : i32
      %mul3A_178 = arith.muli %scan3A_171, %mul3A_177 : i32
      %add3A = arith.constant 256 : i32
      %add3A_179 = arith.addi %add3A, %mul3A_178 : i32
      %get3A_180 = arith.index_cast %add3A_179 : i32 to index
      %get3A_181 = tpu.vector_load %arg9[%get3A_180] {strides = array<i32>} : memref<4096xi32, #tpu.memory_space<vmem>>, vector<16xi32>,
      %add3A_182 = arith.addi %get3A_176, %get3A_181 : vector<16xi32>
      %mul3A_183 = arith.constant 16 : i32
      %mul3A_184 = arith.muli %scan3A_171, %mul3A_183 : i32
      %add3A_185 = arith.constant 512 : i32
      %add3A_186 = arith.addi %add3A_185, %mul3A_184 : i32
      %get3A_187 = arith.index_cast %add3A_186 : i32 to index
      %get3A_188 = tpu.vector_load %arg9[%get3A_187] {strides = array<i32>} : memref<4096xi32, #tpu.memory_space<vmem>>, vector<16xi32>,
      %add3A_189 = arith.addi %add3A_182, %get3A_188 : vector<16xi32>
      %mul3A_190 = arith.constant 16 : i32
      %mul3A_191 = arith.muli %scan3A_171, %mul3A_190 : i32
      %add3A_192 = arith.constant 768 : i32
      %add3A_193 = arith.addi %add3A_192, %mul3A_191 : i32
      %get3A_194 = arith.index_cast %add3A_193 : i32 to index
      %get3A_195 = tpu.vector_load %arg9[%get3A_194] {strides = array<i32>} : memref<4096xi32, #tpu.memory_space<vmem>>, vector<16xi32>,
      %add3A_196 = arith.addi %add3A_189, %get3A_195 : vector<16xi32>
      %mul3A_197 = arith.constant 16 : i32
      %mul3A_198 = arith.muli %scan3A_171, %mul3A_197 : i32
      %add3A_199 = arith.constant 1024 : i32
      %add3A_200 = arith.addi %add3A_199, %mul3A_198 : i32
      %get3A_201 = arith.index_cast %add3A_200 : i32 to index
      %get3A_202 = tpu.vector_load %arg9[%get3A_201] {strides = array<i32>} : memref<4096xi32, #tpu.memory_space<vmem>>, vector<16xi32>,
      %add3A_203 = arith.addi %add3A_196, %get3A_202 : vector<16xi32>
      %mul3A_204 = arith.constant 16 : i32
      %mul3A_205 = arith.muli %scan3A_171, %mul3A_204 : i32
      %add3A_206 = arith.constant 1280 : i32
      %add3A_207 = arith.addi %add3A_206, %mul3A_205 : i32
      %get3A_208 = arith.index_cast %add3A_207 : i32 to index
      %get3A_209 = tpu.vector_load %arg9[%get3A_208] {strides = array<i32>} : memref<4096xi32, #tpu.memory_space<vmem>>, vector<16xi32>,
      %add3A_210 = arith.addi %add3A_203, %get3A_209 : vector<16xi32>
      %mul3A_211 = arith.constant 16 : i32
      %mul3A_212 = arith.muli %scan3A_171, %mul3A_211 : i32
      %add3A_213 = arith.constant 1536 : i32
      %add3A_214 = arith.addi %add3A_213, %mul3A_212 : i32
      %get3A_215 = arith.index_cast %add3A_214 : i32 to index
      %get3A_216 = tpu.vector_load %arg9[%get3A_215] {strides = array<i32>} : memref<4096xi32, #tpu.memory_space<vmem>>, vector<16xi32>,
      %add3A_217 = arith.addi %add3A_210, %get3A_216 : vector<16xi32>
      %mul3A_218 = arith.constant 16 : i32
      %mul3A_219 = arith.muli %scan3A_171, %mul3A_218 : i32
      %add3A_220 = arith.constant 1792 : i32
      %add3A_221 = arith.addi %add3A_220, %mul3A_219 : i32
      %get3A_222 = arith.index_cast %add3A_221 : i32 to index
      %get3A_223 = tpu.vector_load %arg9[%get3A_222] {strides = array<i32>} : memref<4096xi32, #tpu.memory_space<vmem>>, vector<16xi32>,
      %add3A_224 = arith.addi %add3A_217, %get3A_223 : vector<16xi32>
      %mul3A_225 = arith.constant 16 : i32
      %mul3A_226 = arith.muli %scan3A_171, %mul3A_225 : i32
      %add3A_227 = arith.constant 2048 : i32
      %add3A_228 = arith.addi %add3A_227, %mul3A_226 : i32
      %get3A_229 = arith.index_cast %add3A_228 : i32 to index
      %get3A_230 = tpu.vector_load %arg9[%get3A_229] {strides = array<i32>} : memref<4096xi32, #tpu.memory_space<vmem>>, vector<16xi32>,
      %add3A_231 = arith.addi %add3A_224, %get3A_230 : vector<16xi32>
      %mul3A_232 = arith.constant 16 : i32
      %mul3A_233 = arith.muli %scan3A_171, %mul3A_232 : i32
      %add3A_234 = arith.constant 2304 : i32
      %add3A_235 = arith.addi %add3A_234, %mul3A_233 : i32
      %get3A_236 = arith.index_cast %add3A_235 : i32 to index
      %get3A_237 = tpu.vector_load %arg9[%get3A_236] {strides = array<i32>} : memref<4096xi32, #tpu.memory_space<vmem>>, vector<16xi32>,
      %add3A_238 = arith.addi %add3A_231, %get3A_237 : vector<16xi32>
      %mul3A_239 = arith.constant 16 : i32
      %mul3A_240 = arith.muli %scan3A_171, %mul3A_239 : i32
      %add3A_241 = arith.constant 2560 : i32
      %add3A_242 = arith.addi %add3A_241, %mul3A_240 : i32
      %get3A_243 = arith.index_cast %add3A_242 : i32 to index
      %get3A_244 = tpu.vector_load %arg9[%get3A_243] {strides = array<i32>} : memref<4096xi32, #tpu.memory_space<vmem>>, vector<16xi32>,
      %add3A_245 = arith.addi %add3A_238, %get3A_244 : vector<16xi32>
      %mul3A_246 = arith.constant 16 : i32
      %mul3A_247 = arith.muli %scan3A_171, %mul3A_246 : i32
      %add3A_248 = arith.constant 2816 : i32
      %add3A_249 = arith.addi %add3A_248, %mul3A_247 : i32
      %get3A_250 = arith.index_cast %add3A_249 : i32 to index
      %get3A_251 = tpu.vector_load %arg9[%get3A_250] {strides = array<i32>} : memref<4096xi32, #tpu.memory_space<vmem>>, vector<16xi32>,
      %add3A_252 = arith.addi %add3A_245, %get3A_251 : vector<16xi32>
      %mul3A_253 = arith.constant 16 : i32
      %mul3A_254 = arith.muli %scan3A_171, %mul3A_253 : i32
      %add3A_255 = arith.constant 3072 : i32
      %add3A_256 = arith.addi %add3A_255, %mul3A_254 : i32
      %get3A_257 = arith.index_cast %add3A_256 : i32 to index
      %get3A_258 = tpu.vector_load %arg9[%get3A_257] {strides = array<i32>} : memref<4096xi32, #tpu.memory_space<vmem>>, vector<16xi32>,
      %add3A_259 = arith.addi %add3A_252, %get3A_258 : vector<16xi32>
      %mul3A_260 = arith.constant 16 : i32
      %mul3A_261 = arith.muli %scan3A_171, %mul3A_260 : i32
      %add3A_262 = arith.constant 3328 : i32
      %add3A_263 = arith.addi %add3A_262, %mul3A_261 : i32
      %get3A_264 = arith.index_cast %add3A_263 : i32 to index
      %get3A_265 = tpu.vector_load %arg9[%get3A_264] {strides = array<i32>} : memref<4096xi32, #tpu.memory_space<vmem>>, vector<16xi32>,
      %add3A_266 = arith.addi %add3A_259, %get3A_265 : vector<16xi32>
      %mul3A_267 = arith.constant 16 : i32
      %mul3A_268 = arith.muli %scan3A_171, %mul3A_267 : i32
      %add3A_269 = arith.constant 3584 : i32
      %add3A_270 = arith.addi %add3A_269, %mul3A_268 : i32
      %get3A_271 = arith.index_cast %add3A_270 : i32 to index
      %get3A_272 = tpu.vector_load %arg9[%get3A_271] {strides = array<i32>} : memref<4096xi32, #tpu.memory_space<vmem>>, vector<16xi32>,
      %add3A_273 = arith.addi %add3A_266, %get3A_272 : vector<16xi32>
      %mul3A_274 = arith.constant 16 : i32
      %mul3A_275 = arith.muli %scan3A_171, %mul3A_274 : i32
      %add3A_276 = arith.constant 3840 : i32
      %add3A_277 = arith.addi %add3A_276, %mul3A_275 : i32
      %get3A_278 = arith.index_cast %add3A_277 : i32 to index
      %get3A_279 = tpu.vector_load %arg9[%get3A_278] {strides = array<i32>} : memref<4096xi32, #tpu.memory_space<vmem>>, vector<16xi32>,
      %add3A_280 = arith.addi %add3A_273, %get3A_279 : vector<16xi32>
      %swap3A_281 = arith.index_cast %scan3A_171 : i32 to index
      %swap3A_282 = arith.constant 0 : index
      %swap3A_283 = tpu.vector_load %arg10[%swap3A_281, %swap3A_282] {strides = array<i32>} : memref<16x16xi32, #tpu.memory_space<vmem>>, vector<16xi32>,
      tpu.vector_store %arg10[%swap3A_281, %swap3A_282], %add3A_280 {strides = array<i32>} : memref<16x16xi32, #tpu.memory_space<vmem>>, vector<16xi32>,
      %scan3A_284 = arith.constant 0 : i32
      scf.yield %scan3A_284 : i32
    }
    %scan3A_28 = arith.constant 16 : i32
    "tpu.region"() ({
      %run_scoped3A = tpu.sem_alloc : memref<!tpu.dma_semaphore, #tpu.memory_space<semaphore_mem>>
      %dma_start3A = arith.constant 0 : i32
      %dma_start3A_171 = arith.constant 0 : i32
      %dma_start3A_172 = tpu.memref_slice %arg6[%arg1, %dma_start3A, %dma_start3A_171] : memref<16x16x16xi32, #tpu.memory_space<hbm>> -> memref<1x16x16xi32, #tpu.memory_space<hbm>>
      %dma_start3A_173 = tpu.memref_squeeze %dma_start3A_172 : memref<1x16x16xi32, #tpu.memory_space<hbm>> -> memref<16x16xi32, #tpu.memory_space<hbm>>
      %dma_start3A_174 = arith.constant 0 : i32
      %dma_start3A_175 = arith.constant 0 : i32
      %dma_start3A_176 = tpu.memref_slice %arg6[%arg1, %dma_start3A_174, %dma_start3A_175] : memref<16x16x16xi32, #tpu.memory_space<hbm>> -> memref<1x16x16xi32, #tpu.memory_space<hbm>>
      %dma_start3A_177 = tpu.memref_squeeze %dma_start3A_176 : memref<1x16x16xi32, #tpu.memory_space<hbm>> -> memref<16x16xi32, #tpu.memory_space<hbm>>
      tpu.enqueue_dma source(%arg10 : memref<16x16xi32, #tpu.memory_space<vmem>>) target(%dma_start3A_177 : memref<16x16xi32, #tpu.memory_space<hbm>>) target_semaphore(%run_scoped3A : memref<!tpu.dma_semaphore, #tpu.memory_space<semaphore_mem>>)
      %dma_wait3A = arith.constant 0 : i32
      %dma_wait3A_178 = arith.constant 0 : i32
      %dma_wait3A_179 = tpu.memref_slice %arg6[%arg1, %dma_wait3A, %dma_wait3A_178] : memref<16x16x16xi32, #tpu.memory_space<hbm>> -> memref<1x16x16xi32, #tpu.memory_space<hbm>>
      %dma_wait3A_180 = tpu.memref_squeeze %dma_wait3A_179 : memref<1x16x16xi32, #tpu.memory_space<hbm>> -> memref<16x16xi32, #tpu.memory_space<hbm>>
      %dma_wait3A_181 = arith.constant 0 : i32
      %dma_wait3A_182 = arith.constant 0 : i32
      %dma_wait3A_183 = tpu.memref_slice %arg6[%arg1, %dma_wait3A_181, %dma_wait3A_182] : memref<16x16x16xi32, #tpu.memory_space<hbm>> -> memref<1x16x16xi32, #tpu.memory_space<hbm>>
      %dma_wait3A_184 = tpu.memref_squeeze %dma_wait3A_183 : memref<1x16x16xi32, #tpu.memory_space<hbm>> -> memref<16x16xi32, #tpu.memory_space<hbm>>
      tpu.wait_dma2 semaphore(%run_scoped3A : memref<!tpu.dma_semaphore, #tpu.memory_space<semaphore_mem>>) src(%arg10 : memref<16x16xi32, #tpu.memory_space<vmem>>) dst(%dma_wait3A_184 : memref<16x16xi32, #tpu.memory_space<hbm>>)
      tpu.yield
    }) : () -> ()
    %barrier3A = arith.constant 0 : index
    tpu.barrier barrier_id(%barrier3A)
    %eq3A = arith.constant 0 : i32
    %eq3A_29 = arith.cmpi eq, %arg1, %eq3A : i32
    %convert_element_type3A = arith.extui %eq3A_29 : i1 to i32
    %cond3A = arith.constant 0 : i32
    %cond3A_30 = arith.cmpi ne, %convert_element_type3A, %cond3A : i32
    scf.if %cond3A_30 {
      "tpu.region"() ({
        %run_scoped3A = tpu.sem_alloc : memref<!tpu.dma_semaphore, #tpu.memory_space<semaphore_mem>>
        tpu.enqueue_dma source(%arg6 : memref<16x16x16xi32, #tpu.memory_space<hbm>>) target(%arg11 : memref<16x16x16xi32, #tpu.memory_space<vmem>>) target_semaphore(%run_scoped3A : memref<!tpu.dma_semaphore, #tpu.memory_space<semaphore_mem>>)
        tpu.wait_dma2 semaphore(%run_scoped3A : memref<!tpu.dma_semaphore, #tpu.memory_space<semaphore_mem>>) src(%arg6 : memref<16x16x16xi32, #tpu.memory_space<hbm>>) dst(%arg11 : memref<16x16x16xi32, #tpu.memory_space<vmem>>)
        tpu.yield
      }) : () -> ()
      %scan3A_171 = arith.constant 0 : i32
      %scan3A_172 = arith.constant 0 : i32
      %scan3A_173 = arith.constant 16 : i32
      %scan3A_174 = arith.addi %scan3A_172, %scan3A_173 : i32
      %scan3A_175 = arith.constant 1 : i32
      %scan3A_176 = scf.for %scan3A_207 = %scan3A_172 to %scan3A_174 step %scan3A_175 iter_args(%scan3A_208 = %scan3A_171) -> (i32)  : i32 {
        %get3A_209 = arith.constant 0 : i32
        %get3A_210 = arith.index_cast %get3A_209 : i32 to index
        %get3A_211 = arith.index_cast %scan3A_207 : i32 to index
        %get3A_212 = arith.constant 0 : index
        %get3A_213 = tpu.vector_load %arg11[%get3A_210, %get3A_211, %get3A_212] {strides = array<i32>} : memref<16x16x16xi32, #tpu.memory_space<vmem>>, vector<16xi32>,
        %swap3A_214 = arith.index_cast %scan3A_207 : i32 to index
        %swap3A_215 = arith.constant 0 : index
        %swap3A_216 = tpu.vector_load %arg10[%swap3A_214, %swap3A_215] {strides = array<i32>} : memref<16x16xi32, #tpu.memory_space<vmem>>, vector<16xi32>,
        tpu.vector_store %arg10[%swap3A_214, %swap3A_215], %get3A_213 {strides = array<i32>} : memref<16x16xi32, #tpu.memory_space<vmem>>, vector<16xi32>,
        %scan3A_217 = arith.constant 0 : i32
        scf.yield %scan3A_217 : i32
      }
      %scan3A_177 = arith.constant 16 : i32
      %scan3A_178 = arith.constant 0 : i32
      %scan3A_179 = arith.constant 1 : i32
      %scan3A_180 = arith.constant 15 : i32
      %scan3A_181 = arith.addi %scan3A_179, %scan3A_180 : i32
      %scan3A_182 = arith.constant 1 : i32
      %scan3A_183 = scf.for %scan3A_207 = %scan3A_179 to %scan3A_181 step %scan3A_182 iter_args(%scan3A_208 = %scan3A_178) -> (i32)  : i32 {
        %scan3A_209 = arith.constant 0 : i32
        %scan3A_210 = arith.constant 0 : i32
        %scan3A_211 = arith.constant 16 : i32
        %scan3A_212 = arith.addi %scan3A_210, %scan3A_211 : i32
        %scan3A_213 = arith.constant 1 : i32
        %scan3A_214 = scf.for %scan3A_217 = %scan3A_210 to %scan3A_212 step %scan3A_213 iter_args(%scan3A_218 = %scan3A_209) -> (i32)  : i32 {
          %get3A_219 = arith.index_cast %scan3A_217 : i32 to index
          %get3A_220 = arith.constant 0 : index
          %get3A_221 = tpu.vector_load %arg10[%get3A_219, %get3A_220] {strides = array<i32>} : memref<16x16xi32, #tpu.memory_space<vmem>>, vector<16xi32>,
          %get3A_222 = arith.index_cast %scan3A_207 : i32 to index
          %get3A_223 = arith.index_cast %scan3A_217 : i32 to index
          %get3A_224 = arith.constant 0 : index
          %get3A_225 = tpu.vector_load %arg11[%get3A_222, %get3A_223, %get3A_224] {strides = array<i32>} : memref<16x16x16xi32, #tpu.memory_space<vmem>>, vector<16xi32>,
          %add3A = arith.addi %get3A_221, %get3A_225 : vector<16xi32>
          %swap3A_226 = arith.index_cast %scan3A_217 : i32 to index
          %swap3A_227 = arith.constant 0 : index
          %swap3A_228 = tpu.vector_load %arg10[%swap3A_226, %swap3A_227] {strides = array<i32>} : memref<16x16xi32, #tpu.memory_space<vmem>>, vector<16xi32>,
          tpu.vector_store %arg10[%swap3A_226, %swap3A_227], %add3A {strides = array<i32>} : memref<16x16xi32, #tpu.memory_space<vmem>>, vector<16xi32>,
          %scan3A_229 = arith.constant 0 : i32
          scf.yield %scan3A_229 : i32
        }
        %scan3A_215 = arith.constant 16 : i32
        %scan3A_216 = arith.constant 0 : i32
        scf.yield %scan3A_216 : i32
      }
      %scan3A_184 = arith.constant 15 : i32
      %get3A_185 = arith.constant 0 : index
      %get3A_186 = tpu.vector_load %arg14[%get3A_185] {strides = array<i32>} : memref<16xi32, #tpu.memory_space<vmem>>, vector<16xi32>,
      %slice3A = vector.extract_strided_slice %get3A_186 {offsets = [0], sizes = [1], strides = [1]} : vector<16xi32> to vector<1xi32>
      %squeeze3A = vector.extract %slice3A[0] : i32 from vector<1xi32>
      %scan3A_187 = arith.constant 0 : i32
      %scan3A_188 = arith.constant 0 : i32
      %scan3A_189 = arith.constant 0 : i32
      %scan3A_190 = arith.constant 0 : i32
      %scan3A_191 = arith.constant 0 : i32
      %scan3A_192 = arith.constant 0 : i32
      %scan3A_193 = arith.constant 16 : i32
      %scan3A_194 = arith.addi %scan3A_192, %scan3A_193 : i32
      %scan3A_195 = arith.constant 1 : i32
      %scan3A_196:5 = scf.for %scan3A_207 = %scan3A_192 to %scan3A_194 step %scan3A_195 iter_args(%scan3A_208 = %scan3A_187, %scan3A_209 = %scan3A_188, %scan3A_210 = %scan3A_189, %scan3A_211 = %scan3A_190, %scan3A_212 = %scan3A_191) -> (i32, i32, i32, i32, i32)  : i32 {
        %sub3A_213 = arith.constant 15 : i32
        %sub3A_214 = arith.subi %sub3A_213, %scan3A_207 : i32
        %get3A_215 = arith.index_cast %sub3A_214 : i32 to index
        %get3A_216 = arith.constant 0 : index
        %get3A_217 = tpu.vector_load %arg10[%get3A_215, %get3A_216] {strides = array<i32>} : memref<16x16xi32, #tpu.memory_space<vmem>>, vector<16xi32>,
        %slice3A_218 = vector.extract_strided_slice %get3A_217 {offsets = [15], sizes = [1], strides = [1]} : vector<16xi32> to vector<1xi32>
        %squeeze3A_219 = vector.extract %slice3A_218[0] : i32 from vector<1xi32>
        %mul3A_220 = arith.constant 16 : i32
        %mul3A_221 = arith.muli %sub3A_214, %mul3A_220 : i32
        %add3A = arith.constant 15 : i32
        %add3A_222 = arith.addi %mul3A_221, %add3A : i32
        %add3A_223 = arith.addi %scan3A_208, %squeeze3A_219 : i32
        %eq3A_224 = arith.constant 0 : i32
        %eq3A_225 = arith.cmpi eq, %scan3A_209, %eq3A_224 : i32
        %ge3A = arith.cmpi sge, %add3A_223, %squeeze3A : i32
        %and3A = arith.andi %eq3A_225, %ge3A : i1
        %jit3A = arith.constant 1 : i32
        %select_n3A = arith.select %and3A, %jit3A, %scan3A_209 : i32
        %select_n3A_226 = arith.select %and3A, %add3A_222, %scan3A_210 : i32
        %select_n3A_227 = arith.select %and3A, %add3A_223, %scan3A_211 : i32
        %select_n3A_228 = arith.select %and3A, %squeeze3A_219, %scan3A_212 : i32
        %slice3A_229 = vector.extract_strided_slice %get3A_217 {offsets = [14], sizes = [1], strides = [1]} : vector<16xi32> to vector<1xi32>
        %squeeze3A_230 = vector.extract %slice3A_229[0] : i32 from vector<1xi32>
        %mul3A_231 = arith.constant 16 : i32
        %mul3A_232 = arith.muli %sub3A_214, %mul3A_231 : i32
        %add3A_233 = arith.constant 14 : i32
        %add3A_234 = arith.addi %mul3A_232, %add3A_233 : i32
        %add3A_235 = arith.addi %add3A_223, %squeeze3A_230 : i32
        %eq3A_236 = arith.constant 0 : i32
        %eq3A_237 = arith.cmpi eq, %select_n3A, %eq3A_236 : i32
        %ge3A_238 = arith.cmpi sge, %add3A_235, %squeeze3A : i32
        %and3A_239 = arith.andi %eq3A_237, %ge3A_238 : i1
        %jit3A_240 = arith.constant 1 : i32
        %select_n3A_241 = arith.select %and3A_239, %jit3A_240, %select_n3A : i32
        %select_n3A_242 = arith.select %and3A_239, %add3A_234, %select_n3A_226 : i32
        %select_n3A_243 = arith.select %and3A_239, %add3A_235, %select_n3A_227 : i32
        %select_n3A_244 = arith.select %and3A_239, %squeeze3A_230, %select_n3A_228 : i32
        %slice3A_245 = vector.extract_strided_slice %get3A_217 {offsets = [13], sizes = [1], strides = [1]} : vector<16xi32> to vector<1xi32>
        %squeeze3A_246 = vector.extract %slice3A_245[0] : i32 from vector<1xi32>
        %mul3A_247 = arith.constant 16 : i32
        %mul3A_248 = arith.muli %sub3A_214, %mul3A_247 : i32
        %add3A_249 = arith.constant 13 : i32
        %add3A_250 = arith.addi %mul3A_248, %add3A_249 : i32
        %add3A_251 = arith.addi %add3A_235, %squeeze3A_246 : i32
        %eq3A_252 = arith.constant 0 : i32
        %eq3A_253 = arith.cmpi eq, %select_n3A_241, %eq3A_252 : i32
        %ge3A_254 = arith.cmpi sge, %add3A_251, %squeeze3A : i32
        %and3A_255 = arith.andi %eq3A_253, %ge3A_254 : i1
        %jit3A_256 = arith.constant 1 : i32
        %select_n3A_257 = arith.select %and3A_255, %jit3A_256, %select_n3A_241 : i32
        %select_n3A_258 = arith.select %and3A_255, %add3A_250, %select_n3A_242 : i32
        %select_n3A_259 = arith.select %and3A_255, %add3A_251, %select_n3A_243 : i32
        %select_n3A_260 = arith.select %and3A_255, %squeeze3A_246, %select_n3A_244 : i32
        %slice3A_261 = vector.extract_strided_slice %get3A_217 {offsets = [12], sizes = [1], strides = [1]} : vector<16xi32> to vector<1xi32>
        %squeeze3A_262 = vector.extract %slice3A_261[0] : i32 from vector<1xi32>
        %mul3A_263 = arith.constant 16 : i32
        %mul3A_264 = arith.muli %sub3A_214, %mul3A_263 : i32
        %add3A_265 = arith.constant 12 : i32
        %add3A_266 = arith.addi %mul3A_264, %add3A_265 : i32
        %add3A_267 = arith.addi %add3A_251, %squeeze3A_262 : i32
        %eq3A_268 = arith.constant 0 : i32
        %eq3A_269 = arith.cmpi eq, %select_n3A_257, %eq3A_268 : i32
        %ge3A_270 = arith.cmpi sge, %add3A_267, %squeeze3A : i32
        %and3A_271 = arith.andi %eq3A_269, %ge3A_270 : i1
        %jit3A_272 = arith.constant 1 : i32
        %select_n3A_273 = arith.select %and3A_271, %jit3A_272, %select_n3A_257 : i32
        %select_n3A_274 = arith.select %and3A_271, %add3A_266, %select_n3A_258 : i32
        %select_n3A_275 = arith.select %and3A_271, %add3A_267, %select_n3A_259 : i32
        %select_n3A_276 = arith.select %and3A_271, %squeeze3A_262, %select_n3A_260 : i32
        %slice3A_277 = vector.extract_strided_slice %get3A_217 {offsets = [11], sizes = [1], strides = [1]} : vector<16xi32> to vector<1xi32>
        %squeeze3A_278 = vector.extract %slice3A_277[0] : i32 from vector<1xi32>
        %mul3A_279 = arith.constant 16 : i32
        %mul3A_280 = arith.muli %sub3A_214, %mul3A_279 : i32
        %add3A_281 = arith.constant 11 : i32
        %add3A_282 = arith.addi %mul3A_280, %add3A_281 : i32
        %add3A_283 = arith.addi %add3A_267, %squeeze3A_278 : i32
        %eq3A_284 = arith.constant 0 : i32
        %eq3A_285 = arith.cmpi eq, %select_n3A_273, %eq3A_284 : i32
        %ge3A_286 = arith.cmpi sge, %add3A_283, %squeeze3A : i32
        %and3A_287 = arith.andi %eq3A_285, %ge3A_286 : i1
        %jit3A_288 = arith.constant 1 : i32
        %select_n3A_289 = arith.select %and3A_287, %jit3A_288, %select_n3A_273 : i32
        %select_n3A_290 = arith.select %and3A_287, %add3A_282, %select_n3A_274 : i32
        %select_n3A_291 = arith.select %and3A_287, %add3A_283, %select_n3A_275 : i32
        %select_n3A_292 = arith.select %and3A_287, %squeeze3A_278, %select_n3A_276 : i32
        %slice3A_293 = vector.extract_strided_slice %get3A_217 {offsets = [10], sizes = [1], strides = [1]} : vector<16xi32> to vector<1xi32>
        %squeeze3A_294 = vector.extract %slice3A_293[0] : i32 from vector<1xi32>
        %mul3A_295 = arith.constant 16 : i32
        %mul3A_296 = arith.muli %sub3A_214, %mul3A_295 : i32
        %add3A_297 = arith.constant 10 : i32
        %add3A_298 = arith.addi %mul3A_296, %add3A_297 : i32
        %add3A_299 = arith.addi %add3A_283, %squeeze3A_294 : i32
        %eq3A_300 = arith.constant 0 : i32
        %eq3A_301 = arith.cmpi eq, %select_n3A_289, %eq3A_300 : i32
        %ge3A_302 = arith.cmpi sge, %add3A_299, %squeeze3A : i32
        %and3A_303 = arith.andi %eq3A_301, %ge3A_302 : i1
        %jit3A_304 = arith.constant 1 : i32
        %select_n3A_305 = arith.select %and3A_303, %jit3A_304, %select_n3A_289 : i32
        %select_n3A_306 = arith.select %and3A_303, %add3A_298, %select_n3A_290 : i32
        %select_n3A_307 = arith.select %and3A_303, %add3A_299, %select_n3A_291 : i32
        %select_n3A_308 = arith.select %and3A_303, %squeeze3A_294, %select_n3A_292 : i32
        %slice3A_309 = vector.extract_strided_slice %get3A_217 {offsets = [9], sizes = [1], strides = [1]} : vector<16xi32> to vector<1xi32>
        %squeeze3A_310 = vector.extract %slice3A_309[0] : i32 from vector<1xi32>
        %mul3A_311 = arith.constant 16 : i32
        %mul3A_312 = arith.muli %sub3A_214, %mul3A_311 : i32
        %add3A_313 = arith.constant 9 : i32
        %add3A_314 = arith.addi %mul3A_312, %add3A_313 : i32
        %add3A_315 = arith.addi %add3A_299, %squeeze3A_310 : i32
        %eq3A_316 = arith.constant 0 : i32
        %eq3A_317 = arith.cmpi eq, %select_n3A_305, %eq3A_316 : i32
        %ge3A_318 = arith.cmpi sge, %add3A_315, %squeeze3A : i32
        %and3A_319 = arith.andi %eq3A_317, %ge3A_318 : i1
        %jit3A_320 = arith.constant 1 : i32
        %select_n3A_321 = arith.select %and3A_319, %jit3A_320, %select_n3A_305 : i32
        %select_n3A_322 = arith.select %and3A_319, %add3A_314, %select_n3A_306 : i32
        %select_n3A_323 = arith.select %and3A_319, %add3A_315, %select_n3A_307 : i32
        %select_n3A_324 = arith.select %and3A_319, %squeeze3A_310, %select_n3A_308 : i32
        %slice3A_325 = vector.extract_strided_slice %get3A_217 {offsets = [8], sizes = [1], strides = [1]} : vector<16xi32> to vector<1xi32>
        %squeeze3A_326 = vector.extract %slice3A_325[0] : i32 from vector<1xi32>
        %mul3A_327 = arith.constant 16 : i32
        %mul3A_328 = arith.muli %sub3A_214, %mul3A_327 : i32
        %add3A_329 = arith.constant 8 : i32
        %add3A_330 = arith.addi %mul3A_328, %add3A_329 : i32
        %add3A_331 = arith.addi %add3A_315, %squeeze3A_326 : i32
        %eq3A_332 = arith.constant 0 : i32
        %eq3A_333 = arith.cmpi eq, %select_n3A_321, %eq3A_332 : i32
        %ge3A_334 = arith.cmpi sge, %add3A_331, %squeeze3A : i32
        %and3A_335 = arith.andi %eq3A_333, %ge3A_334 : i1
        %jit3A_336 = arith.constant 1 : i32
        %select_n3A_337 = arith.select %and3A_335, %jit3A_336, %select_n3A_321 : i32
        %select_n3A_338 = arith.select %and3A_335, %add3A_330, %select_n3A_322 : i32
        %select_n3A_339 = arith.select %and3A_335, %add3A_331, %select_n3A_323 : i32
        %select_n3A_340 = arith.select %and3A_335, %squeeze3A_326, %select_n3A_324 : i32
        %slice3A_341 = vector.extract_strided_slice %get3A_217 {offsets = [7], sizes = [1], strides = [1]} : vector<16xi32> to vector<1xi32>
        %squeeze3A_342 = vector.extract %slice3A_341[0] : i32 from vector<1xi32>
        %mul3A_343 = arith.constant 16 : i32
        %mul3A_344 = arith.muli %sub3A_214, %mul3A_343 : i32
        %add3A_345 = arith.constant 7 : i32
        %add3A_346 = arith.addi %mul3A_344, %add3A_345 : i32
        %add3A_347 = arith.addi %add3A_331, %squeeze3A_342 : i32
        %eq3A_348 = arith.constant 0 : i32
        %eq3A_349 = arith.cmpi eq, %select_n3A_337, %eq3A_348 : i32
        %ge3A_350 = arith.cmpi sge, %add3A_347, %squeeze3A : i32
        %and3A_351 = arith.andi %eq3A_349, %ge3A_350 : i1
        %jit3A_352 = arith.constant 1 : i32
        %select_n3A_353 = arith.select %and3A_351, %jit3A_352, %select_n3A_337 : i32
        %select_n3A_354 = arith.select %and3A_351, %add3A_346, %select_n3A_338 : i32
        %select_n3A_355 = arith.select %and3A_351, %add3A_347, %select_n3A_339 : i32
        %select_n3A_356 = arith.select %and3A_351, %squeeze3A_342, %select_n3A_340 : i32
        %slice3A_357 = vector.extract_strided_slice %get3A_217 {offsets = [6], sizes = [1], strides = [1]} : vector<16xi32> to vector<1xi32>
        %squeeze3A_358 = vector.extract %slice3A_357[0] : i32 from vector<1xi32>
        %mul3A_359 = arith.constant 16 : i32
        %mul3A_360 = arith.muli %sub3A_214, %mul3A_359 : i32
        %add3A_361 = arith.constant 6 : i32
        %add3A_362 = arith.addi %mul3A_360, %add3A_361 : i32
        %add3A_363 = arith.addi %add3A_347, %squeeze3A_358 : i32
        %eq3A_364 = arith.constant 0 : i32
        %eq3A_365 = arith.cmpi eq, %select_n3A_353, %eq3A_364 : i32
        %ge3A_366 = arith.cmpi sge, %add3A_363, %squeeze3A : i32
        %and3A_367 = arith.andi %eq3A_365, %ge3A_366 : i1
        %jit3A_368 = arith.constant 1 : i32
        %select_n3A_369 = arith.select %and3A_367, %jit3A_368, %select_n3A_353 : i32
        %select_n3A_370 = arith.select %and3A_367, %add3A_362, %select_n3A_354 : i32
        %select_n3A_371 = arith.select %and3A_367, %add3A_363, %select_n3A_355 : i32
        %select_n3A_372 = arith.select %and3A_367, %squeeze3A_358, %select_n3A_356 : i32
        %slice3A_373 = vector.extract_strided_slice %get3A_217 {offsets = [5], sizes = [1], strides = [1]} : vector<16xi32> to vector<1xi32>
        %squeeze3A_374 = vector.extract %slice3A_373[0] : i32 from vector<1xi32>
        %mul3A_375 = arith.constant 16 : i32
        %mul3A_376 = arith.muli %sub3A_214, %mul3A_375 : i32
        %add3A_377 = arith.constant 5 : i32
        %add3A_378 = arith.addi %mul3A_376, %add3A_377 : i32
        %add3A_379 = arith.addi %add3A_363, %squeeze3A_374 : i32
        %eq3A_380 = arith.constant 0 : i32
        %eq3A_381 = arith.cmpi eq, %select_n3A_369, %eq3A_380 : i32
        %ge3A_382 = arith.cmpi sge, %add3A_379, %squeeze3A : i32
        %and3A_383 = arith.andi %eq3A_381, %ge3A_382 : i1
        %jit3A_384 = arith.constant 1 : i32
        %select_n3A_385 = arith.select %and3A_383, %jit3A_384, %select_n3A_369 : i32
        %select_n3A_386 = arith.select %and3A_383, %add3A_378, %select_n3A_370 : i32
        %select_n3A_387 = arith.select %and3A_383, %add3A_379, %select_n3A_371 : i32
        %select_n3A_388 = arith.select %and3A_383, %squeeze3A_374, %select_n3A_372 : i32
        %slice3A_389 = vector.extract_strided_slice %get3A_217 {offsets = [4], sizes = [1], strides = [1]} : vector<16xi32> to vector<1xi32>
        %squeeze3A_390 = vector.extract %slice3A_389[0] : i32 from vector<1xi32>
        %mul3A_391 = arith.constant 16 : i32
        %mul3A_392 = arith.muli %sub3A_214, %mul3A_391 : i32
        %add3A_393 = arith.constant 4 : i32
        %add3A_394 = arith.addi %mul3A_392, %add3A_393 : i32
        %add3A_395 = arith.addi %add3A_379, %squeeze3A_390 : i32
        %eq3A_396 = arith.constant 0 : i32
        %eq3A_397 = arith.cmpi eq, %select_n3A_385, %eq3A_396 : i32
        %ge3A_398 = arith.cmpi sge, %add3A_395, %squeeze3A : i32
        %and3A_399 = arith.andi %eq3A_397, %ge3A_398 : i1
        %jit3A_400 = arith.constant 1 : i32
        %select_n3A_401 = arith.select %and3A_399, %jit3A_400, %select_n3A_385 : i32
        %select_n3A_402 = arith.select %and3A_399, %add3A_394, %select_n3A_386 : i32
        %select_n3A_403 = arith.select %and3A_399, %add3A_395, %select_n3A_387 : i32
        %select_n3A_404 = arith.select %and3A_399, %squeeze3A_390, %select_n3A_388 : i32
        %slice3A_405 = vector.extract_strided_slice %get3A_217 {offsets = [3], sizes = [1], strides = [1]} : vector<16xi32> to vector<1xi32>
        %squeeze3A_406 = vector.extract %slice3A_405[0] : i32 from vector<1xi32>
        %mul3A_407 = arith.constant 16 : i32
        %mul3A_408 = arith.muli %sub3A_214, %mul3A_407 : i32
        %add3A_409 = arith.constant 3 : i32
        %add3A_410 = arith.addi %mul3A_408, %add3A_409 : i32
        %add3A_411 = arith.addi %add3A_395, %squeeze3A_406 : i32
        %eq3A_412 = arith.constant 0 : i32
        %eq3A_413 = arith.cmpi eq, %select_n3A_401, %eq3A_412 : i32
        %ge3A_414 = arith.cmpi sge, %add3A_411, %squeeze3A : i32
        %and3A_415 = arith.andi %eq3A_413, %ge3A_414 : i1
        %jit3A_416 = arith.constant 1 : i32
        %select_n3A_417 = arith.select %and3A_415, %jit3A_416, %select_n3A_401 : i32
        %select_n3A_418 = arith.select %and3A_415, %add3A_410, %select_n3A_402 : i32
        %select_n3A_419 = arith.select %and3A_415, %add3A_411, %select_n3A_403 : i32
        %select_n3A_420 = arith.select %and3A_415, %squeeze3A_406, %select_n3A_404 : i32
        %slice3A_421 = vector.extract_strided_slice %get3A_217 {offsets = [2], sizes = [1], strides = [1]} : vector<16xi32> to vector<1xi32>
        %squeeze3A_422 = vector.extract %slice3A_421[0] : i32 from vector<1xi32>
        %mul3A_423 = arith.constant 16 : i32
        %mul3A_424 = arith.muli %sub3A_214, %mul3A_423 : i32
        %add3A_425 = arith.constant 2 : i32
        %add3A_426 = arith.addi %mul3A_424, %add3A_425 : i32
        %add3A_427 = arith.addi %add3A_411, %squeeze3A_422 : i32
        %eq3A_428 = arith.constant 0 : i32
        %eq3A_429 = arith.cmpi eq, %select_n3A_417, %eq3A_428 : i32
        %ge3A_430 = arith.cmpi sge, %add3A_427, %squeeze3A : i32
        %and3A_431 = arith.andi %eq3A_429, %ge3A_430 : i1
        %jit3A_432 = arith.constant 1 : i32
        %select_n3A_433 = arith.select %and3A_431, %jit3A_432, %select_n3A_417 : i32
        %select_n3A_434 = arith.select %and3A_431, %add3A_426, %select_n3A_418 : i32
        %select_n3A_435 = arith.select %and3A_431, %add3A_427, %select_n3A_419 : i32
        %select_n3A_436 = arith.select %and3A_431, %squeeze3A_422, %select_n3A_420 : i32
        %slice3A_437 = vector.extract_strided_slice %get3A_217 {offsets = [1], sizes = [1], strides = [1]} : vector<16xi32> to vector<1xi32>
        %squeeze3A_438 = vector.extract %slice3A_437[0] : i32 from vector<1xi32>
        %mul3A_439 = arith.constant 16 : i32
        %mul3A_440 = arith.muli %sub3A_214, %mul3A_439 : i32
        %add3A_441 = arith.constant 1 : i32
        %add3A_442 = arith.addi %mul3A_440, %add3A_441 : i32
        %add3A_443 = arith.addi %add3A_427, %squeeze3A_438 : i32
        %eq3A_444 = arith.constant 0 : i32
        %eq3A_445 = arith.cmpi eq, %select_n3A_433, %eq3A_444 : i32
        %ge3A_446 = arith.cmpi sge, %add3A_443, %squeeze3A : i32
        %and3A_447 = arith.andi %eq3A_445, %ge3A_446 : i1
        %jit3A_448 = arith.constant 1 : i32
        %select_n3A_449 = arith.select %and3A_447, %jit3A_448, %select_n3A_433 : i32
        %select_n3A_450 = arith.select %and3A_447, %add3A_442, %select_n3A_434 : i32
        %select_n3A_451 = arith.select %and3A_447, %add3A_443, %select_n3A_435 : i32
        %select_n3A_452 = arith.select %and3A_447, %squeeze3A_438, %select_n3A_436 : i32
        %slice3A_453 = vector.extract_strided_slice %get3A_217 {offsets = [0], sizes = [1], strides = [1]} : vector<16xi32> to vector<1xi32>
        %squeeze3A_454 = vector.extract %slice3A_453[0] : i32 from vector<1xi32>
        %mul3A_455 = arith.constant 16 : i32
        %mul3A_456 = arith.muli %sub3A_214, %mul3A_455 : i32
        %add3A_457 = arith.constant 0 : i32
        %add3A_458 = arith.addi %mul3A_456, %add3A_457 : i32
        %add3A_459 = arith.addi %add3A_443, %squeeze3A_454 : i32
        %eq3A_460 = arith.constant 0 : i32
        %eq3A_461 = arith.cmpi eq, %select_n3A_449, %eq3A_460 : i32
        %ge3A_462 = arith.cmpi sge, %add3A_459, %squeeze3A : i32
        %and3A_463 = arith.andi %eq3A_461, %ge3A_462 : i1
        %jit3A_464 = arith.constant 1 : i32
        %select_n3A_465 = arith.select %and3A_463, %jit3A_464, %select_n3A_449 : i32
        %select_n3A_466 = arith.select %and3A_463, %add3A_458, %select_n3A_450 : i32
        %select_n3A_467 = arith.select %and3A_463, %add3A_459, %select_n3A_451 : i32
        %select_n3A_468 = arith.select %and3A_463, %squeeze3A_454, %select_n3A_452 : i32
        scf.yield %add3A_459, %select_n3A_465, %select_n3A_466, %select_n3A_467, %select_n3A_468 : i32, i32, i32, i32, i32
      }
      %scan3A_197 = arith.constant 16 : i32
      %sub3A = arith.subi %scan3A_196#3, %scan3A_196#4 : i32
      %sub3A_198 = arith.subi %squeeze3A, %sub3A : i32
      %broadcast_in_dim3A_199 = vector.broadcast %sub3A_198 : i32 to vector<16xi32>
      %swap3A_200 = arith.constant 0 : index
      %swap3A_201 = tpu.vector_load %arg14[%swap3A_200] {strides = array<i32>} : memref<16xi32, #tpu.memory_space<vmem>>, vector<16xi32>,
      tpu.vector_store %arg14[%swap3A_200], %broadcast_in_dim3A_199 {strides = array<i32>} : memref<16xi32, #tpu.memory_space<vmem>>, vector<16xi32>,
      %broadcast_in_dim3A_202 = vector.broadcast %scan3A_196#2 : i32 to vector<16xi32>
      %swap3A_203 = arith.constant 0 : i32
      %swap3A_204 = arith.index_cast %swap3A_203 : i32 to index
      %swap3A_205 = arith.constant 0 : index
      %swap3A_206 = tpu.vector_load %arg13[%swap3A_204, %swap3A_205] {strides = array<i32>} : memref<16x16xi32, #tpu.memory_space<vmem>>, vector<16xi32>,
      tpu.vector_store %arg13[%swap3A_204, %swap3A_205], %broadcast_in_dim3A_202 {strides = array<i32>} : memref<16x16xi32, #tpu.memory_space<vmem>>, vector<16xi32>,
      "tpu.region"() ({
        %run_scoped3A = tpu.sem_alloc : memref<!tpu.dma_semaphore, #tpu.memory_space<semaphore_mem>>
        tpu.enqueue_dma source(%arg13 : memref<16x16xi32, #tpu.memory_space<vmem>>) target(%arg18 : memref<16x16xi32, #tpu.memory_space<vmem_shared>>) target_semaphore(%run_scoped3A : memref<!tpu.dma_semaphore, #tpu.memory_space<semaphore_mem>>)
        tpu.wait_dma2 semaphore(%run_scoped3A : memref<!tpu.dma_semaphore, #tpu.memory_space<semaphore_mem>>) src(%arg13 : memref<16x16xi32, #tpu.memory_space<vmem>>) dst(%arg18 : memref<16x16xi32, #tpu.memory_space<vmem_shared>>)
        tpu.yield
      }) : () -> ()
    } else {
    }
    %barrier3A_31 = arith.constant 0 : index
    tpu.barrier barrier_id(%barrier3A_31)
    "tpu.region"() ({
      %run_scoped3A = tpu.sem_alloc : memref<!tpu.dma_semaphore, #tpu.memory_space<semaphore_mem>>
      tpu.enqueue_dma source(%arg18 : memref<16x16xi32, #tpu.memory_space<vmem_shared>>) target(%arg13 : memref<16x16xi32, #tpu.memory_space<vmem>>) target_semaphore(%run_scoped3A : memref<!tpu.dma_semaphore, #tpu.memory_space<semaphore_mem>>)
      tpu.wait_dma2 semaphore(%run_scoped3A : memref<!tpu.dma_semaphore, #tpu.memory_space<semaphore_mem>>) src(%arg18 : memref<16x16xi32, #tpu.memory_space<vmem_shared>>) dst(%arg13 : memref<16x16xi32, #tpu.memory_space<vmem>>)
      tpu.yield
    }) : () -> ()
    %shift_left3A = arith.constant 8 : i32
    %shift_left3A_32 = vector.broadcast %shift_left3A : i32 to vector<16xi32>
    %shift_left3A_33 = arith.shli %broadcast_in_dim3A_0, %shift_left3A_32 : vector<16xi32>
    %get3A_34 = arith.constant 0 : i32
    %get3A_35 = arith.index_cast %get3A_34 : i32 to index
    %get3A_36 = arith.constant 0 : index
    %get3A_37 = tpu.vector_load %arg13[%get3A_35, %get3A_36] {strides = array<i32>} : memref<16x16xi32, #tpu.memory_space<vmem>>, vector<16xi32>,
    %or3A = arith.ori %shift_left3A_33, %get3A_37 : vector<16xi32>
    %mul3A_38 = arith.constant 256 : i32
    %mul3A_39 = vector.broadcast %mul3A_38 : i32 to vector<16xi32>
    %mul3A_40 = arith.muli %iota3A, %mul3A_39 : vector<16xi32>
    %scan3A_41 = arith.constant 0 : i32
    %scan3A_42 = arith.constant 0 : i32
    %scan3A_43 = arith.constant 64 : i32
    %scan3A_44 = arith.addi %scan3A_42, %scan3A_43 : i32
    %scan3A_45 = arith.constant 1 : i32
    %scan3A_46 = scf.for %scan3A_171 = %scan3A_42 to %scan3A_44 step %scan3A_45 iter_args(%scan3A_172 = %scan3A_41) -> (i32)  : i32 {
      %mul3A_173 = arith.constant 64 : i32
      %mul3A_174 = arith.muli %scan3A_171, %mul3A_173 : i32
      %add3A = arith.constant 0 : i32
      %add3A_175 = arith.addi %mul3A_174, %add3A : i32
      %swap3A_176 = arith.index_cast %add3A_175 : i32 to index
      %swap3A_177 = tpu.vector_load %arg9[%swap3A_176] {strides = array<i32>} : memref<4096xi32, #tpu.memory_space<vmem>>, vector<16xi32>,
      tpu.vector_store %arg9[%swap3A_176], %broadcast_in_dim3A_0 {strides = array<i32>} : memref<4096xi32, #tpu.memory_space<vmem>>, vector<16xi32>,
      %mul3A_178 = arith.constant 64 : i32
      %mul3A_179 = arith.muli %scan3A_171, %mul3A_178 : i32
      %add3A_180 = arith.constant 16 : i32
      %add3A_181 = arith.addi %mul3A_179, %add3A_180 : i32
      %swap3A_182 = arith.index_cast %add3A_181 : i32 to index
      %swap3A_183 = tpu.vector_load %arg9[%swap3A_182] {strides = array<i32>} : memref<4096xi32, #tpu.memory_space<vmem>>, vector<16xi32>,
      tpu.vector_store %arg9[%swap3A_182], %broadcast_in_dim3A_0 {strides = array<i32>} : memref<4096xi32, #tpu.memory_space<vmem>>, vector<16xi32>,
      %mul3A_184 = arith.constant 64 : i32
      %mul3A_185 = arith.muli %scan3A_171, %mul3A_184 : i32
      %add3A_186 = arith.constant 32 : i32
      %add3A_187 = arith.addi %mul3A_185, %add3A_186 : i32
      %swap3A_188 = arith.index_cast %add3A_187 : i32 to index
      %swap3A_189 = tpu.vector_load %arg9[%swap3A_188] {strides = array<i32>} : memref<4096xi32, #tpu.memory_space<vmem>>, vector<16xi32>,
      tpu.vector_store %arg9[%swap3A_188], %broadcast_in_dim3A_0 {strides = array<i32>} : memref<4096xi32, #tpu.memory_space<vmem>>, vector<16xi32>,
      %mul3A_190 = arith.constant 64 : i32
      %mul3A_191 = arith.muli %scan3A_171, %mul3A_190 : i32
      %add3A_192 = arith.constant 48 : i32
      %add3A_193 = arith.addi %mul3A_191, %add3A_192 : i32
      %swap3A_194 = arith.index_cast %add3A_193 : i32 to index
      %swap3A_195 = tpu.vector_load %arg9[%swap3A_194] {strides = array<i32>} : memref<4096xi32, #tpu.memory_space<vmem>>, vector<16xi32>,
      tpu.vector_store %arg9[%swap3A_194], %broadcast_in_dim3A_0 {strides = array<i32>} : memref<4096xi32, #tpu.memory_space<vmem>>, vector<16xi32>,
      %scan3A_196 = arith.constant 0 : i32
      scf.yield %scan3A_196 : i32
    }
    %scan3A_47 = arith.constant 64 : i32
    %scan3A_48 = arith.constant 0 : i32
    %scan3A_49 = arith.constant 0 : i32
    %scan3A_50 = arith.constant 512 : i32
    %scan3A_51 = arith.addi %scan3A_49, %scan3A_50 : i32
    %scan3A_52 = arith.constant 1 : i32
    %scan3A_53 = scf.for %scan3A_171 = %scan3A_49 to %scan3A_51 step %scan3A_52 iter_args(%scan3A_172 = %scan3A_48) -> (i32)  : i32 {
      %mul3A_173 = arith.constant 128 : i32
      %mul3A_174 = arith.muli %scan3A_171, %mul3A_173 : i32
      %add3A = arith.constant 0 : i32
      %add3A_175 = arith.addi %mul3A_174, %add3A : i32
      %get3A_176 = arith.index_cast %add3A_175 : i32 to index
      %get3A_177 = tpu.vector_load %arg8[%get3A_176] {strides = array<i32>} : memref<65536xi32, #tpu.memory_space<vmem>>, vector<16xi32>,
      %shift_right_logical3A = arith.constant 23 : i32
      %shift_right_logical3A_178 = vector.broadcast %shift_right_logical3A : i32 to vector<16xi32>
      %shift_right_logical3A_179 = arith.shrui %get3A_177, %shift_right_logical3A_178 : vector<16xi32>
      %eq3A_180 = arith.cmpi eq, %shift_right_logical3A_179, %or3A : vector<16xi32>
      %shift_right_logical3A_181 = arith.constant 15 : i32
      %shift_right_logical3A_182 = vector.broadcast %shift_right_logical3A_181 : i32 to vector<16xi32>
      %shift_right_logical3A_183 = arith.shrui %get3A_177, %shift_right_logical3A_182 : vector<16xi32>
      %and3A = arith.constant 255 : i32
      %and3A_184 = vector.broadcast %and3A : i32 to vector<16xi32>
      %and3A_185 = arith.andi %shift_right_logical3A_183, %and3A_184 : vector<16xi32>
      %add3A_186 = arith.addi %mul3A_40, %and3A_185 : vector<16xi32>
      tpu.vector_store_idx %arg9[%add3A_186], %broadcast_in_dim3A_2 masked %eq3A_180 {add = true} : memref<4096xi32, #tpu.memory_space<vmem>>[vector<16xi32>], vector<16xi32>, vector<16xi1>
      %mul3A_187 = arith.constant 128 : i32
      %mul3A_188 = arith.muli %scan3A_171, %mul3A_187 : i32
      %add3A_189 = arith.constant 16 : i32
      %add3A_190 = arith.addi %mul3A_188, %add3A_189 : i32
      %get3A_191 = arith.index_cast %add3A_190 : i32 to index
      %get3A_192 = tpu.vector_load %arg8[%get3A_191] {strides = array<i32>} : memref<65536xi32, #tpu.memory_space<vmem>>, vector<16xi32>,
      %shift_right_logical3A_193 = arith.constant 23 : i32
      %shift_right_logical3A_194 = vector.broadcast %shift_right_logical3A_193 : i32 to vector<16xi32>
      %shift_right_logical3A_195 = arith.shrui %get3A_192, %shift_right_logical3A_194 : vector<16xi32>
      %eq3A_196 = arith.cmpi eq, %shift_right_logical3A_195, %or3A : vector<16xi32>
      %shift_right_logical3A_197 = arith.constant 15 : i32
      %shift_right_logical3A_198 = vector.broadcast %shift_right_logical3A_197 : i32 to vector<16xi32>
      %shift_right_logical3A_199 = arith.shrui %get3A_192, %shift_right_logical3A_198 : vector<16xi32>
      %and3A_200 = arith.constant 255 : i32
      %and3A_201 = vector.broadcast %and3A_200 : i32 to vector<16xi32>
      %and3A_202 = arith.andi %shift_right_logical3A_199, %and3A_201 : vector<16xi32>
      %add3A_203 = arith.addi %mul3A_40, %and3A_202 : vector<16xi32>
      tpu.vector_store_idx %arg9[%add3A_203], %broadcast_in_dim3A_2 masked %eq3A_196 {add = true} : memref<4096xi32, #tpu.memory_space<vmem>>[vector<16xi32>], vector<16xi32>, vector<16xi1>
      %mul3A_204 = arith.constant 128 : i32
      %mul3A_205 = arith.muli %scan3A_171, %mul3A_204 : i32
      %add3A_206 = arith.constant 32 : i32
      %add3A_207 = arith.addi %mul3A_205, %add3A_206 : i32
      %get3A_208 = arith.index_cast %add3A_207 : i32 to index
      %get3A_209 = tpu.vector_load %arg8[%get3A_208] {strides = array<i32>} : memref<65536xi32, #tpu.memory_space<vmem>>, vector<16xi32>,
      %shift_right_logical3A_210 = arith.constant 23 : i32
      %shift_right_logical3A_211 = vector.broadcast %shift_right_logical3A_210 : i32 to vector<16xi32>
      %shift_right_logical3A_212 = arith.shrui %get3A_209, %shift_right_logical3A_211 : vector<16xi32>
      %eq3A_213 = arith.cmpi eq, %shift_right_logical3A_212, %or3A : vector<16xi32>
      %shift_right_logical3A_214 = arith.constant 15 : i32
      %shift_right_logical3A_215 = vector.broadcast %shift_right_logical3A_214 : i32 to vector<16xi32>
      %shift_right_logical3A_216 = arith.shrui %get3A_209, %shift_right_logical3A_215 : vector<16xi32>
      %and3A_217 = arith.constant 255 : i32
      %and3A_218 = vector.broadcast %and3A_217 : i32 to vector<16xi32>
      %and3A_219 = arith.andi %shift_right_logical3A_216, %and3A_218 : vector<16xi32>
      %add3A_220 = arith.addi %mul3A_40, %and3A_219 : vector<16xi32>
      tpu.vector_store_idx %arg9[%add3A_220], %broadcast_in_dim3A_2 masked %eq3A_213 {add = true} : memref<4096xi32, #tpu.memory_space<vmem>>[vector<16xi32>], vector<16xi32>, vector<16xi1>
      %mul3A_221 = arith.constant 128 : i32
      %mul3A_222 = arith.muli %scan3A_171, %mul3A_221 : i32
      %add3A_223 = arith.constant 48 : i32
      %add3A_224 = arith.addi %mul3A_222, %add3A_223 : i32
      %get3A_225 = arith.index_cast %add3A_224 : i32 to index
      %get3A_226 = tpu.vector_load %arg8[%get3A_225] {strides = array<i32>} : memref<65536xi32, #tpu.memory_space<vmem>>, vector<16xi32>,
      %shift_right_logical3A_227 = arith.constant 23 : i32
      %shift_right_logical3A_228 = vector.broadcast %shift_right_logical3A_227 : i32 to vector<16xi32>
      %shift_right_logical3A_229 = arith.shrui %get3A_226, %shift_right_logical3A_228 : vector<16xi32>
      %eq3A_230 = arith.cmpi eq, %shift_right_logical3A_229, %or3A : vector<16xi32>
      %shift_right_logical3A_231 = arith.constant 15 : i32
      %shift_right_logical3A_232 = vector.broadcast %shift_right_logical3A_231 : i32 to vector<16xi32>
      %shift_right_logical3A_233 = arith.shrui %get3A_226, %shift_right_logical3A_232 : vector<16xi32>
      %and3A_234 = arith.constant 255 : i32
      %and3A_235 = vector.broadcast %and3A_234 : i32 to vector<16xi32>
      %and3A_236 = arith.andi %shift_right_logical3A_233, %and3A_235 : vector<16xi32>
      %add3A_237 = arith.addi %mul3A_40, %and3A_236 : vector<16xi32>
      tpu.vector_store_idx %arg9[%add3A_237], %broadcast_in_dim3A_2 masked %eq3A_230 {add = true} : memref<4096xi32, #tpu.memory_space<vmem>>[vector<16xi32>], vector<16xi32>, vector<16xi1>
      %mul3A_238 = arith.constant 128 : i32
      %mul3A_239 = arith.muli %scan3A_171, %mul3A_238 : i32
      %add3A_240 = arith.constant 64 : i32
      %add3A_241 = arith.addi %mul3A_239, %add3A_240 : i32
      %get3A_242 = arith.index_cast %add3A_241 : i32 to index
      %get3A_243 = tpu.vector_load %arg8[%get3A_242] {strides = array<i32>} : memref<65536xi32, #tpu.memory_space<vmem>>, vector<16xi32>,
      %shift_right_logical3A_244 = arith.constant 23 : i32
      %shift_right_logical3A_245 = vector.broadcast %shift_right_logical3A_244 : i32 to vector<16xi32>
      %shift_right_logical3A_246 = arith.shrui %get3A_243, %shift_right_logical3A_245 : vector<16xi32>
      %eq3A_247 = arith.cmpi eq, %shift_right_logical3A_246, %or3A : vector<16xi32>
      %shift_right_logical3A_248 = arith.constant 15 : i32
      %shift_right_logical3A_249 = vector.broadcast %shift_right_logical3A_248 : i32 to vector<16xi32>
      %shift_right_logical3A_250 = arith.shrui %get3A_243, %shift_right_logical3A_249 : vector<16xi32>
      %and3A_251 = arith.constant 255 : i32
      %and3A_252 = vector.broadcast %and3A_251 : i32 to vector<16xi32>
      %and3A_253 = arith.andi %shift_right_logical3A_250, %and3A_252 : vector<16xi32>
      %add3A_254 = arith.addi %mul3A_40, %and3A_253 : vector<16xi32>
      tpu.vector_store_idx %arg9[%add3A_254], %broadcast_in_dim3A_2 masked %eq3A_247 {add = true} : memref<4096xi32, #tpu.memory_space<vmem>>[vector<16xi32>], vector<16xi32>, vector<16xi1>
      %mul3A_255 = arith.constant 128 : i32
      %mul3A_256 = arith.muli %scan3A_171, %mul3A_255 : i32
      %add3A_257 = arith.constant 80 : i32
      %add3A_258 = arith.addi %mul3A_256, %add3A_257 : i32
      %get3A_259 = arith.index_cast %add3A_258 : i32 to index
      %get3A_260 = tpu.vector_load %arg8[%get3A_259] {strides = array<i32>} : memref<65536xi32, #tpu.memory_space<vmem>>, vector<16xi32>,
      %shift_right_logical3A_261 = arith.constant 23 : i32
      %shift_right_logical3A_262 = vector.broadcast %shift_right_logical3A_261 : i32 to vector<16xi32>
      %shift_right_logical3A_263 = arith.shrui %get3A_260, %shift_right_logical3A_262 : vector<16xi32>
      %eq3A_264 = arith.cmpi eq, %shift_right_logical3A_263, %or3A : vector<16xi32>
      %shift_right_logical3A_265 = arith.constant 15 : i32
      %shift_right_logical3A_266 = vector.broadcast %shift_right_logical3A_265 : i32 to vector<16xi32>
      %shift_right_logical3A_267 = arith.shrui %get3A_260, %shift_right_logical3A_266 : vector<16xi32>
      %and3A_268 = arith.constant 255 : i32
      %and3A_269 = vector.broadcast %and3A_268 : i32 to vector<16xi32>
      %and3A_270 = arith.andi %shift_right_logical3A_267, %and3A_269 : vector<16xi32>
      %add3A_271 = arith.addi %mul3A_40, %and3A_270 : vector<16xi32>
      tpu.vector_store_idx %arg9[%add3A_271], %broadcast_in_dim3A_2 masked %eq3A_264 {add = true} : memref<4096xi32, #tpu.memory_space<vmem>>[vector<16xi32>], vector<16xi32>, vector<16xi1>
      %mul3A_272 = arith.constant 128 : i32
      %mul3A_273 = arith.muli %scan3A_171, %mul3A_272 : i32
      %add3A_274 = arith.constant 96 : i32
      %add3A_275 = arith.addi %mul3A_273, %add3A_274 : i32
      %get3A_276 = arith.index_cast %add3A_275 : i32 to index
      %get3A_277 = tpu.vector_load %arg8[%get3A_276] {strides = array<i32>} : memref<65536xi32, #tpu.memory_space<vmem>>, vector<16xi32>,
      %shift_right_logical3A_278 = arith.constant 23 : i32
      %shift_right_logical3A_279 = vector.broadcast %shift_right_logical3A_278 : i32 to vector<16xi32>
      %shift_right_logical3A_280 = arith.shrui %get3A_277, %shift_right_logical3A_279 : vector<16xi32>
      %eq3A_281 = arith.cmpi eq, %shift_right_logical3A_280, %or3A : vector<16xi32>
      %shift_right_logical3A_282 = arith.constant 15 : i32
      %shift_right_logical3A_283 = vector.broadcast %shift_right_logical3A_282 : i32 to vector<16xi32>
      %shift_right_logical3A_284 = arith.shrui %get3A_277, %shift_right_logical3A_283 : vector<16xi32>
      %and3A_285 = arith.constant 255 : i32
      %and3A_286 = vector.broadcast %and3A_285 : i32 to vector<16xi32>
      %and3A_287 = arith.andi %shift_right_logical3A_284, %and3A_286 : vector<16xi32>
      %add3A_288 = arith.addi %mul3A_40, %and3A_287 : vector<16xi32>
      tpu.vector_store_idx %arg9[%add3A_288], %broadcast_in_dim3A_2 masked %eq3A_281 {add = true} : memref<4096xi32, #tpu.memory_space<vmem>>[vector<16xi32>], vector<16xi32>, vector<16xi1>
      %mul3A_289 = arith.constant 128 : i32
      %mul3A_290 = arith.muli %scan3A_171, %mul3A_289 : i32
      %add3A_291 = arith.constant 112 : i32
      %add3A_292 = arith.addi %mul3A_290, %add3A_291 : i32
      %get3A_293 = arith.index_cast %add3A_292 : i32 to index
      %get3A_294 = tpu.vector_load %arg8[%get3A_293] {strides = array<i32>} : memref<65536xi32, #tpu.memory_space<vmem>>, vector<16xi32>,
      %shift_right_logical3A_295 = arith.constant 23 : i32
      %shift_right_logical3A_296 = vector.broadcast %shift_right_logical3A_295 : i32 to vector<16xi32>
      %shift_right_logical3A_297 = arith.shrui %get3A_294, %shift_right_logical3A_296 : vector<16xi32>
      %eq3A_298 = arith.cmpi eq, %shift_right_logical3A_297, %or3A : vector<16xi32>
      %shift_right_logical3A_299 = arith.constant 15 : i32
      %shift_right_logical3A_300 = vector.broadcast %shift_right_logical3A_299 : i32 to vector<16xi32>
      %shift_right_logical3A_301 = arith.shrui %get3A_294, %shift_right_logical3A_300 : vector<16xi32>
      %and3A_302 = arith.constant 255 : i32
      %and3A_303 = vector.broadcast %and3A_302 : i32 to vector<16xi32>
      %and3A_304 = arith.andi %shift_right_logical3A_301, %and3A_303 : vector<16xi32>
      %add3A_305 = arith.addi %mul3A_40, %and3A_304 : vector<16xi32>
      tpu.vector_store_idx %arg9[%add3A_305], %broadcast_in_dim3A_2 masked %eq3A_298 {add = true} : memref<4096xi32, #tpu.memory_space<vmem>>[vector<16xi32>], vector<16xi32>, vector<16xi1>
      %scan3A_306 = arith.constant 0 : i32
      scf.yield %scan3A_306 : i32
    }
    %scan3A_54 = arith.constant 512 : i32
    %scan3A_55 = arith.constant 0 : i32
    %scan3A_56 = arith.constant 0 : i32
    %scan3A_57 = arith.constant 16 : i32
    %scan3A_58 = arith.addi %scan3A_56, %scan3A_57 : i32
    %scan3A_59 = arith.constant 1 : i32
    %scan3A_60 = scf.for %scan3A_171 = %scan3A_56 to %scan3A_58 step %scan3A_59 iter_args(%scan3A_172 = %scan3A_55) -> (i32)  : i32 {
      %mul3A_173 = arith.constant 16 : i32
      %mul3A_174 = arith.muli %scan3A_171, %mul3A_173 : i32
      %get3A_175 = arith.index_cast %mul3A_174 : i32 to index
      %get3A_176 = tpu.vector_load %arg9[%get3A_175] {strides = array<i32>} : memref<4096xi32, #tpu.memory_space<vmem>>, vector<16xi32>,
      %mul3A_177 = arith.constant 16 : i32
      %mul3A_178 = arith.muli %scan3A_171, %mul3A_177 : i32
      %add3A = arith.constant 256 : i32
      %add3A_179 = arith.addi %add3A, %mul3A_178 : i32
      %get3A_180 = arith.index_cast %add3A_179 : i32 to index
      %get3A_181 = tpu.vector_load %arg9[%get3A_180] {strides = array<i32>} : memref<4096xi32, #tpu.memory_space<vmem>>, vector<16xi32>,
      %add3A_182 = arith.addi %get3A_176, %get3A_181 : vector<16xi32>
      %mul3A_183 = arith.constant 16 : i32
      %mul3A_184 = arith.muli %scan3A_171, %mul3A_183 : i32
      %add3A_185 = arith.constant 512 : i32
      %add3A_186 = arith.addi %add3A_185, %mul3A_184 : i32
      %get3A_187 = arith.index_cast %add3A_186 : i32 to index
      %get3A_188 = tpu.vector_load %arg9[%get3A_187] {strides = array<i32>} : memref<4096xi32, #tpu.memory_space<vmem>>, vector<16xi32>,
      %add3A_189 = arith.addi %add3A_182, %get3A_188 : vector<16xi32>
      %mul3A_190 = arith.constant 16 : i32
      %mul3A_191 = arith.muli %scan3A_171, %mul3A_190 : i32
      %add3A_192 = arith.constant 768 : i32
      %add3A_193 = arith.addi %add3A_192, %mul3A_191 : i32
      %get3A_194 = arith.index_cast %add3A_193 : i32 to index
      %get3A_195 = tpu.vector_load %arg9[%get3A_194] {strides = array<i32>} : memref<4096xi32, #tpu.memory_space<vmem>>, vector<16xi32>,
      %add3A_196 = arith.addi %add3A_189, %get3A_195 : vector<16xi32>
      %mul3A_197 = arith.constant 16 : i32
      %mul3A_198 = arith.muli %scan3A_171, %mul3A_197 : i32
      %add3A_199 = arith.constant 1024 : i32
      %add3A_200 = arith.addi %add3A_199, %mul3A_198 : i32
      %get3A_201 = arith.index_cast %add3A_200 : i32 to index
      %get3A_202 = tpu.vector_load %arg9[%get3A_201] {strides = array<i32>} : memref<4096xi32, #tpu.memory_space<vmem>>, vector<16xi32>,
      %add3A_203 = arith.addi %add3A_196, %get3A_202 : vector<16xi32>
      %mul3A_204 = arith.constant 16 : i32
      %mul3A_205 = arith.muli %scan3A_171, %mul3A_204 : i32
      %add3A_206 = arith.constant 1280 : i32
      %add3A_207 = arith.addi %add3A_206, %mul3A_205 : i32
      %get3A_208 = arith.index_cast %add3A_207 : i32 to index
      %get3A_209 = tpu.vector_load %arg9[%get3A_208] {strides = array<i32>} : memref<4096xi32, #tpu.memory_space<vmem>>, vector<16xi32>,
      %add3A_210 = arith.addi %add3A_203, %get3A_209 : vector<16xi32>
      %mul3A_211 = arith.constant 16 : i32
      %mul3A_212 = arith.muli %scan3A_171, %mul3A_211 : i32
      %add3A_213 = arith.constant 1536 : i32
      %add3A_214 = arith.addi %add3A_213, %mul3A_212 : i32
      %get3A_215 = arith.index_cast %add3A_214 : i32 to index
      %get3A_216 = tpu.vector_load %arg9[%get3A_215] {strides = array<i32>} : memref<4096xi32, #tpu.memory_space<vmem>>, vector<16xi32>,
      %add3A_217 = arith.addi %add3A_210, %get3A_216 : vector<16xi32>
      %mul3A_218 = arith.constant 16 : i32
      %mul3A_219 = arith.muli %scan3A_171, %mul3A_218 : i32
      %add3A_220 = arith.constant 1792 : i32
      %add3A_221 = arith.addi %add3A_220, %mul3A_219 : i32
      %get3A_222 = arith.index_cast %add3A_221 : i32 to index
      %get3A_223 = tpu.vector_load %arg9[%get3A_222] {strides = array<i32>} : memref<4096xi32, #tpu.memory_space<vmem>>, vector<16xi32>,
      %add3A_224 = arith.addi %add3A_217, %get3A_223 : vector<16xi32>
      %mul3A_225 = arith.constant 16 : i32
      %mul3A_226 = arith.muli %scan3A_171, %mul3A_225 : i32
      %add3A_227 = arith.constant 2048 : i32
      %add3A_228 = arith.addi %add3A_227, %mul3A_226 : i32
      %get3A_229 = arith.index_cast %add3A_228 : i32 to index
      %get3A_230 = tpu.vector_load %arg9[%get3A_229] {strides = array<i32>} : memref<4096xi32, #tpu.memory_space<vmem>>, vector<16xi32>,
      %add3A_231 = arith.addi %add3A_224, %get3A_230 : vector<16xi32>
      %mul3A_232 = arith.constant 16 : i32
      %mul3A_233 = arith.muli %scan3A_171, %mul3A_232 : i32
      %add3A_234 = arith.constant 2304 : i32
      %add3A_235 = arith.addi %add3A_234, %mul3A_233 : i32
      %get3A_236 = arith.index_cast %add3A_235 : i32 to index
      %get3A_237 = tpu.vector_load %arg9[%get3A_236] {strides = array<i32>} : memref<4096xi32, #tpu.memory_space<vmem>>, vector<16xi32>,
      %add3A_238 = arith.addi %add3A_231, %get3A_237 : vector<16xi32>
      %mul3A_239 = arith.constant 16 : i32
      %mul3A_240 = arith.muli %scan3A_171, %mul3A_239 : i32
      %add3A_241 = arith.constant 2560 : i32
      %add3A_242 = arith.addi %add3A_241, %mul3A_240 : i32
      %get3A_243 = arith.index_cast %add3A_242 : i32 to index
      %get3A_244 = tpu.vector_load %arg9[%get3A_243] {strides = array<i32>} : memref<4096xi32, #tpu.memory_space<vmem>>, vector<16xi32>,
      %add3A_245 = arith.addi %add3A_238, %get3A_244 : vector<16xi32>
      %mul3A_246 = arith.constant 16 : i32
      %mul3A_247 = arith.muli %scan3A_171, %mul3A_246 : i32
      %add3A_248 = arith.constant 2816 : i32
      %add3A_249 = arith.addi %add3A_248, %mul3A_247 : i32
      %get3A_250 = arith.index_cast %add3A_249 : i32 to index
      %get3A_251 = tpu.vector_load %arg9[%get3A_250] {strides = array<i32>} : memref<4096xi32, #tpu.memory_space<vmem>>, vector<16xi32>,
      %add3A_252 = arith.addi %add3A_245, %get3A_251 : vector<16xi32>
      %mul3A_253 = arith.constant 16 : i32
      %mul3A_254 = arith.muli %scan3A_171, %mul3A_253 : i32
      %add3A_255 = arith.constant 3072 : i32
      %add3A_256 = arith.addi %add3A_255, %mul3A_254 : i32
      %get3A_257 = arith.index_cast %add3A_256 : i32 to index
      %get3A_258 = tpu.vector_load %arg9[%get3A_257] {strides = array<i32>} : memref<4096xi32, #tpu.memory_space<vmem>>, vector<16xi32>,
      %add3A_259 = arith.addi %add3A_252, %get3A_258 : vector<16xi32>
      %mul3A_260 = arith.constant 16 : i32
      %mul3A_261 = arith.muli %scan3A_171, %mul3A_260 : i32
      %add3A_262 = arith.constant 3328 : i32
      %add3A_263 = arith.addi %add3A_262, %mul3A_261 : i32
      %get3A_264 = arith.index_cast %add3A_263 : i32 to index
      %get3A_265 = tpu.vector_load %arg9[%get3A_264] {strides = array<i32>} : memref<4096xi32, #tpu.memory_space<vmem>>, vector<16xi32>,
      %add3A_266 = arith.addi %add3A_259, %get3A_265 : vector<16xi32>
      %mul3A_267 = arith.constant 16 : i32
      %mul3A_268 = arith.muli %scan3A_171, %mul3A_267 : i32
      %add3A_269 = arith.constant 3584 : i32
      %add3A_270 = arith.addi %add3A_269, %mul3A_268 : i32
      %get3A_271 = arith.index_cast %add3A_270 : i32 to index
      %get3A_272 = tpu.vector_load %arg9[%get3A_271] {strides = array<i32>} : memref<4096xi32, #tpu.memory_space<vmem>>, vector<16xi32>,
      %add3A_273 = arith.addi %add3A_266, %get3A_272 : vector<16xi32>
      %mul3A_274 = arith.constant 16 : i32
      %mul3A_275 = arith.muli %scan3A_171, %mul3A_274 : i32
      %add3A_276 = arith.constant 3840 : i32
      %add3A_277 = arith.addi %add3A_276, %mul3A_275 : i32
      %get3A_278 = arith.index_cast %add3A_277 : i32 to index
      %get3A_279 = tpu.vector_load %arg9[%get3A_278] {strides = array<i32>} : memref<4096xi32, #tpu.memory_space<vmem>>, vector<16xi32>,
      %add3A_280 = arith.addi %add3A_273, %get3A_279 : vector<16xi32>
      %swap3A_281 = arith.index_cast %scan3A_171 : i32 to index
      %swap3A_282 = arith.constant 0 : index
      %swap3A_283 = tpu.vector_load %arg10[%swap3A_281, %swap3A_282] {strides = array<i32>} : memref<16x16xi32, #tpu.memory_space<vmem>>, vector<16xi32>,
      tpu.vector_store %arg10[%swap3A_281, %swap3A_282], %add3A_280 {strides = array<i32>} : memref<16x16xi32, #tpu.memory_space<vmem>>, vector<16xi32>,
      %scan3A_284 = arith.constant 0 : i32
      scf.yield %scan3A_284 : i32
    }
    %scan3A_61 = arith.constant 16 : i32
    "tpu.region"() ({
      %run_scoped3A = tpu.sem_alloc : memref<!tpu.dma_semaphore, #tpu.memory_space<semaphore_mem>>
      %dma_start3A = arith.constant 0 : i32
      %dma_start3A_171 = arith.constant 0 : i32
      %dma_start3A_172 = tpu.memref_slice %arg6[%arg1, %dma_start3A, %dma_start3A_171] : memref<16x16x16xi32, #tpu.memory_space<hbm>> -> memref<1x16x16xi32, #tpu.memory_space<hbm>>
      %dma_start3A_173 = tpu.memref_squeeze %dma_start3A_172 : memref<1x16x16xi32, #tpu.memory_space<hbm>> -> memref<16x16xi32, #tpu.memory_space<hbm>>
      %dma_start3A_174 = arith.constant 0 : i32
      %dma_start3A_175 = arith.constant 0 : i32
      %dma_start3A_176 = tpu.memref_slice %arg6[%arg1, %dma_start3A_174, %dma_start3A_175] : memref<16x16x16xi32, #tpu.memory_space<hbm>> -> memref<1x16x16xi32, #tpu.memory_space<hbm>>
      %dma_start3A_177 = tpu.memref_squeeze %dma_start3A_176 : memref<1x16x16xi32, #tpu.memory_space<hbm>> -> memref<16x16xi32, #tpu.memory_space<hbm>>
      tpu.enqueue_dma source(%arg10 : memref<16x16xi32, #tpu.memory_space<vmem>>) target(%dma_start3A_177 : memref<16x16xi32, #tpu.memory_space<hbm>>) target_semaphore(%run_scoped3A : memref<!tpu.dma_semaphore, #tpu.memory_space<semaphore_mem>>)
      %dma_wait3A = arith.constant 0 : i32
      %dma_wait3A_178 = arith.constant 0 : i32
      %dma_wait3A_179 = tpu.memref_slice %arg6[%arg1, %dma_wait3A, %dma_wait3A_178] : memref<16x16x16xi32, #tpu.memory_space<hbm>> -> memref<1x16x16xi32, #tpu.memory_space<hbm>>
      %dma_wait3A_180 = tpu.memref_squeeze %dma_wait3A_179 : memref<1x16x16xi32, #tpu.memory_space<hbm>> -> memref<16x16xi32, #tpu.memory_space<hbm>>
      %dma_wait3A_181 = arith.constant 0 : i32
      %dma_wait3A_182 = arith.constant 0 : i32
      %dma_wait3A_183 = tpu.memref_slice %arg6[%arg1, %dma_wait3A_181, %dma_wait3A_182] : memref<16x16x16xi32, #tpu.memory_space<hbm>> -> memref<1x16x16xi32, #tpu.memory_space<hbm>>
      %dma_wait3A_184 = tpu.memref_squeeze %dma_wait3A_183 : memref<1x16x16xi32, #tpu.memory_space<hbm>> -> memref<16x16xi32, #tpu.memory_space<hbm>>
      tpu.wait_dma2 semaphore(%run_scoped3A : memref<!tpu.dma_semaphore, #tpu.memory_space<semaphore_mem>>) src(%arg10 : memref<16x16xi32, #tpu.memory_space<vmem>>) dst(%dma_wait3A_184 : memref<16x16xi32, #tpu.memory_space<hbm>>)
      tpu.yield
    }) : () -> ()
    %barrier3A_62 = arith.constant 0 : index
    tpu.barrier barrier_id(%barrier3A_62)
    %eq3A_63 = arith.constant 0 : i32
    %eq3A_64 = arith.cmpi eq, %arg1, %eq3A_63 : i32
    %convert_element_type3A_65 = arith.extui %eq3A_64 : i1 to i32
    %cond3A_66 = arith.constant 0 : i32
    %cond3A_67 = arith.cmpi ne, %convert_element_type3A_65, %cond3A_66 : i32
    scf.if %cond3A_67 {
      "tpu.region"() ({
        %run_scoped3A = tpu.sem_alloc : memref<!tpu.dma_semaphore, #tpu.memory_space<semaphore_mem>>
        tpu.enqueue_dma source(%arg6 : memref<16x16x16xi32, #tpu.memory_space<hbm>>) target(%arg11 : memref<16x16x16xi32, #tpu.memory_space<vmem>>) target_semaphore(%run_scoped3A : memref<!tpu.dma_semaphore, #tpu.memory_space<semaphore_mem>>)
        tpu.wait_dma2 semaphore(%run_scoped3A : memref<!tpu.dma_semaphore, #tpu.memory_space<semaphore_mem>>) src(%arg6 : memref<16x16x16xi32, #tpu.memory_space<hbm>>) dst(%arg11 : memref<16x16x16xi32, #tpu.memory_space<vmem>>)
        tpu.yield
      }) : () -> ()
      %scan3A_171 = arith.constant 0 : i32
      %scan3A_172 = arith.constant 0 : i32
      %scan3A_173 = arith.constant 16 : i32
      %scan3A_174 = arith.addi %scan3A_172, %scan3A_173 : i32
      %scan3A_175 = arith.constant 1 : i32
      %scan3A_176 = scf.for %scan3A_207 = %scan3A_172 to %scan3A_174 step %scan3A_175 iter_args(%scan3A_208 = %scan3A_171) -> (i32)  : i32 {
        %get3A_209 = arith.constant 0 : i32
        %get3A_210 = arith.index_cast %get3A_209 : i32 to index
        %get3A_211 = arith.index_cast %scan3A_207 : i32 to index
        %get3A_212 = arith.constant 0 : index
        %get3A_213 = tpu.vector_load %arg11[%get3A_210, %get3A_211, %get3A_212] {strides = array<i32>} : memref<16x16x16xi32, #tpu.memory_space<vmem>>, vector<16xi32>,
        %swap3A_214 = arith.index_cast %scan3A_207 : i32 to index
        %swap3A_215 = arith.constant 0 : index
        %swap3A_216 = tpu.vector_load %arg10[%swap3A_214, %swap3A_215] {strides = array<i32>} : memref<16x16xi32, #tpu.memory_space<vmem>>, vector<16xi32>,
        tpu.vector_store %arg10[%swap3A_214, %swap3A_215], %get3A_213 {strides = array<i32>} : memref<16x16xi32, #tpu.memory_space<vmem>>, vector<16xi32>,
        %scan3A_217 = arith.constant 0 : i32
        scf.yield %scan3A_217 : i32
      }
      %scan3A_177 = arith.constant 16 : i32
      %scan3A_178 = arith.constant 0 : i32
      %scan3A_179 = arith.constant 1 : i32
      %scan3A_180 = arith.constant 15 : i32
      %scan3A_181 = arith.addi %scan3A_179, %scan3A_180 : i32
      %scan3A_182 = arith.constant 1 : i32
      %scan3A_183 = scf.for %scan3A_207 = %scan3A_179 to %scan3A_181 step %scan3A_182 iter_args(%scan3A_208 = %scan3A_178) -> (i32)  : i32 {
        %scan3A_209 = arith.constant 0 : i32
        %scan3A_210 = arith.constant 0 : i32
        %scan3A_211 = arith.constant 16 : i32
        %scan3A_212 = arith.addi %scan3A_210, %scan3A_211 : i32
        %scan3A_213 = arith.constant 1 : i32
        %scan3A_214 = scf.for %scan3A_217 = %scan3A_210 to %scan3A_212 step %scan3A_213 iter_args(%scan3A_218 = %scan3A_209) -> (i32)  : i32 {
          %get3A_219 = arith.index_cast %scan3A_217 : i32 to index
          %get3A_220 = arith.constant 0 : index
          %get3A_221 = tpu.vector_load %arg10[%get3A_219, %get3A_220] {strides = array<i32>} : memref<16x16xi32, #tpu.memory_space<vmem>>, vector<16xi32>,
          %get3A_222 = arith.index_cast %scan3A_207 : i32 to index
          %get3A_223 = arith.index_cast %scan3A_217 : i32 to index
          %get3A_224 = arith.constant 0 : index
          %get3A_225 = tpu.vector_load %arg11[%get3A_222, %get3A_223, %get3A_224] {strides = array<i32>} : memref<16x16x16xi32, #tpu.memory_space<vmem>>, vector<16xi32>,
          %add3A = arith.addi %get3A_221, %get3A_225 : vector<16xi32>
          %swap3A_226 = arith.index_cast %scan3A_217 : i32 to index
          %swap3A_227 = arith.constant 0 : index
          %swap3A_228 = tpu.vector_load %arg10[%swap3A_226, %swap3A_227] {strides = array<i32>} : memref<16x16xi32, #tpu.memory_space<vmem>>, vector<16xi32>,
          tpu.vector_store %arg10[%swap3A_226, %swap3A_227], %add3A {strides = array<i32>} : memref<16x16xi32, #tpu.memory_space<vmem>>, vector<16xi32>,
          %scan3A_229 = arith.constant 0 : i32
          scf.yield %scan3A_229 : i32
        }
        %scan3A_215 = arith.constant 16 : i32
        %scan3A_216 = arith.constant 0 : i32
        scf.yield %scan3A_216 : i32
      }
      %scan3A_184 = arith.constant 15 : i32
      %get3A_185 = arith.constant 0 : index
      %get3A_186 = tpu.vector_load %arg14[%get3A_185] {strides = array<i32>} : memref<16xi32, #tpu.memory_space<vmem>>, vector<16xi32>,
      %slice3A = vector.extract_strided_slice %get3A_186 {offsets = [0], sizes = [1], strides = [1]} : vector<16xi32> to vector<1xi32>
      %squeeze3A = vector.extract %slice3A[0] : i32 from vector<1xi32>
      %scan3A_187 = arith.constant 0 : i32
      %scan3A_188 = arith.constant 0 : i32
      %scan3A_189 = arith.constant 0 : i32
      %scan3A_190 = arith.constant 0 : i32
      %scan3A_191 = arith.constant 0 : i32
      %scan3A_192 = arith.constant 0 : i32
      %scan3A_193 = arith.constant 16 : i32
      %scan3A_194 = arith.addi %scan3A_192, %scan3A_193 : i32
      %scan3A_195 = arith.constant 1 : i32
      %scan3A_196:5 = scf.for %scan3A_207 = %scan3A_192 to %scan3A_194 step %scan3A_195 iter_args(%scan3A_208 = %scan3A_187, %scan3A_209 = %scan3A_188, %scan3A_210 = %scan3A_189, %scan3A_211 = %scan3A_190, %scan3A_212 = %scan3A_191) -> (i32, i32, i32, i32, i32)  : i32 {
        %sub3A_213 = arith.constant 15 : i32
        %sub3A_214 = arith.subi %sub3A_213, %scan3A_207 : i32
        %get3A_215 = arith.index_cast %sub3A_214 : i32 to index
        %get3A_216 = arith.constant 0 : index
        %get3A_217 = tpu.vector_load %arg10[%get3A_215, %get3A_216] {strides = array<i32>} : memref<16x16xi32, #tpu.memory_space<vmem>>, vector<16xi32>,
        %slice3A_218 = vector.extract_strided_slice %get3A_217 {offsets = [15], sizes = [1], strides = [1]} : vector<16xi32> to vector<1xi32>
        %squeeze3A_219 = vector.extract %slice3A_218[0] : i32 from vector<1xi32>
        %mul3A_220 = arith.constant 16 : i32
        %mul3A_221 = arith.muli %sub3A_214, %mul3A_220 : i32
        %add3A = arith.constant 15 : i32
        %add3A_222 = arith.addi %mul3A_221, %add3A : i32
        %add3A_223 = arith.addi %scan3A_208, %squeeze3A_219 : i32
        %eq3A_224 = arith.constant 0 : i32
        %eq3A_225 = arith.cmpi eq, %scan3A_209, %eq3A_224 : i32
        %ge3A = arith.cmpi sge, %add3A_223, %squeeze3A : i32
        %and3A = arith.andi %eq3A_225, %ge3A : i1
        %jit3A = arith.constant 1 : i32
        %select_n3A = arith.select %and3A, %jit3A, %scan3A_209 : i32
        %select_n3A_226 = arith.select %and3A, %add3A_222, %scan3A_210 : i32
        %select_n3A_227 = arith.select %and3A, %add3A_223, %scan3A_211 : i32
        %select_n3A_228 = arith.select %and3A, %squeeze3A_219, %scan3A_212 : i32
        %slice3A_229 = vector.extract_strided_slice %get3A_217 {offsets = [14], sizes = [1], strides = [1]} : vector<16xi32> to vector<1xi32>
        %squeeze3A_230 = vector.extract %slice3A_229[0] : i32 from vector<1xi32>
        %mul3A_231 = arith.constant 16 : i32
        %mul3A_232 = arith.muli %sub3A_214, %mul3A_231 : i32
        %add3A_233 = arith.constant 14 : i32
        %add3A_234 = arith.addi %mul3A_232, %add3A_233 : i32
        %add3A_235 = arith.addi %add3A_223, %squeeze3A_230 : i32
        %eq3A_236 = arith.constant 0 : i32
        %eq3A_237 = arith.cmpi eq, %select_n3A, %eq3A_236 : i32
        %ge3A_238 = arith.cmpi sge, %add3A_235, %squeeze3A : i32
        %and3A_239 = arith.andi %eq3A_237, %ge3A_238 : i1
        %jit3A_240 = arith.constant 1 : i32
        %select_n3A_241 = arith.select %and3A_239, %jit3A_240, %select_n3A : i32
        %select_n3A_242 = arith.select %and3A_239, %add3A_234, %select_n3A_226 : i32
        %select_n3A_243 = arith.select %and3A_239, %add3A_235, %select_n3A_227 : i32
        %select_n3A_244 = arith.select %and3A_239, %squeeze3A_230, %select_n3A_228 : i32
        %slice3A_245 = vector.extract_strided_slice %get3A_217 {offsets = [13], sizes = [1], strides = [1]} : vector<16xi32> to vector<1xi32>
        %squeeze3A_246 = vector.extract %slice3A_245[0] : i32 from vector<1xi32>
        %mul3A_247 = arith.constant 16 : i32
        %mul3A_248 = arith.muli %sub3A_214, %mul3A_247 : i32
        %add3A_249 = arith.constant 13 : i32
        %add3A_250 = arith.addi %mul3A_248, %add3A_249 : i32
        %add3A_251 = arith.addi %add3A_235, %squeeze3A_246 : i32
        %eq3A_252 = arith.constant 0 : i32
        %eq3A_253 = arith.cmpi eq, %select_n3A_241, %eq3A_252 : i32
        %ge3A_254 = arith.cmpi sge, %add3A_251, %squeeze3A : i32
        %and3A_255 = arith.andi %eq3A_253, %ge3A_254 : i1
        %jit3A_256 = arith.constant 1 : i32
        %select_n3A_257 = arith.select %and3A_255, %jit3A_256, %select_n3A_241 : i32
        %select_n3A_258 = arith.select %and3A_255, %add3A_250, %select_n3A_242 : i32
        %select_n3A_259 = arith.select %and3A_255, %add3A_251, %select_n3A_243 : i32
        %select_n3A_260 = arith.select %and3A_255, %squeeze3A_246, %select_n3A_244 : i32
        %slice3A_261 = vector.extract_strided_slice %get3A_217 {offsets = [12], sizes = [1], strides = [1]} : vector<16xi32> to vector<1xi32>
        %squeeze3A_262 = vector.extract %slice3A_261[0] : i32 from vector<1xi32>
        %mul3A_263 = arith.constant 16 : i32
        %mul3A_264 = arith.muli %sub3A_214, %mul3A_263 : i32
        %add3A_265 = arith.constant 12 : i32
        %add3A_266 = arith.addi %mul3A_264, %add3A_265 : i32
        %add3A_267 = arith.addi %add3A_251, %squeeze3A_262 : i32
        %eq3A_268 = arith.constant 0 : i32
        %eq3A_269 = arith.cmpi eq, %select_n3A_257, %eq3A_268 : i32
        %ge3A_270 = arith.cmpi sge, %add3A_267, %squeeze3A : i32
        %and3A_271 = arith.andi %eq3A_269, %ge3A_270 : i1
        %jit3A_272 = arith.constant 1 : i32
        %select_n3A_273 = arith.select %and3A_271, %jit3A_272, %select_n3A_257 : i32
        %select_n3A_274 = arith.select %and3A_271, %add3A_266, %select_n3A_258 : i32
        %select_n3A_275 = arith.select %and3A_271, %add3A_267, %select_n3A_259 : i32
        %select_n3A_276 = arith.select %and3A_271, %squeeze3A_262, %select_n3A_260 : i32
        %slice3A_277 = vector.extract_strided_slice %get3A_217 {offsets = [11], sizes = [1], strides = [1]} : vector<16xi32> to vector<1xi32>
        %squeeze3A_278 = vector.extract %slice3A_277[0] : i32 from vector<1xi32>
        %mul3A_279 = arith.constant 16 : i32
        %mul3A_280 = arith.muli %sub3A_214, %mul3A_279 : i32
        %add3A_281 = arith.constant 11 : i32
        %add3A_282 = arith.addi %mul3A_280, %add3A_281 : i32
        %add3A_283 = arith.addi %add3A_267, %squeeze3A_278 : i32
        %eq3A_284 = arith.constant 0 : i32
        %eq3A_285 = arith.cmpi eq, %select_n3A_273, %eq3A_284 : i32
        %ge3A_286 = arith.cmpi sge, %add3A_283, %squeeze3A : i32
        %and3A_287 = arith.andi %eq3A_285, %ge3A_286 : i1
        %jit3A_288 = arith.constant 1 : i32
        %select_n3A_289 = arith.select %and3A_287, %jit3A_288, %select_n3A_273 : i32
        %select_n3A_290 = arith.select %and3A_287, %add3A_282, %select_n3A_274 : i32
        %select_n3A_291 = arith.select %and3A_287, %add3A_283, %select_n3A_275 : i32
        %select_n3A_292 = arith.select %and3A_287, %squeeze3A_278, %select_n3A_276 : i32
        %slice3A_293 = vector.extract_strided_slice %get3A_217 {offsets = [10], sizes = [1], strides = [1]} : vector<16xi32> to vector<1xi32>
        %squeeze3A_294 = vector.extract %slice3A_293[0] : i32 from vector<1xi32>
        %mul3A_295 = arith.constant 16 : i32
        %mul3A_296 = arith.muli %sub3A_214, %mul3A_295 : i32
        %add3A_297 = arith.constant 10 : i32
        %add3A_298 = arith.addi %mul3A_296, %add3A_297 : i32
        %add3A_299 = arith.addi %add3A_283, %squeeze3A_294 : i32
        %eq3A_300 = arith.constant 0 : i32
        %eq3A_301 = arith.cmpi eq, %select_n3A_289, %eq3A_300 : i32
        %ge3A_302 = arith.cmpi sge, %add3A_299, %squeeze3A : i32
        %and3A_303 = arith.andi %eq3A_301, %ge3A_302 : i1
        %jit3A_304 = arith.constant 1 : i32
        %select_n3A_305 = arith.select %and3A_303, %jit3A_304, %select_n3A_289 : i32
        %select_n3A_306 = arith.select %and3A_303, %add3A_298, %select_n3A_290 : i32
        %select_n3A_307 = arith.select %and3A_303, %add3A_299, %select_n3A_291 : i32
        %select_n3A_308 = arith.select %and3A_303, %squeeze3A_294, %select_n3A_292 : i32
        %slice3A_309 = vector.extract_strided_slice %get3A_217 {offsets = [9], sizes = [1], strides = [1]} : vector<16xi32> to vector<1xi32>
        %squeeze3A_310 = vector.extract %slice3A_309[0] : i32 from vector<1xi32>
        %mul3A_311 = arith.constant 16 : i32
        %mul3A_312 = arith.muli %sub3A_214, %mul3A_311 : i32
        %add3A_313 = arith.constant 9 : i32
        %add3A_314 = arith.addi %mul3A_312, %add3A_313 : i32
        %add3A_315 = arith.addi %add3A_299, %squeeze3A_310 : i32
        %eq3A_316 = arith.constant 0 : i32
        %eq3A_317 = arith.cmpi eq, %select_n3A_305, %eq3A_316 : i32
        %ge3A_318 = arith.cmpi sge, %add3A_315, %squeeze3A : i32
        %and3A_319 = arith.andi %eq3A_317, %ge3A_318 : i1
        %jit3A_320 = arith.constant 1 : i32
        %select_n3A_321 = arith.select %and3A_319, %jit3A_320, %select_n3A_305 : i32
        %select_n3A_322 = arith.select %and3A_319, %add3A_314, %select_n3A_306 : i32
        %select_n3A_323 = arith.select %and3A_319, %add3A_315, %select_n3A_307 : i32
        %select_n3A_324 = arith.select %and3A_319, %squeeze3A_310, %select_n3A_308 : i32
        %slice3A_325 = vector.extract_strided_slice %get3A_217 {offsets = [8], sizes = [1], strides = [1]} : vector<16xi32> to vector<1xi32>
        %squeeze3A_326 = vector.extract %slice3A_325[0] : i32 from vector<1xi32>
        %mul3A_327 = arith.constant 16 : i32
        %mul3A_328 = arith.muli %sub3A_214, %mul3A_327 : i32
        %add3A_329 = arith.constant 8 : i32
        %add3A_330 = arith.addi %mul3A_328, %add3A_329 : i32
        %add3A_331 = arith.addi %add3A_315, %squeeze3A_326 : i32
        %eq3A_332 = arith.constant 0 : i32
        %eq3A_333 = arith.cmpi eq, %select_n3A_321, %eq3A_332 : i32
        %ge3A_334 = arith.cmpi sge, %add3A_331, %squeeze3A : i32
        %and3A_335 = arith.andi %eq3A_333, %ge3A_334 : i1
        %jit3A_336 = arith.constant 1 : i32
        %select_n3A_337 = arith.select %and3A_335, %jit3A_336, %select_n3A_321 : i32
        %select_n3A_338 = arith.select %and3A_335, %add3A_330, %select_n3A_322 : i32
        %select_n3A_339 = arith.select %and3A_335, %add3A_331, %select_n3A_323 : i32
        %select_n3A_340 = arith.select %and3A_335, %squeeze3A_326, %select_n3A_324 : i32
        %slice3A_341 = vector.extract_strided_slice %get3A_217 {offsets = [7], sizes = [1], strides = [1]} : vector<16xi32> to vector<1xi32>
        %squeeze3A_342 = vector.extract %slice3A_341[0] : i32 from vector<1xi32>
        %mul3A_343 = arith.constant 16 : i32
        %mul3A_344 = arith.muli %sub3A_214, %mul3A_343 : i32
        %add3A_345 = arith.constant 7 : i32
        %add3A_346 = arith.addi %mul3A_344, %add3A_345 : i32
        %add3A_347 = arith.addi %add3A_331, %squeeze3A_342 : i32
        %eq3A_348 = arith.constant 0 : i32
        %eq3A_349 = arith.cmpi eq, %select_n3A_337, %eq3A_348 : i32
        %ge3A_350 = arith.cmpi sge, %add3A_347, %squeeze3A : i32
        %and3A_351 = arith.andi %eq3A_349, %ge3A_350 : i1
        %jit3A_352 = arith.constant 1 : i32
        %select_n3A_353 = arith.select %and3A_351, %jit3A_352, %select_n3A_337 : i32
        %select_n3A_354 = arith.select %and3A_351, %add3A_346, %select_n3A_338 : i32
        %select_n3A_355 = arith.select %and3A_351, %add3A_347, %select_n3A_339 : i32
        %select_n3A_356 = arith.select %and3A_351, %squeeze3A_342, %select_n3A_340 : i32
        %slice3A_357 = vector.extract_strided_slice %get3A_217 {offsets = [6], sizes = [1], strides = [1]} : vector<16xi32> to vector<1xi32>
        %squeeze3A_358 = vector.extract %slice3A_357[0] : i32 from vector<1xi32>
        %mul3A_359 = arith.constant 16 : i32
        %mul3A_360 = arith.muli %sub3A_214, %mul3A_359 : i32
        %add3A_361 = arith.constant 6 : i32
        %add3A_362 = arith.addi %mul3A_360, %add3A_361 : i32
        %add3A_363 = arith.addi %add3A_347, %squeeze3A_358 : i32
        %eq3A_364 = arith.constant 0 : i32
        %eq3A_365 = arith.cmpi eq, %select_n3A_353, %eq3A_364 : i32
        %ge3A_366 = arith.cmpi sge, %add3A_363, %squeeze3A : i32
        %and3A_367 = arith.andi %eq3A_365, %ge3A_366 : i1
        %jit3A_368 = arith.constant 1 : i32
        %select_n3A_369 = arith.select %and3A_367, %jit3A_368, %select_n3A_353 : i32
        %select_n3A_370 = arith.select %and3A_367, %add3A_362, %select_n3A_354 : i32
        %select_n3A_371 = arith.select %and3A_367, %add3A_363, %select_n3A_355 : i32
        %select_n3A_372 = arith.select %and3A_367, %squeeze3A_358, %select_n3A_356 : i32
        %slice3A_373 = vector.extract_strided_slice %get3A_217 {offsets = [5], sizes = [1], strides = [1]} : vector<16xi32> to vector<1xi32>
        %squeeze3A_374 = vector.extract %slice3A_373[0] : i32 from vector<1xi32>
        %mul3A_375 = arith.constant 16 : i32
        %mul3A_376 = arith.muli %sub3A_214, %mul3A_375 : i32
        %add3A_377 = arith.constant 5 : i32
        %add3A_378 = arith.addi %mul3A_376, %add3A_377 : i32
        %add3A_379 = arith.addi %add3A_363, %squeeze3A_374 : i32
        %eq3A_380 = arith.constant 0 : i32
        %eq3A_381 = arith.cmpi eq, %select_n3A_369, %eq3A_380 : i32
        %ge3A_382 = arith.cmpi sge, %add3A_379, %squeeze3A : i32
        %and3A_383 = arith.andi %eq3A_381, %ge3A_382 : i1
        %jit3A_384 = arith.constant 1 : i32
        %select_n3A_385 = arith.select %and3A_383, %jit3A_384, %select_n3A_369 : i32
        %select_n3A_386 = arith.select %and3A_383, %add3A_378, %select_n3A_370 : i32
        %select_n3A_387 = arith.select %and3A_383, %add3A_379, %select_n3A_371 : i32
        %select_n3A_388 = arith.select %and3A_383, %squeeze3A_374, %select_n3A_372 : i32
        %slice3A_389 = vector.extract_strided_slice %get3A_217 {offsets = [4], sizes = [1], strides = [1]} : vector<16xi32> to vector<1xi32>
        %squeeze3A_390 = vector.extract %slice3A_389[0] : i32 from vector<1xi32>
        %mul3A_391 = arith.constant 16 : i32
        %mul3A_392 = arith.muli %sub3A_214, %mul3A_391 : i32
        %add3A_393 = arith.constant 4 : i32
        %add3A_394 = arith.addi %mul3A_392, %add3A_393 : i32
        %add3A_395 = arith.addi %add3A_379, %squeeze3A_390 : i32
        %eq3A_396 = arith.constant 0 : i32
        %eq3A_397 = arith.cmpi eq, %select_n3A_385, %eq3A_396 : i32
        %ge3A_398 = arith.cmpi sge, %add3A_395, %squeeze3A : i32
        %and3A_399 = arith.andi %eq3A_397, %ge3A_398 : i1
        %jit3A_400 = arith.constant 1 : i32
        %select_n3A_401 = arith.select %and3A_399, %jit3A_400, %select_n3A_385 : i32
        %select_n3A_402 = arith.select %and3A_399, %add3A_394, %select_n3A_386 : i32
        %select_n3A_403 = arith.select %and3A_399, %add3A_395, %select_n3A_387 : i32
        %select_n3A_404 = arith.select %and3A_399, %squeeze3A_390, %select_n3A_388 : i32
        %slice3A_405 = vector.extract_strided_slice %get3A_217 {offsets = [3], sizes = [1], strides = [1]} : vector<16xi32> to vector<1xi32>
        %squeeze3A_406 = vector.extract %slice3A_405[0] : i32 from vector<1xi32>
        %mul3A_407 = arith.constant 16 : i32
        %mul3A_408 = arith.muli %sub3A_214, %mul3A_407 : i32
        %add3A_409 = arith.constant 3 : i32
        %add3A_410 = arith.addi %mul3A_408, %add3A_409 : i32
        %add3A_411 = arith.addi %add3A_395, %squeeze3A_406 : i32
        %eq3A_412 = arith.constant 0 : i32
        %eq3A_413 = arith.cmpi eq, %select_n3A_401, %eq3A_412 : i32
        %ge3A_414 = arith.cmpi sge, %add3A_411, %squeeze3A : i32
        %and3A_415 = arith.andi %eq3A_413, %ge3A_414 : i1
        %jit3A_416 = arith.constant 1 : i32
        %select_n3A_417 = arith.select %and3A_415, %jit3A_416, %select_n3A_401 : i32
        %select_n3A_418 = arith.select %and3A_415, %add3A_410, %select_n3A_402 : i32
        %select_n3A_419 = arith.select %and3A_415, %add3A_411, %select_n3A_403 : i32
        %select_n3A_420 = arith.select %and3A_415, %squeeze3A_406, %select_n3A_404 : i32
        %slice3A_421 = vector.extract_strided_slice %get3A_217 {offsets = [2], sizes = [1], strides = [1]} : vector<16xi32> to vector<1xi32>
        %squeeze3A_422 = vector.extract %slice3A_421[0] : i32 from vector<1xi32>
        %mul3A_423 = arith.constant 16 : i32
        %mul3A_424 = arith.muli %sub3A_214, %mul3A_423 : i32
        %add3A_425 = arith.constant 2 : i32
        %add3A_426 = arith.addi %mul3A_424, %add3A_425 : i32
        %add3A_427 = arith.addi %add3A_411, %squeeze3A_422 : i32
        %eq3A_428 = arith.constant 0 : i32
        %eq3A_429 = arith.cmpi eq, %select_n3A_417, %eq3A_428 : i32
        %ge3A_430 = arith.cmpi sge, %add3A_427, %squeeze3A : i32
        %and3A_431 = arith.andi %eq3A_429, %ge3A_430 : i1
        %jit3A_432 = arith.constant 1 : i32
        %select_n3A_433 = arith.select %and3A_431, %jit3A_432, %select_n3A_417 : i32
        %select_n3A_434 = arith.select %and3A_431, %add3A_426, %select_n3A_418 : i32
        %select_n3A_435 = arith.select %and3A_431, %add3A_427, %select_n3A_419 : i32
        %select_n3A_436 = arith.select %and3A_431, %squeeze3A_422, %select_n3A_420 : i32
        %slice3A_437 = vector.extract_strided_slice %get3A_217 {offsets = [1], sizes = [1], strides = [1]} : vector<16xi32> to vector<1xi32>
        %squeeze3A_438 = vector.extract %slice3A_437[0] : i32 from vector<1xi32>
        %mul3A_439 = arith.constant 16 : i32
        %mul3A_440 = arith.muli %sub3A_214, %mul3A_439 : i32
        %add3A_441 = arith.constant 1 : i32
        %add3A_442 = arith.addi %mul3A_440, %add3A_441 : i32
        %add3A_443 = arith.addi %add3A_427, %squeeze3A_438 : i32
        %eq3A_444 = arith.constant 0 : i32
        %eq3A_445 = arith.cmpi eq, %select_n3A_433, %eq3A_444 : i32
        %ge3A_446 = arith.cmpi sge, %add3A_443, %squeeze3A : i32
        %and3A_447 = arith.andi %eq3A_445, %ge3A_446 : i1
        %jit3A_448 = arith.constant 1 : i32
        %select_n3A_449 = arith.select %and3A_447, %jit3A_448, %select_n3A_433 : i32
        %select_n3A_450 = arith.select %and3A_447, %add3A_442, %select_n3A_434 : i32
        %select_n3A_451 = arith.select %and3A_447, %add3A_443, %select_n3A_435 : i32
        %select_n3A_452 = arith.select %and3A_447, %squeeze3A_438, %select_n3A_436 : i32
        %slice3A_453 = vector.extract_strided_slice %get3A_217 {offsets = [0], sizes = [1], strides = [1]} : vector<16xi32> to vector<1xi32>
        %squeeze3A_454 = vector.extract %slice3A_453[0] : i32 from vector<1xi32>
        %mul3A_455 = arith.constant 16 : i32
        %mul3A_456 = arith.muli %sub3A_214, %mul3A_455 : i32
        %add3A_457 = arith.constant 0 : i32
        %add3A_458 = arith.addi %mul3A_456, %add3A_457 : i32
        %add3A_459 = arith.addi %add3A_443, %squeeze3A_454 : i32
        %eq3A_460 = arith.constant 0 : i32
        %eq3A_461 = arith.cmpi eq, %select_n3A_449, %eq3A_460 : i32
        %ge3A_462 = arith.cmpi sge, %add3A_459, %squeeze3A : i32
        %and3A_463 = arith.andi %eq3A_461, %ge3A_462 : i1
        %jit3A_464 = arith.constant 1 : i32
        %select_n3A_465 = arith.select %and3A_463, %jit3A_464, %select_n3A_449 : i32
        %select_n3A_466 = arith.select %and3A_463, %add3A_458, %select_n3A_450 : i32
        %select_n3A_467 = arith.select %and3A_463, %add3A_459, %select_n3A_451 : i32
        %select_n3A_468 = arith.select %and3A_463, %squeeze3A_454, %select_n3A_452 : i32
        scf.yield %add3A_459, %select_n3A_465, %select_n3A_466, %select_n3A_467, %select_n3A_468 : i32, i32, i32, i32, i32
      }
      %scan3A_197 = arith.constant 16 : i32
      %sub3A = arith.subi %scan3A_196#3, %scan3A_196#4 : i32
      %sub3A_198 = arith.subi %squeeze3A, %sub3A : i32
      %broadcast_in_dim3A_199 = vector.broadcast %sub3A_198 : i32 to vector<16xi32>
      %swap3A_200 = arith.constant 0 : index
      %swap3A_201 = tpu.vector_load %arg14[%swap3A_200] {strides = array<i32>} : memref<16xi32, #tpu.memory_space<vmem>>, vector<16xi32>,
      tpu.vector_store %arg14[%swap3A_200], %broadcast_in_dim3A_199 {strides = array<i32>} : memref<16xi32, #tpu.memory_space<vmem>>, vector<16xi32>,
      %broadcast_in_dim3A_202 = vector.broadcast %scan3A_196#2 : i32 to vector<16xi32>
      %swap3A_203 = arith.constant 0 : i32
      %swap3A_204 = arith.index_cast %swap3A_203 : i32 to index
      %swap3A_205 = arith.constant 0 : index
      %swap3A_206 = tpu.vector_load %arg13[%swap3A_204, %swap3A_205] {strides = array<i32>} : memref<16x16xi32, #tpu.memory_space<vmem>>, vector<16xi32>,
      tpu.vector_store %arg13[%swap3A_204, %swap3A_205], %broadcast_in_dim3A_202 {strides = array<i32>} : memref<16x16xi32, #tpu.memory_space<vmem>>, vector<16xi32>,
      "tpu.region"() ({
        %run_scoped3A = tpu.sem_alloc : memref<!tpu.dma_semaphore, #tpu.memory_space<semaphore_mem>>
        tpu.enqueue_dma source(%arg13 : memref<16x16xi32, #tpu.memory_space<vmem>>) target(%arg19 : memref<16x16xi32, #tpu.memory_space<vmem_shared>>) target_semaphore(%run_scoped3A : memref<!tpu.dma_semaphore, #tpu.memory_space<semaphore_mem>>)
        tpu.wait_dma2 semaphore(%run_scoped3A : memref<!tpu.dma_semaphore, #tpu.memory_space<semaphore_mem>>) src(%arg13 : memref<16x16xi32, #tpu.memory_space<vmem>>) dst(%arg19 : memref<16x16xi32, #tpu.memory_space<vmem_shared>>)
        tpu.yield
      }) : () -> ()
    } else {
    }
    %barrier3A_68 = arith.constant 0 : index
    tpu.barrier barrier_id(%barrier3A_68)
    "tpu.region"() ({
      %run_scoped3A = tpu.sem_alloc : memref<!tpu.dma_semaphore, #tpu.memory_space<semaphore_mem>>
      tpu.enqueue_dma source(%arg19 : memref<16x16xi32, #tpu.memory_space<vmem_shared>>) target(%arg13 : memref<16x16xi32, #tpu.memory_space<vmem>>) target_semaphore(%run_scoped3A : memref<!tpu.dma_semaphore, #tpu.memory_space<semaphore_mem>>)
      tpu.wait_dma2 semaphore(%run_scoped3A : memref<!tpu.dma_semaphore, #tpu.memory_space<semaphore_mem>>) src(%arg19 : memref<16x16xi32, #tpu.memory_space<vmem_shared>>) dst(%arg13 : memref<16x16xi32, #tpu.memory_space<vmem>>)
      tpu.yield
    }) : () -> ()
    %shift_left3A_69 = arith.constant 8 : i32
    %shift_left3A_70 = vector.broadcast %shift_left3A_69 : i32 to vector<16xi32>
    %shift_left3A_71 = arith.shli %or3A, %shift_left3A_70 : vector<16xi32>
    %get3A_72 = arith.constant 0 : i32
    %get3A_73 = arith.index_cast %get3A_72 : i32 to index
    %get3A_74 = arith.constant 0 : index
    %get3A_75 = tpu.vector_load %arg13[%get3A_73, %get3A_74] {strides = array<i32>} : memref<16x16xi32, #tpu.memory_space<vmem>>, vector<16xi32>,
    %or3A_76 = arith.ori %shift_left3A_71, %get3A_75 : vector<16xi32>
    %mul3A_77 = arith.constant 256 : i32
    %mul3A_78 = vector.broadcast %mul3A_77 : i32 to vector<16xi32>
    %mul3A_79 = arith.muli %iota3A, %mul3A_78 : vector<16xi32>
    %scan3A_80 = arith.constant 0 : i32
    %scan3A_81 = arith.constant 0 : i32
    %scan3A_82 = arith.constant 64 : i32
    %scan3A_83 = arith.addi %scan3A_81, %scan3A_82 : i32
    %scan3A_84 = arith.constant 1 : i32
    %scan3A_85 = scf.for %scan3A_171 = %scan3A_81 to %scan3A_83 step %scan3A_84 iter_args(%scan3A_172 = %scan3A_80) -> (i32)  : i32 {
      %mul3A_173 = arith.constant 64 : i32
      %mul3A_174 = arith.muli %scan3A_171, %mul3A_173 : i32
      %add3A = arith.constant 0 : i32
      %add3A_175 = arith.addi %mul3A_174, %add3A : i32
      %swap3A_176 = arith.index_cast %add3A_175 : i32 to index
      %swap3A_177 = tpu.vector_load %arg9[%swap3A_176] {strides = array<i32>} : memref<4096xi32, #tpu.memory_space<vmem>>, vector<16xi32>,
      tpu.vector_store %arg9[%swap3A_176], %broadcast_in_dim3A_0 {strides = array<i32>} : memref<4096xi32, #tpu.memory_space<vmem>>, vector<16xi32>,
      %mul3A_178 = arith.constant 64 : i32
      %mul3A_179 = arith.muli %scan3A_171, %mul3A_178 : i32
      %add3A_180 = arith.constant 16 : i32
      %add3A_181 = arith.addi %mul3A_179, %add3A_180 : i32
      %swap3A_182 = arith.index_cast %add3A_181 : i32 to index
      %swap3A_183 = tpu.vector_load %arg9[%swap3A_182] {strides = array<i32>} : memref<4096xi32, #tpu.memory_space<vmem>>, vector<16xi32>,
      tpu.vector_store %arg9[%swap3A_182], %broadcast_in_dim3A_0 {strides = array<i32>} : memref<4096xi32, #tpu.memory_space<vmem>>, vector<16xi32>,
      %mul3A_184 = arith.constant 64 : i32
      %mul3A_185 = arith.muli %scan3A_171, %mul3A_184 : i32
      %add3A_186 = arith.constant 32 : i32
      %add3A_187 = arith.addi %mul3A_185, %add3A_186 : i32
      %swap3A_188 = arith.index_cast %add3A_187 : i32 to index
      %swap3A_189 = tpu.vector_load %arg9[%swap3A_188] {strides = array<i32>} : memref<4096xi32, #tpu.memory_space<vmem>>, vector<16xi32>,
      tpu.vector_store %arg9[%swap3A_188], %broadcast_in_dim3A_0 {strides = array<i32>} : memref<4096xi32, #tpu.memory_space<vmem>>, vector<16xi32>,
      %mul3A_190 = arith.constant 64 : i32
      %mul3A_191 = arith.muli %scan3A_171, %mul3A_190 : i32
      %add3A_192 = arith.constant 48 : i32
      %add3A_193 = arith.addi %mul3A_191, %add3A_192 : i32
      %swap3A_194 = arith.index_cast %add3A_193 : i32 to index
      %swap3A_195 = tpu.vector_load %arg9[%swap3A_194] {strides = array<i32>} : memref<4096xi32, #tpu.memory_space<vmem>>, vector<16xi32>,
      tpu.vector_store %arg9[%swap3A_194], %broadcast_in_dim3A_0 {strides = array<i32>} : memref<4096xi32, #tpu.memory_space<vmem>>, vector<16xi32>,
      %scan3A_196 = arith.constant 0 : i32
      scf.yield %scan3A_196 : i32
    }
    %scan3A_86 = arith.constant 64 : i32
    %scan3A_87 = arith.constant 0 : i32
    %scan3A_88 = arith.constant 0 : i32
    %scan3A_89 = arith.constant 512 : i32
    %scan3A_90 = arith.addi %scan3A_88, %scan3A_89 : i32
    %scan3A_91 = arith.constant 1 : i32
    %scan3A_92 = scf.for %scan3A_171 = %scan3A_88 to %scan3A_90 step %scan3A_91 iter_args(%scan3A_172 = %scan3A_87) -> (i32)  : i32 {
      %mul3A_173 = arith.constant 128 : i32
      %mul3A_174 = arith.muli %scan3A_171, %mul3A_173 : i32
      %add3A = arith.constant 0 : i32
      %add3A_175 = arith.addi %mul3A_174, %add3A : i32
      %get3A_176 = arith.index_cast %add3A_175 : i32 to index
      %get3A_177 = tpu.vector_load %arg8[%get3A_176] {strides = array<i32>} : memref<65536xi32, #tpu.memory_space<vmem>>, vector<16xi32>,
      %shift_right_logical3A = arith.constant 15 : i32
      %shift_right_logical3A_178 = vector.broadcast %shift_right_logical3A : i32 to vector<16xi32>
      %shift_right_logical3A_179 = arith.shrui %get3A_177, %shift_right_logical3A_178 : vector<16xi32>
      %eq3A_180 = arith.cmpi eq, %shift_right_logical3A_179, %or3A_76 : vector<16xi32>
      %shift_right_logical3A_181 = arith.constant 7 : i32
      %shift_right_logical3A_182 = vector.broadcast %shift_right_logical3A_181 : i32 to vector<16xi32>
      %shift_right_logical3A_183 = arith.shrui %get3A_177, %shift_right_logical3A_182 : vector<16xi32>
      %and3A = arith.constant 255 : i32
      %and3A_184 = vector.broadcast %and3A : i32 to vector<16xi32>
      %and3A_185 = arith.andi %shift_right_logical3A_183, %and3A_184 : vector<16xi32>
      %add3A_186 = arith.addi %mul3A_79, %and3A_185 : vector<16xi32>
      tpu.vector_store_idx %arg9[%add3A_186], %broadcast_in_dim3A_2 masked %eq3A_180 {add = true} : memref<4096xi32, #tpu.memory_space<vmem>>[vector<16xi32>], vector<16xi32>, vector<16xi1>
      %mul3A_187 = arith.constant 128 : i32
      %mul3A_188 = arith.muli %scan3A_171, %mul3A_187 : i32
      %add3A_189 = arith.constant 16 : i32
      %add3A_190 = arith.addi %mul3A_188, %add3A_189 : i32
      %get3A_191 = arith.index_cast %add3A_190 : i32 to index
      %get3A_192 = tpu.vector_load %arg8[%get3A_191] {strides = array<i32>} : memref<65536xi32, #tpu.memory_space<vmem>>, vector<16xi32>,
      %shift_right_logical3A_193 = arith.constant 15 : i32
      %shift_right_logical3A_194 = vector.broadcast %shift_right_logical3A_193 : i32 to vector<16xi32>
      %shift_right_logical3A_195 = arith.shrui %get3A_192, %shift_right_logical3A_194 : vector<16xi32>
      %eq3A_196 = arith.cmpi eq, %shift_right_logical3A_195, %or3A_76 : vector<16xi32>
      %shift_right_logical3A_197 = arith.constant 7 : i32
      %shift_right_logical3A_198 = vector.broadcast %shift_right_logical3A_197 : i32 to vector<16xi32>
      %shift_right_logical3A_199 = arith.shrui %get3A_192, %shift_right_logical3A_198 : vector<16xi32>
      %and3A_200 = arith.constant 255 : i32
      %and3A_201 = vector.broadcast %and3A_200 : i32 to vector<16xi32>
      %and3A_202 = arith.andi %shift_right_logical3A_199, %and3A_201 : vector<16xi32>
      %add3A_203 = arith.addi %mul3A_79, %and3A_202 : vector<16xi32>
      tpu.vector_store_idx %arg9[%add3A_203], %broadcast_in_dim3A_2 masked %eq3A_196 {add = true} : memref<4096xi32, #tpu.memory_space<vmem>>[vector<16xi32>], vector<16xi32>, vector<16xi1>
      %mul3A_204 = arith.constant 128 : i32
      %mul3A_205 = arith.muli %scan3A_171, %mul3A_204 : i32
      %add3A_206 = arith.constant 32 : i32
      %add3A_207 = arith.addi %mul3A_205, %add3A_206 : i32
      %get3A_208 = arith.index_cast %add3A_207 : i32 to index
      %get3A_209 = tpu.vector_load %arg8[%get3A_208] {strides = array<i32>} : memref<65536xi32, #tpu.memory_space<vmem>>, vector<16xi32>,
      %shift_right_logical3A_210 = arith.constant 15 : i32
      %shift_right_logical3A_211 = vector.broadcast %shift_right_logical3A_210 : i32 to vector<16xi32>
      %shift_right_logical3A_212 = arith.shrui %get3A_209, %shift_right_logical3A_211 : vector<16xi32>
      %eq3A_213 = arith.cmpi eq, %shift_right_logical3A_212, %or3A_76 : vector<16xi32>
      %shift_right_logical3A_214 = arith.constant 7 : i32
      %shift_right_logical3A_215 = vector.broadcast %shift_right_logical3A_214 : i32 to vector<16xi32>
      %shift_right_logical3A_216 = arith.shrui %get3A_209, %shift_right_logical3A_215 : vector<16xi32>
      %and3A_217 = arith.constant 255 : i32
      %and3A_218 = vector.broadcast %and3A_217 : i32 to vector<16xi32>
      %and3A_219 = arith.andi %shift_right_logical3A_216, %and3A_218 : vector<16xi32>
      %add3A_220 = arith.addi %mul3A_79, %and3A_219 : vector<16xi32>
      tpu.vector_store_idx %arg9[%add3A_220], %broadcast_in_dim3A_2 masked %eq3A_213 {add = true} : memref<4096xi32, #tpu.memory_space<vmem>>[vector<16xi32>], vector<16xi32>, vector<16xi1>
      %mul3A_221 = arith.constant 128 : i32
      %mul3A_222 = arith.muli %scan3A_171, %mul3A_221 : i32
      %add3A_223 = arith.constant 48 : i32
      %add3A_224 = arith.addi %mul3A_222, %add3A_223 : i32
      %get3A_225 = arith.index_cast %add3A_224 : i32 to index
      %get3A_226 = tpu.vector_load %arg8[%get3A_225] {strides = array<i32>} : memref<65536xi32, #tpu.memory_space<vmem>>, vector<16xi32>,
      %shift_right_logical3A_227 = arith.constant 15 : i32
      %shift_right_logical3A_228 = vector.broadcast %shift_right_logical3A_227 : i32 to vector<16xi32>
      %shift_right_logical3A_229 = arith.shrui %get3A_226, %shift_right_logical3A_228 : vector<16xi32>
      %eq3A_230 = arith.cmpi eq, %shift_right_logical3A_229, %or3A_76 : vector<16xi32>
      %shift_right_logical3A_231 = arith.constant 7 : i32
      %shift_right_logical3A_232 = vector.broadcast %shift_right_logical3A_231 : i32 to vector<16xi32>
      %shift_right_logical3A_233 = arith.shrui %get3A_226, %shift_right_logical3A_232 : vector<16xi32>
      %and3A_234 = arith.constant 255 : i32
      %and3A_235 = vector.broadcast %and3A_234 : i32 to vector<16xi32>
      %and3A_236 = arith.andi %shift_right_logical3A_233, %and3A_235 : vector<16xi32>
      %add3A_237 = arith.addi %mul3A_79, %and3A_236 : vector<16xi32>
      tpu.vector_store_idx %arg9[%add3A_237], %broadcast_in_dim3A_2 masked %eq3A_230 {add = true} : memref<4096xi32, #tpu.memory_space<vmem>>[vector<16xi32>], vector<16xi32>, vector<16xi1>
      %mul3A_238 = arith.constant 128 : i32
      %mul3A_239 = arith.muli %scan3A_171, %mul3A_238 : i32
      %add3A_240 = arith.constant 64 : i32
      %add3A_241 = arith.addi %mul3A_239, %add3A_240 : i32
      %get3A_242 = arith.index_cast %add3A_241 : i32 to index
      %get3A_243 = tpu.vector_load %arg8[%get3A_242] {strides = array<i32>} : memref<65536xi32, #tpu.memory_space<vmem>>, vector<16xi32>,
      %shift_right_logical3A_244 = arith.constant 15 : i32
      %shift_right_logical3A_245 = vector.broadcast %shift_right_logical3A_244 : i32 to vector<16xi32>
      %shift_right_logical3A_246 = arith.shrui %get3A_243, %shift_right_logical3A_245 : vector<16xi32>
      %eq3A_247 = arith.cmpi eq, %shift_right_logical3A_246, %or3A_76 : vector<16xi32>
      %shift_right_logical3A_248 = arith.constant 7 : i32
      %shift_right_logical3A_249 = vector.broadcast %shift_right_logical3A_248 : i32 to vector<16xi32>
      %shift_right_logical3A_250 = arith.shrui %get3A_243, %shift_right_logical3A_249 : vector<16xi32>
      %and3A_251 = arith.constant 255 : i32
      %and3A_252 = vector.broadcast %and3A_251 : i32 to vector<16xi32>
      %and3A_253 = arith.andi %shift_right_logical3A_250, %and3A_252 : vector<16xi32>
      %add3A_254 = arith.addi %mul3A_79, %and3A_253 : vector<16xi32>
      tpu.vector_store_idx %arg9[%add3A_254], %broadcast_in_dim3A_2 masked %eq3A_247 {add = true} : memref<4096xi32, #tpu.memory_space<vmem>>[vector<16xi32>], vector<16xi32>, vector<16xi1>
      %mul3A_255 = arith.constant 128 : i32
      %mul3A_256 = arith.muli %scan3A_171, %mul3A_255 : i32
      %add3A_257 = arith.constant 80 : i32
      %add3A_258 = arith.addi %mul3A_256, %add3A_257 : i32
      %get3A_259 = arith.index_cast %add3A_258 : i32 to index
      %get3A_260 = tpu.vector_load %arg8[%get3A_259] {strides = array<i32>} : memref<65536xi32, #tpu.memory_space<vmem>>, vector<16xi32>,
      %shift_right_logical3A_261 = arith.constant 15 : i32
      %shift_right_logical3A_262 = vector.broadcast %shift_right_logical3A_261 : i32 to vector<16xi32>
      %shift_right_logical3A_263 = arith.shrui %get3A_260, %shift_right_logical3A_262 : vector<16xi32>
      %eq3A_264 = arith.cmpi eq, %shift_right_logical3A_263, %or3A_76 : vector<16xi32>
      %shift_right_logical3A_265 = arith.constant 7 : i32
      %shift_right_logical3A_266 = vector.broadcast %shift_right_logical3A_265 : i32 to vector<16xi32>
      %shift_right_logical3A_267 = arith.shrui %get3A_260, %shift_right_logical3A_266 : vector<16xi32>
      %and3A_268 = arith.constant 255 : i32
      %and3A_269 = vector.broadcast %and3A_268 : i32 to vector<16xi32>
      %and3A_270 = arith.andi %shift_right_logical3A_267, %and3A_269 : vector<16xi32>
      %add3A_271 = arith.addi %mul3A_79, %and3A_270 : vector<16xi32>
      tpu.vector_store_idx %arg9[%add3A_271], %broadcast_in_dim3A_2 masked %eq3A_264 {add = true} : memref<4096xi32, #tpu.memory_space<vmem>>[vector<16xi32>], vector<16xi32>, vector<16xi1>
      %mul3A_272 = arith.constant 128 : i32
      %mul3A_273 = arith.muli %scan3A_171, %mul3A_272 : i32
      %add3A_274 = arith.constant 96 : i32
      %add3A_275 = arith.addi %mul3A_273, %add3A_274 : i32
      %get3A_276 = arith.index_cast %add3A_275 : i32 to index
      %get3A_277 = tpu.vector_load %arg8[%get3A_276] {strides = array<i32>} : memref<65536xi32, #tpu.memory_space<vmem>>, vector<16xi32>,
      %shift_right_logical3A_278 = arith.constant 15 : i32
      %shift_right_logical3A_279 = vector.broadcast %shift_right_logical3A_278 : i32 to vector<16xi32>
      %shift_right_logical3A_280 = arith.shrui %get3A_277, %shift_right_logical3A_279 : vector<16xi32>
      %eq3A_281 = arith.cmpi eq, %shift_right_logical3A_280, %or3A_76 : vector<16xi32>
      %shift_right_logical3A_282 = arith.constant 7 : i32
      %shift_right_logical3A_283 = vector.broadcast %shift_right_logical3A_282 : i32 to vector<16xi32>
      %shift_right_logical3A_284 = arith.shrui %get3A_277, %shift_right_logical3A_283 : vector<16xi32>
      %and3A_285 = arith.constant 255 : i32
      %and3A_286 = vector.broadcast %and3A_285 : i32 to vector<16xi32>
      %and3A_287 = arith.andi %shift_right_logical3A_284, %and3A_286 : vector<16xi32>
      %add3A_288 = arith.addi %mul3A_79, %and3A_287 : vector<16xi32>
      tpu.vector_store_idx %arg9[%add3A_288], %broadcast_in_dim3A_2 masked %eq3A_281 {add = true} : memref<4096xi32, #tpu.memory_space<vmem>>[vector<16xi32>], vector<16xi32>, vector<16xi1>
      %mul3A_289 = arith.constant 128 : i32
      %mul3A_290 = arith.muli %scan3A_171, %mul3A_289 : i32
      %add3A_291 = arith.constant 112 : i32
      %add3A_292 = arith.addi %mul3A_290, %add3A_291 : i32
      %get3A_293 = arith.index_cast %add3A_292 : i32 to index
      %get3A_294 = tpu.vector_load %arg8[%get3A_293] {strides = array<i32>} : memref<65536xi32, #tpu.memory_space<vmem>>, vector<16xi32>,
      %shift_right_logical3A_295 = arith.constant 15 : i32
      %shift_right_logical3A_296 = vector.broadcast %shift_right_logical3A_295 : i32 to vector<16xi32>
      %shift_right_logical3A_297 = arith.shrui %get3A_294, %shift_right_logical3A_296 : vector<16xi32>
      %eq3A_298 = arith.cmpi eq, %shift_right_logical3A_297, %or3A_76 : vector<16xi32>
      %shift_right_logical3A_299 = arith.constant 7 : i32
      %shift_right_logical3A_300 = vector.broadcast %shift_right_logical3A_299 : i32 to vector<16xi32>
      %shift_right_logical3A_301 = arith.shrui %get3A_294, %shift_right_logical3A_300 : vector<16xi32>
      %and3A_302 = arith.constant 255 : i32
      %and3A_303 = vector.broadcast %and3A_302 : i32 to vector<16xi32>
      %and3A_304 = arith.andi %shift_right_logical3A_301, %and3A_303 : vector<16xi32>
      %add3A_305 = arith.addi %mul3A_79, %and3A_304 : vector<16xi32>
      tpu.vector_store_idx %arg9[%add3A_305], %broadcast_in_dim3A_2 masked %eq3A_298 {add = true} : memref<4096xi32, #tpu.memory_space<vmem>>[vector<16xi32>], vector<16xi32>, vector<16xi1>
      %scan3A_306 = arith.constant 0 : i32
      scf.yield %scan3A_306 : i32
    }
    %scan3A_93 = arith.constant 512 : i32
    %scan3A_94 = arith.constant 0 : i32
    %scan3A_95 = arith.constant 0 : i32
    %scan3A_96 = arith.constant 16 : i32
    %scan3A_97 = arith.addi %scan3A_95, %scan3A_96 : i32
    %scan3A_98 = arith.constant 1 : i32
    %scan3A_99 = scf.for %scan3A_171 = %scan3A_95 to %scan3A_97 step %scan3A_98 iter_args(%scan3A_172 = %scan3A_94) -> (i32)  : i32 {
      %mul3A_173 = arith.constant 16 : i32
      %mul3A_174 = arith.muli %scan3A_171, %mul3A_173 : i32
      %get3A_175 = arith.index_cast %mul3A_174 : i32 to index
      %get3A_176 = tpu.vector_load %arg9[%get3A_175] {strides = array<i32>} : memref<4096xi32, #tpu.memory_space<vmem>>, vector<16xi32>,
      %mul3A_177 = arith.constant 16 : i32
      %mul3A_178 = arith.muli %scan3A_171, %mul3A_177 : i32
      %add3A = arith.constant 256 : i32
      %add3A_179 = arith.addi %add3A, %mul3A_178 : i32
      %get3A_180 = arith.index_cast %add3A_179 : i32 to index
      %get3A_181 = tpu.vector_load %arg9[%get3A_180] {strides = array<i32>} : memref<4096xi32, #tpu.memory_space<vmem>>, vector<16xi32>,
      %add3A_182 = arith.addi %get3A_176, %get3A_181 : vector<16xi32>
      %mul3A_183 = arith.constant 16 : i32
      %mul3A_184 = arith.muli %scan3A_171, %mul3A_183 : i32
      %add3A_185 = arith.constant 512 : i32
      %add3A_186 = arith.addi %add3A_185, %mul3A_184 : i32
      %get3A_187 = arith.index_cast %add3A_186 : i32 to index
      %get3A_188 = tpu.vector_load %arg9[%get3A_187] {strides = array<i32>} : memref<4096xi32, #tpu.memory_space<vmem>>, vector<16xi32>,
      %add3A_189 = arith.addi %add3A_182, %get3A_188 : vector<16xi32>
      %mul3A_190 = arith.constant 16 : i32
      %mul3A_191 = arith.muli %scan3A_171, %mul3A_190 : i32
      %add3A_192 = arith.constant 768 : i32
      %add3A_193 = arith.addi %add3A_192, %mul3A_191 : i32
      %get3A_194 = arith.index_cast %add3A_193 : i32 to index
      %get3A_195 = tpu.vector_load %arg9[%get3A_194] {strides = array<i32>} : memref<4096xi32, #tpu.memory_space<vmem>>, vector<16xi32>,
      %add3A_196 = arith.addi %add3A_189, %get3A_195 : vector<16xi32>
      %mul3A_197 = arith.constant 16 : i32
      %mul3A_198 = arith.muli %scan3A_171, %mul3A_197 : i32
      %add3A_199 = arith.constant 1024 : i32
      %add3A_200 = arith.addi %add3A_199, %mul3A_198 : i32
      %get3A_201 = arith.index_cast %add3A_200 : i32 to index
      %get3A_202 = tpu.vector_load %arg9[%get3A_201] {strides = array<i32>} : memref<4096xi32, #tpu.memory_space<vmem>>, vector<16xi32>,
      %add3A_203 = arith.addi %add3A_196, %get3A_202 : vector<16xi32>
      %mul3A_204 = arith.constant 16 : i32
      %mul3A_205 = arith.muli %scan3A_171, %mul3A_204 : i32
      %add3A_206 = arith.constant 1280 : i32
      %add3A_207 = arith.addi %add3A_206, %mul3A_205 : i32
      %get3A_208 = arith.index_cast %add3A_207 : i32 to index
      %get3A_209 = tpu.vector_load %arg9[%get3A_208] {strides = array<i32>} : memref<4096xi32, #tpu.memory_space<vmem>>, vector<16xi32>,
      %add3A_210 = arith.addi %add3A_203, %get3A_209 : vector<16xi32>
      %mul3A_211 = arith.constant 16 : i32
      %mul3A_212 = arith.muli %scan3A_171, %mul3A_211 : i32
      %add3A_213 = arith.constant 1536 : i32
      %add3A_214 = arith.addi %add3A_213, %mul3A_212 : i32
      %get3A_215 = arith.index_cast %add3A_214 : i32 to index
      %get3A_216 = tpu.vector_load %arg9[%get3A_215] {strides = array<i32>} : memref<4096xi32, #tpu.memory_space<vmem>>, vector<16xi32>,
      %add3A_217 = arith.addi %add3A_210, %get3A_216 : vector<16xi32>
      %mul3A_218 = arith.constant 16 : i32
      %mul3A_219 = arith.muli %scan3A_171, %mul3A_218 : i32
      %add3A_220 = arith.constant 1792 : i32
      %add3A_221 = arith.addi %add3A_220, %mul3A_219 : i32
      %get3A_222 = arith.index_cast %add3A_221 : i32 to index
      %get3A_223 = tpu.vector_load %arg9[%get3A_222] {strides = array<i32>} : memref<4096xi32, #tpu.memory_space<vmem>>, vector<16xi32>,
      %add3A_224 = arith.addi %add3A_217, %get3A_223 : vector<16xi32>
      %mul3A_225 = arith.constant 16 : i32
      %mul3A_226 = arith.muli %scan3A_171, %mul3A_225 : i32
      %add3A_227 = arith.constant 2048 : i32
      %add3A_228 = arith.addi %add3A_227, %mul3A_226 : i32
      %get3A_229 = arith.index_cast %add3A_228 : i32 to index
      %get3A_230 = tpu.vector_load %arg9[%get3A_229] {strides = array<i32>} : memref<4096xi32, #tpu.memory_space<vmem>>, vector<16xi32>,
      %add3A_231 = arith.addi %add3A_224, %get3A_230 : vector<16xi32>
      %mul3A_232 = arith.constant 16 : i32
      %mul3A_233 = arith.muli %scan3A_171, %mul3A_232 : i32
      %add3A_234 = arith.constant 2304 : i32
      %add3A_235 = arith.addi %add3A_234, %mul3A_233 : i32
      %get3A_236 = arith.index_cast %add3A_235 : i32 to index
      %get3A_237 = tpu.vector_load %arg9[%get3A_236] {strides = array<i32>} : memref<4096xi32, #tpu.memory_space<vmem>>, vector<16xi32>,
      %add3A_238 = arith.addi %add3A_231, %get3A_237 : vector<16xi32>
      %mul3A_239 = arith.constant 16 : i32
      %mul3A_240 = arith.muli %scan3A_171, %mul3A_239 : i32
      %add3A_241 = arith.constant 2560 : i32
      %add3A_242 = arith.addi %add3A_241, %mul3A_240 : i32
      %get3A_243 = arith.index_cast %add3A_242 : i32 to index
      %get3A_244 = tpu.vector_load %arg9[%get3A_243] {strides = array<i32>} : memref<4096xi32, #tpu.memory_space<vmem>>, vector<16xi32>,
      %add3A_245 = arith.addi %add3A_238, %get3A_244 : vector<16xi32>
      %mul3A_246 = arith.constant 16 : i32
      %mul3A_247 = arith.muli %scan3A_171, %mul3A_246 : i32
      %add3A_248 = arith.constant 2816 : i32
      %add3A_249 = arith.addi %add3A_248, %mul3A_247 : i32
      %get3A_250 = arith.index_cast %add3A_249 : i32 to index
      %get3A_251 = tpu.vector_load %arg9[%get3A_250] {strides = array<i32>} : memref<4096xi32, #tpu.memory_space<vmem>>, vector<16xi32>,
      %add3A_252 = arith.addi %add3A_245, %get3A_251 : vector<16xi32>
      %mul3A_253 = arith.constant 16 : i32
      %mul3A_254 = arith.muli %scan3A_171, %mul3A_253 : i32
      %add3A_255 = arith.constant 3072 : i32
      %add3A_256 = arith.addi %add3A_255, %mul3A_254 : i32
      %get3A_257 = arith.index_cast %add3A_256 : i32 to index
      %get3A_258 = tpu.vector_load %arg9[%get3A_257] {strides = array<i32>} : memref<4096xi32, #tpu.memory_space<vmem>>, vector<16xi32>,
      %add3A_259 = arith.addi %add3A_252, %get3A_258 : vector<16xi32>
      %mul3A_260 = arith.constant 16 : i32
      %mul3A_261 = arith.muli %scan3A_171, %mul3A_260 : i32
      %add3A_262 = arith.constant 3328 : i32
      %add3A_263 = arith.addi %add3A_262, %mul3A_261 : i32
      %get3A_264 = arith.index_cast %add3A_263 : i32 to index
      %get3A_265 = tpu.vector_load %arg9[%get3A_264] {strides = array<i32>} : memref<4096xi32, #tpu.memory_space<vmem>>, vector<16xi32>,
      %add3A_266 = arith.addi %add3A_259, %get3A_265 : vector<16xi32>
      %mul3A_267 = arith.constant 16 : i32
      %mul3A_268 = arith.muli %scan3A_171, %mul3A_267 : i32
      %add3A_269 = arith.constant 3584 : i32
      %add3A_270 = arith.addi %add3A_269, %mul3A_268 : i32
      %get3A_271 = arith.index_cast %add3A_270 : i32 to index
      %get3A_272 = tpu.vector_load %arg9[%get3A_271] {strides = array<i32>} : memref<4096xi32, #tpu.memory_space<vmem>>, vector<16xi32>,
      %add3A_273 = arith.addi %add3A_266, %get3A_272 : vector<16xi32>
      %mul3A_274 = arith.constant 16 : i32
      %mul3A_275 = arith.muli %scan3A_171, %mul3A_274 : i32
      %add3A_276 = arith.constant 3840 : i32
      %add3A_277 = arith.addi %add3A_276, %mul3A_275 : i32
      %get3A_278 = arith.index_cast %add3A_277 : i32 to index
      %get3A_279 = tpu.vector_load %arg9[%get3A_278] {strides = array<i32>} : memref<4096xi32, #tpu.memory_space<vmem>>, vector<16xi32>,
      %add3A_280 = arith.addi %add3A_273, %get3A_279 : vector<16xi32>
      %swap3A_281 = arith.index_cast %scan3A_171 : i32 to index
      %swap3A_282 = arith.constant 0 : index
      %swap3A_283 = tpu.vector_load %arg10[%swap3A_281, %swap3A_282] {strides = array<i32>} : memref<16x16xi32, #tpu.memory_space<vmem>>, vector<16xi32>,
      tpu.vector_store %arg10[%swap3A_281, %swap3A_282], %add3A_280 {strides = array<i32>} : memref<16x16xi32, #tpu.memory_space<vmem>>, vector<16xi32>,
      %scan3A_284 = arith.constant 0 : i32
      scf.yield %scan3A_284 : i32
    }
    %scan3A_100 = arith.constant 16 : i32
    "tpu.region"() ({
      %run_scoped3A = tpu.sem_alloc : memref<!tpu.dma_semaphore, #tpu.memory_space<semaphore_mem>>
      %dma_start3A = arith.constant 0 : i32
      %dma_start3A_171 = arith.constant 0 : i32
      %dma_start3A_172 = tpu.memref_slice %arg6[%arg1, %dma_start3A, %dma_start3A_171] : memref<16x16x16xi32, #tpu.memory_space<hbm>> -> memref<1x16x16xi32, #tpu.memory_space<hbm>>
      %dma_start3A_173 = tpu.memref_squeeze %dma_start3A_172 : memref<1x16x16xi32, #tpu.memory_space<hbm>> -> memref<16x16xi32, #tpu.memory_space<hbm>>
      %dma_start3A_174 = arith.constant 0 : i32
      %dma_start3A_175 = arith.constant 0 : i32
      %dma_start3A_176 = tpu.memref_slice %arg6[%arg1, %dma_start3A_174, %dma_start3A_175] : memref<16x16x16xi32, #tpu.memory_space<hbm>> -> memref<1x16x16xi32, #tpu.memory_space<hbm>>
      %dma_start3A_177 = tpu.memref_squeeze %dma_start3A_176 : memref<1x16x16xi32, #tpu.memory_space<hbm>> -> memref<16x16xi32, #tpu.memory_space<hbm>>
      tpu.enqueue_dma source(%arg10 : memref<16x16xi32, #tpu.memory_space<vmem>>) target(%dma_start3A_177 : memref<16x16xi32, #tpu.memory_space<hbm>>) target_semaphore(%run_scoped3A : memref<!tpu.dma_semaphore, #tpu.memory_space<semaphore_mem>>)
      %dma_wait3A = arith.constant 0 : i32
      %dma_wait3A_178 = arith.constant 0 : i32
      %dma_wait3A_179 = tpu.memref_slice %arg6[%arg1, %dma_wait3A, %dma_wait3A_178] : memref<16x16x16xi32, #tpu.memory_space<hbm>> -> memref<1x16x16xi32, #tpu.memory_space<hbm>>
      %dma_wait3A_180 = tpu.memref_squeeze %dma_wait3A_179 : memref<1x16x16xi32, #tpu.memory_space<hbm>> -> memref<16x16xi32, #tpu.memory_space<hbm>>
      %dma_wait3A_181 = arith.constant 0 : i32
      %dma_wait3A_182 = arith.constant 0 : i32
      %dma_wait3A_183 = tpu.memref_slice %arg6[%arg1, %dma_wait3A_181, %dma_wait3A_182] : memref<16x16x16xi32, #tpu.memory_space<hbm>> -> memref<1x16x16xi32, #tpu.memory_space<hbm>>
      %dma_wait3A_184 = tpu.memref_squeeze %dma_wait3A_183 : memref<1x16x16xi32, #tpu.memory_space<hbm>> -> memref<16x16xi32, #tpu.memory_space<hbm>>
      tpu.wait_dma2 semaphore(%run_scoped3A : memref<!tpu.dma_semaphore, #tpu.memory_space<semaphore_mem>>) src(%arg10 : memref<16x16xi32, #tpu.memory_space<vmem>>) dst(%dma_wait3A_184 : memref<16x16xi32, #tpu.memory_space<hbm>>)
      tpu.yield
    }) : () -> ()
    %barrier3A_101 = arith.constant 0 : index
    tpu.barrier barrier_id(%barrier3A_101)
    %eq3A_102 = arith.constant 0 : i32
    %eq3A_103 = arith.cmpi eq, %arg1, %eq3A_102 : i32
    %convert_element_type3A_104 = arith.extui %eq3A_103 : i1 to i32
    %cond3A_105 = arith.constant 0 : i32
    %cond3A_106 = arith.cmpi ne, %convert_element_type3A_104, %cond3A_105 : i32
    scf.if %cond3A_106 {
      "tpu.region"() ({
        %run_scoped3A = tpu.sem_alloc : memref<!tpu.dma_semaphore, #tpu.memory_space<semaphore_mem>>
        tpu.enqueue_dma source(%arg6 : memref<16x16x16xi32, #tpu.memory_space<hbm>>) target(%arg11 : memref<16x16x16xi32, #tpu.memory_space<vmem>>) target_semaphore(%run_scoped3A : memref<!tpu.dma_semaphore, #tpu.memory_space<semaphore_mem>>)
        tpu.wait_dma2 semaphore(%run_scoped3A : memref<!tpu.dma_semaphore, #tpu.memory_space<semaphore_mem>>) src(%arg6 : memref<16x16x16xi32, #tpu.memory_space<hbm>>) dst(%arg11 : memref<16x16x16xi32, #tpu.memory_space<vmem>>)
        tpu.yield
      }) : () -> ()
      %scan3A_171 = arith.constant 0 : i32
      %scan3A_172 = arith.constant 0 : i32
      %scan3A_173 = arith.constant 16 : i32
      %scan3A_174 = arith.addi %scan3A_172, %scan3A_173 : i32
      %scan3A_175 = arith.constant 1 : i32
      %scan3A_176 = scf.for %scan3A_207 = %scan3A_172 to %scan3A_174 step %scan3A_175 iter_args(%scan3A_208 = %scan3A_171) -> (i32)  : i32 {
        %get3A_209 = arith.constant 0 : i32
        %get3A_210 = arith.index_cast %get3A_209 : i32 to index
        %get3A_211 = arith.index_cast %scan3A_207 : i32 to index
        %get3A_212 = arith.constant 0 : index
        %get3A_213 = tpu.vector_load %arg11[%get3A_210, %get3A_211, %get3A_212] {strides = array<i32>} : memref<16x16x16xi32, #tpu.memory_space<vmem>>, vector<16xi32>,
        %swap3A_214 = arith.index_cast %scan3A_207 : i32 to index
        %swap3A_215 = arith.constant 0 : index
        %swap3A_216 = tpu.vector_load %arg10[%swap3A_214, %swap3A_215] {strides = array<i32>} : memref<16x16xi32, #tpu.memory_space<vmem>>, vector<16xi32>,
        tpu.vector_store %arg10[%swap3A_214, %swap3A_215], %get3A_213 {strides = array<i32>} : memref<16x16xi32, #tpu.memory_space<vmem>>, vector<16xi32>,
        %scan3A_217 = arith.constant 0 : i32
        scf.yield %scan3A_217 : i32
      }
      %scan3A_177 = arith.constant 16 : i32
      %scan3A_178 = arith.constant 0 : i32
      %scan3A_179 = arith.constant 1 : i32
      %scan3A_180 = arith.constant 15 : i32
      %scan3A_181 = arith.addi %scan3A_179, %scan3A_180 : i32
      %scan3A_182 = arith.constant 1 : i32
      %scan3A_183 = scf.for %scan3A_207 = %scan3A_179 to %scan3A_181 step %scan3A_182 iter_args(%scan3A_208 = %scan3A_178) -> (i32)  : i32 {
        %scan3A_209 = arith.constant 0 : i32
        %scan3A_210 = arith.constant 0 : i32
        %scan3A_211 = arith.constant 16 : i32
        %scan3A_212 = arith.addi %scan3A_210, %scan3A_211 : i32
        %scan3A_213 = arith.constant 1 : i32
        %scan3A_214 = scf.for %scan3A_217 = %scan3A_210 to %scan3A_212 step %scan3A_213 iter_args(%scan3A_218 = %scan3A_209) -> (i32)  : i32 {
          %get3A_219 = arith.index_cast %scan3A_217 : i32 to index
          %get3A_220 = arith.constant 0 : index
          %get3A_221 = tpu.vector_load %arg10[%get3A_219, %get3A_220] {strides = array<i32>} : memref<16x16xi32, #tpu.memory_space<vmem>>, vector<16xi32>,
          %get3A_222 = arith.index_cast %scan3A_207 : i32 to index
          %get3A_223 = arith.index_cast %scan3A_217 : i32 to index
          %get3A_224 = arith.constant 0 : index
          %get3A_225 = tpu.vector_load %arg11[%get3A_222, %get3A_223, %get3A_224] {strides = array<i32>} : memref<16x16x16xi32, #tpu.memory_space<vmem>>, vector<16xi32>,
          %add3A = arith.addi %get3A_221, %get3A_225 : vector<16xi32>
          %swap3A_226 = arith.index_cast %scan3A_217 : i32 to index
          %swap3A_227 = arith.constant 0 : index
          %swap3A_228 = tpu.vector_load %arg10[%swap3A_226, %swap3A_227] {strides = array<i32>} : memref<16x16xi32, #tpu.memory_space<vmem>>, vector<16xi32>,
          tpu.vector_store %arg10[%swap3A_226, %swap3A_227], %add3A {strides = array<i32>} : memref<16x16xi32, #tpu.memory_space<vmem>>, vector<16xi32>,
          %scan3A_229 = arith.constant 0 : i32
          scf.yield %scan3A_229 : i32
        }
        %scan3A_215 = arith.constant 16 : i32
        %scan3A_216 = arith.constant 0 : i32
        scf.yield %scan3A_216 : i32
      }
      %scan3A_184 = arith.constant 15 : i32
      %get3A_185 = arith.constant 0 : index
      %get3A_186 = tpu.vector_load %arg14[%get3A_185] {strides = array<i32>} : memref<16xi32, #tpu.memory_space<vmem>>, vector<16xi32>,
      %slice3A = vector.extract_strided_slice %get3A_186 {offsets = [0], sizes = [1], strides = [1]} : vector<16xi32> to vector<1xi32>
      %squeeze3A = vector.extract %slice3A[0] : i32 from vector<1xi32>
      %scan3A_187 = arith.constant 0 : i32
      %scan3A_188 = arith.constant 0 : i32
      %scan3A_189 = arith.constant 0 : i32
      %scan3A_190 = arith.constant 0 : i32
      %scan3A_191 = arith.constant 0 : i32
      %scan3A_192 = arith.constant 0 : i32
      %scan3A_193 = arith.constant 16 : i32
      %scan3A_194 = arith.addi %scan3A_192, %scan3A_193 : i32
      %scan3A_195 = arith.constant 1 : i32
      %scan3A_196:5 = scf.for %scan3A_207 = %scan3A_192 to %scan3A_194 step %scan3A_195 iter_args(%scan3A_208 = %scan3A_187, %scan3A_209 = %scan3A_188, %scan3A_210 = %scan3A_189, %scan3A_211 = %scan3A_190, %scan3A_212 = %scan3A_191) -> (i32, i32, i32, i32, i32)  : i32 {
        %sub3A_213 = arith.constant 15 : i32
        %sub3A_214 = arith.subi %sub3A_213, %scan3A_207 : i32
        %get3A_215 = arith.index_cast %sub3A_214 : i32 to index
        %get3A_216 = arith.constant 0 : index
        %get3A_217 = tpu.vector_load %arg10[%get3A_215, %get3A_216] {strides = array<i32>} : memref<16x16xi32, #tpu.memory_space<vmem>>, vector<16xi32>,
        %slice3A_218 = vector.extract_strided_slice %get3A_217 {offsets = [15], sizes = [1], strides = [1]} : vector<16xi32> to vector<1xi32>
        %squeeze3A_219 = vector.extract %slice3A_218[0] : i32 from vector<1xi32>
        %mul3A_220 = arith.constant 16 : i32
        %mul3A_221 = arith.muli %sub3A_214, %mul3A_220 : i32
        %add3A = arith.constant 15 : i32
        %add3A_222 = arith.addi %mul3A_221, %add3A : i32
        %add3A_223 = arith.addi %scan3A_208, %squeeze3A_219 : i32
        %eq3A_224 = arith.constant 0 : i32
        %eq3A_225 = arith.cmpi eq, %scan3A_209, %eq3A_224 : i32
        %ge3A = arith.cmpi sge, %add3A_223, %squeeze3A : i32
        %and3A = arith.andi %eq3A_225, %ge3A : i1
        %jit3A = arith.constant 1 : i32
        %select_n3A = arith.select %and3A, %jit3A, %scan3A_209 : i32
        %select_n3A_226 = arith.select %and3A, %add3A_222, %scan3A_210 : i32
        %select_n3A_227 = arith.select %and3A, %add3A_223, %scan3A_211 : i32
        %select_n3A_228 = arith.select %and3A, %squeeze3A_219, %scan3A_212 : i32
        %slice3A_229 = vector.extract_strided_slice %get3A_217 {offsets = [14], sizes = [1], strides = [1]} : vector<16xi32> to vector<1xi32>
        %squeeze3A_230 = vector.extract %slice3A_229[0] : i32 from vector<1xi32>
        %mul3A_231 = arith.constant 16 : i32
        %mul3A_232 = arith.muli %sub3A_214, %mul3A_231 : i32
        %add3A_233 = arith.constant 14 : i32
        %add3A_234 = arith.addi %mul3A_232, %add3A_233 : i32
        %add3A_235 = arith.addi %add3A_223, %squeeze3A_230 : i32
        %eq3A_236 = arith.constant 0 : i32
        %eq3A_237 = arith.cmpi eq, %select_n3A, %eq3A_236 : i32
        %ge3A_238 = arith.cmpi sge, %add3A_235, %squeeze3A : i32
        %and3A_239 = arith.andi %eq3A_237, %ge3A_238 : i1
        %jit3A_240 = arith.constant 1 : i32
        %select_n3A_241 = arith.select %and3A_239, %jit3A_240, %select_n3A : i32
        %select_n3A_242 = arith.select %and3A_239, %add3A_234, %select_n3A_226 : i32
        %select_n3A_243 = arith.select %and3A_239, %add3A_235, %select_n3A_227 : i32
        %select_n3A_244 = arith.select %and3A_239, %squeeze3A_230, %select_n3A_228 : i32
        %slice3A_245 = vector.extract_strided_slice %get3A_217 {offsets = [13], sizes = [1], strides = [1]} : vector<16xi32> to vector<1xi32>
        %squeeze3A_246 = vector.extract %slice3A_245[0] : i32 from vector<1xi32>
        %mul3A_247 = arith.constant 16 : i32
        %mul3A_248 = arith.muli %sub3A_214, %mul3A_247 : i32
        %add3A_249 = arith.constant 13 : i32
        %add3A_250 = arith.addi %mul3A_248, %add3A_249 : i32
        %add3A_251 = arith.addi %add3A_235, %squeeze3A_246 : i32
        %eq3A_252 = arith.constant 0 : i32
        %eq3A_253 = arith.cmpi eq, %select_n3A_241, %eq3A_252 : i32
        %ge3A_254 = arith.cmpi sge, %add3A_251, %squeeze3A : i32
        %and3A_255 = arith.andi %eq3A_253, %ge3A_254 : i1
        %jit3A_256 = arith.constant 1 : i32
        %select_n3A_257 = arith.select %and3A_255, %jit3A_256, %select_n3A_241 : i32
        %select_n3A_258 = arith.select %and3A_255, %add3A_250, %select_n3A_242 : i32
        %select_n3A_259 = arith.select %and3A_255, %add3A_251, %select_n3A_243 : i32
        %select_n3A_260 = arith.select %and3A_255, %squeeze3A_246, %select_n3A_244 : i32
        %slice3A_261 = vector.extract_strided_slice %get3A_217 {offsets = [12], sizes = [1], strides = [1]} : vector<16xi32> to vector<1xi32>
        %squeeze3A_262 = vector.extract %slice3A_261[0] : i32 from vector<1xi32>
        %mul3A_263 = arith.constant 16 : i32
        %mul3A_264 = arith.muli %sub3A_214, %mul3A_263 : i32
        %add3A_265 = arith.constant 12 : i32
        %add3A_266 = arith.addi %mul3A_264, %add3A_265 : i32
        %add3A_267 = arith.addi %add3A_251, %squeeze3A_262 : i32
        %eq3A_268 = arith.constant 0 : i32
        %eq3A_269 = arith.cmpi eq, %select_n3A_257, %eq3A_268 : i32
        %ge3A_270 = arith.cmpi sge, %add3A_267, %squeeze3A : i32
        %and3A_271 = arith.andi %eq3A_269, %ge3A_270 : i1
        %jit3A_272 = arith.constant 1 : i32
        %select_n3A_273 = arith.select %and3A_271, %jit3A_272, %select_n3A_257 : i32
        %select_n3A_274 = arith.select %and3A_271, %add3A_266, %select_n3A_258 : i32
        %select_n3A_275 = arith.select %and3A_271, %add3A_267, %select_n3A_259 : i32
        %select_n3A_276 = arith.select %and3A_271, %squeeze3A_262, %select_n3A_260 : i32
        %slice3A_277 = vector.extract_strided_slice %get3A_217 {offsets = [11], sizes = [1], strides = [1]} : vector<16xi32> to vector<1xi32>
        %squeeze3A_278 = vector.extract %slice3A_277[0] : i32 from vector<1xi32>
        %mul3A_279 = arith.constant 16 : i32
        %mul3A_280 = arith.muli %sub3A_214, %mul3A_279 : i32
        %add3A_281 = arith.constant 11 : i32
        %add3A_282 = arith.addi %mul3A_280, %add3A_281 : i32
        %add3A_283 = arith.addi %add3A_267, %squeeze3A_278 : i32
        %eq3A_284 = arith.constant 0 : i32
        %eq3A_285 = arith.cmpi eq, %select_n3A_273, %eq3A_284 : i32
        %ge3A_286 = arith.cmpi sge, %add3A_283, %squeeze3A : i32
        %and3A_287 = arith.andi %eq3A_285, %ge3A_286 : i1
        %jit3A_288 = arith.constant 1 : i32
        %select_n3A_289 = arith.select %and3A_287, %jit3A_288, %select_n3A_273 : i32
        %select_n3A_290 = arith.select %and3A_287, %add3A_282, %select_n3A_274 : i32
        %select_n3A_291 = arith.select %and3A_287, %add3A_283, %select_n3A_275 : i32
        %select_n3A_292 = arith.select %and3A_287, %squeeze3A_278, %select_n3A_276 : i32
        %slice3A_293 = vector.extract_strided_slice %get3A_217 {offsets = [10], sizes = [1], strides = [1]} : vector<16xi32> to vector<1xi32>
        %squeeze3A_294 = vector.extract %slice3A_293[0] : i32 from vector<1xi32>
        %mul3A_295 = arith.constant 16 : i32
        %mul3A_296 = arith.muli %sub3A_214, %mul3A_295 : i32
        %add3A_297 = arith.constant 10 : i32
        %add3A_298 = arith.addi %mul3A_296, %add3A_297 : i32
        %add3A_299 = arith.addi %add3A_283, %squeeze3A_294 : i32
        %eq3A_300 = arith.constant 0 : i32
        %eq3A_301 = arith.cmpi eq, %select_n3A_289, %eq3A_300 : i32
        %ge3A_302 = arith.cmpi sge, %add3A_299, %squeeze3A : i32
        %and3A_303 = arith.andi %eq3A_301, %ge3A_302 : i1
        %jit3A_304 = arith.constant 1 : i32
        %select_n3A_305 = arith.select %and3A_303, %jit3A_304, %select_n3A_289 : i32
        %select_n3A_306 = arith.select %and3A_303, %add3A_298, %select_n3A_290 : i32
        %select_n3A_307 = arith.select %and3A_303, %add3A_299, %select_n3A_291 : i32
        %select_n3A_308 = arith.select %and3A_303, %squeeze3A_294, %select_n3A_292 : i32
        %slice3A_309 = vector.extract_strided_slice %get3A_217 {offsets = [9], sizes = [1], strides = [1]} : vector<16xi32> to vector<1xi32>
        %squeeze3A_310 = vector.extract %slice3A_309[0] : i32 from vector<1xi32>
        %mul3A_311 = arith.constant 16 : i32
        %mul3A_312 = arith.muli %sub3A_214, %mul3A_311 : i32
        %add3A_313 = arith.constant 9 : i32
        %add3A_314 = arith.addi %mul3A_312, %add3A_313 : i32
        %add3A_315 = arith.addi %add3A_299, %squeeze3A_310 : i32
        %eq3A_316 = arith.constant 0 : i32
        %eq3A_317 = arith.cmpi eq, %select_n3A_305, %eq3A_316 : i32
        %ge3A_318 = arith.cmpi sge, %add3A_315, %squeeze3A : i32
        %and3A_319 = arith.andi %eq3A_317, %ge3A_318 : i1
        %jit3A_320 = arith.constant 1 : i32
        %select_n3A_321 = arith.select %and3A_319, %jit3A_320, %select_n3A_305 : i32
        %select_n3A_322 = arith.select %and3A_319, %add3A_314, %select_n3A_306 : i32
        %select_n3A_323 = arith.select %and3A_319, %add3A_315, %select_n3A_307 : i32
        %select_n3A_324 = arith.select %and3A_319, %squeeze3A_310, %select_n3A_308 : i32
        %slice3A_325 = vector.extract_strided_slice %get3A_217 {offsets = [8], sizes = [1], strides = [1]} : vector<16xi32> to vector<1xi32>
        %squeeze3A_326 = vector.extract %slice3A_325[0] : i32 from vector<1xi32>
        %mul3A_327 = arith.constant 16 : i32
        %mul3A_328 = arith.muli %sub3A_214, %mul3A_327 : i32
        %add3A_329 = arith.constant 8 : i32
        %add3A_330 = arith.addi %mul3A_328, %add3A_329 : i32
        %add3A_331 = arith.addi %add3A_315, %squeeze3A_326 : i32
        %eq3A_332 = arith.constant 0 : i32
        %eq3A_333 = arith.cmpi eq, %select_n3A_321, %eq3A_332 : i32
        %ge3A_334 = arith.cmpi sge, %add3A_331, %squeeze3A : i32
        %and3A_335 = arith.andi %eq3A_333, %ge3A_334 : i1
        %jit3A_336 = arith.constant 1 : i32
        %select_n3A_337 = arith.select %and3A_335, %jit3A_336, %select_n3A_321 : i32
        %select_n3A_338 = arith.select %and3A_335, %add3A_330, %select_n3A_322 : i32
        %select_n3A_339 = arith.select %and3A_335, %add3A_331, %select_n3A_323 : i32
        %select_n3A_340 = arith.select %and3A_335, %squeeze3A_326, %select_n3A_324 : i32
        %slice3A_341 = vector.extract_strided_slice %get3A_217 {offsets = [7], sizes = [1], strides = [1]} : vector<16xi32> to vector<1xi32>
        %squeeze3A_342 = vector.extract %slice3A_341[0] : i32 from vector<1xi32>
        %mul3A_343 = arith.constant 16 : i32
        %mul3A_344 = arith.muli %sub3A_214, %mul3A_343 : i32
        %add3A_345 = arith.constant 7 : i32
        %add3A_346 = arith.addi %mul3A_344, %add3A_345 : i32
        %add3A_347 = arith.addi %add3A_331, %squeeze3A_342 : i32
        %eq3A_348 = arith.constant 0 : i32
        %eq3A_349 = arith.cmpi eq, %select_n3A_337, %eq3A_348 : i32
        %ge3A_350 = arith.cmpi sge, %add3A_347, %squeeze3A : i32
        %and3A_351 = arith.andi %eq3A_349, %ge3A_350 : i1
        %jit3A_352 = arith.constant 1 : i32
        %select_n3A_353 = arith.select %and3A_351, %jit3A_352, %select_n3A_337 : i32
        %select_n3A_354 = arith.select %and3A_351, %add3A_346, %select_n3A_338 : i32
        %select_n3A_355 = arith.select %and3A_351, %add3A_347, %select_n3A_339 : i32
        %select_n3A_356 = arith.select %and3A_351, %squeeze3A_342, %select_n3A_340 : i32
        %slice3A_357 = vector.extract_strided_slice %get3A_217 {offsets = [6], sizes = [1], strides = [1]} : vector<16xi32> to vector<1xi32>
        %squeeze3A_358 = vector.extract %slice3A_357[0] : i32 from vector<1xi32>
        %mul3A_359 = arith.constant 16 : i32
        %mul3A_360 = arith.muli %sub3A_214, %mul3A_359 : i32
        %add3A_361 = arith.constant 6 : i32
        %add3A_362 = arith.addi %mul3A_360, %add3A_361 : i32
        %add3A_363 = arith.addi %add3A_347, %squeeze3A_358 : i32
        %eq3A_364 = arith.constant 0 : i32
        %eq3A_365 = arith.cmpi eq, %select_n3A_353, %eq3A_364 : i32
        %ge3A_366 = arith.cmpi sge, %add3A_363, %squeeze3A : i32
        %and3A_367 = arith.andi %eq3A_365, %ge3A_366 : i1
        %jit3A_368 = arith.constant 1 : i32
        %select_n3A_369 = arith.select %and3A_367, %jit3A_368, %select_n3A_353 : i32
        %select_n3A_370 = arith.select %and3A_367, %add3A_362, %select_n3A_354 : i32
        %select_n3A_371 = arith.select %and3A_367, %add3A_363, %select_n3A_355 : i32
        %select_n3A_372 = arith.select %and3A_367, %squeeze3A_358, %select_n3A_356 : i32
        %slice3A_373 = vector.extract_strided_slice %get3A_217 {offsets = [5], sizes = [1], strides = [1]} : vector<16xi32> to vector<1xi32>
        %squeeze3A_374 = vector.extract %slice3A_373[0] : i32 from vector<1xi32>
        %mul3A_375 = arith.constant 16 : i32
        %mul3A_376 = arith.muli %sub3A_214, %mul3A_375 : i32
        %add3A_377 = arith.constant 5 : i32
        %add3A_378 = arith.addi %mul3A_376, %add3A_377 : i32
        %add3A_379 = arith.addi %add3A_363, %squeeze3A_374 : i32
        %eq3A_380 = arith.constant 0 : i32
        %eq3A_381 = arith.cmpi eq, %select_n3A_369, %eq3A_380 : i32
        %ge3A_382 = arith.cmpi sge, %add3A_379, %squeeze3A : i32
        %and3A_383 = arith.andi %eq3A_381, %ge3A_382 : i1
        %jit3A_384 = arith.constant 1 : i32
        %select_n3A_385 = arith.select %and3A_383, %jit3A_384, %select_n3A_369 : i32
        %select_n3A_386 = arith.select %and3A_383, %add3A_378, %select_n3A_370 : i32
        %select_n3A_387 = arith.select %and3A_383, %add3A_379, %select_n3A_371 : i32
        %select_n3A_388 = arith.select %and3A_383, %squeeze3A_374, %select_n3A_372 : i32
        %slice3A_389 = vector.extract_strided_slice %get3A_217 {offsets = [4], sizes = [1], strides = [1]} : vector<16xi32> to vector<1xi32>
        %squeeze3A_390 = vector.extract %slice3A_389[0] : i32 from vector<1xi32>
        %mul3A_391 = arith.constant 16 : i32
        %mul3A_392 = arith.muli %sub3A_214, %mul3A_391 : i32
        %add3A_393 = arith.constant 4 : i32
        %add3A_394 = arith.addi %mul3A_392, %add3A_393 : i32
        %add3A_395 = arith.addi %add3A_379, %squeeze3A_390 : i32
        %eq3A_396 = arith.constant 0 : i32
        %eq3A_397 = arith.cmpi eq, %select_n3A_385, %eq3A_396 : i32
        %ge3A_398 = arith.cmpi sge, %add3A_395, %squeeze3A : i32
        %and3A_399 = arith.andi %eq3A_397, %ge3A_398 : i1
        %jit3A_400 = arith.constant 1 : i32
        %select_n3A_401 = arith.select %and3A_399, %jit3A_400, %select_n3A_385 : i32
        %select_n3A_402 = arith.select %and3A_399, %add3A_394, %select_n3A_386 : i32
        %select_n3A_403 = arith.select %and3A_399, %add3A_395, %select_n3A_387 : i32
        %select_n3A_404 = arith.select %and3A_399, %squeeze3A_390, %select_n3A_388 : i32
        %slice3A_405 = vector.extract_strided_slice %get3A_217 {offsets = [3], sizes = [1], strides = [1]} : vector<16xi32> to vector<1xi32>
        %squeeze3A_406 = vector.extract %slice3A_405[0] : i32 from vector<1xi32>
        %mul3A_407 = arith.constant 16 : i32
        %mul3A_408 = arith.muli %sub3A_214, %mul3A_407 : i32
        %add3A_409 = arith.constant 3 : i32
        %add3A_410 = arith.addi %mul3A_408, %add3A_409 : i32
        %add3A_411 = arith.addi %add3A_395, %squeeze3A_406 : i32
        %eq3A_412 = arith.constant 0 : i32
        %eq3A_413 = arith.cmpi eq, %select_n3A_401, %eq3A_412 : i32
        %ge3A_414 = arith.cmpi sge, %add3A_411, %squeeze3A : i32
        %and3A_415 = arith.andi %eq3A_413, %ge3A_414 : i1
        %jit3A_416 = arith.constant 1 : i32
        %select_n3A_417 = arith.select %and3A_415, %jit3A_416, %select_n3A_401 : i32
        %select_n3A_418 = arith.select %and3A_415, %add3A_410, %select_n3A_402 : i32
        %select_n3A_419 = arith.select %and3A_415, %add3A_411, %select_n3A_403 : i32
        %select_n3A_420 = arith.select %and3A_415, %squeeze3A_406, %select_n3A_404 : i32
        %slice3A_421 = vector.extract_strided_slice %get3A_217 {offsets = [2], sizes = [1], strides = [1]} : vector<16xi32> to vector<1xi32>
        %squeeze3A_422 = vector.extract %slice3A_421[0] : i32 from vector<1xi32>
        %mul3A_423 = arith.constant 16 : i32
        %mul3A_424 = arith.muli %sub3A_214, %mul3A_423 : i32
        %add3A_425 = arith.constant 2 : i32
        %add3A_426 = arith.addi %mul3A_424, %add3A_425 : i32
        %add3A_427 = arith.addi %add3A_411, %squeeze3A_422 : i32
        %eq3A_428 = arith.constant 0 : i32
        %eq3A_429 = arith.cmpi eq, %select_n3A_417, %eq3A_428 : i32
        %ge3A_430 = arith.cmpi sge, %add3A_427, %squeeze3A : i32
        %and3A_431 = arith.andi %eq3A_429, %ge3A_430 : i1
        %jit3A_432 = arith.constant 1 : i32
        %select_n3A_433 = arith.select %and3A_431, %jit3A_432, %select_n3A_417 : i32
        %select_n3A_434 = arith.select %and3A_431, %add3A_426, %select_n3A_418 : i32
        %select_n3A_435 = arith.select %and3A_431, %add3A_427, %select_n3A_419 : i32
        %select_n3A_436 = arith.select %and3A_431, %squeeze3A_422, %select_n3A_420 : i32
        %slice3A_437 = vector.extract_strided_slice %get3A_217 {offsets = [1], sizes = [1], strides = [1]} : vector<16xi32> to vector<1xi32>
        %squeeze3A_438 = vector.extract %slice3A_437[0] : i32 from vector<1xi32>
        %mul3A_439 = arith.constant 16 : i32
        %mul3A_440 = arith.muli %sub3A_214, %mul3A_439 : i32
        %add3A_441 = arith.constant 1 : i32
        %add3A_442 = arith.addi %mul3A_440, %add3A_441 : i32
        %add3A_443 = arith.addi %add3A_427, %squeeze3A_438 : i32
        %eq3A_444 = arith.constant 0 : i32
        %eq3A_445 = arith.cmpi eq, %select_n3A_433, %eq3A_444 : i32
        %ge3A_446 = arith.cmpi sge, %add3A_443, %squeeze3A : i32
        %and3A_447 = arith.andi %eq3A_445, %ge3A_446 : i1
        %jit3A_448 = arith.constant 1 : i32
        %select_n3A_449 = arith.select %and3A_447, %jit3A_448, %select_n3A_433 : i32
        %select_n3A_450 = arith.select %and3A_447, %add3A_442, %select_n3A_434 : i32
        %select_n3A_451 = arith.select %and3A_447, %add3A_443, %select_n3A_435 : i32
        %select_n3A_452 = arith.select %and3A_447, %squeeze3A_438, %select_n3A_436 : i32
        %slice3A_453 = vector.extract_strided_slice %get3A_217 {offsets = [0], sizes = [1], strides = [1]} : vector<16xi32> to vector<1xi32>
        %squeeze3A_454 = vector.extract %slice3A_453[0] : i32 from vector<1xi32>
        %mul3A_455 = arith.constant 16 : i32
        %mul3A_456 = arith.muli %sub3A_214, %mul3A_455 : i32
        %add3A_457 = arith.constant 0 : i32
        %add3A_458 = arith.addi %mul3A_456, %add3A_457 : i32
        %add3A_459 = arith.addi %add3A_443, %squeeze3A_454 : i32
        %eq3A_460 = arith.constant 0 : i32
        %eq3A_461 = arith.cmpi eq, %select_n3A_449, %eq3A_460 : i32
        %ge3A_462 = arith.cmpi sge, %add3A_459, %squeeze3A : i32
        %and3A_463 = arith.andi %eq3A_461, %ge3A_462 : i1
        %jit3A_464 = arith.constant 1 : i32
        %select_n3A_465 = arith.select %and3A_463, %jit3A_464, %select_n3A_449 : i32
        %select_n3A_466 = arith.select %and3A_463, %add3A_458, %select_n3A_450 : i32
        %select_n3A_467 = arith.select %and3A_463, %add3A_459, %select_n3A_451 : i32
        %select_n3A_468 = arith.select %and3A_463, %squeeze3A_454, %select_n3A_452 : i32
        scf.yield %add3A_459, %select_n3A_465, %select_n3A_466, %select_n3A_467, %select_n3A_468 : i32, i32, i32, i32, i32
      }
      %scan3A_197 = arith.constant 16 : i32
      %sub3A = arith.subi %scan3A_196#3, %scan3A_196#4 : i32
      %sub3A_198 = arith.subi %squeeze3A, %sub3A : i32
      %broadcast_in_dim3A_199 = vector.broadcast %sub3A_198 : i32 to vector<16xi32>
      %swap3A_200 = arith.constant 0 : index
      %swap3A_201 = tpu.vector_load %arg14[%swap3A_200] {strides = array<i32>} : memref<16xi32, #tpu.memory_space<vmem>>, vector<16xi32>,
      tpu.vector_store %arg14[%swap3A_200], %broadcast_in_dim3A_199 {strides = array<i32>} : memref<16xi32, #tpu.memory_space<vmem>>, vector<16xi32>,
      %broadcast_in_dim3A_202 = vector.broadcast %scan3A_196#2 : i32 to vector<16xi32>
      %swap3A_203 = arith.constant 0 : i32
      %swap3A_204 = arith.index_cast %swap3A_203 : i32 to index
      %swap3A_205 = arith.constant 0 : index
      %swap3A_206 = tpu.vector_load %arg13[%swap3A_204, %swap3A_205] {strides = array<i32>} : memref<16x16xi32, #tpu.memory_space<vmem>>, vector<16xi32>,
      tpu.vector_store %arg13[%swap3A_204, %swap3A_205], %broadcast_in_dim3A_202 {strides = array<i32>} : memref<16x16xi32, #tpu.memory_space<vmem>>, vector<16xi32>,
      "tpu.region"() ({
        %run_scoped3A = tpu.sem_alloc : memref<!tpu.dma_semaphore, #tpu.memory_space<semaphore_mem>>
        tpu.enqueue_dma source(%arg13 : memref<16x16xi32, #tpu.memory_space<vmem>>) target(%arg20 : memref<16x16xi32, #tpu.memory_space<vmem_shared>>) target_semaphore(%run_scoped3A : memref<!tpu.dma_semaphore, #tpu.memory_space<semaphore_mem>>)
        tpu.wait_dma2 semaphore(%run_scoped3A : memref<!tpu.dma_semaphore, #tpu.memory_space<semaphore_mem>>) src(%arg13 : memref<16x16xi32, #tpu.memory_space<vmem>>) dst(%arg20 : memref<16x16xi32, #tpu.memory_space<vmem_shared>>)
        tpu.yield
      }) : () -> ()
    } else {
    }
    %barrier3A_107 = arith.constant 0 : index
    tpu.barrier barrier_id(%barrier3A_107)
    "tpu.region"() ({
      %run_scoped3A = tpu.sem_alloc : memref<!tpu.dma_semaphore, #tpu.memory_space<semaphore_mem>>
      tpu.enqueue_dma source(%arg20 : memref<16x16xi32, #tpu.memory_space<vmem_shared>>) target(%arg13 : memref<16x16xi32, #tpu.memory_space<vmem>>) target_semaphore(%run_scoped3A : memref<!tpu.dma_semaphore, #tpu.memory_space<semaphore_mem>>)
      tpu.wait_dma2 semaphore(%run_scoped3A : memref<!tpu.dma_semaphore, #tpu.memory_space<semaphore_mem>>) src(%arg20 : memref<16x16xi32, #tpu.memory_space<vmem_shared>>) dst(%arg13 : memref<16x16xi32, #tpu.memory_space<vmem>>)
      tpu.yield
    }) : () -> ()
    %shift_left3A_108 = arith.constant 8 : i32
    %shift_left3A_109 = vector.broadcast %shift_left3A_108 : i32 to vector<16xi32>
    %shift_left3A_110 = arith.shli %or3A_76, %shift_left3A_109 : vector<16xi32>
    %get3A_111 = arith.constant 0 : i32
    %get3A_112 = arith.index_cast %get3A_111 : i32 to index
    %get3A_113 = arith.constant 0 : index
    %get3A_114 = tpu.vector_load %arg13[%get3A_112, %get3A_113] {strides = array<i32>} : memref<16x16xi32, #tpu.memory_space<vmem>>, vector<16xi32>,
    %or3A_115 = arith.ori %shift_left3A_110, %get3A_114 : vector<16xi32>
    %mul3A_116 = arith.constant 128 : i32
    %mul3A_117 = vector.broadcast %mul3A_116 : i32 to vector<16xi32>
    %mul3A_118 = arith.muli %iota3A, %mul3A_117 : vector<16xi32>
    %scan3A_119 = arith.constant 0 : i32
    %scan3A_120 = arith.constant 0 : i32
    %scan3A_121 = arith.constant 32 : i32
    %scan3A_122 = arith.addi %scan3A_120, %scan3A_121 : i32
    %scan3A_123 = arith.constant 1 : i32
    %scan3A_124 = scf.for %scan3A_171 = %scan3A_120 to %scan3A_122 step %scan3A_123 iter_args(%scan3A_172 = %scan3A_119) -> (i32)  : i32 {
      %mul3A_173 = arith.constant 64 : i32
      %mul3A_174 = arith.muli %scan3A_171, %mul3A_173 : i32
      %add3A = arith.constant 0 : i32
      %add3A_175 = arith.addi %mul3A_174, %add3A : i32
      %swap3A_176 = arith.index_cast %add3A_175 : i32 to index
      %swap3A_177 = tpu.vector_load %arg9[%swap3A_176] {strides = array<i32>} : memref<4096xi32, #tpu.memory_space<vmem>>, vector<16xi32>,
      tpu.vector_store %arg9[%swap3A_176], %broadcast_in_dim3A_0 {strides = array<i32>} : memref<4096xi32, #tpu.memory_space<vmem>>, vector<16xi32>,
      %mul3A_178 = arith.constant 64 : i32
      %mul3A_179 = arith.muli %scan3A_171, %mul3A_178 : i32
      %add3A_180 = arith.constant 16 : i32
      %add3A_181 = arith.addi %mul3A_179, %add3A_180 : i32
      %swap3A_182 = arith.index_cast %add3A_181 : i32 to index
      %swap3A_183 = tpu.vector_load %arg9[%swap3A_182] {strides = array<i32>} : memref<4096xi32, #tpu.memory_space<vmem>>, vector<16xi32>,
      tpu.vector_store %arg9[%swap3A_182], %broadcast_in_dim3A_0 {strides = array<i32>} : memref<4096xi32, #tpu.memory_space<vmem>>, vector<16xi32>,
      %mul3A_184 = arith.constant 64 : i32
      %mul3A_185 = arith.muli %scan3A_171, %mul3A_184 : i32
      %add3A_186 = arith.constant 32 : i32
      %add3A_187 = arith.addi %mul3A_185, %add3A_186 : i32
      %swap3A_188 = arith.index_cast %add3A_187 : i32 to index
      %swap3A_189 = tpu.vector_load %arg9[%swap3A_188] {strides = array<i32>} : memref<4096xi32, #tpu.memory_space<vmem>>, vector<16xi32>,
      tpu.vector_store %arg9[%swap3A_188], %broadcast_in_dim3A_0 {strides = array<i32>} : memref<4096xi32, #tpu.memory_space<vmem>>, vector<16xi32>,
      %mul3A_190 = arith.constant 64 : i32
      %mul3A_191 = arith.muli %scan3A_171, %mul3A_190 : i32
      %add3A_192 = arith.constant 48 : i32
      %add3A_193 = arith.addi %mul3A_191, %add3A_192 : i32
      %swap3A_194 = arith.index_cast %add3A_193 : i32 to index
      %swap3A_195 = tpu.vector_load %arg9[%swap3A_194] {strides = array<i32>} : memref<4096xi32, #tpu.memory_space<vmem>>, vector<16xi32>,
      tpu.vector_store %arg9[%swap3A_194], %broadcast_in_dim3A_0 {strides = array<i32>} : memref<4096xi32, #tpu.memory_space<vmem>>, vector<16xi32>,
      %scan3A_196 = arith.constant 0 : i32
      scf.yield %scan3A_196 : i32
    }
    %scan3A_125 = arith.constant 32 : i32
    %scan3A_126 = arith.constant 0 : i32
    %scan3A_127 = arith.constant 0 : i32
    %scan3A_128 = arith.constant 512 : i32
    %scan3A_129 = arith.addi %scan3A_127, %scan3A_128 : i32
    %scan3A_130 = arith.constant 1 : i32
    %scan3A_131 = scf.for %scan3A_171 = %scan3A_127 to %scan3A_129 step %scan3A_130 iter_args(%scan3A_172 = %scan3A_126) -> (i32)  : i32 {
      %mul3A_173 = arith.constant 128 : i32
      %mul3A_174 = arith.muli %scan3A_171, %mul3A_173 : i32
      %add3A = arith.constant 0 : i32
      %add3A_175 = arith.addi %mul3A_174, %add3A : i32
      %get3A_176 = arith.index_cast %add3A_175 : i32 to index
      %get3A_177 = tpu.vector_load %arg8[%get3A_176] {strides = array<i32>} : memref<65536xi32, #tpu.memory_space<vmem>>, vector<16xi32>,
      %shift_right_logical3A = arith.constant 7 : i32
      %shift_right_logical3A_178 = vector.broadcast %shift_right_logical3A : i32 to vector<16xi32>
      %shift_right_logical3A_179 = arith.shrui %get3A_177, %shift_right_logical3A_178 : vector<16xi32>
      %eq3A_180 = arith.cmpi eq, %shift_right_logical3A_179, %or3A_115 : vector<16xi32>
      %shift_right_logical3A_181 = arith.constant 0 : i32
      %shift_right_logical3A_182 = vector.broadcast %shift_right_logical3A_181 : i32 to vector<16xi32>
      %shift_right_logical3A_183 = arith.shrui %get3A_177, %shift_right_logical3A_182 : vector<16xi32>
      %and3A = arith.constant 127 : i32
      %and3A_184 = vector.broadcast %and3A : i32 to vector<16xi32>
      %and3A_185 = arith.andi %shift_right_logical3A_183, %and3A_184 : vector<16xi32>
      %add3A_186 = arith.addi %mul3A_118, %and3A_185 : vector<16xi32>
      tpu.vector_store_idx %arg9[%add3A_186], %broadcast_in_dim3A_2 masked %eq3A_180 {add = true} : memref<4096xi32, #tpu.memory_space<vmem>>[vector<16xi32>], vector<16xi32>, vector<16xi1>
      %mul3A_187 = arith.constant 128 : i32
      %mul3A_188 = arith.muli %scan3A_171, %mul3A_187 : i32
      %add3A_189 = arith.constant 16 : i32
      %add3A_190 = arith.addi %mul3A_188, %add3A_189 : i32
      %get3A_191 = arith.index_cast %add3A_190 : i32 to index
      %get3A_192 = tpu.vector_load %arg8[%get3A_191] {strides = array<i32>} : memref<65536xi32, #tpu.memory_space<vmem>>, vector<16xi32>,
      %shift_right_logical3A_193 = arith.constant 7 : i32
      %shift_right_logical3A_194 = vector.broadcast %shift_right_logical3A_193 : i32 to vector<16xi32>
      %shift_right_logical3A_195 = arith.shrui %get3A_192, %shift_right_logical3A_194 : vector<16xi32>
      %eq3A_196 = arith.cmpi eq, %shift_right_logical3A_195, %or3A_115 : vector<16xi32>
      %shift_right_logical3A_197 = arith.constant 0 : i32
      %shift_right_logical3A_198 = vector.broadcast %shift_right_logical3A_197 : i32 to vector<16xi32>
      %shift_right_logical3A_199 = arith.shrui %get3A_192, %shift_right_logical3A_198 : vector<16xi32>
      %and3A_200 = arith.constant 127 : i32
      %and3A_201 = vector.broadcast %and3A_200 : i32 to vector<16xi32>
      %and3A_202 = arith.andi %shift_right_logical3A_199, %and3A_201 : vector<16xi32>
      %add3A_203 = arith.addi %mul3A_118, %and3A_202 : vector<16xi32>
      tpu.vector_store_idx %arg9[%add3A_203], %broadcast_in_dim3A_2 masked %eq3A_196 {add = true} : memref<4096xi32, #tpu.memory_space<vmem>>[vector<16xi32>], vector<16xi32>, vector<16xi1>
      %mul3A_204 = arith.constant 128 : i32
      %mul3A_205 = arith.muli %scan3A_171, %mul3A_204 : i32
      %add3A_206 = arith.constant 32 : i32
      %add3A_207 = arith.addi %mul3A_205, %add3A_206 : i32
      %get3A_208 = arith.index_cast %add3A_207 : i32 to index
      %get3A_209 = tpu.vector_load %arg8[%get3A_208] {strides = array<i32>} : memref<65536xi32, #tpu.memory_space<vmem>>, vector<16xi32>,
      %shift_right_logical3A_210 = arith.constant 7 : i32
      %shift_right_logical3A_211 = vector.broadcast %shift_right_logical3A_210 : i32 to vector<16xi32>
      %shift_right_logical3A_212 = arith.shrui %get3A_209, %shift_right_logical3A_211 : vector<16xi32>
      %eq3A_213 = arith.cmpi eq, %shift_right_logical3A_212, %or3A_115 : vector<16xi32>
      %shift_right_logical3A_214 = arith.constant 0 : i32
      %shift_right_logical3A_215 = vector.broadcast %shift_right_logical3A_214 : i32 to vector<16xi32>
      %shift_right_logical3A_216 = arith.shrui %get3A_209, %shift_right_logical3A_215 : vector<16xi32>
      %and3A_217 = arith.constant 127 : i32
      %and3A_218 = vector.broadcast %and3A_217 : i32 to vector<16xi32>
      %and3A_219 = arith.andi %shift_right_logical3A_216, %and3A_218 : vector<16xi32>
      %add3A_220 = arith.addi %mul3A_118, %and3A_219 : vector<16xi32>
      tpu.vector_store_idx %arg9[%add3A_220], %broadcast_in_dim3A_2 masked %eq3A_213 {add = true} : memref<4096xi32, #tpu.memory_space<vmem>>[vector<16xi32>], vector<16xi32>, vector<16xi1>
      %mul3A_221 = arith.constant 128 : i32
      %mul3A_222 = arith.muli %scan3A_171, %mul3A_221 : i32
      %add3A_223 = arith.constant 48 : i32
      %add3A_224 = arith.addi %mul3A_222, %add3A_223 : i32
      %get3A_225 = arith.index_cast %add3A_224 : i32 to index
      %get3A_226 = tpu.vector_load %arg8[%get3A_225] {strides = array<i32>} : memref<65536xi32, #tpu.memory_space<vmem>>, vector<16xi32>,
      %shift_right_logical3A_227 = arith.constant 7 : i32
      %shift_right_logical3A_228 = vector.broadcast %shift_right_logical3A_227 : i32 to vector<16xi32>
      %shift_right_logical3A_229 = arith.shrui %get3A_226, %shift_right_logical3A_228 : vector<16xi32>
      %eq3A_230 = arith.cmpi eq, %shift_right_logical3A_229, %or3A_115 : vector<16xi32>
      %shift_right_logical3A_231 = arith.constant 0 : i32
      %shift_right_logical3A_232 = vector.broadcast %shift_right_logical3A_231 : i32 to vector<16xi32>
      %shift_right_logical3A_233 = arith.shrui %get3A_226, %shift_right_logical3A_232 : vector<16xi32>
      %and3A_234 = arith.constant 127 : i32
      %and3A_235 = vector.broadcast %and3A_234 : i32 to vector<16xi32>
      %and3A_236 = arith.andi %shift_right_logical3A_233, %and3A_235 : vector<16xi32>
      %add3A_237 = arith.addi %mul3A_118, %and3A_236 : vector<16xi32>
      tpu.vector_store_idx %arg9[%add3A_237], %broadcast_in_dim3A_2 masked %eq3A_230 {add = true} : memref<4096xi32, #tpu.memory_space<vmem>>[vector<16xi32>], vector<16xi32>, vector<16xi1>
      %mul3A_238 = arith.constant 128 : i32
      %mul3A_239 = arith.muli %scan3A_171, %mul3A_238 : i32
      %add3A_240 = arith.constant 64 : i32
      %add3A_241 = arith.addi %mul3A_239, %add3A_240 : i32
      %get3A_242 = arith.index_cast %add3A_241 : i32 to index
      %get3A_243 = tpu.vector_load %arg8[%get3A_242] {strides = array<i32>} : memref<65536xi32, #tpu.memory_space<vmem>>, vector<16xi32>,
      %shift_right_logical3A_244 = arith.constant 7 : i32
      %shift_right_logical3A_245 = vector.broadcast %shift_right_logical3A_244 : i32 to vector<16xi32>
      %shift_right_logical3A_246 = arith.shrui %get3A_243, %shift_right_logical3A_245 : vector<16xi32>
      %eq3A_247 = arith.cmpi eq, %shift_right_logical3A_246, %or3A_115 : vector<16xi32>
      %shift_right_logical3A_248 = arith.constant 0 : i32
      %shift_right_logical3A_249 = vector.broadcast %shift_right_logical3A_248 : i32 to vector<16xi32>
      %shift_right_logical3A_250 = arith.shrui %get3A_243, %shift_right_logical3A_249 : vector<16xi32>
      %and3A_251 = arith.constant 127 : i32
      %and3A_252 = vector.broadcast %and3A_251 : i32 to vector<16xi32>
      %and3A_253 = arith.andi %shift_right_logical3A_250, %and3A_252 : vector<16xi32>
      %add3A_254 = arith.addi %mul3A_118, %and3A_253 : vector<16xi32>
      tpu.vector_store_idx %arg9[%add3A_254], %broadcast_in_dim3A_2 masked %eq3A_247 {add = true} : memref<4096xi32, #tpu.memory_space<vmem>>[vector<16xi32>], vector<16xi32>, vector<16xi1>
      %mul3A_255 = arith.constant 128 : i32
      %mul3A_256 = arith.muli %scan3A_171, %mul3A_255 : i32
      %add3A_257 = arith.constant 80 : i32
      %add3A_258 = arith.addi %mul3A_256, %add3A_257 : i32
      %get3A_259 = arith.index_cast %add3A_258 : i32 to index
      %get3A_260 = tpu.vector_load %arg8[%get3A_259] {strides = array<i32>} : memref<65536xi32, #tpu.memory_space<vmem>>, vector<16xi32>,
      %shift_right_logical3A_261 = arith.constant 7 : i32
      %shift_right_logical3A_262 = vector.broadcast %shift_right_logical3A_261 : i32 to vector<16xi32>
      %shift_right_logical3A_263 = arith.shrui %get3A_260, %shift_right_logical3A_262 : vector<16xi32>
      %eq3A_264 = arith.cmpi eq, %shift_right_logical3A_263, %or3A_115 : vector<16xi32>
      %shift_right_logical3A_265 = arith.constant 0 : i32
      %shift_right_logical3A_266 = vector.broadcast %shift_right_logical3A_265 : i32 to vector<16xi32>
      %shift_right_logical3A_267 = arith.shrui %get3A_260, %shift_right_logical3A_266 : vector<16xi32>
      %and3A_268 = arith.constant 127 : i32
      %and3A_269 = vector.broadcast %and3A_268 : i32 to vector<16xi32>
      %and3A_270 = arith.andi %shift_right_logical3A_267, %and3A_269 : vector<16xi32>
      %add3A_271 = arith.addi %mul3A_118, %and3A_270 : vector<16xi32>
      tpu.vector_store_idx %arg9[%add3A_271], %broadcast_in_dim3A_2 masked %eq3A_264 {add = true} : memref<4096xi32, #tpu.memory_space<vmem>>[vector<16xi32>], vector<16xi32>, vector<16xi1>
      %mul3A_272 = arith.constant 128 : i32
      %mul3A_273 = arith.muli %scan3A_171, %mul3A_272 : i32
      %add3A_274 = arith.constant 96 : i32
      %add3A_275 = arith.addi %mul3A_273, %add3A_274 : i32
      %get3A_276 = arith.index_cast %add3A_275 : i32 to index
      %get3A_277 = tpu.vector_load %arg8[%get3A_276] {strides = array<i32>} : memref<65536xi32, #tpu.memory_space<vmem>>, vector<16xi32>,
      %shift_right_logical3A_278 = arith.constant 7 : i32
      %shift_right_logical3A_279 = vector.broadcast %shift_right_logical3A_278 : i32 to vector<16xi32>
      %shift_right_logical3A_280 = arith.shrui %get3A_277, %shift_right_logical3A_279 : vector<16xi32>
      %eq3A_281 = arith.cmpi eq, %shift_right_logical3A_280, %or3A_115 : vector<16xi32>
      %shift_right_logical3A_282 = arith.constant 0 : i32
      %shift_right_logical3A_283 = vector.broadcast %shift_right_logical3A_282 : i32 to vector<16xi32>
      %shift_right_logical3A_284 = arith.shrui %get3A_277, %shift_right_logical3A_283 : vector<16xi32>
      %and3A_285 = arith.constant 127 : i32
      %and3A_286 = vector.broadcast %and3A_285 : i32 to vector<16xi32>
      %and3A_287 = arith.andi %shift_right_logical3A_284, %and3A_286 : vector<16xi32>
      %add3A_288 = arith.addi %mul3A_118, %and3A_287 : vector<16xi32>
      tpu.vector_store_idx %arg9[%add3A_288], %broadcast_in_dim3A_2 masked %eq3A_281 {add = true} : memref<4096xi32, #tpu.memory_space<vmem>>[vector<16xi32>], vector<16xi32>, vector<16xi1>
      %mul3A_289 = arith.constant 128 : i32
      %mul3A_290 = arith.muli %scan3A_171, %mul3A_289 : i32
      %add3A_291 = arith.constant 112 : i32
      %add3A_292 = arith.addi %mul3A_290, %add3A_291 : i32
      %get3A_293 = arith.index_cast %add3A_292 : i32 to index
      %get3A_294 = tpu.vector_load %arg8[%get3A_293] {strides = array<i32>} : memref<65536xi32, #tpu.memory_space<vmem>>, vector<16xi32>,
      %shift_right_logical3A_295 = arith.constant 7 : i32
      %shift_right_logical3A_296 = vector.broadcast %shift_right_logical3A_295 : i32 to vector<16xi32>
      %shift_right_logical3A_297 = arith.shrui %get3A_294, %shift_right_logical3A_296 : vector<16xi32>
      %eq3A_298 = arith.cmpi eq, %shift_right_logical3A_297, %or3A_115 : vector<16xi32>
      %shift_right_logical3A_299 = arith.constant 0 : i32
      %shift_right_logical3A_300 = vector.broadcast %shift_right_logical3A_299 : i32 to vector<16xi32>
      %shift_right_logical3A_301 = arith.shrui %get3A_294, %shift_right_logical3A_300 : vector<16xi32>
      %and3A_302 = arith.constant 127 : i32
      %and3A_303 = vector.broadcast %and3A_302 : i32 to vector<16xi32>
      %and3A_304 = arith.andi %shift_right_logical3A_301, %and3A_303 : vector<16xi32>
      %add3A_305 = arith.addi %mul3A_118, %and3A_304 : vector<16xi32>
      tpu.vector_store_idx %arg9[%add3A_305], %broadcast_in_dim3A_2 masked %eq3A_298 {add = true} : memref<4096xi32, #tpu.memory_space<vmem>>[vector<16xi32>], vector<16xi32>, vector<16xi1>
      %scan3A_306 = arith.constant 0 : i32
      scf.yield %scan3A_306 : i32
    }
    %scan3A_132 = arith.constant 512 : i32
    %scan3A_133 = arith.constant 0 : i32
    %scan3A_134 = arith.constant 0 : i32
    %scan3A_135 = arith.constant 8 : i32
    %scan3A_136 = arith.addi %scan3A_134, %scan3A_135 : i32
    %scan3A_137 = arith.constant 1 : i32
    %scan3A_138 = scf.for %scan3A_171 = %scan3A_134 to %scan3A_136 step %scan3A_137 iter_args(%scan3A_172 = %scan3A_133) -> (i32)  : i32 {
      %mul3A_173 = arith.constant 16 : i32
      %mul3A_174 = arith.muli %scan3A_171, %mul3A_173 : i32
      %get3A_175 = arith.index_cast %mul3A_174 : i32 to index
      %get3A_176 = tpu.vector_load %arg9[%get3A_175] {strides = array<i32>} : memref<4096xi32, #tpu.memory_space<vmem>>, vector<16xi32>,
      %mul3A_177 = arith.constant 16 : i32
      %mul3A_178 = arith.muli %scan3A_171, %mul3A_177 : i32
      %add3A = arith.constant 128 : i32
      %add3A_179 = arith.addi %add3A, %mul3A_178 : i32
      %get3A_180 = arith.index_cast %add3A_179 : i32 to index
      %get3A_181 = tpu.vector_load %arg9[%get3A_180] {strides = array<i32>} : memref<4096xi32, #tpu.memory_space<vmem>>, vector<16xi32>,
      %add3A_182 = arith.addi %get3A_176, %get3A_181 : vector<16xi32>
      %mul3A_183 = arith.constant 16 : i32
      %mul3A_184 = arith.muli %scan3A_171, %mul3A_183 : i32
      %add3A_185 = arith.constant 256 : i32
      %add3A_186 = arith.addi %add3A_185, %mul3A_184 : i32
      %get3A_187 = arith.index_cast %add3A_186 : i32 to index
      %get3A_188 = tpu.vector_load %arg9[%get3A_187] {strides = array<i32>} : memref<4096xi32, #tpu.memory_space<vmem>>, vector<16xi32>,
      %add3A_189 = arith.addi %add3A_182, %get3A_188 : vector<16xi32>
      %mul3A_190 = arith.constant 16 : i32
      %mul3A_191 = arith.muli %scan3A_171, %mul3A_190 : i32
      %add3A_192 = arith.constant 384 : i32
      %add3A_193 = arith.addi %add3A_192, %mul3A_191 : i32
      %get3A_194 = arith.index_cast %add3A_193 : i32 to index
      %get3A_195 = tpu.vector_load %arg9[%get3A_194] {strides = array<i32>} : memref<4096xi32, #tpu.memory_space<vmem>>, vector<16xi32>,
      %add3A_196 = arith.addi %add3A_189, %get3A_195 : vector<16xi32>
      %mul3A_197 = arith.constant 16 : i32
      %mul3A_198 = arith.muli %scan3A_171, %mul3A_197 : i32
      %add3A_199 = arith.constant 512 : i32
      %add3A_200 = arith.addi %add3A_199, %mul3A_198 : i32
      %get3A_201 = arith.index_cast %add3A_200 : i32 to index
      %get3A_202 = tpu.vector_load %arg9[%get3A_201] {strides = array<i32>} : memref<4096xi32, #tpu.memory_space<vmem>>, vector<16xi32>,
      %add3A_203 = arith.addi %add3A_196, %get3A_202 : vector<16xi32>
      %mul3A_204 = arith.constant 16 : i32
      %mul3A_205 = arith.muli %scan3A_171, %mul3A_204 : i32
      %add3A_206 = arith.constant 640 : i32
      %add3A_207 = arith.addi %add3A_206, %mul3A_205 : i32
      %get3A_208 = arith.index_cast %add3A_207 : i32 to index
      %get3A_209 = tpu.vector_load %arg9[%get3A_208] {strides = array<i32>} : memref<4096xi32, #tpu.memory_space<vmem>>, vector<16xi32>,
      %add3A_210 = arith.addi %add3A_203, %get3A_209 : vector<16xi32>
      %mul3A_211 = arith.constant 16 : i32
      %mul3A_212 = arith.muli %scan3A_171, %mul3A_211 : i32
      %add3A_213 = arith.constant 768 : i32
      %add3A_214 = arith.addi %add3A_213, %mul3A_212 : i32
      %get3A_215 = arith.index_cast %add3A_214 : i32 to index
      %get3A_216 = tpu.vector_load %arg9[%get3A_215] {strides = array<i32>} : memref<4096xi32, #tpu.memory_space<vmem>>, vector<16xi32>,
      %add3A_217 = arith.addi %add3A_210, %get3A_216 : vector<16xi32>
      %mul3A_218 = arith.constant 16 : i32
      %mul3A_219 = arith.muli %scan3A_171, %mul3A_218 : i32
      %add3A_220 = arith.constant 896 : i32
      %add3A_221 = arith.addi %add3A_220, %mul3A_219 : i32
      %get3A_222 = arith.index_cast %add3A_221 : i32 to index
      %get3A_223 = tpu.vector_load %arg9[%get3A_222] {strides = array<i32>} : memref<4096xi32, #tpu.memory_space<vmem>>, vector<16xi32>,
      %add3A_224 = arith.addi %add3A_217, %get3A_223 : vector<16xi32>
      %mul3A_225 = arith.constant 16 : i32
      %mul3A_226 = arith.muli %scan3A_171, %mul3A_225 : i32
      %add3A_227 = arith.constant 1024 : i32
      %add3A_228 = arith.addi %add3A_227, %mul3A_226 : i32
      %get3A_229 = arith.index_cast %add3A_228 : i32 to index
      %get3A_230 = tpu.vector_load %arg9[%get3A_229] {strides = array<i32>} : memref<4096xi32, #tpu.memory_space<vmem>>, vector<16xi32>,
      %add3A_231 = arith.addi %add3A_224, %get3A_230 : vector<16xi32>
      %mul3A_232 = arith.constant 16 : i32
      %mul3A_233 = arith.muli %scan3A_171, %mul3A_232 : i32
      %add3A_234 = arith.constant 1152 : i32
      %add3A_235 = arith.addi %add3A_234, %mul3A_233 : i32
      %get3A_236 = arith.index_cast %add3A_235 : i32 to index
      %get3A_237 = tpu.vector_load %arg9[%get3A_236] {strides = array<i32>} : memref<4096xi32, #tpu.memory_space<vmem>>, vector<16xi32>,
      %add3A_238 = arith.addi %add3A_231, %get3A_237 : vector<16xi32>
      %mul3A_239 = arith.constant 16 : i32
      %mul3A_240 = arith.muli %scan3A_171, %mul3A_239 : i32
      %add3A_241 = arith.constant 1280 : i32
      %add3A_242 = arith.addi %add3A_241, %mul3A_240 : i32
      %get3A_243 = arith.index_cast %add3A_242 : i32 to index
      %get3A_244 = tpu.vector_load %arg9[%get3A_243] {strides = array<i32>} : memref<4096xi32, #tpu.memory_space<vmem>>, vector<16xi32>,
      %add3A_245 = arith.addi %add3A_238, %get3A_244 : vector<16xi32>
      %mul3A_246 = arith.constant 16 : i32
      %mul3A_247 = arith.muli %scan3A_171, %mul3A_246 : i32
      %add3A_248 = arith.constant 1408 : i32
      %add3A_249 = arith.addi %add3A_248, %mul3A_247 : i32
      %get3A_250 = arith.index_cast %add3A_249 : i32 to index
      %get3A_251 = tpu.vector_load %arg9[%get3A_250] {strides = array<i32>} : memref<4096xi32, #tpu.memory_space<vmem>>, vector<16xi32>,
      %add3A_252 = arith.addi %add3A_245, %get3A_251 : vector<16xi32>
      %mul3A_253 = arith.constant 16 : i32
      %mul3A_254 = arith.muli %scan3A_171, %mul3A_253 : i32
      %add3A_255 = arith.constant 1536 : i32
      %add3A_256 = arith.addi %add3A_255, %mul3A_254 : i32
      %get3A_257 = arith.index_cast %add3A_256 : i32 to index
      %get3A_258 = tpu.vector_load %arg9[%get3A_257] {strides = array<i32>} : memref<4096xi32, #tpu.memory_space<vmem>>, vector<16xi32>,
      %add3A_259 = arith.addi %add3A_252, %get3A_258 : vector<16xi32>
      %mul3A_260 = arith.constant 16 : i32
      %mul3A_261 = arith.muli %scan3A_171, %mul3A_260 : i32
      %add3A_262 = arith.constant 1664 : i32
      %add3A_263 = arith.addi %add3A_262, %mul3A_261 : i32
      %get3A_264 = arith.index_cast %add3A_263 : i32 to index
      %get3A_265 = tpu.vector_load %arg9[%get3A_264] {strides = array<i32>} : memref<4096xi32, #tpu.memory_space<vmem>>, vector<16xi32>,
      %add3A_266 = arith.addi %add3A_259, %get3A_265 : vector<16xi32>
      %mul3A_267 = arith.constant 16 : i32
      %mul3A_268 = arith.muli %scan3A_171, %mul3A_267 : i32
      %add3A_269 = arith.constant 1792 : i32
      %add3A_270 = arith.addi %add3A_269, %mul3A_268 : i32
      %get3A_271 = arith.index_cast %add3A_270 : i32 to index
      %get3A_272 = tpu.vector_load %arg9[%get3A_271] {strides = array<i32>} : memref<4096xi32, #tpu.memory_space<vmem>>, vector<16xi32>,
      %add3A_273 = arith.addi %add3A_266, %get3A_272 : vector<16xi32>
      %mul3A_274 = arith.constant 16 : i32
      %mul3A_275 = arith.muli %scan3A_171, %mul3A_274 : i32
      %add3A_276 = arith.constant 1920 : i32
      %add3A_277 = arith.addi %add3A_276, %mul3A_275 : i32
      %get3A_278 = arith.index_cast %add3A_277 : i32 to index
      %get3A_279 = tpu.vector_load %arg9[%get3A_278] {strides = array<i32>} : memref<4096xi32, #tpu.memory_space<vmem>>, vector<16xi32>,
      %add3A_280 = arith.addi %add3A_273, %get3A_279 : vector<16xi32>
      %swap3A_281 = arith.index_cast %scan3A_171 : i32 to index
      %swap3A_282 = arith.constant 0 : index
      %swap3A_283 = tpu.vector_load %arg10[%swap3A_281, %swap3A_282] {strides = array<i32>} : memref<16x16xi32, #tpu.memory_space<vmem>>, vector<16xi32>,
      tpu.vector_store %arg10[%swap3A_281, %swap3A_282], %add3A_280 {strides = array<i32>} : memref<16x16xi32, #tpu.memory_space<vmem>>, vector<16xi32>,
      %scan3A_284 = arith.constant 0 : i32
      scf.yield %scan3A_284 : i32
    }
    %scan3A_139 = arith.constant 8 : i32
    "tpu.region"() ({
      %run_scoped3A = tpu.sem_alloc : memref<!tpu.dma_semaphore, #tpu.memory_space<semaphore_mem>>
      %dma_start3A = arith.constant 0 : i32
      %dma_start3A_171 = arith.constant 0 : i32
      %dma_start3A_172 = tpu.memref_slice %arg6[%arg1, %dma_start3A, %dma_start3A_171] : memref<16x16x16xi32, #tpu.memory_space<hbm>> -> memref<1x16x16xi32, #tpu.memory_space<hbm>>
      %dma_start3A_173 = tpu.memref_squeeze %dma_start3A_172 : memref<1x16x16xi32, #tpu.memory_space<hbm>> -> memref<16x16xi32, #tpu.memory_space<hbm>>
      %dma_start3A_174 = arith.constant 0 : i32
      %dma_start3A_175 = arith.constant 0 : i32
      %dma_start3A_176 = tpu.memref_slice %arg6[%arg1, %dma_start3A_174, %dma_start3A_175] : memref<16x16x16xi32, #tpu.memory_space<hbm>> -> memref<1x16x16xi32, #tpu.memory_space<hbm>>
      %dma_start3A_177 = tpu.memref_squeeze %dma_start3A_176 : memref<1x16x16xi32, #tpu.memory_space<hbm>> -> memref<16x16xi32, #tpu.memory_space<hbm>>
      tpu.enqueue_dma source(%arg10 : memref<16x16xi32, #tpu.memory_space<vmem>>) target(%dma_start3A_177 : memref<16x16xi32, #tpu.memory_space<hbm>>) target_semaphore(%run_scoped3A : memref<!tpu.dma_semaphore, #tpu.memory_space<semaphore_mem>>)
      %dma_wait3A = arith.constant 0 : i32
      %dma_wait3A_178 = arith.constant 0 : i32
      %dma_wait3A_179 = tpu.memref_slice %arg6[%arg1, %dma_wait3A, %dma_wait3A_178] : memref<16x16x16xi32, #tpu.memory_space<hbm>> -> memref<1x16x16xi32, #tpu.memory_space<hbm>>
      %dma_wait3A_180 = tpu.memref_squeeze %dma_wait3A_179 : memref<1x16x16xi32, #tpu.memory_space<hbm>> -> memref<16x16xi32, #tpu.memory_space<hbm>>
      %dma_wait3A_181 = arith.constant 0 : i32
      %dma_wait3A_182 = arith.constant 0 : i32
      %dma_wait3A_183 = tpu.memref_slice %arg6[%arg1, %dma_wait3A_181, %dma_wait3A_182] : memref<16x16x16xi32, #tpu.memory_space<hbm>> -> memref<1x16x16xi32, #tpu.memory_space<hbm>>
      %dma_wait3A_184 = tpu.memref_squeeze %dma_wait3A_183 : memref<1x16x16xi32, #tpu.memory_space<hbm>> -> memref<16x16xi32, #tpu.memory_space<hbm>>
      tpu.wait_dma2 semaphore(%run_scoped3A : memref<!tpu.dma_semaphore, #tpu.memory_space<semaphore_mem>>) src(%arg10 : memref<16x16xi32, #tpu.memory_space<vmem>>) dst(%dma_wait3A_184 : memref<16x16xi32, #tpu.memory_space<hbm>>)
      tpu.yield
    }) : () -> ()
    %barrier3A_140 = arith.constant 0 : index
    tpu.barrier barrier_id(%barrier3A_140)
    %eq3A_141 = arith.constant 0 : i32
    %eq3A_142 = arith.cmpi eq, %arg1, %eq3A_141 : i32
    %convert_element_type3A_143 = arith.extui %eq3A_142 : i1 to i32
    %cond3A_144 = arith.constant 0 : i32
    %cond3A_145 = arith.cmpi ne, %convert_element_type3A_143, %cond3A_144 : i32
    scf.if %cond3A_145 {
      "tpu.region"() ({
        %run_scoped3A = tpu.sem_alloc : memref<!tpu.dma_semaphore, #tpu.memory_space<semaphore_mem>>
        tpu.enqueue_dma source(%arg6 : memref<16x16x16xi32, #tpu.memory_space<hbm>>) target(%arg11 : memref<16x16x16xi32, #tpu.memory_space<vmem>>) target_semaphore(%run_scoped3A : memref<!tpu.dma_semaphore, #tpu.memory_space<semaphore_mem>>)
        tpu.wait_dma2 semaphore(%run_scoped3A : memref<!tpu.dma_semaphore, #tpu.memory_space<semaphore_mem>>) src(%arg6 : memref<16x16x16xi32, #tpu.memory_space<hbm>>) dst(%arg11 : memref<16x16x16xi32, #tpu.memory_space<vmem>>)
        tpu.yield
      }) : () -> ()
      %scan3A_171 = arith.constant 0 : i32
      %scan3A_172 = arith.constant 0 : i32
      %scan3A_173 = arith.constant 8 : i32
      %scan3A_174 = arith.addi %scan3A_172, %scan3A_173 : i32
      %scan3A_175 = arith.constant 1 : i32
      %scan3A_176 = scf.for %scan3A_207 = %scan3A_172 to %scan3A_174 step %scan3A_175 iter_args(%scan3A_208 = %scan3A_171) -> (i32)  : i32 {
        %get3A_209 = arith.constant 0 : i32
        %get3A_210 = arith.index_cast %get3A_209 : i32 to index
        %get3A_211 = arith.index_cast %scan3A_207 : i32 to index
        %get3A_212 = arith.constant 0 : index
        %get3A_213 = tpu.vector_load %arg11[%get3A_210, %get3A_211, %get3A_212] {strides = array<i32>} : memref<16x16x16xi32, #tpu.memory_space<vmem>>, vector<16xi32>,
        %swap3A_214 = arith.index_cast %scan3A_207 : i32 to index
        %swap3A_215 = arith.constant 0 : index
        %swap3A_216 = tpu.vector_load %arg10[%swap3A_214, %swap3A_215] {strides = array<i32>} : memref<16x16xi32, #tpu.memory_space<vmem>>, vector<16xi32>,
        tpu.vector_store %arg10[%swap3A_214, %swap3A_215], %get3A_213 {strides = array<i32>} : memref<16x16xi32, #tpu.memory_space<vmem>>, vector<16xi32>,
        %scan3A_217 = arith.constant 0 : i32
        scf.yield %scan3A_217 : i32
      }
      %scan3A_177 = arith.constant 8 : i32
      %scan3A_178 = arith.constant 0 : i32
      %scan3A_179 = arith.constant 1 : i32
      %scan3A_180 = arith.constant 15 : i32
      %scan3A_181 = arith.addi %scan3A_179, %scan3A_180 : i32
      %scan3A_182 = arith.constant 1 : i32
      %scan3A_183 = scf.for %scan3A_207 = %scan3A_179 to %scan3A_181 step %scan3A_182 iter_args(%scan3A_208 = %scan3A_178) -> (i32)  : i32 {
        %scan3A_209 = arith.constant 0 : i32
        %scan3A_210 = arith.constant 0 : i32
        %scan3A_211 = arith.constant 8 : i32
        %scan3A_212 = arith.addi %scan3A_210, %scan3A_211 : i32
        %scan3A_213 = arith.constant 1 : i32
        %scan3A_214 = scf.for %scan3A_217 = %scan3A_210 to %scan3A_212 step %scan3A_213 iter_args(%scan3A_218 = %scan3A_209) -> (i32)  : i32 {
          %get3A_219 = arith.index_cast %scan3A_217 : i32 to index
          %get3A_220 = arith.constant 0 : index
          %get3A_221 = tpu.vector_load %arg10[%get3A_219, %get3A_220] {strides = array<i32>} : memref<16x16xi32, #tpu.memory_space<vmem>>, vector<16xi32>,
          %get3A_222 = arith.index_cast %scan3A_207 : i32 to index
          %get3A_223 = arith.index_cast %scan3A_217 : i32 to index
          %get3A_224 = arith.constant 0 : index
          %get3A_225 = tpu.vector_load %arg11[%get3A_222, %get3A_223, %get3A_224] {strides = array<i32>} : memref<16x16x16xi32, #tpu.memory_space<vmem>>, vector<16xi32>,
          %add3A = arith.addi %get3A_221, %get3A_225 : vector<16xi32>
          %swap3A_226 = arith.index_cast %scan3A_217 : i32 to index
          %swap3A_227 = arith.constant 0 : index
          %swap3A_228 = tpu.vector_load %arg10[%swap3A_226, %swap3A_227] {strides = array<i32>} : memref<16x16xi32, #tpu.memory_space<vmem>>, vector<16xi32>,
          tpu.vector_store %arg10[%swap3A_226, %swap3A_227], %add3A {strides = array<i32>} : memref<16x16xi32, #tpu.memory_space<vmem>>, vector<16xi32>,
          %scan3A_229 = arith.constant 0 : i32
          scf.yield %scan3A_229 : i32
        }
        %scan3A_215 = arith.constant 8 : i32
        %scan3A_216 = arith.constant 0 : i32
        scf.yield %scan3A_216 : i32
      }
      %scan3A_184 = arith.constant 15 : i32
      %get3A_185 = arith.constant 0 : index
      %get3A_186 = tpu.vector_load %arg14[%get3A_185] {strides = array<i32>} : memref<16xi32, #tpu.memory_space<vmem>>, vector<16xi32>,
      %slice3A = vector.extract_strided_slice %get3A_186 {offsets = [0], sizes = [1], strides = [1]} : vector<16xi32> to vector<1xi32>
      %squeeze3A = vector.extract %slice3A[0] : i32 from vector<1xi32>
      %scan3A_187 = arith.constant 0 : i32
      %scan3A_188 = arith.constant 0 : i32
      %scan3A_189 = arith.constant 0 : i32
      %scan3A_190 = arith.constant 0 : i32
      %scan3A_191 = arith.constant 0 : i32
      %scan3A_192 = arith.constant 0 : i32
      %scan3A_193 = arith.constant 8 : i32
      %scan3A_194 = arith.addi %scan3A_192, %scan3A_193 : i32
      %scan3A_195 = arith.constant 1 : i32
      %scan3A_196:5 = scf.for %scan3A_207 = %scan3A_192 to %scan3A_194 step %scan3A_195 iter_args(%scan3A_208 = %scan3A_187, %scan3A_209 = %scan3A_188, %scan3A_210 = %scan3A_189, %scan3A_211 = %scan3A_190, %scan3A_212 = %scan3A_191) -> (i32, i32, i32, i32, i32)  : i32 {
        %sub3A_213 = arith.constant 7 : i32
        %sub3A_214 = arith.subi %sub3A_213, %scan3A_207 : i32
        %get3A_215 = arith.index_cast %sub3A_214 : i32 to index
        %get3A_216 = arith.constant 0 : index
        %get3A_217 = tpu.vector_load %arg10[%get3A_215, %get3A_216] {strides = array<i32>} : memref<16x16xi32, #tpu.memory_space<vmem>>, vector<16xi32>,
        %slice3A_218 = vector.extract_strided_slice %get3A_217 {offsets = [15], sizes = [1], strides = [1]} : vector<16xi32> to vector<1xi32>
        %squeeze3A_219 = vector.extract %slice3A_218[0] : i32 from vector<1xi32>
        %mul3A_220 = arith.constant 16 : i32
        %mul3A_221 = arith.muli %sub3A_214, %mul3A_220 : i32
        %add3A = arith.constant 15 : i32
        %add3A_222 = arith.addi %mul3A_221, %add3A : i32
        %add3A_223 = arith.addi %scan3A_208, %squeeze3A_219 : i32
        %eq3A_224 = arith.constant 0 : i32
        %eq3A_225 = arith.cmpi eq, %scan3A_209, %eq3A_224 : i32
        %ge3A = arith.cmpi sge, %add3A_223, %squeeze3A : i32
        %and3A = arith.andi %eq3A_225, %ge3A : i1
        %jit3A = arith.constant 1 : i32
        %select_n3A = arith.select %and3A, %jit3A, %scan3A_209 : i32
        %select_n3A_226 = arith.select %and3A, %add3A_222, %scan3A_210 : i32
        %select_n3A_227 = arith.select %and3A, %add3A_223, %scan3A_211 : i32
        %select_n3A_228 = arith.select %and3A, %squeeze3A_219, %scan3A_212 : i32
        %slice3A_229 = vector.extract_strided_slice %get3A_217 {offsets = [14], sizes = [1], strides = [1]} : vector<16xi32> to vector<1xi32>
        %squeeze3A_230 = vector.extract %slice3A_229[0] : i32 from vector<1xi32>
        %mul3A_231 = arith.constant 16 : i32
        %mul3A_232 = arith.muli %sub3A_214, %mul3A_231 : i32
        %add3A_233 = arith.constant 14 : i32
        %add3A_234 = arith.addi %mul3A_232, %add3A_233 : i32
        %add3A_235 = arith.addi %add3A_223, %squeeze3A_230 : i32
        %eq3A_236 = arith.constant 0 : i32
        %eq3A_237 = arith.cmpi eq, %select_n3A, %eq3A_236 : i32
        %ge3A_238 = arith.cmpi sge, %add3A_235, %squeeze3A : i32
        %and3A_239 = arith.andi %eq3A_237, %ge3A_238 : i1
        %jit3A_240 = arith.constant 1 : i32
        %select_n3A_241 = arith.select %and3A_239, %jit3A_240, %select_n3A : i32
        %select_n3A_242 = arith.select %and3A_239, %add3A_234, %select_n3A_226 : i32
        %select_n3A_243 = arith.select %and3A_239, %add3A_235, %select_n3A_227 : i32
        %select_n3A_244 = arith.select %and3A_239, %squeeze3A_230, %select_n3A_228 : i32
        %slice3A_245 = vector.extract_strided_slice %get3A_217 {offsets = [13], sizes = [1], strides = [1]} : vector<16xi32> to vector<1xi32>
        %squeeze3A_246 = vector.extract %slice3A_245[0] : i32 from vector<1xi32>
        %mul3A_247 = arith.constant 16 : i32
        %mul3A_248 = arith.muli %sub3A_214, %mul3A_247 : i32
        %add3A_249 = arith.constant 13 : i32
        %add3A_250 = arith.addi %mul3A_248, %add3A_249 : i32
        %add3A_251 = arith.addi %add3A_235, %squeeze3A_246 : i32
        %eq3A_252 = arith.constant 0 : i32
        %eq3A_253 = arith.cmpi eq, %select_n3A_241, %eq3A_252 : i32
        %ge3A_254 = arith.cmpi sge, %add3A_251, %squeeze3A : i32
        %and3A_255 = arith.andi %eq3A_253, %ge3A_254 : i1
        %jit3A_256 = arith.constant 1 : i32
        %select_n3A_257 = arith.select %and3A_255, %jit3A_256, %select_n3A_241 : i32
        %select_n3A_258 = arith.select %and3A_255, %add3A_250, %select_n3A_242 : i32
        %select_n3A_259 = arith.select %and3A_255, %add3A_251, %select_n3A_243 : i32
        %select_n3A_260 = arith.select %and3A_255, %squeeze3A_246, %select_n3A_244 : i32
        %slice3A_261 = vector.extract_strided_slice %get3A_217 {offsets = [12], sizes = [1], strides = [1]} : vector<16xi32> to vector<1xi32>
        %squeeze3A_262 = vector.extract %slice3A_261[0] : i32 from vector<1xi32>
        %mul3A_263 = arith.constant 16 : i32
        %mul3A_264 = arith.muli %sub3A_214, %mul3A_263 : i32
        %add3A_265 = arith.constant 12 : i32
        %add3A_266 = arith.addi %mul3A_264, %add3A_265 : i32
        %add3A_267 = arith.addi %add3A_251, %squeeze3A_262 : i32
        %eq3A_268 = arith.constant 0 : i32
        %eq3A_269 = arith.cmpi eq, %select_n3A_257, %eq3A_268 : i32
        %ge3A_270 = arith.cmpi sge, %add3A_267, %squeeze3A : i32
        %and3A_271 = arith.andi %eq3A_269, %ge3A_270 : i1
        %jit3A_272 = arith.constant 1 : i32
        %select_n3A_273 = arith.select %and3A_271, %jit3A_272, %select_n3A_257 : i32
        %select_n3A_274 = arith.select %and3A_271, %add3A_266, %select_n3A_258 : i32
        %select_n3A_275 = arith.select %and3A_271, %add3A_267, %select_n3A_259 : i32
        %select_n3A_276 = arith.select %and3A_271, %squeeze3A_262, %select_n3A_260 : i32
        %slice3A_277 = vector.extract_strided_slice %get3A_217 {offsets = [11], sizes = [1], strides = [1]} : vector<16xi32> to vector<1xi32>
        %squeeze3A_278 = vector.extract %slice3A_277[0] : i32 from vector<1xi32>
        %mul3A_279 = arith.constant 16 : i32
        %mul3A_280 = arith.muli %sub3A_214, %mul3A_279 : i32
        %add3A_281 = arith.constant 11 : i32
        %add3A_282 = arith.addi %mul3A_280, %add3A_281 : i32
        %add3A_283 = arith.addi %add3A_267, %squeeze3A_278 : i32
        %eq3A_284 = arith.constant 0 : i32
        %eq3A_285 = arith.cmpi eq, %select_n3A_273, %eq3A_284 : i32
        %ge3A_286 = arith.cmpi sge, %add3A_283, %squeeze3A : i32
        %and3A_287 = arith.andi %eq3A_285, %ge3A_286 : i1
        %jit3A_288 = arith.constant 1 : i32
        %select_n3A_289 = arith.select %and3A_287, %jit3A_288, %select_n3A_273 : i32
        %select_n3A_290 = arith.select %and3A_287, %add3A_282, %select_n3A_274 : i32
        %select_n3A_291 = arith.select %and3A_287, %add3A_283, %select_n3A_275 : i32
        %select_n3A_292 = arith.select %and3A_287, %squeeze3A_278, %select_n3A_276 : i32
        %slice3A_293 = vector.extract_strided_slice %get3A_217 {offsets = [10], sizes = [1], strides = [1]} : vector<16xi32> to vector<1xi32>
        %squeeze3A_294 = vector.extract %slice3A_293[0] : i32 from vector<1xi32>
        %mul3A_295 = arith.constant 16 : i32
        %mul3A_296 = arith.muli %sub3A_214, %mul3A_295 : i32
        %add3A_297 = arith.constant 10 : i32
        %add3A_298 = arith.addi %mul3A_296, %add3A_297 : i32
        %add3A_299 = arith.addi %add3A_283, %squeeze3A_294 : i32
        %eq3A_300 = arith.constant 0 : i32
        %eq3A_301 = arith.cmpi eq, %select_n3A_289, %eq3A_300 : i32
        %ge3A_302 = arith.cmpi sge, %add3A_299, %squeeze3A : i32
        %and3A_303 = arith.andi %eq3A_301, %ge3A_302 : i1
        %jit3A_304 = arith.constant 1 : i32
        %select_n3A_305 = arith.select %and3A_303, %jit3A_304, %select_n3A_289 : i32
        %select_n3A_306 = arith.select %and3A_303, %add3A_298, %select_n3A_290 : i32
        %select_n3A_307 = arith.select %and3A_303, %add3A_299, %select_n3A_291 : i32
        %select_n3A_308 = arith.select %and3A_303, %squeeze3A_294, %select_n3A_292 : i32
        %slice3A_309 = vector.extract_strided_slice %get3A_217 {offsets = [9], sizes = [1], strides = [1]} : vector<16xi32> to vector<1xi32>
        %squeeze3A_310 = vector.extract %slice3A_309[0] : i32 from vector<1xi32>
        %mul3A_311 = arith.constant 16 : i32
        %mul3A_312 = arith.muli %sub3A_214, %mul3A_311 : i32
        %add3A_313 = arith.constant 9 : i32
        %add3A_314 = arith.addi %mul3A_312, %add3A_313 : i32
        %add3A_315 = arith.addi %add3A_299, %squeeze3A_310 : i32
        %eq3A_316 = arith.constant 0 : i32
        %eq3A_317 = arith.cmpi eq, %select_n3A_305, %eq3A_316 : i32
        %ge3A_318 = arith.cmpi sge, %add3A_315, %squeeze3A : i32
        %and3A_319 = arith.andi %eq3A_317, %ge3A_318 : i1
        %jit3A_320 = arith.constant 1 : i32
        %select_n3A_321 = arith.select %and3A_319, %jit3A_320, %select_n3A_305 : i32
        %select_n3A_322 = arith.select %and3A_319, %add3A_314, %select_n3A_306 : i32
        %select_n3A_323 = arith.select %and3A_319, %add3A_315, %select_n3A_307 : i32
        %select_n3A_324 = arith.select %and3A_319, %squeeze3A_310, %select_n3A_308 : i32
        %slice3A_325 = vector.extract_strided_slice %get3A_217 {offsets = [8], sizes = [1], strides = [1]} : vector<16xi32> to vector<1xi32>
        %squeeze3A_326 = vector.extract %slice3A_325[0] : i32 from vector<1xi32>
        %mul3A_327 = arith.constant 16 : i32
        %mul3A_328 = arith.muli %sub3A_214, %mul3A_327 : i32
        %add3A_329 = arith.constant 8 : i32
        %add3A_330 = arith.addi %mul3A_328, %add3A_329 : i32
        %add3A_331 = arith.addi %add3A_315, %squeeze3A_326 : i32
        %eq3A_332 = arith.constant 0 : i32
        %eq3A_333 = arith.cmpi eq, %select_n3A_321, %eq3A_332 : i32
        %ge3A_334 = arith.cmpi sge, %add3A_331, %squeeze3A : i32
        %and3A_335 = arith.andi %eq3A_333, %ge3A_334 : i1
        %jit3A_336 = arith.constant 1 : i32
        %select_n3A_337 = arith.select %and3A_335, %jit3A_336, %select_n3A_321 : i32
        %select_n3A_338 = arith.select %and3A_335, %add3A_330, %select_n3A_322 : i32
        %select_n3A_339 = arith.select %and3A_335, %add3A_331, %select_n3A_323 : i32
        %select_n3A_340 = arith.select %and3A_335, %squeeze3A_326, %select_n3A_324 : i32
        %slice3A_341 = vector.extract_strided_slice %get3A_217 {offsets = [7], sizes = [1], strides = [1]} : vector<16xi32> to vector<1xi32>
        %squeeze3A_342 = vector.extract %slice3A_341[0] : i32 from vector<1xi32>
        %mul3A_343 = arith.constant 16 : i32
        %mul3A_344 = arith.muli %sub3A_214, %mul3A_343 : i32
        %add3A_345 = arith.constant 7 : i32
        %add3A_346 = arith.addi %mul3A_344, %add3A_345 : i32
        %add3A_347 = arith.addi %add3A_331, %squeeze3A_342 : i32
        %eq3A_348 = arith.constant 0 : i32
        %eq3A_349 = arith.cmpi eq, %select_n3A_337, %eq3A_348 : i32
        %ge3A_350 = arith.cmpi sge, %add3A_347, %squeeze3A : i32
        %and3A_351 = arith.andi %eq3A_349, %ge3A_350 : i1
        %jit3A_352 = arith.constant 1 : i32
        %select_n3A_353 = arith.select %and3A_351, %jit3A_352, %select_n3A_337 : i32
        %select_n3A_354 = arith.select %and3A_351, %add3A_346, %select_n3A_338 : i32
        %select_n3A_355 = arith.select %and3A_351, %add3A_347, %select_n3A_339 : i32
        %select_n3A_356 = arith.select %and3A_351, %squeeze3A_342, %select_n3A_340 : i32
        %slice3A_357 = vector.extract_strided_slice %get3A_217 {offsets = [6], sizes = [1], strides = [1]} : vector<16xi32> to vector<1xi32>
        %squeeze3A_358 = vector.extract %slice3A_357[0] : i32 from vector<1xi32>
        %mul3A_359 = arith.constant 16 : i32
        %mul3A_360 = arith.muli %sub3A_214, %mul3A_359 : i32
        %add3A_361 = arith.constant 6 : i32
        %add3A_362 = arith.addi %mul3A_360, %add3A_361 : i32
        %add3A_363 = arith.addi %add3A_347, %squeeze3A_358 : i32
        %eq3A_364 = arith.constant 0 : i32
        %eq3A_365 = arith.cmpi eq, %select_n3A_353, %eq3A_364 : i32
        %ge3A_366 = arith.cmpi sge, %add3A_363, %squeeze3A : i32
        %and3A_367 = arith.andi %eq3A_365, %ge3A_366 : i1
        %jit3A_368 = arith.constant 1 : i32
        %select_n3A_369 = arith.select %and3A_367, %jit3A_368, %select_n3A_353 : i32
        %select_n3A_370 = arith.select %and3A_367, %add3A_362, %select_n3A_354 : i32
        %select_n3A_371 = arith.select %and3A_367, %add3A_363, %select_n3A_355 : i32
        %select_n3A_372 = arith.select %and3A_367, %squeeze3A_358, %select_n3A_356 : i32
        %slice3A_373 = vector.extract_strided_slice %get3A_217 {offsets = [5], sizes = [1], strides = [1]} : vector<16xi32> to vector<1xi32>
        %squeeze3A_374 = vector.extract %slice3A_373[0] : i32 from vector<1xi32>
        %mul3A_375 = arith.constant 16 : i32
        %mul3A_376 = arith.muli %sub3A_214, %mul3A_375 : i32
        %add3A_377 = arith.constant 5 : i32
        %add3A_378 = arith.addi %mul3A_376, %add3A_377 : i32
        %add3A_379 = arith.addi %add3A_363, %squeeze3A_374 : i32
        %eq3A_380 = arith.constant 0 : i32
        %eq3A_381 = arith.cmpi eq, %select_n3A_369, %eq3A_380 : i32
        %ge3A_382 = arith.cmpi sge, %add3A_379, %squeeze3A : i32
        %and3A_383 = arith.andi %eq3A_381, %ge3A_382 : i1
        %jit3A_384 = arith.constant 1 : i32
        %select_n3A_385 = arith.select %and3A_383, %jit3A_384, %select_n3A_369 : i32
        %select_n3A_386 = arith.select %and3A_383, %add3A_378, %select_n3A_370 : i32
        %select_n3A_387 = arith.select %and3A_383, %add3A_379, %select_n3A_371 : i32
        %select_n3A_388 = arith.select %and3A_383, %squeeze3A_374, %select_n3A_372 : i32
        %slice3A_389 = vector.extract_strided_slice %get3A_217 {offsets = [4], sizes = [1], strides = [1]} : vector<16xi32> to vector<1xi32>
        %squeeze3A_390 = vector.extract %slice3A_389[0] : i32 from vector<1xi32>
        %mul3A_391 = arith.constant 16 : i32
        %mul3A_392 = arith.muli %sub3A_214, %mul3A_391 : i32
        %add3A_393 = arith.constant 4 : i32
        %add3A_394 = arith.addi %mul3A_392, %add3A_393 : i32
        %add3A_395 = arith.addi %add3A_379, %squeeze3A_390 : i32
        %eq3A_396 = arith.constant 0 : i32
        %eq3A_397 = arith.cmpi eq, %select_n3A_385, %eq3A_396 : i32
        %ge3A_398 = arith.cmpi sge, %add3A_395, %squeeze3A : i32
        %and3A_399 = arith.andi %eq3A_397, %ge3A_398 : i1
        %jit3A_400 = arith.constant 1 : i32
        %select_n3A_401 = arith.select %and3A_399, %jit3A_400, %select_n3A_385 : i32
        %select_n3A_402 = arith.select %and3A_399, %add3A_394, %select_n3A_386 : i32
        %select_n3A_403 = arith.select %and3A_399, %add3A_395, %select_n3A_387 : i32
        %select_n3A_404 = arith.select %and3A_399, %squeeze3A_390, %select_n3A_388 : i32
        %slice3A_405 = vector.extract_strided_slice %get3A_217 {offsets = [3], sizes = [1], strides = [1]} : vector<16xi32> to vector<1xi32>
        %squeeze3A_406 = vector.extract %slice3A_405[0] : i32 from vector<1xi32>
        %mul3A_407 = arith.constant 16 : i32
        %mul3A_408 = arith.muli %sub3A_214, %mul3A_407 : i32
        %add3A_409 = arith.constant 3 : i32
        %add3A_410 = arith.addi %mul3A_408, %add3A_409 : i32
        %add3A_411 = arith.addi %add3A_395, %squeeze3A_406 : i32
        %eq3A_412 = arith.constant 0 : i32
        %eq3A_413 = arith.cmpi eq, %select_n3A_401, %eq3A_412 : i32
        %ge3A_414 = arith.cmpi sge, %add3A_411, %squeeze3A : i32
        %and3A_415 = arith.andi %eq3A_413, %ge3A_414 : i1
        %jit3A_416 = arith.constant 1 : i32
        %select_n3A_417 = arith.select %and3A_415, %jit3A_416, %select_n3A_401 : i32
        %select_n3A_418 = arith.select %and3A_415, %add3A_410, %select_n3A_402 : i32
        %select_n3A_419 = arith.select %and3A_415, %add3A_411, %select_n3A_403 : i32
        %select_n3A_420 = arith.select %and3A_415, %squeeze3A_406, %select_n3A_404 : i32
        %slice3A_421 = vector.extract_strided_slice %get3A_217 {offsets = [2], sizes = [1], strides = [1]} : vector<16xi32> to vector<1xi32>
        %squeeze3A_422 = vector.extract %slice3A_421[0] : i32 from vector<1xi32>
        %mul3A_423 = arith.constant 16 : i32
        %mul3A_424 = arith.muli %sub3A_214, %mul3A_423 : i32
        %add3A_425 = arith.constant 2 : i32
        %add3A_426 = arith.addi %mul3A_424, %add3A_425 : i32
        %add3A_427 = arith.addi %add3A_411, %squeeze3A_422 : i32
        %eq3A_428 = arith.constant 0 : i32
        %eq3A_429 = arith.cmpi eq, %select_n3A_417, %eq3A_428 : i32
        %ge3A_430 = arith.cmpi sge, %add3A_427, %squeeze3A : i32
        %and3A_431 = arith.andi %eq3A_429, %ge3A_430 : i1
        %jit3A_432 = arith.constant 1 : i32
        %select_n3A_433 = arith.select %and3A_431, %jit3A_432, %select_n3A_417 : i32
        %select_n3A_434 = arith.select %and3A_431, %add3A_426, %select_n3A_418 : i32
        %select_n3A_435 = arith.select %and3A_431, %add3A_427, %select_n3A_419 : i32
        %select_n3A_436 = arith.select %and3A_431, %squeeze3A_422, %select_n3A_420 : i32
        %slice3A_437 = vector.extract_strided_slice %get3A_217 {offsets = [1], sizes = [1], strides = [1]} : vector<16xi32> to vector<1xi32>
        %squeeze3A_438 = vector.extract %slice3A_437[0] : i32 from vector<1xi32>
        %mul3A_439 = arith.constant 16 : i32
        %mul3A_440 = arith.muli %sub3A_214, %mul3A_439 : i32
        %add3A_441 = arith.constant 1 : i32
        %add3A_442 = arith.addi %mul3A_440, %add3A_441 : i32
        %add3A_443 = arith.addi %add3A_427, %squeeze3A_438 : i32
        %eq3A_444 = arith.constant 0 : i32
        %eq3A_445 = arith.cmpi eq, %select_n3A_433, %eq3A_444 : i32
        %ge3A_446 = arith.cmpi sge, %add3A_443, %squeeze3A : i32
        %and3A_447 = arith.andi %eq3A_445, %ge3A_446 : i1
        %jit3A_448 = arith.constant 1 : i32
        %select_n3A_449 = arith.select %and3A_447, %jit3A_448, %select_n3A_433 : i32
        %select_n3A_450 = arith.select %and3A_447, %add3A_442, %select_n3A_434 : i32
        %select_n3A_451 = arith.select %and3A_447, %add3A_443, %select_n3A_435 : i32
        %select_n3A_452 = arith.select %and3A_447, %squeeze3A_438, %select_n3A_436 : i32
        %slice3A_453 = vector.extract_strided_slice %get3A_217 {offsets = [0], sizes = [1], strides = [1]} : vector<16xi32> to vector<1xi32>
        %squeeze3A_454 = vector.extract %slice3A_453[0] : i32 from vector<1xi32>
        %mul3A_455 = arith.constant 16 : i32
        %mul3A_456 = arith.muli %sub3A_214, %mul3A_455 : i32
        %add3A_457 = arith.constant 0 : i32
        %add3A_458 = arith.addi %mul3A_456, %add3A_457 : i32
        %add3A_459 = arith.addi %add3A_443, %squeeze3A_454 : i32
        %eq3A_460 = arith.constant 0 : i32
        %eq3A_461 = arith.cmpi eq, %select_n3A_449, %eq3A_460 : i32
        %ge3A_462 = arith.cmpi sge, %add3A_459, %squeeze3A : i32
        %and3A_463 = arith.andi %eq3A_461, %ge3A_462 : i1
        %jit3A_464 = arith.constant 1 : i32
        %select_n3A_465 = arith.select %and3A_463, %jit3A_464, %select_n3A_449 : i32
        %select_n3A_466 = arith.select %and3A_463, %add3A_458, %select_n3A_450 : i32
        %select_n3A_467 = arith.select %and3A_463, %add3A_459, %select_n3A_451 : i32
        %select_n3A_468 = arith.select %and3A_463, %squeeze3A_454, %select_n3A_452 : i32
        scf.yield %add3A_459, %select_n3A_465, %select_n3A_466, %select_n3A_467, %select_n3A_468 : i32, i32, i32, i32, i32
      }
      %scan3A_197 = arith.constant 8 : i32
      %sub3A = arith.subi %scan3A_196#3, %scan3A_196#4 : i32
      %sub3A_198 = arith.subi %squeeze3A, %sub3A : i32
      %broadcast_in_dim3A_199 = vector.broadcast %sub3A_198 : i32 to vector<16xi32>
      %swap3A_200 = arith.constant 0 : index
      %swap3A_201 = tpu.vector_load %arg14[%swap3A_200] {strides = array<i32>} : memref<16xi32, #tpu.memory_space<vmem>>, vector<16xi32>,
      tpu.vector_store %arg14[%swap3A_200], %broadcast_in_dim3A_199 {strides = array<i32>} : memref<16xi32, #tpu.memory_space<vmem>>, vector<16xi32>,
      %broadcast_in_dim3A_202 = vector.broadcast %scan3A_196#2 : i32 to vector<16xi32>
      %swap3A_203 = arith.constant 0 : i32
      %swap3A_204 = arith.index_cast %swap3A_203 : i32 to index
      %swap3A_205 = arith.constant 0 : index
      %swap3A_206 = tpu.vector_load %arg13[%swap3A_204, %swap3A_205] {strides = array<i32>} : memref<16x16xi32, #tpu.memory_space<vmem>>, vector<16xi32>,
      tpu.vector_store %arg13[%swap3A_204, %swap3A_205], %broadcast_in_dim3A_202 {strides = array<i32>} : memref<16x16xi32, #tpu.memory_space<vmem>>, vector<16xi32>,
      "tpu.region"() ({
        %run_scoped3A = tpu.sem_alloc : memref<!tpu.dma_semaphore, #tpu.memory_space<semaphore_mem>>
        tpu.enqueue_dma source(%arg13 : memref<16x16xi32, #tpu.memory_space<vmem>>) target(%arg21 : memref<16x16xi32, #tpu.memory_space<vmem_shared>>) target_semaphore(%run_scoped3A : memref<!tpu.dma_semaphore, #tpu.memory_space<semaphore_mem>>)
        tpu.wait_dma2 semaphore(%run_scoped3A : memref<!tpu.dma_semaphore, #tpu.memory_space<semaphore_mem>>) src(%arg13 : memref<16x16xi32, #tpu.memory_space<vmem>>) dst(%arg21 : memref<16x16xi32, #tpu.memory_space<vmem_shared>>)
        tpu.yield
      }) : () -> ()
    } else {
    }
    %barrier3A_146 = arith.constant 0 : index
    tpu.barrier barrier_id(%barrier3A_146)
    "tpu.region"() ({
      %run_scoped3A = tpu.sem_alloc : memref<!tpu.dma_semaphore, #tpu.memory_space<semaphore_mem>>
      tpu.enqueue_dma source(%arg21 : memref<16x16xi32, #tpu.memory_space<vmem_shared>>) target(%arg13 : memref<16x16xi32, #tpu.memory_space<vmem>>) target_semaphore(%run_scoped3A : memref<!tpu.dma_semaphore, #tpu.memory_space<semaphore_mem>>)
      tpu.wait_dma2 semaphore(%run_scoped3A : memref<!tpu.dma_semaphore, #tpu.memory_space<semaphore_mem>>) src(%arg21 : memref<16x16xi32, #tpu.memory_space<vmem_shared>>) dst(%arg13 : memref<16x16xi32, #tpu.memory_space<vmem>>)
      tpu.yield
    }) : () -> ()
    %shift_left3A_147 = arith.constant 7 : i32
    %shift_left3A_148 = vector.broadcast %shift_left3A_147 : i32 to vector<16xi32>
    %shift_left3A_149 = arith.shli %or3A_115, %shift_left3A_148 : vector<16xi32>
    %get3A_150 = arith.constant 0 : i32
    %get3A_151 = arith.index_cast %get3A_150 : i32 to index
    %get3A_152 = arith.constant 0 : index
    %get3A_153 = tpu.vector_load %arg13[%get3A_151, %get3A_152] {strides = array<i32>} : memref<16x16xi32, #tpu.memory_space<vmem>>, vector<16xi32>,
    %or3A_154 = arith.ori %shift_left3A_149, %get3A_153 : vector<16xi32>
    %broadcast_in_dim3A_155 = arith.constant 0.000000e+00 : f32
    %broadcast_in_dim3A_156 = vector.broadcast %broadcast_in_dim3A_155 : f32 to vector<16xf32>
    %scan3A_157 = arith.constant 0 : i32
    %scan3A_158 = arith.constant 512 : i32
    %scan3A_159 = arith.addi %scan3A_157, %scan3A_158 : i32
    %scan3A_160 = arith.constant 1 : i32
    %scan3A_161 = scf.for %scan3A_171 = %scan3A_157 to %scan3A_159 step %scan3A_160 iter_args(%scan3A_172 = %broadcast_in_dim3A_156) -> (vector<16xf32>)  : i32 {
      %mul3A_173 = arith.constant 128 : i32
      %mul3A_174 = arith.muli %scan3A_171, %mul3A_173 : i32
      %add3A = arith.constant 0 : i32
      %add3A_175 = arith.addi %mul3A_174, %add3A : i32
      %get3A_176 = arith.index_cast %add3A_175 : i32 to index
      %get3A_177 = tpu.vector_load %arg8[%get3A_176] {strides = array<i32>} : memref<65536xi32, #tpu.memory_space<vmem>>, vector<16xi32>,
      %bitcast3A = vector.bitcast %get3A_177 : vector<16xi32> to vector<16xf32>
      %gt3A = arith.cmpi sgt, %get3A_177, %or3A_154 : vector<16xi32>
      %jit3A = arith.constant 0.000000e+00 : f32
      %broadcast_in_dim3A_178 = vector.broadcast %jit3A : f32 to vector<16xf32>
      %select_n3A = arith.select %gt3A, %bitcast3A, %broadcast_in_dim3A_178 : vector<16xi1>, vector<16xf32>
      %add3A_179 = arith.addf %scan3A_172, %select_n3A : vector<16xf32>
      %mul3A_180 = arith.constant 128 : i32
      %mul3A_181 = arith.muli %scan3A_171, %mul3A_180 : i32
      %add3A_182 = arith.constant 16 : i32
      %add3A_183 = arith.addi %mul3A_181, %add3A_182 : i32
      %get3A_184 = arith.index_cast %add3A_183 : i32 to index
      %get3A_185 = tpu.vector_load %arg8[%get3A_184] {strides = array<i32>} : memref<65536xi32, #tpu.memory_space<vmem>>, vector<16xi32>,
      %bitcast3A_186 = vector.bitcast %get3A_185 : vector<16xi32> to vector<16xf32>
      %gt3A_187 = arith.cmpi sgt, %get3A_185, %or3A_154 : vector<16xi32>
      %jit3A_188 = arith.constant 0.000000e+00 : f32
      %broadcast_in_dim3A_189 = vector.broadcast %jit3A_188 : f32 to vector<16xf32>
      %select_n3A_190 = arith.select %gt3A_187, %bitcast3A_186, %broadcast_in_dim3A_189 : vector<16xi1>, vector<16xf32>
      %add3A_191 = arith.addf %add3A_179, %select_n3A_190 : vector<16xf32>
      %mul3A_192 = arith.constant 128 : i32
      %mul3A_193 = arith.muli %scan3A_171, %mul3A_192 : i32
      %add3A_194 = arith.constant 32 : i32
      %add3A_195 = arith.addi %mul3A_193, %add3A_194 : i32
      %get3A_196 = arith.index_cast %add3A_195 : i32 to index
      %get3A_197 = tpu.vector_load %arg8[%get3A_196] {strides = array<i32>} : memref<65536xi32, #tpu.memory_space<vmem>>, vector<16xi32>,
      %bitcast3A_198 = vector.bitcast %get3A_197 : vector<16xi32> to vector<16xf32>
      %gt3A_199 = arith.cmpi sgt, %get3A_197, %or3A_154 : vector<16xi32>
      %jit3A_200 = arith.constant 0.000000e+00 : f32
      %broadcast_in_dim3A_201 = vector.broadcast %jit3A_200 : f32 to vector<16xf32>
      %select_n3A_202 = arith.select %gt3A_199, %bitcast3A_198, %broadcast_in_dim3A_201 : vector<16xi1>, vector<16xf32>
      %add3A_203 = arith.addf %add3A_191, %select_n3A_202 : vector<16xf32>
      %mul3A_204 = arith.constant 128 : i32
      %mul3A_205 = arith.muli %scan3A_171, %mul3A_204 : i32
      %add3A_206 = arith.constant 48 : i32
      %add3A_207 = arith.addi %mul3A_205, %add3A_206 : i32
      %get3A_208 = arith.index_cast %add3A_207 : i32 to index
      %get3A_209 = tpu.vector_load %arg8[%get3A_208] {strides = array<i32>} : memref<65536xi32, #tpu.memory_space<vmem>>, vector<16xi32>,
      %bitcast3A_210 = vector.bitcast %get3A_209 : vector<16xi32> to vector<16xf32>
      %gt3A_211 = arith.cmpi sgt, %get3A_209, %or3A_154 : vector<16xi32>
      %jit3A_212 = arith.constant 0.000000e+00 : f32
      %broadcast_in_dim3A_213 = vector.broadcast %jit3A_212 : f32 to vector<16xf32>
      %select_n3A_214 = arith.select %gt3A_211, %bitcast3A_210, %broadcast_in_dim3A_213 : vector<16xi1>, vector<16xf32>
      %add3A_215 = arith.addf %add3A_203, %select_n3A_214 : vector<16xf32>
      %mul3A_216 = arith.constant 128 : i32
      %mul3A_217 = arith.muli %scan3A_171, %mul3A_216 : i32
      %add3A_218 = arith.constant 64 : i32
      %add3A_219 = arith.addi %mul3A_217, %add3A_218 : i32
      %get3A_220 = arith.index_cast %add3A_219 : i32 to index
      %get3A_221 = tpu.vector_load %arg8[%get3A_220] {strides = array<i32>} : memref<65536xi32, #tpu.memory_space<vmem>>, vector<16xi32>,
      %bitcast3A_222 = vector.bitcast %get3A_221 : vector<16xi32> to vector<16xf32>
      %gt3A_223 = arith.cmpi sgt, %get3A_221, %or3A_154 : vector<16xi32>
      %jit3A_224 = arith.constant 0.000000e+00 : f32
      %broadcast_in_dim3A_225 = vector.broadcast %jit3A_224 : f32 to vector<16xf32>
      %select_n3A_226 = arith.select %gt3A_223, %bitcast3A_222, %broadcast_in_dim3A_225 : vector<16xi1>, vector<16xf32>
      %add3A_227 = arith.addf %add3A_215, %select_n3A_226 : vector<16xf32>
      %mul3A_228 = arith.constant 128 : i32
      %mul3A_229 = arith.muli %scan3A_171, %mul3A_228 : i32
      %add3A_230 = arith.constant 80 : i32
      %add3A_231 = arith.addi %mul3A_229, %add3A_230 : i32
      %get3A_232 = arith.index_cast %add3A_231 : i32 to index
      %get3A_233 = tpu.vector_load %arg8[%get3A_232] {strides = array<i32>} : memref<65536xi32, #tpu.memory_space<vmem>>, vector<16xi32>,
      %bitcast3A_234 = vector.bitcast %get3A_233 : vector<16xi32> to vector<16xf32>
      %gt3A_235 = arith.cmpi sgt, %get3A_233, %or3A_154 : vector<16xi32>
      %jit3A_236 = arith.constant 0.000000e+00 : f32
      %broadcast_in_dim3A_237 = vector.broadcast %jit3A_236 : f32 to vector<16xf32>
      %select_n3A_238 = arith.select %gt3A_235, %bitcast3A_234, %broadcast_in_dim3A_237 : vector<16xi1>, vector<16xf32>
      %add3A_239 = arith.addf %add3A_227, %select_n3A_238 : vector<16xf32>
      %mul3A_240 = arith.constant 128 : i32
      %mul3A_241 = arith.muli %scan3A_171, %mul3A_240 : i32
      %add3A_242 = arith.constant 96 : i32
      %add3A_243 = arith.addi %mul3A_241, %add3A_242 : i32
      %get3A_244 = arith.index_cast %add3A_243 : i32 to index
      %get3A_245 = tpu.vector_load %arg8[%get3A_244] {strides = array<i32>} : memref<65536xi32, #tpu.memory_space<vmem>>, vector<16xi32>,
      %bitcast3A_246 = vector.bitcast %get3A_245 : vector<16xi32> to vector<16xf32>
      %gt3A_247 = arith.cmpi sgt, %get3A_245, %or3A_154 : vector<16xi32>
      %jit3A_248 = arith.constant 0.000000e+00 : f32
      %broadcast_in_dim3A_249 = vector.broadcast %jit3A_248 : f32 to vector<16xf32>
      %select_n3A_250 = arith.select %gt3A_247, %bitcast3A_246, %broadcast_in_dim3A_249 : vector<16xi1>, vector<16xf32>
      %add3A_251 = arith.addf %add3A_239, %select_n3A_250 : vector<16xf32>
      %mul3A_252 = arith.constant 128 : i32
      %mul3A_253 = arith.muli %scan3A_171, %mul3A_252 : i32
      %add3A_254 = arith.constant 112 : i32
      %add3A_255 = arith.addi %mul3A_253, %add3A_254 : i32
      %get3A_256 = arith.index_cast %add3A_255 : i32 to index
      %get3A_257 = tpu.vector_load %arg8[%get3A_256] {strides = array<i32>} : memref<65536xi32, #tpu.memory_space<vmem>>, vector<16xi32>,
      %bitcast3A_258 = vector.bitcast %get3A_257 : vector<16xi32> to vector<16xf32>
      %gt3A_259 = arith.cmpi sgt, %get3A_257, %or3A_154 : vector<16xi32>
      %jit3A_260 = arith.constant 0.000000e+00 : f32
      %broadcast_in_dim3A_261 = vector.broadcast %jit3A_260 : f32 to vector<16xf32>
      %select_n3A_262 = arith.select %gt3A_259, %bitcast3A_258, %broadcast_in_dim3A_261 : vector<16xi1>, vector<16xf32>
      %add3A_263 = arith.addf %add3A_251, %select_n3A_262 : vector<16xf32>
      scf.yield %add3A_263 : vector<16xf32>
    }
    %scan3A_162 = arith.constant 512 : i32
    %swap3A_163 = arith.constant 0 : index
    %swap3A_164 = tpu.vector_load %arg15[%swap3A_163] {strides = array<i32>} : memref<16xf32, #tpu.memory_space<vmem>>, vector<16xf32>,
    tpu.vector_store %arg15[%swap3A_163], %scan3A_161 {strides = array<i32>} : memref<16xf32, #tpu.memory_space<vmem>>, vector<16xf32>,
    "tpu.region"() ({
      %run_scoped3A = tpu.sem_alloc : memref<!tpu.dma_semaphore, #tpu.memory_space<semaphore_mem>>
      %dma_start3A = arith.constant 0 : i32
      %dma_start3A_171 = tpu.memref_slice %arg7[%arg1, %dma_start3A] : memref<16x16xf32, #tpu.memory_space<hbm>> -> memref<1x16xf32, #tpu.memory_space<hbm>>
      %dma_start3A_172 = tpu.memref_squeeze %dma_start3A_171 : memref<1x16xf32, #tpu.memory_space<hbm>> -> memref<16xf32, #tpu.memory_space<hbm>>
      %dma_start3A_173 = arith.constant 0 : i32
      %dma_start3A_174 = tpu.memref_slice %arg7[%arg1, %dma_start3A_173] : memref<16x16xf32, #tpu.memory_space<hbm>> -> memref<1x16xf32, #tpu.memory_space<hbm>>
      %dma_start3A_175 = tpu.memref_squeeze %dma_start3A_174 : memref<1x16xf32, #tpu.memory_space<hbm>> -> memref<16xf32, #tpu.memory_space<hbm>>
      tpu.enqueue_dma source(%arg15 : memref<16xf32, #tpu.memory_space<vmem>>) target(%dma_start3A_175 : memref<16xf32, #tpu.memory_space<hbm>>) target_semaphore(%run_scoped3A : memref<!tpu.dma_semaphore, #tpu.memory_space<semaphore_mem>>)
      %dma_wait3A = arith.constant 0 : i32
      %dma_wait3A_176 = tpu.memref_slice %arg7[%arg1, %dma_wait3A] : memref<16x16xf32, #tpu.memory_space<hbm>> -> memref<1x16xf32, #tpu.memory_space<hbm>>
      %dma_wait3A_177 = tpu.memref_squeeze %dma_wait3A_176 : memref<1x16xf32, #tpu.memory_space<hbm>> -> memref<16xf32, #tpu.memory_space<hbm>>
      %dma_wait3A_178 = arith.constant 0 : i32
      %dma_wait3A_179 = tpu.memref_slice %arg7[%arg1, %dma_wait3A_178] : memref<16x16xf32, #tpu.memory_space<hbm>> -> memref<1x16xf32, #tpu.memory_space<hbm>>
      %dma_wait3A_180 = tpu.memref_squeeze %dma_wait3A_179 : memref<1x16xf32, #tpu.memory_space<hbm>> -> memref<16xf32, #tpu.memory_space<hbm>>
      tpu.wait_dma2 semaphore(%run_scoped3A : memref<!tpu.dma_semaphore, #tpu.memory_space<semaphore_mem>>) src(%arg15 : memref<16xf32, #tpu.memory_space<vmem>>) dst(%dma_wait3A_180 : memref<16xf32, #tpu.memory_space<hbm>>)
      tpu.yield
    }) : () -> ()
    %barrier3A_165 = arith.constant 0 : index
    tpu.barrier barrier_id(%barrier3A_165)
    %eq3A_166 = arith.constant 0 : i32
    %eq3A_167 = arith.cmpi eq, %arg1, %eq3A_166 : i32
    %convert_element_type3A_168 = arith.extui %eq3A_167 : i1 to i32
    %cond3A_169 = arith.constant 0 : i32
    %cond3A_170 = arith.cmpi ne, %convert_element_type3A_168, %cond3A_169 : i32
    scf.if %cond3A_170 {
      "tpu.region"() ({
        %run_scoped3A = tpu.sem_alloc : memref<!tpu.dma_semaphore, #tpu.memory_space<semaphore_mem>>
        tpu.enqueue_dma source(%arg4 : memref<16xi32, #tpu.memory_space<hbm>>) target(%arg12 : memref<16xi32, #tpu.memory_space<vmem>>) target_semaphore(%run_scoped3A : memref<!tpu.dma_semaphore, #tpu.memory_space<semaphore_mem>>)
        tpu.wait_dma2 semaphore(%run_scoped3A : memref<!tpu.dma_semaphore, #tpu.memory_space<semaphore_mem>>) src(%arg4 : memref<16xi32, #tpu.memory_space<hbm>>) dst(%arg12 : memref<16xi32, #tpu.memory_space<vmem>>)
        tpu.yield
      }) : () -> ()
      %get3A_171 = arith.constant 0 : index
      %get3A_172 = tpu.vector_load %arg12[%get3A_171] {strides = array<i32>} : memref<16xi32, #tpu.memory_space<vmem>>, vector<16xi32>,
      %bitcast3A = vector.bitcast %get3A_172 : vector<16xi32> to vector<16xf32>
      "tpu.region"() ({
        %run_scoped3A = tpu.sem_alloc : memref<!tpu.dma_semaphore, #tpu.memory_space<semaphore_mem>>
        tpu.enqueue_dma source(%arg7 : memref<16x16xf32, #tpu.memory_space<hbm>>) target(%arg16 : memref<16x16xf32, #tpu.memory_space<vmem>>) target_semaphore(%run_scoped3A : memref<!tpu.dma_semaphore, #tpu.memory_space<semaphore_mem>>)
        tpu.wait_dma2 semaphore(%run_scoped3A : memref<!tpu.dma_semaphore, #tpu.memory_space<semaphore_mem>>) src(%arg7 : memref<16x16xf32, #tpu.memory_space<hbm>>) dst(%arg16 : memref<16x16xf32, #tpu.memory_space<vmem>>)
        tpu.yield
      }) : () -> ()
      %broadcast_in_dim3A_173 = arith.constant 0.000000e+00 : f32
      %broadcast_in_dim3A_174 = vector.broadcast %broadcast_in_dim3A_173 : f32 to vector<16xf32>
      %scan3A_175 = arith.constant 0 : i32
      %scan3A_176 = arith.constant 16 : i32
      %scan3A_177 = arith.addi %scan3A_175, %scan3A_176 : i32
      %scan3A_178 = arith.constant 1 : i32
      %scan3A_179 = scf.for %scan3A_231 = %scan3A_175 to %scan3A_177 step %scan3A_178 iter_args(%scan3A_232 = %broadcast_in_dim3A_174) -> (vector<16xf32>)  : i32 {
        %get3A_233 = arith.index_cast %scan3A_231 : i32 to index
        %get3A_234 = arith.constant 0 : index
        %get3A_235 = tpu.vector_load %arg16[%get3A_233, %get3A_234] {strides = array<i32>} : memref<16x16xf32, #tpu.memory_space<vmem>>, vector<16xf32>,
        %add3A_236 = arith.addf %scan3A_232, %get3A_235 : vector<16xf32>
        scf.yield %add3A_236 : vector<16xf32>
      }
      %scan3A_180 = arith.constant 16 : i32
      %slice3A = vector.extract_strided_slice %scan3A_179 {offsets = [0], sizes = [1], strides = [1]} : vector<16xf32> to vector<1xf32>
      %squeeze3A = vector.extract %slice3A[0] : f32 from vector<1xf32>
      %slice3A_181 = vector.extract_strided_slice %scan3A_179 {offsets = [1], sizes = [1], strides = [1]} : vector<16xf32> to vector<1xf32>
      %squeeze3A_182 = vector.extract %slice3A_181[0] : f32 from vector<1xf32>
      %add3A = arith.addf %squeeze3A, %squeeze3A_182 : f32
      %slice3A_183 = vector.extract_strided_slice %scan3A_179 {offsets = [2], sizes = [1], strides = [1]} : vector<16xf32> to vector<1xf32>
      %squeeze3A_184 = vector.extract %slice3A_183[0] : f32 from vector<1xf32>
      %add3A_185 = arith.addf %add3A, %squeeze3A_184 : f32
      %slice3A_186 = vector.extract_strided_slice %scan3A_179 {offsets = [3], sizes = [1], strides = [1]} : vector<16xf32> to vector<1xf32>
      %squeeze3A_187 = vector.extract %slice3A_186[0] : f32 from vector<1xf32>
      %add3A_188 = arith.addf %add3A_185, %squeeze3A_187 : f32
      %slice3A_189 = vector.extract_strided_slice %scan3A_179 {offsets = [4], sizes = [1], strides = [1]} : vector<16xf32> to vector<1xf32>
      %squeeze3A_190 = vector.extract %slice3A_189[0] : f32 from vector<1xf32>
      %add3A_191 = arith.addf %add3A_188, %squeeze3A_190 : f32
      %slice3A_192 = vector.extract_strided_slice %scan3A_179 {offsets = [5], sizes = [1], strides = [1]} : vector<16xf32> to vector<1xf32>
      %squeeze3A_193 = vector.extract %slice3A_192[0] : f32 from vector<1xf32>
      %add3A_194 = arith.addf %add3A_191, %squeeze3A_193 : f32
      %slice3A_195 = vector.extract_strided_slice %scan3A_179 {offsets = [6], sizes = [1], strides = [1]} : vector<16xf32> to vector<1xf32>
      %squeeze3A_196 = vector.extract %slice3A_195[0] : f32 from vector<1xf32>
      %add3A_197 = arith.addf %add3A_194, %squeeze3A_196 : f32
      %slice3A_198 = vector.extract_strided_slice %scan3A_179 {offsets = [7], sizes = [1], strides = [1]} : vector<16xf32> to vector<1xf32>
      %squeeze3A_199 = vector.extract %slice3A_198[0] : f32 from vector<1xf32>
      %add3A_200 = arith.addf %add3A_197, %squeeze3A_199 : f32
      %slice3A_201 = vector.extract_strided_slice %scan3A_179 {offsets = [8], sizes = [1], strides = [1]} : vector<16xf32> to vector<1xf32>
      %squeeze3A_202 = vector.extract %slice3A_201[0] : f32 from vector<1xf32>
      %add3A_203 = arith.addf %add3A_200, %squeeze3A_202 : f32
      %slice3A_204 = vector.extract_strided_slice %scan3A_179 {offsets = [9], sizes = [1], strides = [1]} : vector<16xf32> to vector<1xf32>
      %squeeze3A_205 = vector.extract %slice3A_204[0] : f32 from vector<1xf32>
      %add3A_206 = arith.addf %add3A_203, %squeeze3A_205 : f32
      %slice3A_207 = vector.extract_strided_slice %scan3A_179 {offsets = [10], sizes = [1], strides = [1]} : vector<16xf32> to vector<1xf32>
      %squeeze3A_208 = vector.extract %slice3A_207[0] : f32 from vector<1xf32>
      %add3A_209 = arith.addf %add3A_206, %squeeze3A_208 : f32
      %slice3A_210 = vector.extract_strided_slice %scan3A_179 {offsets = [11], sizes = [1], strides = [1]} : vector<16xf32> to vector<1xf32>
      %squeeze3A_211 = vector.extract %slice3A_210[0] : f32 from vector<1xf32>
      %add3A_212 = arith.addf %add3A_209, %squeeze3A_211 : f32
      %slice3A_213 = vector.extract_strided_slice %scan3A_179 {offsets = [12], sizes = [1], strides = [1]} : vector<16xf32> to vector<1xf32>
      %squeeze3A_214 = vector.extract %slice3A_213[0] : f32 from vector<1xf32>
      %add3A_215 = arith.addf %add3A_212, %squeeze3A_214 : f32
      %slice3A_216 = vector.extract_strided_slice %scan3A_179 {offsets = [13], sizes = [1], strides = [1]} : vector<16xf32> to vector<1xf32>
      %squeeze3A_217 = vector.extract %slice3A_216[0] : f32 from vector<1xf32>
      %add3A_218 = arith.addf %add3A_215, %squeeze3A_217 : f32
      %slice3A_219 = vector.extract_strided_slice %scan3A_179 {offsets = [14], sizes = [1], strides = [1]} : vector<16xf32> to vector<1xf32>
      %squeeze3A_220 = vector.extract %slice3A_219[0] : f32 from vector<1xf32>
      %add3A_221 = arith.addf %add3A_218, %squeeze3A_220 : f32
      %slice3A_222 = vector.extract_strided_slice %scan3A_179 {offsets = [15], sizes = [1], strides = [1]} : vector<16xf32> to vector<1xf32>
      %squeeze3A_223 = vector.extract %slice3A_222[0] : f32 from vector<1xf32>
      %add3A_224 = arith.addf %add3A_221, %squeeze3A_223 : f32
      %broadcast_in_dim3A_225 = vector.broadcast %add3A_224 : f32 to vector<16xf32>
      %sub3A = arith.subf %bitcast3A, %broadcast_in_dim3A_225 : vector<16xf32>
      %mul3A_226 = arith.constant 9.53674316E-7 : f32
      %mul3A_227 = vector.broadcast %mul3A_226 : f32 to vector<16xf32>
      %mul3A_228 = arith.mulf %sub3A, %mul3A_227 : vector<16xf32>
      %swap3A_229 = arith.constant 0 : index
      %swap3A_230 = tpu.vector_load %arg17[%swap3A_229] {strides = array<i32>} : memref<16xf32, #tpu.memory_space<vmem>>, vector<16xf32>,
      tpu.vector_store %arg17[%swap3A_229], %mul3A_228 {strides = array<i32>} : memref<16xf32, #tpu.memory_space<vmem>>, vector<16xf32>,
      "tpu.region"() ({
        %run_scoped3A = tpu.sem_alloc : memref<!tpu.dma_semaphore, #tpu.memory_space<semaphore_mem>>
        tpu.enqueue_dma source(%arg17 : memref<16xf32, #tpu.memory_space<vmem>>) target(%arg5 : memref<16xf32, #tpu.memory_space<hbm>>) target_semaphore(%run_scoped3A : memref<!tpu.dma_semaphore, #tpu.memory_space<semaphore_mem>>)
        tpu.wait_dma2 semaphore(%run_scoped3A : memref<!tpu.dma_semaphore, #tpu.memory_space<semaphore_mem>>) src(%arg17 : memref<16xf32, #tpu.memory_space<vmem>>) dst(%arg5 : memref<16xf32, #tpu.memory_space<hbm>>)
        tpu.yield
      }) : () -> ()
    } else {
    }
    return
  }
}

module attributes {stable_mosaic.version = 14 : i64} {
  func.func @_tc_prep(%arg0: memref<1xi32, #tpu.memory_space<smem>>, %arg1: memref<128x8192xf32, #tpu.memory_space<vmem>>, %arg2: memref<128x8192xf32, #tpu.memory_space<vmem>>, %arg3: memref<128x8192xi32, #tpu.memory_space<vmem>>, %arg4: memref<1xf32, #tpu.memory_space<smem>>, %arg5: memref<1xi32, #tpu.memory_space<smem>>) attributes {dimension_semantics = [], scalar_prefetch = 0 : i64, scratch_operands = 0 : i64, tpu.core_type = #tpu.core_type<tc>} {
    %get3A = arith.constant 0 : index
    %get3A_0 = arith.constant 0 : index
    %get3A_1 = vector.load %arg1[%get3A, %get3A_0] : memref<128x8192xf32, #tpu.memory_space<vmem>>, vector<128x8192xf32>
    %get3A_2 = arith.constant 0 : index
    %get3A_3 = arith.constant 0 : index
    %get3A_4 = vector.load %arg2[%get3A_2, %get3A_3] : memref<128x8192xf32, #tpu.memory_space<vmem>>, vector<128x8192xf32>
    %ne3A = arith.cmpf one, %get3A_4, %get3A_4 : vector<128x8192xf32>
    %jit3A = arith.constant 0.000000e+00 : f32
    %broadcast_in_dim3A = vector.broadcast %jit3A : f32 to vector<128x8192xf32>
    %select_n3A = arith.select %ne3A, %broadcast_in_dim3A, %get3A_4 : vector<128x8192xi1>, vector<128x8192xf32>
    %max3A = arith.constant 0.000000e+00 : f32
    %max3A_5 = vector.broadcast %max3A : f32 to vector<128x8192xf32>
    %max3A_6 = arith.maximumf %get3A_1, %max3A_5 : vector<128x8192xf32>
    %mul3A = arith.mulf %get3A_1, %select_n3A : vector<128x8192xf32>
    %sub3A = arith.subf %max3A_6, %mul3A : vector<128x8192xf32>
    %abs3A = math.absf %get3A_1 : vector<128x8192xf32>
    %neg3A = arith.constant 0.000000e+00 : f32
    %neg3A_7 = vector.broadcast %neg3A : f32 to vector<128x8192xf32>
    %neg3A_8 = arith.subf %neg3A_7, %abs3A : vector<128x8192xf32>
    %exp3A = math.exp %neg3A_8 : vector<128x8192xf32>
    %log1p3A = math.log1p %exp3A : vector<128x8192xf32>
    %add3A = arith.addf %sub3A, %log1p3A : vector<128x8192xf32>
    %jit3A_9 = arith.constant 0.000000e+00 : f32
    %broadcast_in_dim3A_10 = vector.broadcast %jit3A_9 : f32 to vector<128x8192xf32>
    %select_n3A_11 = arith.select %ne3A, %add3A, %broadcast_in_dim3A_10 : vector<128x8192xi1>, vector<128x8192xf32>
    %bitcast_convert_type3A = tpu.bitcast %select_n3A_11 : vector<128x8192xf32> -> vector<128x8192xi32>
    %swap3A = arith.constant 0 : index
    %swap3A_12 = arith.constant 0 : index
    %swap3A_13 = vector.load %arg3[%swap3A, %swap3A_12] : memref<128x8192xi32, #tpu.memory_space<vmem>>, vector<128x8192xi32>
    tpu.vector_store %arg3[%swap3A, %swap3A_12], %bitcast_convert_type3A {strides = array<i32>} : memref<128x8192xi32, #tpu.memory_space<vmem>>, vector<128x8192xi32>,
    %reduce_sum3A = vector.shape_cast %add3A : vector<128x8192xf32> to vector<1x128x8192xf32>
    %reduce_sum3A_14 = arith.constant dense<0.000000e+00> : vector<1xf32>
    %reduce_sum3A_15 = vector.multi_reduction <add>, %reduce_sum3A, %reduce_sum3A_14 [1, 2] : vector<1x128x8192xf32> to vector<1xf32>
    %reduce_sum3A_16 = vector.shape_cast %reduce_sum3A_15 : vector<1xf32> to vector<1x1x1xf32>
    %reduce_sum3A_17 = vector.extract %reduce_sum3A_16[0, 0, 0] : f32 from vector<1x1x1xf32>
    %swap3A_18 = arith.constant 0 : index
    %swap3A_19 = memref.load %arg4[%swap3A_18] : memref<1xf32, #tpu.memory_space<smem>>
    memref.store %reduce_sum3A_17, %arg4[%swap3A_18] : memref<1xf32, #tpu.memory_space<smem>>
    %ne3A_20 = arith.constant 0.000000e+00 : f32
    %ne3A_21 = vector.broadcast %ne3A_20 : f32 to vector<128x8192xf32>
    %ne3A_22 = arith.cmpf one, %add3A, %ne3A_21 : vector<128x8192xf32>
    %and3A = arith.andi %ne3A, %ne3A_22 : vector<128x8192xi1>
    %jit3A_23 = arith.constant 1 : i32
    %jit3A_24 = arith.constant 0 : i32
    %broadcast_in_dim3A_25 = vector.broadcast %jit3A_23 : i32 to vector<128x8192xi32>
    %broadcast_in_dim3A_26 = vector.broadcast %jit3A_24 : i32 to vector<128x8192xi32>
    %select_n3A_27 = arith.select %and3A, %broadcast_in_dim3A_25, %broadcast_in_dim3A_26 : vector<128x8192xi1>, vector<128x8192xi32>
    %reduce_sum3A_28 = vector.shape_cast %select_n3A_27 : vector<128x8192xi32> to vector<1x128x8192xi32>
    %reduce_sum3A_29 = arith.constant dense<0> : vector<1xi32>
    %reduce_sum3A_30 = vector.multi_reduction <add>, %reduce_sum3A_28, %reduce_sum3A_29 [1, 2] : vector<1x128x8192xi32> to vector<1xi32>
    %reduce_sum3A_31 = vector.shape_cast %reduce_sum3A_30 : vector<1xi32> to vector<1x1x1xi32>
    %reduce_sum3A_32 = vector.extract %reduce_sum3A_31[0, 0, 0] : i32 from vector<1x1x1xi32>
    %get3A_33 = arith.constant 0 : index
    %get3A_34 = memref.load %arg0[%get3A_33] : memref<1xi32, #tpu.memory_space<smem>>
    %convert_element_type3A = arith.sitofp %get3A_34 : i32 to f32
    %mul3A_35 = arith.constant 1.000000e-01 : f32
    %mul3A_36 = arith.mulf %convert_element_type3A, %mul3A_35 : f32
    %div3A = arith.constant 1.000000e+02 : f32
    %div3A_37 = arith.divf %mul3A_36, %div3A : f32
    %mul3A_38 = arith.muli %reduce_sum3A_32, %get3A_34 : i32
    %jit3A_39 = arith.constant 1000 : i32
    %div3A_40 = arith.divsi %mul3A_38, %jit3A_39 : i32
    %sign3A = arith.constant 0 : i32
    %sign3A_41 = arith.cmpi sgt, %mul3A_38, %sign3A : i32
    %sign3A_42 = arith.extui %sign3A_41 : i1 to i32
    %sign3A_43 = arith.constant 0 : i32
    %sign3A_44 = arith.cmpi slt, %mul3A_38, %sign3A_43 : i32
    %sign3A_45 = arith.extui %sign3A_44 : i1 to i32
    %sign3A_46 = arith.subi %sign3A_42, %sign3A_45 : i32
    %sign3A_47 = arith.constant 0 : i32
    %sign3A_48 = arith.cmpi sgt, %jit3A_39, %sign3A_47 : i32
    %sign3A_49 = arith.extui %sign3A_48 : i1 to i32
    %sign3A_50 = arith.constant 0 : i32
    %sign3A_51 = arith.cmpi slt, %jit3A_39, %sign3A_50 : i32
    %sign3A_52 = arith.extui %sign3A_51 : i1 to i32
    %sign3A_53 = arith.subi %sign3A_49, %sign3A_52 : i32
    %ne3A_54 = arith.cmpi ne, %sign3A_46, %sign3A_53 : i32
    %rem3A = arith.remsi %mul3A_38, %jit3A_39 : i32
    %ne3A_55 = arith.constant 0 : i32
    %ne3A_56 = arith.cmpi ne, %rem3A, %ne3A_55 : i32
    %and3A_57 = arith.andi %ne3A_54, %ne3A_56 : i1
    %sub3A_58 = arith.constant 1 : i32
    %sub3A_59 = arith.subi %div3A_40, %sub3A_58 : i32
    %select_n3A_60 = arith.select %and3A_57, %sub3A_59, %div3A_40 : i32
    %mul3A_61 = arith.constant 1000 : i32
    %mul3A_62 = arith.muli %select_n3A_60, %mul3A_61 : i32
    %sub3A_63 = arith.subi %mul3A_38, %mul3A_62 : i32
    %gt3A = arith.constant 500 : i32
    %gt3A_64 = arith.cmpi sgt, %sub3A_63, %gt3A : i32
    %add3A_65 = arith.constant 1 : i32
    %add3A_66 = arith.addi %select_n3A_60, %add3A_65 : i32
    %eq3A = arith.constant 500 : i32
    %eq3A_67 = arith.cmpi eq, %sub3A_63, %eq3A : i32
    %jit3A_68 = arith.constant 2 : i32
    %eq3A_69 = arith.constant 0 : i32
    %eq3A_70 = arith.cmpi eq, %jit3A_68, %eq3A_69 : i32
    %jit3A_71 = arith.constant 1 : i32
    %select_n3A_72 = arith.select %eq3A_70, %jit3A_71, %jit3A_68 : i32
    %rem3A_73 = arith.remsi %select_n3A_60, %select_n3A_72 : i32
    %ne3A_74 = arith.constant 0 : i32
    %ne3A_75 = arith.cmpi ne, %rem3A_73, %ne3A_74 : i32
    %lt3A = arith.constant 0 : i32
    %lt3A_76 = arith.cmpi slt, %rem3A_73, %lt3A : i32
    %lt3A_77 = arith.constant 0 : i32
    %lt3A_78 = arith.cmpi slt, %select_n3A_72, %lt3A_77 : i32
    %ne3A_79 = arith.xori %lt3A_76, %lt3A_78 : i1
    %and3A_80 = arith.andi %ne3A_79, %ne3A_75 : i1
    %add3A_81 = arith.addi %rem3A_73, %select_n3A_72 : i32
    %select_n3A_82 = arith.select %and3A_80, %add3A_81, %rem3A_73 : i32
    %add3A_83 = arith.addi %select_n3A_60, %select_n3A_82 : i32
    %select_n3A_84 = arith.select %eq3A_67, %add3A_83, %select_n3A_60 : i32
    %select_n3A_85 = arith.select %gt3A_64, %add3A_66, %select_n3A_84 : i32
    %gt3A_86 = arith.constant 1.000000e+00 : f32
    %gt3A_87 = arith.cmpf ogt, %div3A_37, %gt3A_86 : f32
    %select_n3A_88 = arith.select %gt3A_87, %reduce_sum3A_32, %select_n3A_85 : i32
    %eq3A_89 = arith.constant 0 : i32
    %eq3A_90 = arith.cmpi eq, %select_n3A_88, %eq3A_89 : i32
    %jit3A_91 = arith.constant 1 : i32
    %select_n3A_92 = arith.select %eq3A_90, %jit3A_91, %select_n3A_88 : i32
    %swap3A_93 = arith.constant 0 : index
    %swap3A_94 = memref.load %arg5[%swap3A_93] : memref<1xi32, #tpu.memory_space<smem>>
    memref.store %select_n3A_92, %arg5[%swap3A_93] : memref<1xi32, #tpu.memory_space<smem>>
    return
  }
}

</mosaic_0001>

<sc_bundles>
// kernel: kernel.4.cloned.1.call-start
scs
__scs_entry_jumppad:
0x0: {  	(pc) =	sbr.rel $0x88, $3  }
0x1: {  	(tag) =	ssettag $0x0;
	lr =	simm.s32 $0x1  }
0x2: {  	[smem:$0x3F9E] =	sst lr;
	_ =	strace $0xD0000000  }
0x3: {  	_ = 	snop  }
0x4: {  	_ = 	snop  }
0x5: {  	_ = 	snop  }
0x6: {  	_ = 	snop  }
0x7: {  	_ = 	snop  }
__scs_overlays_trampoline_lowered:
0x8: {  	[smem:$0x3FAD] =	sst s0  }
0x9: {  	[smem:$0x3FAE] =	sst s1  }
0xa: {  	[smem:$0x3FAF] =	sst s2  }
0xb: {  	[smem:$0x3FB0] =	sst s3  }
0xc: {  	[smem:$0x3FB1] =	sst s4  }
0xd: {  	[smem:$0x3FB2] =	sst s5  }
0xe: {  	[smem:$0x3FB3] =	sst s6  }
0xf: {  	[smem:$0x3FB4] =	sst s7  }
0x10: {  	[smem:$0x3FB5] =	sst s8  }
0x11: {  	[smem:$0x3FB6] =	sst s9;
	s0 =	simm.s32 @!p0 $0x0  }
0x12: {  	s1 =	sld [smem:$0x3F9C];
	s0 =	simm.s32 @p0 $0x1  }
0x13: {  	[smem:$0x3FB7] =	sst s0;
	s0 =	simm.s32 @!p1 $0x0  }
0x14: {  	s2 =	sld [smem:$0x3F9B];
	s0 =	simm.s32 @p1 $0x1  }
0x15: {  	[smem:$0x3FB8] =	sst s0;
	s0 =	simm.s32 @!p2 $0x0  }
0x16: {  	s3 =	sld [smem:$0x3FDB];
	s0 =	simm.s32 @p2 $0x1  }
0x17: {  	s4 =	simm.s32 $0x1BF5;
	[smem:$0x3FBA] =	sst s0  }
0x18: {  	s0 =	sld [smem:$0x3F9D];
	_ =	swait.ge [sflag:s4], $0x0  }
0x19: {  	s7 =	sld [smem:$0x3F9E]  }
0x1a: {  	s8 =	sadd.s32 $0xFFFFE003, lr  }
0x1b: {  	s9 =	sadd.s32 $0xFFFFFEF7, lr;
	s5 =	simm.s32 $0xFFFFFFFF;
	p2 =	slt.u32 s8, $0xFFFFF086  }
0x1c: {  	p1 =	slt.u32 s9, $0xF7A;
	s5 =	simm.s32 @!p2 $0x0  }
0x1d: {  	s5 =	simm.s32 @p1 $0x1;
	p0 =	seq.s32 s7, s2  }
0x1e: {  	s7 =	smul.u32 @!p0 $0xF7A, s2;
	p2 =	seq.s32 @!p0 s5, $0x0  }
0x1f: {  	s9 =	smul.u32 $0xF7A, s1;
	s8 =	simm.s32 @!p0 $0x1BF5;
	p2 =	por !p2, p0  }
0x20: {  	[sflag:s8] =	ssyncset.s32 @!p0 $0xFFFFF086;
	s6 =	sadd.s32 @!p0 s3, s7;
	s7 =	simm.s32 @!p0 $0x108  }
0x21: {  	s3 =	sadd.s32 s3, s9;
	s6 =	sadd.s32 @!p0 $0x88, s6;
	s7 =	simm.s32 @p2 $0x1082  }
0x22: {  	[simem:s7], [sflag:s8] =	dma.local @!p0 [hbm:s6], $0xF7A  }
0x23: {  	s9 =	sor.u32 $0xD0000000, s2;
	s6 =	simm.s32 $0x108;
	_ =	swait.ge @!p0 [sflag:s8], $0x0  }
0x24: {  	s3 =	sadd.s32 $0x88, s3;
	s6 =	simm.s32 @!p1 $0x1082;
	[sflag:s4] =	ssyncset.s32 $0xFFFFF086  }
0x25: {  	[simem:s6], [sflag:s4] =	dma.local [hbm:s3], $0xF7A  }
0x26: {  	[smem:$0x3F9E] =	sst s1;
	(tag) =	ssettag s2;
	_ =	strace s9  }
0x27: {  	s1 =	sld [smem:$0x3FAE]  }
0x28: {  	s2 =	sld [smem:$0x3FAF]  }
0x29: {  	s4 =	sld [smem:$0x3FB1]  }
0x2a: {  	p0 =	seq.s32 s5, $0x0;
	s5 =	sld [smem:$0x3FB2]  }
0x2b: {  	s6 =	sld [smem:$0x3FB3]  }
0x2c: {  	s7 =	sld [smem:$0x3FB4]  }
0x2d: {  	s3 =	simm.s32 $0x108;
	s8 =	sld [smem:$0x3FB5]  }
0x2e: {  	s3 =	simm.s32 @!p0 $0x1082;
	s9 =	sld [smem:$0x3FB6]  }
0x2f: {  	lr =	sadd.s32 s0, s3;
	s0 =	sld [smem:$0x3FAD]  }
0x30: {  	s3 =	sld [smem:$0x3FB0]  }
0x31: {  	[smem:$0x3FB9] =	sst s10  }
0x32: {  	s10 =	sld [smem:$0x3FB7];
	_ =	sdelay $0x3  }
0x33: {  	p0 =	seq.s32 s10, $0x1;
	s10 =	sld [smem:$0x3FB9];
	_ =	sdelay $0x3  }
0x34: {  	[smem:$0x3FB9] =	sst s10  }
0x35: {  	s10 =	sld [smem:$0x3FB8];
	_ =	sdelay $0x3  }
0x36: {  	p1 =	seq.s32 s10, $0x1;
	s10 =	sld [smem:$0x3FB9];
	_ =	sdelay $0x3  }
0x37: {  	[smem:$0x3FB9] =	sst s10  }
0x38: {  	s10 =	sld [smem:$0x3FBA]  }
0x39: {  	_ = 	snop;
	(pc) =	sbr.ind lr, $3  }
0x3a: {  	_ = 	snop  }
0x3b: {  	_ = 	snop  }
0x3c: {  	p2 =	seq.s32 s10, $0x1;
	s10 =	sld [smem:$0x3FB9]  }
0x3d: {  	_ =	shalt  }
0x3e: {  	_ =	shalt  }
0x3f: {  	_ =	shalt  }
0x40: {  	_ =	shalt  }
0x41: {  	_ =	shalt  }
0x42: {  	_ =	shalt  }
0x43: {  	_ =	shalt  }
0x44: {  	_ =	shalt  }
0x45: {  	_ =	shalt  }
0x46: {  	_ =	shalt  }
0x47: {  	_ =	shalt  }
0x48: {  	_ =	shalt  }
0x49: {  	_ =	shalt  }
0x4a: {  	_ =	shalt  }
0x4b: {  	_ =	shalt  }
0x4c: {  	_ =	shalt  }
0x4d: {  	_ =	shalt  }
0x4e: {  	_ =	shalt  }
0x4f: {  	_ =	shalt  }
0x50: {  	_ =	shalt  }
0x51: {  	_ =	shalt  }
0x52: {  	_ =	shalt  }
0x53: {  	_ =	shalt  }
0x54: {  	_ =	shalt  }
0x55: {  	_ =	shalt  }
0x56: {  	_ =	shalt  }
0x57: {  	_ =	shalt  }
0x58: {  	_ =	shalt  }
0x59: {  	_ =	shalt  }
0x5a: {  	_ =	shalt  }
0x5b: {  	_ =	shalt  }
0x5c: {  	_ =	shalt  }
0x5d: {  	_ =	shalt  }
0x5e: {  	_ =	shalt  }
0x5f: {  	_ =	shalt  }
0x60: {  	_ =	shalt  }
0x61: {  	_ =	shalt  }
0x62: {  	_ =	shalt  }
0x63: {  	_ =	shalt  }
0x64: {  	_ =	shalt  }
0x65: {  	_ =	shalt  }
0x66: {  	_ =	shalt  }
0x67: {  	_ =	shalt  }
0x68: {  	_ =	shalt  }
0x69: {  	_ =	shalt  }
0x6a: {  	_ =	shalt  }
0x6b: {  	_ =	shalt  }
0x6c: {  	_ =	shalt  }
0x6d: {  	_ =	shalt  }
0x6e: {  	_ =	shalt  }
0x6f: {  	_ =	shalt  }
0x70: {  	_ =	shalt  }
0x71: {  	_ =	shalt  }
0x72: {  	_ =	shalt  }
0x73: {  	_ =	shalt  }
0x74: {  	_ =	shalt  }
0x75: {  	_ =	shalt  }
0x76: {  	_ =	shalt  }
0x77: {  	_ =	shalt  }
0x78: {  	_ =	shalt  }
0x79: {  	_ =	shalt  }
0x7a: {  	_ =	shalt  }
0x7b: {  	_ =	shalt  }
0x7c: {  	_ =	shalt  }
0x7d: {  	_ =	shalt  }
0x7e: {  	_ =	shalt  }
0x7f: {  	_ =	shalt  }
0x80: {  	_ =	shalt  }
0x81: {  	_ =	shalt  }
0x82: {  	_ =	shalt  }
0x83: {  	_ =	shalt  }
0x84: {  	_ =	shalt  }
0x85: {  	_ =	shalt  }
0x86: {  	_ =	shalt  }
0x87: {  	_ =	shalt  }
.Lfunc_end0:
.L_simem_size_0:
called_computation_lowered:
.L_overlay_start_0:
0x88: {  	s0 =	sld [smem:$0x3FD9]  }
0x89: {  	s1 =	sld [smem:$0x3FFE];
	_ =	sdelay $0x3  }
0x8a: {  	s0 =	sadd.s32 s1, s0  }
0x8b: {  	[smem:$0x3FC5] =	sst s0  }
0x8c: {  	_ = 	snop  }
0x8d: {  	s0 =	sld [smem:$0x3FD0];
	(tm) =	ssettm $0x1  }
0x8e: {  	s16 =	sld [smem:$0x3FFB];
	_ =	sdelay $0x3  }
0x8f: {  	_ =	strace s16  }
0x90: {  	s1 =	sld [smem:$0x3FFC];
	_ =	sdelay $0x3  }
0x91: {  	_ =	strace s1  }
0x92: {  	s1 =	sld [smem:$0x3FFD];
	_ =	sdelay $0x3  }
0x93: {  	_ =	strace s1  }
0x94: {  	_ =	strace $0x8FFFFFFF  }
0x95: {  	s17 =	sld [smem:$0x3FDB];
	_ =	sdelay $0x1  }
0x96: {  	s2 =	simm.s32 $_scs_section_size  }
0x97: {  	s3 =	simm.s32 $_size__tile_overlayer_lowered;
	s4 =	simm.s32 $_tile_overlayer_lowered  }
0x98: {  	s20 =	simm.s32 $0x1BFF;
	s19 =	sshll.u32 s4, $0x1;
	s1 =	sadd.s32 s2, s17  }
0x99: {  	s5 =	simm.s32 $0x0;
	s18 =	sshll.u32 s3, $0x1;
	s3 =	sadd.s32 s19, s1  }
0x9a: {  	[timem:s5], [sflag:s20] =	dma.local [hbm:s3], s18  }
0x9b: {  	_ =	swait.ge [sflag:s20], s18  }
0x9c: {  	s2 =	ssub.s32 $0x0, s18;
	[sflag:s20] =	ssyncset.done $0x0  }
0x9d: {  	[sflag:s20] =	ssyncadd.s32 s2;
	_ =	sdelay $0x1  }
0x9e: {  	s21 =	simm.s32 $0x1B8B  }
0x9f: {  	_ =	swait.ge [sflag:s21], $0x1  }
0xa0: {  	[sflag:s21] =	ssyncset.done $0x0  }
0xa1: {  	s23 =	simm.s32 $0x1B8E;
	s22 =	sld [smem:$0x3FFE];
	[sflag:s21] =	ssyncadd.s32 $0xFFFFFFFF  }
0xa2: {  	s24 =	simm.s32 $execute0_lowered;
	[smem:$0x3FD2] =	sst s23  }
0xa3: {  	s3 =	sshll.u32 s24, $0x1;
	_ =	strace $0x80000046;
	[dreg:$0x1] =	wrdreg $0xFFFFFFFF  }
0xa4: {  	s25 =	simm.s32 $_size_execute0_lowered;
	s1 =	sadd.s32 s1, s3;
	[dreg:$0x0] =	wrdreg $0x0  }
0xa5: {  	s3 =	sshll.u32 s25, $0x1;
	[dreg:$0x2] =	wrdreg s1  }
0xa6: {  	[dreg:$0x3] =	wrdreg s3  }
0xa7: {  	[dreg:$0x4] =	wrdreg $0xC0  }
0xa8: {  	_ =	task [dreg:s5], $0x5FFFF  }
0xa9: {  	[dreg:$0x1] =	wrdreg $0xFFFFFFFF  }
0xaa: {  	[dreg:$0x0] =	wrdreg $0x60  }
0xab: {  	[dreg:$0x2] =	wrdreg s22  }
0xac: {  	[dreg:$0x3] =	wrdreg s0  }
0xad: {  	[dreg:$0x4] =	wrdreg $0x1AA000  }
0xae: {  	[dreg:$0x5] =	wrdreg $0x1AA100  }
0xaf: {  	[dreg:$0x6] =	wrdreg $0x1AA200  }
0xb0: {  	[dreg:$0x7] =	wrdreg $0x1AA300  }
0xb1: {  	[dreg:$0x8] =	wrdreg $0x9  }
0xb2: {  	_ =	task.clear_ibuf [dreg:s5], $0x9FFFF;
	_ =	strace $0x90000046  }
0xb3: {  	s26 =	simm.s32 $0x9;
	_ =	strace $0x80000048  }
0xb4: {  	_ =	swait.ge [sflag:s26], $0x1  }
0xb5: {  	[sflag:s26] =	ssyncadd.s32 $0xFFFFFFFF  }
0xb6: {  	_ =	strace $0x90000048  }
0xb7: {  	_ =	sfence  }
0xb8: {  	s28 =	sld [smem:$0x0];
	_ =	sdelay $0x1  }
0xb9: {  	s29 =	srdreg.scid  }
0xba: {  	s30 =	sshll.u32 s29, $0xD;
	s31 =	sshrl.u32 s29, $0x2  }
0xbb: {  	s2 =	sand.u32 $0x4000, s30;
	s1 =	sand.u32 $0x1, s29;
	s0 =	sadd.s32 s31, s28  }
0xbc: {  	s1 =	sor.u32 s2, s1;
	s0 =	sshll.u32 s0, $0x11  }
0xbd: {  	s0 =	sor.u32 s0, s1  }
0xbe: {  	s0 =	sadd.s32 $0x8F2B, s0  }
0xbf: {  	[sflag:s0] =	ssyncadd.remote.s32 $0x1  }
0xc0: {  	_ =	sfence.sel $0xFFFF  }
0xc1: {  	[dreg:$0x0] =	wrdreg $0xFFFFFFFF;
	(pc) =	sbr.abs _section_cstart, $3  }
0xc2: {  	[dreg:$0x1] =	wrdreg $0xFFFFFFFF  }
0xc3: {  	_ =	task.clear_ibuf [dreg:s5], $0x2FFFF;
	_ =	strace $0x9FFFFFFF  }
0xc4: {  	(tm) =	ssettm $0x7FFFFFFF  }
0xc5: {  	_ =	shalt  }
tec
execute0_lowered:
.L_overlay_start_1:
0x0: {  	(tag) =	ssettag $0x1  }
0x1: {  	s0 =	rddreg [dreg:$0x0]  }
0x2: {  	s9 =	rddreg [dreg:$0x2]  }
0x3: {  	s6 =	rddreg [dreg:$0x3];
	s11 =	stileid.u32  }
0x4: {  	s7 =	rddreg [dreg:$0x4];
	s1 =	simm.s32 $0x0;
	s2 =	sshll.u32 s11, $0xD  }
0x5: {  	[smem:$0x7FF] =	sst s1;
	s2 =	sadd.s32 s2, s0  }
0x6: {  	s30 =	simm.s32 $0x1;
	_ =	strace $0x80000047;
	s2 =	sadd.s32 $0x1200, s2  }
0x7: {  	[tilespmem:s1], [sflag:$0x1] =	stream.linear.gather [hbm4b:s2+s1], $0x10000, $0x38;
	[tilespmem:$0x1AA40] =	vst v63  }
0x8: {  	_ =	swait.ge [sflag:s30], $0x10000  }
0x9: {  	[sflag:s30] =	ssyncset.done $0x0  }
0xa: {  	s4 =	simm.s32 $0x19800;
	s3 =	sadd.s32 $0x21200, s0;
	[sflag:s30] =	ssyncadd.s32 $0xFFFF0000  }
0xb: {  	[tilespmem:s4], [sflag:$0x1] =	stream.linear.gather [hbm4b:s3+s1], $0x80, $0x38;
	[tilespmem:$0x1AA40] =	vst v63  }
0xc: {  	_ =	swait.ge [sflag:s30], $0x80  }
0xd: {  	[sflag:s30] =	ssyncset.done $0x0  }
0xe: {  	[sflag:s30] =	ssyncadd.s32 $0xFFFFFF80  }
0xf: {  	v0 =	vld [tilespmem:$0x19800];
	_ =	sdelay $0x3  }
0x10: {  	s31 =	sadd.s32 $0xE00, s0;
	s5 =	sadd.s32 $0x21400, s0;
	s2 =	sadd.s32 $0x22400, s0  }
0x11: {  	s0 =	simm.s32 $0x0;
	s1 =	simm.s32 $0x100;
	[dreg:$0x8] =	wrdreg s31;
	[tilespmem:$0x1A080] =	vst v0;
	v0 =	vimm.s32 $0x0  }
.LBB2_1:
0x12: {  	p0 =	sne.s32 s1, $0x3F00;
	[tilespmem:s0+$0x10030] =	vst v0;
	s3 =	smov.u32 s1;
	s1 =	sadd.s32 $0x100, s1  }
.Ltmp0:
0x13: {  	[tilespmem:s0+$0x10020] =	vst v0;
	(pc) =	sbr.rel @p0 .LBB2_1-.Ltmp0, $3  }
0x14: {  	[tilespmem:s0+$0x10000] =	vst v0  }
0x15: {  	[tilespmem:s0+$0x10010] =	vst v0;
	_ =	sdelay $0x1  }
0x16: {  	s0 =	sshra.s32 s3, $0x2  }
0x17: {  	[tilespmem:s0+$0x10030] =	vst v0  }
0x18: {  	[tilespmem:s0+$0x10020] =	vst v0  }
0x19: {  	[tilespmem:s0+$0x10000] =	vst v0;
	v1 =	vlaneseq.u32  }
0x1a: {  	[tilespmem:s0+$0x10010] =	vst v0;
	s0 =	simm.s32 $0x0;
	s1 =	simm.s32 $0x0;
	s3 =	simm.s32 $0x10000;
	v0 =	vmul.u32 $0x100, v1;
	v1 =	vimm.s32 $0x1  }
.LBB2_3:
0x1b: {  	s4 =	sshra.s32 s1, $0x2  }
0x1c: {  	v2 =	vld [tilespmem:s4+$0x0];
	_ =	sdelay $0x4  }
0x1d: {  	v3 =	vshrl.u32 v2, $0x17  }
0x1e: {  	vm0 =	vgt.s32 v2, $0xFFFFFFFF;
	v2 =	vand.u32 $0xFF, v3  }
0x1f: {  	v2 =	vor.u32 v0, v2;
	_ =	sdelay $0x4  }
0x20: {  	[tilespmem:v2+s3+$0x0] =	vst.idx.add.s32.msk vm0, v1  }
0x21: {  	v2 =	vld [tilespmem:s4+$0x10];
	_ =	sdelay $0x4  }
0x22: {  	v3 =	vshrl.u32 v2, $0x17  }
0x23: {  	vm9 =	vgt.s32 v2, $0xFFFFFFFF;
	v2 =	vand.u32 $0xFF, v3  }
0x24: {  	v2 =	vor.u32 v0, v2;
	_ =	sdelay $0x4  }
0x25: {  	[tilespmem:v2+s3+$0x0] =	vst.idx.add.s32.msk vm9, v1  }
0x26: {  	v2 =	vld [tilespmem:s4+$0x20];
	_ =	sdelay $0x4  }
0x27: {  	v3 =	vshrl.u32 v2, $0x17  }
0x28: {  	vm10 =	vgt.s32 v2, $0xFFFFFFFF;
	v2 =	vand.u32 $0xFF, v3  }
0x29: {  	v2 =	vor.u32 v0, v2;
	_ =	sdelay $0x4  }
0x2a: {  	[tilespmem:v2+s3+$0x0] =	vst.idx.add.s32.msk vm10, v1  }
0x2b: {  	v2 =	vld [tilespmem:s4+$0x30];
	_ =	sdelay $0x4  }
0x2c: {  	v3 =	vshrl.u32 v2, $0x17  }
0x2d: {  	vm11 =	vgt.s32 v2, $0xFFFFFFFF;
	v2 =	vand.u32 $0xFF, v3  }
0x2e: {  	v2 =	vor.u32 v0, v2;
	_ =	sdelay $0x4  }
0x2f: {  	[tilespmem:v2+s3+$0x0] =	vst.idx.add.s32.msk vm11, v1  }
0x30: {  	v2 =	vld [tilespmem:s4+$0x40];
	_ =	sdelay $0x4  }
0x31: {  	v3 =	vshrl.u32 v2, $0x17  }
0x32: {  	vm12 =	vgt.s32 v2, $0xFFFFFFFF;
	v2 =	vand.u32 $0xFF, v3  }
0x33: {  	v2 =	vor.u32 v0, v2;
	_ =	sdelay $0x4  }
0x34: {  	[tilespmem:v2+s3+$0x0] =	vst.idx.add.s32.msk vm12, v1  }
0x35: {  	v2 =	vld [tilespmem:s4+$0x50];
	_ =	sdelay $0x4  }
0x36: {  	v3 =	vshrl.u32 v2, $0x17  }
0x37: {  	vm13 =	vgt.s32 v2, $0xFFFFFFFF;
	v2 =	vand.u32 $0xFF, v3  }
0x38: {  	v2 =	vor.u32 v0, v2;
	_ =	sdelay $0x4  }
0x39: {  	[tilespmem:v2+s3+$0x0] =	vst.idx.add.s32.msk vm13, v1  }
0x3a: {  	v2 =	vld [tilespmem:s4+$0x60];
	_ =	sdelay $0x4  }
0x3b: {  	v3 =	vshrl.u32 v2, $0x17  }
0x3c: {  	vm14 =	vgt.s32 v2, $0xFFFFFFFF;
	v2 =	vand.u32 $0xFF, v3  }
0x3d: {  	v2 =	vor.u32 v0, v2;
	_ =	sdelay $0x4  }
0x3e: {  	[tilespmem:v2+s3+$0x0] =	vst.idx.add.s32.msk vm14, v1  }
0x3f: {  	v2 =	vld [tilespmem:s4+$0x70];
	_ =	sdelay $0x4  }
0x40: {  	v3 =	vshrl.u32 v2, $0x17  }
0x41: {  	vm15 =	vgt.s32 v2, $0xFFFFFFFF;
	v2 =	vand.u32 $0xFF, v3  }
0x42: {  	p0 =	sne.s32 s1, $0x3FE00;
	v2 =	vor.u32 v0, v2  }
.Ltmp1:
0x43: {  	_ = 	snop;
	(pc) =	sbr.rel @p0 .LBB2_3-.Ltmp1, $2  }
0x44: {  	_ =	sdelay $0x2  }
0x45: {  	s1 =	sadd.s32 $0x200, s1;
	[tilespmem:v2+s3+$0x0] =	vst.idx.add.s32.msk vm15, v1  }
0x46: {  	s0 =	sand.u32 $0xF0, s0;
	v1 =	vld [tilespmem:s3+$0x0]  }
0x47: {  	v0 =	vld [tilespmem:s0+$0x10100]  }
0x48: {  	v2 =	vld [tilespmem:s0+$0x10200]  }
0x49: {  	v3 =	vld [tilespmem:s0+$0x10300]  }
0x4a: {  	v4 =	vld [tilespmem:s0+$0x10400]  }
0x4b: {  	v5 =	vld [tilespmem:s0+$0x10500]  }
0x4c: {  	v0 =	vadd.s32 v1, v0;
	v1 =	vld [tilespmem:s0+$0x10600]  }
0x4d: {  	v0 =	vadd.s32 v2, v0;
	v2 =	vld [tilespmem:s0+$0x10700]  }
0x4e: {  	v0 =	vadd.s32 v3, v0;
	v3 =	vld [tilespmem:s0+$0x10800]  }
0x4f: {  	v60 =	vld [tilespmem:s0+$0x10900];
	v0 =	vadd.s32 v4, v0  }
0x50: {  	v61 =	vld [tilespmem:s0+$0x10A00];
	v0 =	vadd.s32 v5, v0  }
0x51: {  	v0 =	vadd.s32 v1, v0;
	v1 =	vld [tilespmem:s0+$0x10B00]  }
0x52: {  	v0 =	vadd.s32 v2, v0;
	v2 =	vld [tilespmem:s0+$0x10C00]  }
0x53: {  	v0 =	vadd.s32 v3, v0;
	v3 =	vld [tilespmem:s0+$0x10D00]  }
0x54: {  	v62 =	vld [tilespmem:s0+$0x10E00];
	v0 =	vadd.s32 v60, v0  }
0x55: {  	v63 =	vld [tilespmem:s0+$0x10F00];
	v0 =	vadd.s32 v61, v0  }
0x56: {  	v0 =	vadd.s32 v1, v0  }
0x57: {  	v0 =	vadd.s32 v2, v0  }
0x58: {  	v0 =	vadd.s32 v3, v0  }
0x59: {  	v0 =	vadd.s32 v62, v0  }
0x5a: {  	s8 =	simm.s32 $0x11000;
	s31 =	simm.s32 $0x10;
	v0 =	vadd.s32 v63, v0  }
0x5b: {  	s10 =	sand.u32 $0xF0, s31;
	[tilespmem:s8+$0x0] =	vst v0  }
0x5c: {  	s1 =	simm.s32 $0x20;
	s0 =	simm.s32 $0x10010;
	v0 =	vld [tilespmem:s10+$0x10100]  }
.LBB2_5:
0x5d: {  	p0 =	sne.s32 s1, $0xF0;
	v1 =	vld [tilespmem:s0+$0x0]  }
0x5e: {  	v2 =	vld [tilespmem:s10+$0x10200]  }
0x5f: {  	v3 =	vld [tilespmem:s10+$0x10300]  }
0x60: {  	v4 =	vld [tilespmem:s10+$0x10400]  }
0x61: {  	v5 =	vld [tilespmem:s10+$0x10500]  }
0x62: {  	v0 =	vadd.s32 v1, v0;
	v1 =	vld [tilespmem:s10+$0x10600]  }
0x63: {  	v0 =	vadd.s32 v2, v0;
	v2 =	vld [tilespmem:s10+$0x10700]  }
0x64: {  	v0 =	vadd.s32 v3, v0;
	v3 =	vld [tilespmem:s10+$0x10800]  }
0x65: {  	v0 =	vadd.s32 v4, v0;
	v4 =	vld [tilespmem:s10+$0x10900]  }
0x66: {  	v0 =	vadd.s32 v5, v0;
	v5 =	vld [tilespmem:s10+$0x10A00]  }
0x67: {  	v0 =	vadd.s32 v1, v0;
	v1 =	vld [tilespmem:s10+$0x10B00]  }
0x68: {  	v0 =	vadd.s32 v2, v0;
	v2 =	vld [tilespmem:s10+$0x10C00]  }
0x69: {  	v0 =	vadd.s32 v3, v0;
	v3 =	vld [tilespmem:s10+$0x10D00]  }
0x6a: {  	v0 =	vadd.s32 v4, v0;
	v4 =	vld [tilespmem:s10+$0x10E00]  }
0x6b: {  	v0 =	vadd.s32 v5, v0;
	v5 =	vld [tilespmem:s10+$0x10F00]  }
0x6c: {  	v0 =	vadd.s32 v1, v0  }
0x6d: {  	v0 =	vadd.s32 v2, v0  }
.Ltmp2:
0x6e: {  	v0 =	vadd.s32 v3, v0;
	(pc) =	sbr.rel @p0 .LBB2_5-.Ltmp2, $4  }
0x6f: {  	v0 =	vadd.s32 v4, v0  }
0x70: {  	s8 =	sadd.s32 $0x80, s8;
	v0 =	vadd.s32 v5, v0  }
0x71: {  	s10 =	sand.u32 $0xF0, s1;
	[tilespmem:s8+$0x0] =	vst v0  }
0x72: {  	s0 =	sadd.s32 $0x10, s0;
	s1 =	sadd.s32 $0x10, s1;
	v0 =	vld [tilespmem:s10+$0x10100]  }
0x73: {  	v1 =	vld [tilespmem:s0+$0x0]  }
0x74: {  	v2 =	vld [tilespmem:s10+$0x10200]  }
0x75: {  	v3 =	vld [tilespmem:s10+$0x10300]  }
0x76: {  	v4 =	vld [tilespmem:s10+$0x10400]  }
0x77: {  	v5 =	vld [tilespmem:s10+$0x10500]  }
0x78: {  	v54 =	vld [tilespmem:s10+$0x10600];
	v0 =	vadd.s32 v1, v0  }
0x79: {  	v55 =	vld [tilespmem:s10+$0x10700];
	v0 =	vadd.s32 v2, v0  }
0x7a: {  	v56 =	vld [tilespmem:s10+$0x10800];
	v0 =	vadd.s32 v3, v0  }
0x7b: {  	v57 =	vld [tilespmem:s10+$0x10900];
	v0 =	vadd.s32 v4, v0  }
0x7c: {  	v58 =	vld [tilespmem:s10+$0x10A00];
	v0 =	vadd.s32 v5, v0  }
0x7d: {  	v59 =	vld [tilespmem:s10+$0x10B00];
	v0 =	vadd.s32 v54, v0  }
0x7e: {  	v60 =	vld [tilespmem:s10+$0x10C00];
	v0 =	vadd.s32 v55, v0  }
0x7f: {  	v61 =	vld [tilespmem:s10+$0x10D00];
	v0 =	vadd.s32 v56, v0  }
0x80: {  	v62 =	vld [tilespmem:s10+$0x10E00];
	v0 =	vadd.s32 v57, v0  }
0x81: {  	v63 =	vld [tilespmem:s10+$0x10F00];
	v0 =	vadd.s32 v58, v0  }
0x82: {  	v0 =	vadd.s32 v59, v0  }
0x83: {  	v0 =	vadd.s32 v60, v0  }
0x84: {  	v0 =	vadd.s32 v61, v0  }
0x85: {  	v0 =	vadd.s32 v62, v0  }
0x86: {  	s30 =	sadd.s32 $0x80, s8;
	s1 =	sshll.u32 s11, $0x8;
	s0 =	simm.s32 $0x0;
	v0 =	vadd.s32 v63, v0  }
0x87: {  	s31 =	simm.s32 $0x11000;
	s10 =	simm.s32 $0x1;
	s4 =	sadd.s32 s5, s1;
	[tilespmem:s30+$0x0] =	vst v0  }
0x88: {  	[hbm4b:s4+s0] =	stream.linear.scatter [tilespmem:s31], [sflag:$0x1], $0x800, $0x38;
	[tilespmem:$0x1AA40] =	vst v63  }
0x89: {  	_ =	swait.ge [sflag:s10], $0x800  }
0x8a: {  	p1 =	sne.s32 s11, $0x0;
	[sflag:s10] =	ssyncset.done $0x0  }
0x8b: {  	s1 =	simm.s32 @!p1 $0x0;
	[sflag:s10] =	ssyncadd.s32 $0xFFFFF800  }
.Ltmp3:
0x8c: {  	s1 =	simm.s32 @p1 $0x1;
	[bflag:$0x0] =	sbarrier.arrive $0xFFFF;
	(pc) =	sbr.rel @p1 .LBB2_12-.Ltmp3, $4  }
0x8d: {  	[smem:$0x7FD] =	sst s1  }
0x8e: {  	[dreg:$0x7] =	wrdreg s2  }
0x8f: {  	[dreg:$0x9] =	wrdreg s5  }
0x90: {  	s11 =	sshll.u32 s11, $0x4;
	[dreg:$0xb] =	wrdreg s4  }
0x91: {  	s1 =	simm.s32 $0x11800  }
0x92: {  	[tilespmem:s1], [sflag:$0x1] =	stream.linear.gather [hbm4b:s5+s0], $0x8000, $0x38;
	[tilespmem:$0x1AA40] =	vst v63  }
0x93: {  	_ =	swait.ge [sflag:s10], $0x8000  }
0x94: {  	[sflag:s10] =	ssyncset.done $0x0  }
0x95: {  	[sflag:s10] =	ssyncadd.s32 $0xFFFF8000  }
0x96: {  	v15 =	vld [tilespmem:$0x11800]  }
0x97: {  	v14 =	vld [tilespmem:$0x11880]  }
0x98: {  	v13 =	vld [tilespmem:$0x11900]  }
0x99: {  	v12 =	vld [tilespmem:$0x11980]  }
0x9a: {  	v11 =	vld [tilespmem:$0x11A00]  }
0x9b: {  	v10 =	vld [tilespmem:$0x11A80];
	[tilespmem:$0x11000] =	vst v15  }
0x9c: {  	v9 =	vld [tilespmem:$0x11B00];
	[tilespmem:$0x11080] =	vst v14  }
0x9d: {  	v8 =	vld [tilespmem:$0x11B80];
	[tilespmem:$0x11100] =	vst v13  }
0x9e: {  	v7 =	vld [tilespmem:$0x11C00];
	[tilespmem:$0x11180] =	vst v12  }
0x9f: {  	v6 =	vld [tilespmem:$0x11C80];
	[tilespmem:$0x11200] =	vst v11  }
0xa0: {  	v5 =	vld [tilespmem:$0x11D00];
	[tilespmem:$0x11280] =	vst v10  }
0xa1: {  	v4 =	vld [tilespmem:$0x11D80];
	[tilespmem:$0x11300] =	vst v9  }
0xa2: {  	v3 =	vld [tilespmem:$0x11E00];
	[tilespmem:$0x11380] =	vst v8  }
0xa3: {  	v2 =	vld [tilespmem:$0x11E80];
	[tilespmem:$0x11400] =	vst v7  }
0xa4: {  	v1 =	vld [tilespmem:$0x11F00];
	[tilespmem:$0x11480] =	vst v6  }
0xa5: {  	v0 =	vld [tilespmem:$0x11F80];
	[tilespmem:$0x11500] =	vst v5  }
0xa6: {  	[tilespmem:$0x11580] =	vst v4  }
0xa7: {  	[tilespmem:$0x11600] =	vst v3  }
0xa8: {  	[tilespmem:$0x11680] =	vst v2  }
0xa9: {  	[tilespmem:$0x11700] =	vst v1  }
0xaa: {  	s12 =	simm.s32 $0x0;
	s13 =	simm.s32 $0x2000;
	[tilespmem:$0x11780] =	vst v0  }
.LBB2_8:
0xab: {  	p1 =	sne.s32 s13, $0x1C000;
	v16 =	vld [tilespmem:s12+$0x12000];
	_ =	sdelay $0x4  }
0xac: {  	v15 =	vadd.s32 v15, v16  }
0xad: {  	[tilespmem:$0x11000] =	vst v15  }
0xae: {  	v16 =	vld [tilespmem:s12+$0x12080];
	_ =	sdelay $0x4  }
0xaf: {  	v14 =	vadd.s32 v14, v16  }
0xb0: {  	[tilespmem:$0x11080] =	vst v14  }
0xb1: {  	v16 =	vld [tilespmem:s12+$0x12100];
	_ =	sdelay $0x4  }
0xb2: {  	v13 =	vadd.s32 v13, v16  }
0xb3: {  	[tilespmem:$0x11100] =	vst v13  }
0xb4: {  	v16 =	vld [tilespmem:s12+$0x12180];
	_ =	sdelay $0x4  }
0xb5: {  	v12 =	vadd.s32 v12, v16  }
0xb6: {  	[tilespmem:$0x11180] =	vst v12  }
0xb7: {  	v16 =	vld [tilespmem:s12+$0x12200];
	_ =	sdelay $0x4  }
0xb8: {  	v11 =	vadd.s32 v11, v16  }
0xb9: {  	[tilespmem:$0x11200] =	vst v11  }
0xba: {  	v16 =	vld [tilespmem:s12+$0x12280];
	_ =	sdelay $0x4  }
0xbb: {  	v10 =	vadd.s32 v10, v16  }
0xbc: {  	[tilespmem:$0x11280] =	vst v10  }
0xbd: {  	v16 =	vld [tilespmem:s12+$0x12300];
	_ =	sdelay $0x4  }
0xbe: {  	v9 =	vadd.s32 v9, v16  }
0xbf: {  	[tilespmem:$0x11300] =	vst v9  }
0xc0: {  	v16 =	vld [tilespmem:s12+$0x12380];
	_ =	sdelay $0x4  }
0xc1: {  	v8 =	vadd.s32 v8, v16  }
0xc2: {  	[tilespmem:$0x11380] =	vst v8  }
0xc3: {  	v16 =	vld [tilespmem:s12+$0x12400];
	_ =	sdelay $0x4  }
0xc4: {  	v7 =	vadd.s32 v7, v16  }
0xc5: {  	[tilespmem:$0x11400] =	vst v7  }
0xc6: {  	v16 =	vld [tilespmem:s12+$0x12480];
	_ =	sdelay $0x4  }
0xc7: {  	v6 =	vadd.s32 v6, v16  }
0xc8: {  	[tilespmem:$0x11480] =	vst v6  }
0xc9: {  	v16 =	vld [tilespmem:s12+$0x12500];
	_ =	sdelay $0x4  }
0xca: {  	v5 =	vadd.s32 v5, v16  }
0xcb: {  	[tilespmem:$0x11500] =	vst v5  }
0xcc: {  	v16 =	vld [tilespmem:s12+$0x12580];
	_ =	sdelay $0x4  }
0xcd: {  	v4 =	vadd.s32 v4, v16  }
0xce: {  	[tilespmem:$0x11580] =	vst v4  }
0xcf: {  	v16 =	vld [tilespmem:s12+$0x12600];
	_ =	sdelay $0x4  }
0xd0: {  	v3 =	vadd.s32 v3, v16  }
0xd1: {  	[tilespmem:$0x11600] =	vst v3  }
0xd2: {  	v16 =	vld [tilespmem:s12+$0x12680];
	_ =	sdelay $0x4  }
0xd3: {  	v2 =	vadd.s32 v2, v16  }
0xd4: {  	[tilespmem:$0x11680] =	vst v2  }
0xd5: {  	v16 =	vld [tilespmem:s12+$0x12700];
	_ =	sdelay $0x4  }
0xd6: {  	v1 =	vadd.s32 v1, v16  }
0xd7: {  	[tilespmem:$0x11700] =	vst v1  }
0xd8: {  	v16 =	vld [tilespmem:s12+$0x12780];
	_ =	sdelay $0x1  }
.Ltmp4:
0xd9: {  	(pc) =	sbr.rel @p1 .LBB2_8-.Ltmp4, $3  }
0xda: {  	_ =	sdelay $0x1  }
0xdb: {  	v0 =	vadd.s32 v0, v16  }
0xdc: {  	s12 =	sshra.s32 s13, $0x2;
	s13 =	sadd.s32 $0x2000, s13;
	[tilespmem:$0x11780] =	vst v0  }
0xdd: {  	v16 =	vld [tilespmem:s12+$0x12000];
	_ =	sdelay $0x4  }
0xde: {  	v15 =	vadd.s32 v15, v16  }
0xdf: {  	[tilespmem:$0x11000] =	vst v15  }
0xe0: {  	v15 =	vld [tilespmem:s12+$0x12080];
	_ =	sdelay $0x4  }
0xe1: {  	v14 =	vadd.s32 v14, v15  }
0xe2: {  	[tilespmem:$0x11080] =	vst v14  }
0xe3: {  	v14 =	vld [tilespmem:s12+$0x12100];
	_ =	sdelay $0x4  }
0xe4: {  	v13 =	vadd.s32 v13, v14  }
0xe5: {  	[tilespmem:$0x11100] =	vst v13  }
0xe6: {  	v13 =	vld [tilespmem:s12+$0x12180];
	_ =	sdelay $0x4  }
0xe7: {  	v12 =	vadd.s32 v12, v13  }
0xe8: {  	[tilespmem:$0x11180] =	vst v12  }
0xe9: {  	v12 =	vld [tilespmem:s12+$0x12200];
	_ =	sdelay $0x4  }
0xea: {  	v11 =	vadd.s32 v11, v12  }
0xeb: {  	[tilespmem:$0x11200] =	vst v11  }
0xec: {  	v11 =	vld [tilespmem:s12+$0x12280];
	_ =	sdelay $0x4  }
0xed: {  	v10 =	vadd.s32 v10, v11  }
0xee: {  	[tilespmem:$0x11280] =	vst v10  }
0xef: {  	v10 =	vld [tilespmem:s12+$0x12300];
	_ =	sdelay $0x4  }
0xf0: {  	v9 =	vadd.s32 v9, v10  }
0xf1: {  	[tilespmem:$0x11300] =	vst v9  }
0xf2: {  	v9 =	vld [tilespmem:s12+$0x12380];
	_ =	sdelay $0x4  }
0xf3: {  	v8 =	vadd.s32 v8, v9  }
0xf4: {  	[tilespmem:$0x11380] =	vst v8  }
0xf5: {  	v8 =	vld [tilespmem:s12+$0x12400];
	_ =	sdelay $0x4  }
0xf6: {  	v7 =	vadd.s32 v7, v8  }
0xf7: {  	[tilespmem:$0x11400] =	vst v7  }
0xf8: {  	v7 =	vld [tilespmem:s12+$0x12480];
	_ =	sdelay $0x4  }
0xf9: {  	v6 =	vadd.s32 v6, v7  }
0xfa: {  	[tilespmem:$0x11480] =	vst v6  }
0xfb: {  	v6 =	vld [tilespmem:s12+$0x12500];
	_ =	sdelay $0x4  }
0xfc: {  	v5 =	vadd.s32 v5, v6  }
0xfd: {  	[tilespmem:$0x11500] =	vst v5  }
0xfe: {  	v5 =	vld [tilespmem:s12+$0x12580];
	_ =	sdelay $0x4  }
0xff: {  	v4 =	vadd.s32 v4, v5  }
0x100: {  	[tilespmem:$0x11580] =	vst v4  }
0x101: {  	v4 =	vld [tilespmem:s12+$0x12600];
	_ =	sdelay $0x4  }
0x102: {  	v3 =	vadd.s32 v3, v4  }
0x103: {  	[tilespmem:$0x11600] =	vst v3  }
0x104: {  	v3 =	vld [tilespmem:s12+$0x12680];
	_ =	sdelay $0x4  }
0x105: {  	v2 =	vadd.s32 v2, v3  }
0x106: {  	[tilespmem:$0x11680] =	vst v2  }
0x107: {  	v2 =	vld [tilespmem:s12+$0x12700];
	_ =	sdelay $0x4  }
0x108: {  	v1 =	vadd.s32 v1, v2  }
0x109: {  	[tilespmem:$0x11700] =	vst v1  }
0x10a: {  	v1 =	vld [tilespmem:s12+$0x12780];
	_ =	sdelay $0x4  }
0x10b: {  	v0 =	vadd.s32 v0, v1  }
0x10c: {  	s0 =	simm.s32 $0x11780;
	[tilespmem:$0x11780] =	vst v0;
	v0 =	vld [tilespmem:$0x1A080]  }
0x10d: {  	v1 =	vld [tilespmem:s0+$0x0];
	_ =	sdelay $0x3  }
0x10e: {  	(v2sf) =	vpush v0, $0x0  }
0x10f: {  	(v2sf) =	vpush v1, $0xA  }
0x110: {  	(v2sf) =	vpush v1, $0xC  }
0x111: {  	(v2sf) =	vpush v1, $0xD  }
0x112: {  	(v2sf) =	vpush v1, $0xF;
	_ =	sdelay $0x3  }
0x113: {  	(v2sf) =	vpush v1, $0xE;
	_ =	sdelay $0x6  }
0x114: {  	s12 =	spop (v2sf)  }
0x115: {  	s17 =	spop (v2sf)  }
0x116: {  	s18 =	spop (v2sf)  }
0x117: {  	s19 =	spop (v2sf)  }
0x118: {  	s3 =	spop (v2sf)  }
0x119: {  	(v2sf) =	vpush v1, $0xB;
	s1 =	sadd.s32 $0x0, s3  }
0x11a: {  	p0 =	por $0x1, $0x1;
	p1 =	sge.s32 s1, s12  }
0x11b: {  	p0 =	por !p0, !p1  }
0x11c: {  	s13 =	simm.s32 $0x0;
	s23 =	spop (v2sf);
	p4 =	por !p0, !p0  }
0x11d: {  	s25 =	sadd.s32 s23, s1;
	s13 =	simm.s32 @p4 $0x1  }
0x11e: {  	p2 =	sge.s32 s25, s12;
	p1 =	seq.s32 s13, $0x0  }
0x11f: {  	p0 =	por !p2, !p1  }
0x120: {  	(v2sf) =	vpush v1, $0x9;
	p6 =	por !p0, !p0  }
0x121: {  	s24 =	sadd.s32 s19, s25;
	s13 =	simm.s32 @p6 $0x1  }
0x122: {  	p5 =	sge.s32 s24, s12;
	p3 =	seq.s32 s13, $0x0  }
0x123: {  	s14 =	simm.s32 $0x0;
	p0 =	por !p5, !p3  }
0x124: {  	s15 =	simm.s32 $0x0;
	s16 =	simm.s32 $0x0;
	(v2sf) =	vpush v1, $0x7;
	p3 =	por !p0, !p0  }
0x125: {  	s30 =	simm.s32 $0xFF;
	(v2sf) =	vpush v1, $0x8;
	s26 =	sadd.s32 s18, s24;
	s13 =	simm.s32 @p3 $0x1  }
0x126: {  	s15 =	smov.u32 @p4 s1;
	p5 =	sge.s32 s26, s12;
	p2 =	seq.s32 s13, $0x0  }
0x127: {  	s16 =	smov.u32 @p4 s3;
	s14 =	smov.u32 @p4 s30;
	p0 =	por !p5, !p2  }
0x128: {  	s15 =	smov.u32 @p6 s25;
	s21 =	spop (v2sf);
	p0 =	por !p0, !p0  }
0x129: {  	(v2sf) =	vpush v1, $0x6;
	s28 =	sadd.s32 s21, s26;
	s0 =	simm.s32 @!p0 $0x0;
	s13 =	simm.s32 @p0 $0x1  }
0x12a: {  	p2 =	sge.s32 s28, s12;
	s0 =	simm.s32 @p0 $0x1;
	p0 =	seq.s32 s13, $0x0  }
0x12b: {  	s16 =	smov.u32 @p6 s23;
	s23 =	simm.s32 $0xFE;
	p0 =	por !p2, !p0  }
0x12c: {  	s14 =	smov.u32 @p6 s23;
	s29 =	sadd.s32 s17, s28;
	p0 =	por !p0, !p0  }
0x12d: {  	(v2sf) =	vpush v1, $0x5;
	[smem:$0x7F9] =	sst s0;
	s0 =	simm.s32 @!p0 $0x0;
	s13 =	simm.s32 @p0 $0x1  }
0x12e: {  	p5 =	sge.s32 s29, s12;
	s0 =	simm.s32 @p0 $0x1;
	p0 =	seq.s32 s13, $0x0  }
0x12f: {  	s16 =	smov.u32 @p3 s19;
	s4 =	spop (v2sf);
	p0 =	por !p5, !p0  }
0x130: {  	s15 =	smov.u32 @p3 s24;
	s22 =	sadd.s32 s4, s29;
	p0 =	por !p0, !p0  }
0x131: {  	[smem:$0x7FA] =	sst s0;
	s0 =	simm.s32 @!p0 $0x0;
	s13 =	simm.s32 @p0 $0x1  }
0x132: {  	p2 =	sge.s32 s22, s12;
	s0 =	simm.s32 @p0 $0x1;
	p1 =	seq.s32 s13, $0x0  }
0x133: {  	[smem:$0x7FB] =	sst s0;
	p0 =	por !p2, !p1;
	s0 =	spop (v2sf)  }
0x134: {  	s24 =	simm.s32 $0xFD;
	s1 =	spop (v2sf);
	p5 =	por !p0, !p0  }
0x135: {  	s14 =	smov.u32 @p3 s24;
	(v2sf) =	vpush v1, $0x0;
	s20 =	sadd.s32 s1, s22;
	s13 =	simm.s32 @p5 $0x1  }
0x136: {  	s25 =	sld [smem:$0x7F9];
	p0 =	seq.s32 s13, $0x0;
	p2 =	sge.s32 s20, s12  }
0x137: {  	(v2sf) =	vpush v1, $0x4;
	s30 =	sld [smem:$0x7FB];
	s3 =	sadd.s32 s0, s20;
	p0 =	por !p2, !p0  }
0x138: {  	s19 =	spop (v2sf);
	p2 =	sge.s32 s3, s12;
	p0 =	por !p0, !p0  }
0x139: {  	s23 =	sadd.s32 s19, s3;
	s2 =	simm.s32 @!p0 $0x0;
	s13 =	simm.s32 @p0 $0x1  }
0x13a: {  	p4 =	sge.s32 s23, s12;
	s2 =	simm.s32 @p0 $0x1;
	p0 =	seq.s32 s13, $0x0  }
0x13b: {  	(v2sf) =	vpush v1, $0x1;
	[smem:$0x7FC] =	sst s2;
	p0 =	por !p2, !p0;
	p2 =	seq.s32 s25, $0x1  }
0x13c: {  	s25 =	spop (v2sf);
	s15 =	smov.u32 @p2 s26;
	p6 =	por !p0, !p0  }
0x13d: {  	s16 =	smov.u32 @p2 s18;
	s26 =	sld [smem:$0x7FA];
	p0 =	seq.s32 s30, $0x1  }
0x13e: {  	(v2sf) =	vpush v1, $0x3;
	s18 =	simm.s32 $0xFC;
	s31 =	sld [smem:$0x7FC];
	s13 =	simm.s32 @p6 $0x1  }
0x13f: {  	s14 =	smov.u32 @p2 s18;
	s18 =	simm.s32 $0x11700;
	p3 =	seq.s32 s13, $0x0  }
0x140: {  	(v2sf) =	vpush v1, $0x2;
	p1 =	por !p4, !p3;
	p4 =	seq.s32 s26, $0x1;
	s26 =	sadd.s32 s25, s23  }
0x141: {  	s15 =	smov.u32 @p4 s28;
	s16 =	smov.u32 @p4 s21;
	p3 =	por !p1, !p1  }
0x142: {  	s21 =	simm.s32 $0xFB;
	s15 =	smov.u32 @p0 s29;
	s13 =	simm.s32 @p3 $0x1  }
0x143: {  	s14 =	smov.u32 @p4 s21;
	p4 =	sge.s32 s26, s12;
	s16 =	smov.u32 @p0 s17  }
0x144: {  	s21 =	spop (v2sf);
	s17 =	simm.s32 $0xFA;
	p1 =	seq.s32 s13, $0x0  }
0x145: {  	s15 =	smov.u32 @p5 s22;
	s16 =	smov.u32 @p5 s4;
	p1 =	por !p4, !p1  }
0x146: {  	s4 =	simm.s32 $0xF9;
	s22 =	spop (v2sf);
	p1 =	por !p1, !p1  }
0x147: {  	s14 =	smov.u32 @p0 s17;
	s17 =	sadd.s32 s22, s26;
	s13 =	simm.s32 @p1 $0x1  }
0x148: {  	s14 =	smov.u32 @p5 s4;
	p4 =	sge.s32 s17, s12;
	p2 =	seq.s32 s13, $0x0  }
0x149: {  	s4 =	simm.s32 $0xF8;
	p0 =	por !p4, !p2;
	p2 =	seq.s32 s31, $0x1  }
0x14a: {  	s24 =	spop (v2sf);
	s16 =	smov.u32 @p2 s1;
	s15 =	smov.u32 @p2 s20  }
0x14b: {  	s1 =	simm.s32 $0xF7;
	p0 =	por !p0, !p0;
	s14 =	smov.u32 @p2 s4  }
0x14c: {  	s20 =	simm.s32 $0xD0;
	s15 =	smov.u32 @p6 s3;
	s16 =	smov.u32 @p6 s0  }
0x14d: {  	s0 =	spop (v2sf);
	s13 =	simm.s32 @p0 $0x1;
	s14 =	smov.u32 @p6 s1  }
0x14e: {  	v0 =	vld [tilespmem:s18+$0x0];
	s1 =	simm.s32 $0xF6;
	s16 =	smov.u32 @p3 s19;
	s3 =	sadd.s32 s0, s17  }
0x14f: {  	p5 =	seq.s32 s13, $0x0;
	s4 =	spop (v2sf);
	s15 =	smov.u32 @p3 s23  }
0x150: {  	s14 =	smov.u32 @p3 s1;
	s1 =	simm.s32 $0xF5;
	p6 =	sge.s32 s3, s12  }
0x151: {  	s19 =	simm.s32 $0xF0;
	s23 =	simm.s32 $0xF2;
	p2 =	por !p6, !p5  }
0x152: {  	s16 =	smov.u32 @p1 s25;
	s28 =	sadd.s32 s4, s3;
	p2 =	por !p2, !p2  }
0x153: {  	(v2sf) =	vpush v0, $0xA;
	s14 =	smov.u32 @p1 s1;
	s15 =	smov.u32 @p1 s26;
	s13 =	simm.s32 @p2 $0x1  }
0x154: {  	(v2sf) =	vpush v0, $0xC;
	s1 =	simm.s32 $0xF4;
	p5 =	sge.s32 s28, s12;
	p6 =	seq.s32 s13, $0x0  }
0x155: {  	(v2sf) =	vpush v0, $0xD;
	s16 =	smov.u32 @p0 s22;
	s25 =	sadd.s32 s24, s28;
	p3 =	por !p5, !p6  }
0x156: {  	(v2sf) =	vpush v0, $0xF;
	s14 =	smov.u32 @p0 s1;
	s15 =	smov.u32 @p0 s17;
	p5 =	por !p3, !p3  }
0x157: {  	(v2sf) =	vpush v0, $0xE;
	s1 =	simm.s32 $0xF3;
	s17 =	simm.s32 $0xE0;
	s13 =	simm.s32 @p5 $0x1  }
0x158: {  	(v2sf) =	vpush v0, $0xB;
	s22 =	simm.s32 $0xF1;
	p4 =	sge.s32 s25, s12;
	p6 =	seq.s32 s13, $0x0  }
0x159: {  	(v2sf) =	vpush v0, $0x9;
	s16 =	smov.u32 @p2 s0;
	s14 =	smov.u32 @p2 s1;
	p0 =	por !p4, !p6  }
0x15a: {  	s15 =	smov.u32 @p2 s3;
	(v2sf) =	vpush v0, $0x7;
	s16 =	smov.u32 @p5 s4;
	p2 =	por !p0, !p0  }
0x15b: {  	(v2sf) =	vpush v0, $0x8;
	s15 =	smov.u32 @p5 s28;
	s28 =	sadd.s32 s21, s25;
	s13 =	simm.s32 @p2 $0x1  }
.LBB2_10:
0x15c: {  	_ =	sdelay $0x4  }
0x15d: {  	s14 =	smov.u32 @p5 s23;
	p0 =	sge.s32 s28, s12  }
0x15e: {  	s0 =	smov.u32 s20;
	p1 =	seq.s32 s13, $0x0;
	s26 =	spop (v2sf)  }
0x15f: {  	s16 =	smov.u32 @p2 s24;
	p0 =	por !p0, !p1;
	s23 =	spop (v2sf)  }
0x160: {  	s15 =	smov.u32 @p2 s25;
	p0 =	por !p0, !p0;
	s3 =	spop (v2sf)  }
0x161: {  	s14 =	smov.u32 @p2 s22;
	s13 =	simm.s32 @p0 $0x1;
	s1 =	spop (v2sf)  }
0x162: {  	s16 =	smov.u32 @p0 s21;
	s14 =	smov.u32 @p0 s19;
	s4 =	sadd.s32 s28, s1  }
0x163: {  	s15 =	smov.u32 @p0 s28;
	p3 =	seq.s32 s13, $0x0;
	p4 =	sge.s32 s4, s12  }
0x164: {  	s19 =	smov.u32 s17;
	s22 =	spop (v2sf);
	p1 =	por !p3, !p4  }
0x165: {  	s17 =	smov.u32 s0;
	s29 =	spop (v2sf);
	p2 =	por !p1, !p1  }
0x166: {  	s24 =	sadd.s32 s22, s4;
	s28 =	spop (v2sf);
	s13 =	simm.s32 @p2 $0x1  }
0x167: {  	p6 =	sge.s32 s24, s12;
	s21 =	spop (v2sf);
	p5 =	seq.s32 s13, $0x0  }
0x168: {  	s15 =	smov.u32 @p2 s4;
	s4 =	sadd.s32 s3, s24;
	p0 =	por !p6, !p5  }
0x169: {  	s16 =	smov.u32 @p2 s1;
	s25 =	spop (v2sf);
	p3 =	por !p0, !p0  }
0x16a: {  	s30 =	sadd.s32 s23, s4;
	p4 =	sge.s32 s4, s12;
	s13 =	simm.s32 @p3 $0x1  }
0x16b: {  	s6 =	sadd.s32 s29, s30;
	p6 =	sge.s32 s30, s12;
	p1 =	seq.s32 s13, $0x0  }
0x16c: {  	s1 =	simm.s32 @!p3 $0x0;
	s15 =	smov.u32 @p3 s24;
	p0 =	por !p4, !p1  }
0x16d: {  	s16 =	smov.u32 @p3 s22;
	p1 =	por !p0, !p0;
	p0 =	sne.s32 s20, $0x0  }
0x16e: {  	s1 =	simm.s32 @p3 $0x1;
	s2 =	simm.s32 @!p0 $0x0;
	s13 =	simm.s32 @p1 $0x1  }
0x16f: {  	p4 =	sge.s32 s6, s12;
	s2 =	simm.s32 @p0 $0x1;
	p5 =	seq.s32 s13, $0x0  }
0x170: {  	[smem:$0x7F8] =	sst s2;
	s2 =	simm.s32 @!p1 $0x0;
	p0 =	por !p6, !p5  }
0x171: {  	s16 =	smov.u32 @p1 s3;
	s2 =	simm.s32 @p1 $0x1;
	p0 =	por !p0, !p0  }
0x172: {  	s15 =	smov.u32 @p1 s4;
	[smem:$0x7F2] =	sst s2;
	s13 =	simm.s32 @p0 $0x1  }
0x173: {  	s2 =	simm.s32 @!p0 $0x0;
	s15 =	smov.u32 @p0 s30;
	p3 =	seq.s32 s13, $0x0  }
0x174: {  	s16 =	smov.u32 @p0 s23;
	s2 =	simm.s32 @p0 $0x1;
	p0 =	por !p4, !p3  }
0x175: {  	(v2sf) =	vpush v0, $0x6;
	s9 =	sadd.s32 s26, s6;
	[smem:$0x7F1] =	sst s1;
	p0 =	por !p0, !p0  }
0x176: {  	s1 =	sadd.s32 s28, s9;
	p6 =	sge.s32 s9, s12;
	s13 =	simm.s32 @p0 $0x1  }
0x177: {  	(v2sf) =	vpush v0, $0x5;
	s0 =	simm.s32 @!p0 $0x0;
	s16 =	smov.u32 @p0 s29;
	p5 =	seq.s32 s13, $0x0  }
0x178: {  	(v2sf) =	vpush v0, $0x0;
	s15 =	smov.u32 @p0 s6;
	s0 =	simm.s32 @p0 $0x1;
	p0 =	por !p6, !p5  }
0x179: {  	s18 =	sadd.s32 $0xFFFFFF80, s18;
	(v2sf) =	vpush v0, $0x4;
	s31 =	sadd.s32 s25, s1;
	p0 =	por !p0, !p0  }
0x17a: {  	p4 =	sge.s32 s1, s12;
	[smem:$0x7F4] =	sst s0;
	s13 =	simm.s32 @p0 $0x1  }
0x17b: {  	s0 =	simm.s32 @!p0 $0x0;
	s16 =	smov.u32 @p0 s26;
	p3 =	seq.s32 s13, $0x0  }
0x17c: {  	s15 =	smov.u32 @p0 s9;
	s0 =	simm.s32 @p0 $0x1;
	p0 =	por !p4, !p3  }
0x17d: {  	s24 =	sadd.s32 s21, s31;
	[smem:$0x7F3] =	sst s2;
	p0 =	por !p0, !p0  }
0x17e: {  	p6 =	sge.s32 s31, s12;
	[smem:$0x7F5] =	sst s0;
	s13 =	simm.s32 @p0 $0x1  }
0x17f: {  	s0 =	simm.s32 @!p0 $0x0;
	s15 =	smov.u32 @p0 s1;
	p5 =	seq.s32 s13, $0x0  }
0x180: {  	s16 =	smov.u32 @p0 s28;
	s0 =	simm.s32 @p0 $0x1;
	p0 =	por !p6, !p5  }
0x181: {  	p3 =	sge.s32 s24, s12;
	[smem:$0x7F6] =	sst s0;
	p0 =	por !p0, !p0  }
0x182: {  	s0 =	simm.s32 @!p0 $0x0;
	s13 =	simm.s32 @p0 $0x1;
	s16 =	smov.u32 @p0 s25  }
0x183: {  	s15 =	smov.u32 @p0 s31;
	s0 =	simm.s32 @p0 $0x1;
	p1 =	seq.s32 s13, $0x0  }
0x184: {  	[smem:$0x7F7] =	sst s0;
	p0 =	por !p3, !p1;
	s0 =	spop (v2sf)  }
0x185: {  	s1 =	sadd.s32 $0x8, s19;
	p6 =	por !p0, !p0;
	s31 =	sadd.s32 s0, s24  }
0x186: {  	(v2sf) =	vpush v0, $0x1;
	s5 =	spop (v2sf);
	s13 =	simm.s32 @p6 $0x1;
	s16 =	smov.u32 @p6 s21  }
0x187: {  	(v2sf) =	vpush v0, $0x3;
	p5 =	sge.s32 s31, s12;
	s21 =	spop (v2sf);
	p4 =	seq.s32 s13, $0x0  }
0x188: {  	(v2sf) =	vpush v0, $0x2;
	v0 =	vld [tilespmem:s18+$0x0];
	s8 =	spop (v2sf);
	[smem:$0x7F0] =	sst s1;
	p0 =	por !p5, !p4  }
0x189: {  	s1 =	sld [smem:$0x7F1];
	p5 =	por !p0, !p0  }
0x18a: {  	s13 =	simm.s32 @p5 $0x1;
	s16 =	smov.u32 @p5 s0;
	s0 =	sadd.s32 s5, s31  }
0x18b: {  	s3 =	sadd.s32 $0xF, s19;
	p3 =	seq.s32 s13, $0x0;
	p4 =	sge.s32 s0, s12  }
0x18c: {  	s7 =	sadd.s32 $0xE, s19;
	s14 =	smov.u32 @p2 s3;
	p0 =	por !p4, !p3  }
0x18d: {  	p3 =	por !p0, !p0;
	p0 =	seq.s32 s1, $0x1;
	s1 =	sld [smem:$0x7F0]  }
0x18e: {  	s14 =	smov.u32 @p0 s7;
	s7 =	sld [smem:$0x7F2];
	_ =	sdelay $0x2  }
0x18f: {  	p2 =	seq.s32 s7, $0x1;
	s7 =	sld [smem:$0x7F3];
	_ =	sdelay $0x1  }
0x190: {  	s9 =	sadd.s32 $0xC, s19;
	s15 =	smov.u32 @p6 s24;
	s24 =	sadd.s32 $0xD, s19  }
0x191: {  	s3 =	sadd.s32 s8, s0;
	s14 =	smov.u32 @p2 s24;
	p1 =	seq.s32 s7, $0x1  }
0x192: {  	s13 =	simm.s32 @p3 $0x1;
	s14 =	smov.u32 @p1 s9;
	s9 =	sld [smem:$0x7F4]  }
0x193: {  	p4 =	sge.s32 s3, s12;
	p0 =	seq.s32 s13, $0x0  }
0x194: {  	p0 =	por !p4, !p0  }
0x195: {  	p2 =	por !p0, !p0;
	p0 =	seq.s32 s9, $0x1;
	s9 =	sld [smem:$0x7F5]  }
0x196: {  	_ = 	snop  }
0x197: {  	s4 =	sadd.s32 $0x9, s19;
	s30 =	sadd.s32 $0x6, s19;
	s2 =	sadd.s32 $0xB, s19  }
0x198: {  	s14 =	smov.u32 @p0 s2;
	p0 =	seq.s32 s9, $0x1;
	s9 =	sld [smem:$0x7F6]  }
0x199: {  	s29 =	sadd.s32 $0x5, s19;
	s6 =	sadd.s32 $0xA, s19;
	s24 =	spop (v2sf)  }
0x19a: {  	s28 =	sadd.s32 $0x4, s19;
	s13 =	simm.s32 @p2 $0x1;
	s7 =	spop (v2sf)  }
0x19b: {  	s2 =	sadd.s32 s7, s3;
	p4 =	seq.s32 s9, $0x1;
	s9 =	sld [smem:$0x7F7]  }
0x19c: {  	p1 =	seq.s32 s13, $0x0;
	s14 =	smov.u32 @p0 s6;
	p0 =	sge.s32 s2, s12  }
0x19d: {  	s25 =	sadd.s32 $0x7, s19;
	p0 =	por !p0, !p1;
	s14 =	smov.u32 @p4 s4  }
0x19e: {  	s4 =	spop (v2sf);
	p4 =	por !p0, !p0;
	p1 =	seq.s32 s9, $0x1  }
0x19f: {  	s13 =	simm.s32 @p4 $0x1;
	s14 =	smov.u32 @p1 s1;
	s1 =	sadd.s32 s4, s2  }
0x1a0: {  	s14 =	smov.u32 @p6 s25;
	p1 =	sge.s32 s1, s12;
	p6 =	seq.s32 s13, $0x0  }
0x1a1: {  	s15 =	smov.u32 @p5 s31;
	s16 =	smov.u32 @p3 s5;
	p0 =	por !p1, !p6  }
0x1a2: {  	s15 =	smov.u32 @p3 s0;
	s14 =	smov.u32 @p5 s30;
	p5 =	por !p0, !p0  }
0x1a3: {  	(v2sf) =	vpush v0, $0xA;
	s31 =	sld [smem:$0x7F8];
	s25 =	sadd.s32 s24, s1;
	s13 =	simm.s32 @p5 $0x1  }
0x1a4: {  	(v2sf) =	vpush v0, $0xC;
	s16 =	smov.u32 @p2 s8;
	p1 =	sge.s32 s25, s12;
	p6 =	seq.s32 s13, $0x0  }
0x1a5: {  	s15 =	smov.u32 @p2 s3;
	(v2sf) =	vpush v0, $0xD;
	s14 =	smov.u32 @p3 s29;
	p0 =	por !p1, !p6  }
0x1a6: {  	(v2sf) =	vpush v0, $0xF;
	s14 =	smov.u32 @p2 s28;
	p2 =	por !p0, !p0;
	p0 =	seq.s32 s31, $0x1  }
.Ltmp5:
0x1a7: {  	(v2sf) =	vpush v0, $0xE;
	(pc) =	sbr.rel @p0 .LBB2_10-.Ltmp5, $4  }
0x1a8: {  	s22 =	sadd.s32 $0x1, s19;
	s20 =	sadd.s32 $0xFFFFFFF0, s20;
	(v2sf) =	vpush v0, $0xB  }
0x1a9: {  	s23 =	sadd.s32 $0x2, s19;
	(v2sf) =	vpush v0, $0x9;
	s16 =	smov.u32 @p4 s7;
	s15 =	smov.u32 @p4 s2  }
0x1aa: {  	s26 =	sadd.s32 $0x3, s19;
	(v2sf) =	vpush v0, $0x7;
	s16 =	smov.u32 @p5 s4;
	s15 =	smov.u32 @p5 s1  }
0x1ab: {  	(v2sf) =	vpush v0, $0x8;
	s28 =	sadd.s32 s21, s25;
	s14 =	smov.u32 @p4 s26;
	s13 =	simm.s32 @p2 $0x1  }
0x1ac: {  	_ =	sdelay $0x5  }
0x1ad: {  	s18 =	spop (v2sf)  }
0x1ae: {  	p0 =	sge.s32 s28, s12;
	p1 =	seq.s32 s13, $0x0;
	s20 =	spop (v2sf)  }
0x1af: {  	p0 =	por !p0, !p1;
	s26 =	spop (v2sf)  }
0x1b0: {  	p0 =	por !p0, !p0;
	s2 =	spop (v2sf)  }
0x1b1: {  	s13 =	simm.s32 @p0 $0x1;
	s5 =	sadd.s32 s28, s2  }
0x1b2: {  	p4 =	seq.s32 s13, $0x0;
	p3 =	sge.s32 s5, s12  }
0x1b3: {  	p1 =	por !p4, !p3  }
0x1b4: {  	s3 =	spop (v2sf);
	p1 =	por !p1, !p1  }
0x1b5: {  	s6 =	sadd.s32 s3, s5;
	s13 =	simm.s32 @p1 $0x1  }
0x1b6: {  	p4 =	sge.s32 s6, s12;
	p6 =	seq.s32 s13, $0x0  }
0x1b7: {  	p3 =	por !p4, !p6  }
0x1b8: {  	p6 =	por !p3, !p3  }
0x1b9: {  	s7 =	sadd.s32 s26, s6;
	s13 =	simm.s32 @p6 $0x1  }
0x1ba: {  	p4 =	sge.s32 s7, s12;
	p3 =	seq.s32 s13, $0x0  }
0x1bb: {  	p3 =	por !p4, !p3  }
0x1bc: {  	p3 =	por !p3, !p3  }
0x1bd: {  	s8 =	sadd.s32 s20, s7;
	s0 =	simm.s32 @!p3 $0x0;
	s13 =	simm.s32 @p3 $0x1  }
0x1be: {  	p4 =	sge.s32 s8, s12;
	s0 =	simm.s32 @p3 $0x1;
	p3 =	seq.s32 s13, $0x0  }
0x1bf: {  	s4 =	spop (v2sf);
	p3 =	por !p4, !p3  }
0x1c0: {  	s29 =	sadd.s32 s4, s8;
	p3 =	por !p3, !p3  }
0x1c1: {  	[smem:$0x7EC] =	sst s0;
	s0 =	simm.s32 @!p3 $0x0;
	s13 =	simm.s32 @p3 $0x1  }
0x1c2: {  	(v2sf) =	vpush v0, $0x6;
	s0 =	simm.s32 @p3 $0x1;
	p4 =	seq.s32 s13, $0x0;
	p3 =	sge.s32 s29, s12  }
0x1c3: {  	s14 =	smov.u32 @p5 s23;
	p3 =	por !p3, !p4  }
0x1c4: {  	s16 =	smov.u32 @p2 s24;
	s15 =	smov.u32 @p2 s25;
	p3 =	por !p3, !p3  }
0x1c5: {  	s14 =	smov.u32 @p2 s22;
	[smem:$0x7ED] =	sst s0;
	s0 =	simm.s32 @!p3 $0x0  }
0x1c6: {  	s16 =	smov.u32 @p0 s21;
	s14 =	smov.u32 @p0 s19;
	s0 =	simm.s32 @p3 $0x1  }
0x1c7: {  	s13 =	simm.s32 @p3 $0x1;
	[smem:$0x7EE] =	sst s0;
	s0 =	sadd.s32 s18, s29  }
0x1c8: {  	s22 =	spop (v2sf);
	p3 =	seq.s32 s13, $0x0;
	p5 =	sge.s32 s0, s12  }
0x1c9: {  	s15 =	smov.u32 @p0 s28;
	s19 =	spop (v2sf);
	p3 =	por !p5, !p3  }
0x1ca: {  	s15 =	smov.u32 @p1 s5;
	s21 =	spop (v2sf);
	p4 =	por !p3, !p3  }
0x1cb: {  	s16 =	smov.u32 @p1 s2;
	s1 =	sadd.s32 s22, s0;
	s13 =	simm.s32 @p4 $0x1  }
0x1cc: {  	s5 =	sadd.s32 $0xF, s17;
	p5 =	sge.s32 s1, s12;
	p3 =	seq.s32 s13, $0x0  }
0x1cd: {  	s14 =	smov.u32 @p1 s5;
	s5 =	sadd.s32 $0xE, s17;
	p2 =	por !p5, !p3  }
0x1ce: {  	s15 =	smov.u32 @p6 s6;
	s16 =	smov.u32 @p6 s3;
	p2 =	por !p2, !p2  }
0x1cf: {  	(v2sf) =	vpush v0, $0x5;
	s14 =	smov.u32 @p6 s5;
	s2 =	sadd.s32 s21, s1;
	s13 =	simm.s32 @p2 $0x1  }
0x1d0: {  	s9 =	sld [smem:$0x7EC];
	p5 =	sge.s32 s2, s12;
	p3 =	seq.s32 s13, $0x0  }
0x1d1: {  	(v2sf) =	vpush v0, $0x0;
	s5 =	spop (v2sf);
	s23 =	sld [smem:$0x7ED];
	p0 =	por !p5, !p3  }
0x1d2: {  	s24 =	sld [smem:$0x7EE];
	s3 =	sadd.s32 s19, s2;
	p5 =	por !p0, !p0  }
0x1d3: {  	(v2sf) =	vpush v0, $0x4;
	s25 =	sld [smem:$0x7EE];
	p6 =	sge.s32 s3, s12;
	s13 =	simm.s32 @p5 $0x1  }
0x1d4: {  	s6 =	sadd.s32 s5, s3;
	p3 =	seq.s32 s9, $0x1;
	p1 =	seq.s32 s13, $0x0  }
0x1d5: {  	(v2sf) =	vpush v0, $0x1;
	s9 =	sld [smem:$0x7ED];
	s15 =	smov.u32 @p3 s7;
	p0 =	por !p6, !p1  }
0x1d6: {  	s16 =	smov.u32 @p3 s26;
	s7 =	sadd.s32 $0xD, s17;
	p0 =	por !p0, !p0  }
0x1d7: {  	(v2sf) =	vpush v0, $0x3;
	s14 =	smov.u32 @p3 s7;
	p1 =	seq.s32 s23, $0x1;
	s13 =	simm.s32 @p0 $0x1  }
0x1d8: {  	p6 =	sge.s32 s6, s12;
	s15 =	smov.u32 @p1 s8;
	p3 =	seq.s32 s13, $0x0  }
0x1d9: {  	s16 =	smov.u32 @p1 s20;
	p1 =	por !p6, !p3;
	p3 =	seq.s32 s24, $0x1  }
0x1da: {  	s7 =	sadd.s32 $0xC, s17;
	s16 =	smov.u32 @p3 s4;
	s4 =	simm.s32 @!p4 $0x0  }
0x1db: {  	p6 =	por p4, p4;
	s15 =	smov.u32 @p3 s29;
	s4 =	simm.s32 @p4 $0x1  }
0x1dc: {  	s16 =	smov.u32 @p4 s18;
	p4 =	por !p1, !p1;
	p1 =	seq.s32 s9, $0x1  }
0x1dd: {  	s15 =	smov.u32 @p6 s0;
	s9 =	sadd.s32 $0xB, s17;
	[smem:$0x7EF] =	sst s4  }
0x1de: {  	(v2sf) =	vpush v0, $0x2;
	s4 =	spop (v2sf);
	s13 =	simm.s32 @p4 $0x1;
	s14 =	smov.u32 @p1 s7  }
0x1df: {  	s16 =	smov.u32 @p2 s22;
	s15 =	smov.u32 @p2 s1;
	s1 =	sadd.s32 $0x9, s17  }
0x1e0: {  	s8 =	sadd.s32 s4, s6;
	p1 =	seq.s32 s13, $0x0;
	s0 =	spop (v2sf)  }
0x1e1: {  	s16 =	smov.u32 @p5 s21;
	s15 =	smov.u32 @p5 s2;
	s26 =	sld [smem:$0x7EF]  }
0x1e2: {  	p3 =	sge.s32 s8, s12;
	s7 =	spop (v2sf);
	s15 =	smov.u32 @p0 s3  }
0x1e3: {  	s16 =	smov.u32 @p0 s19;
	s3 =	sadd.s32 $0x8, s17;
	p1 =	por !p3, !p1  }
0x1e4: {  	s18 =	sadd.s32 s7, s8;
	s2 =	spop (v2sf);
	s16 =	smov.u32 @p4 s5  }
0x1e5: {  	s15 =	smov.u32 @p4 s6;
	p3 =	por !p1, !p1;
	p1 =	seq.s32 s25, $0x1  }
0x1e6: {  	p6 =	sge.s32 s18, s12;
	s20 =	spop (v2sf);
	s13 =	simm.s32 @p3 $0x1  }
0x1e7: {  	s14 =	smov.u32 @p1 s9;
	s9 =	sadd.s32 $0xA, s17;
	p1 =	seq.s32 s13, $0x0  }
0x1e8: {  	s16 =	smov.u32 @p3 s4;
	s4 =	sadd.s32 $0x6, s17;
	p1 =	por !p6, !p1  }
0x1e9: {  	s15 =	smov.u32 @p3 s8;
	p6 =	seq.s32 s26, $0x1;
	p1 =	por !p1, !p1  }
0x1ea: {  	s14 =	smov.u32 @p6 s9;
	s9 =	sadd.s32 s20, s18;
	s13 =	simm.s32 @p1 $0x1  }
0x1eb: {  	s14 =	smov.u32 @p2 s1;
	p6 =	sge.s32 s9, s12;
	p2 =	seq.s32 s13, $0x0  }
0x1ec: {  	s1 =	sadd.s32 $0x7, s17;
	s16 =	smov.u32 @p1 s7;
	p2 =	por !p6, !p2  }
0x1ed: {  	s14 =	smov.u32 @p5 s3;
	s3 =	spop (v2sf);
	p2 =	por !p2, !p2  }
0x1ee: {  	s14 =	smov.u32 @p0 s1;
	s1 =	sadd.s32 s3, s9;
	s13 =	simm.s32 @p2 $0x1  }
0x1ef: {  	s15 =	smov.u32 @p1 s18;
	p5 =	sge.s32 s1, s12;
	p6 =	seq.s32 s13, $0x0  }
0x1f0: {  	s14 =	smov.u32 @p4 s4;
	s4 =	sadd.s32 $0x5, s17;
	p0 =	por !p5, !p6  }
0x1f1: {  	s16 =	smov.u32 @p2 s20;
	s14 =	smov.u32 @p3 s4;
	p0 =	por !p0, !p0  }
0x1f2: {  	s16 =	smov.u32 @p0 s3;
	s3 =	sadd.s32 s2, s1;
	s13 =	simm.s32 @p0 $0x1  }
0x1f3: {  	s4 =	sadd.s32 $0x4, s17;
	p5 =	sge.s32 s3, s12;
	p6 =	seq.s32 s13, $0x0  }
0x1f4: {  	s14 =	smov.u32 @p1 s4;
	s4 =	sadd.s32 $0x3, s17;
	p4 =	por !p5, !p6  }
0x1f5: {  	s15 =	smov.u32 @p2 s9;
	s14 =	smov.u32 @p2 s4;
	p1 =	por !p4, !p4  }
0x1f6: {  	s15 =	smov.u32 @p0 s1;
	s4 =	sadd.s32 s0, s3;
	s13 =	simm.s32 @p1 $0x1  }
0x1f7: {  	s1 =	sadd.s32 $0x2, s17;
	p6 =	sge.s32 s4, s12;
	p5 =	seq.s32 s13, $0x0  }
0x1f8: {  	s14 =	smov.u32 @p0 s1;
	p2 =	por !p6, !p5  }
0x1f9: {  	s1 =	sadd.s32 $0x1, s17;
	s15 =	smov.u32 @p1 s3;
	p0 =	por !p2, !p2  }
0x1fa: {  	s16 =	smov.u32 @p1 s2;
	s14 =	smov.u32 @p1 s1;
	s15 =	smov.u32 @p0 s4  }
0x1fb: {  	s16 =	smov.u32 @p0 s0;
	s14 =	smov.u32 @p0 s17;
	s28 =	ssub.s32 s12, s15  }
0x1fc: {  	v63 =	vmov s14;
	s0 =	sadd.s32 s16, s28  }
0x1fd: {  	[tilespmem:$0x19880] =	vst v63;
	v62 =	vmov s0  }
0x1fe: {  	s30 =	simm.s32 $0x1;
	s29 =	simm.s32 $0x19880;
	s9 =	rddreg [dreg:$0x2];
	[tilespmem:$0x1A080] =	vst v62  }
0x1ff: {  	[spmem:s9] =	stream.linear.scatter [tilespmem:s29], [sflag:$0x1], $0x800, $0x38;
	[tilespmem:$0x1AA40] =	vst v63  }
0x200: {  	_ =	swait.ge [sflag:s30], $0x800  }
0x201: {  	s2 =	rddreg [dreg:$0x7]  }
0x202: {  	s31 =	sld [smem:$0x7FD]  }
0x203: {  	[sflag:s30] =	ssyncset.done $0x0;
	s5 =	rddreg [dreg:$0x9]  }
0x204: {  	s4 =	rddreg [dreg:$0xb];
	[sflag:s30] =	ssyncadd.s32 $0xFFFFF800  }
0x205: {  	s7 =	rddreg [dreg:$0x4]  }
0x206: {  	s6 =	rddreg [dreg:$0x3];
	p1 =	seq.s32 s31, $0x1  }
.LBB2_12:
0x207: {  	[bflag:$0x0] =	sbarrier.arrive $0xFFFF;
	s0 =	simm.s32 $0x19880  }
0x208: {  	[tilespmem:s0], [sflag:$0x1] =	stream.linear.gather [spmem:s9], $0x800, $0x38;
	[tilespmem:$0x1AA40] =	vst v63  }
0x209: {  	_ =	swait.ge [sflag:s10], $0x800  }
0x20a: {  	[sflag:s10] =	ssyncset.done $0x0  }
0x20b: {  	s31 =	sadd.s32 s2, s11;
	[sflag:s10] =	ssyncadd.s32 $0xFFFFF800  }
0x20c: {  	v1 =	vimm.s32 $0x0;
	s1 =	simm.s32 $0x100;
	s0 =	simm.s32 $0x0;
	[dreg:$0xa] =	wrdreg s31;
	v0 =	vld [tilespmem:$0x19880]  }
.LBB2_13:
0x20d: {  	p0 =	sne.s32 s1, $0x3F00;
	[tilespmem:s0+$0x10030] =	vst v1;
	s2 =	smov.u32 s1;
	s1 =	sadd.s32 $0x100, s1  }
.Ltmp6:
0x20e: {  	[tilespmem:s0+$0x10020] =	vst v1;
	(pc) =	sbr.rel @p0 .LBB2_13-.Ltmp6, $3  }
0x20f: {  	[tilespmem:s0+$0x10000] =	vst v1  }
0x210: {  	[tilespmem:s0+$0x10010] =	vst v1;
	_ =	sdelay $0x1  }
0x211: {  	s0 =	sshra.s32 s2, $0x2  }
0x212: {  	[tilespmem:s0+$0x10030] =	vst v1  }
0x213: {  	[tilespmem:s0+$0x10020] =	vst v1  }
0x214: {  	[tilespmem:s0+$0x10000] =	vst v1;
	v2 =	vlaneseq.u32  }
0x215: {  	[tilespmem:s0+$0x10010] =	vst v1;
	s0 =	simm.s32 $0x0;
	s1 =	simm.s32 $0x0;
	s3 =	simm.s32 $0x10000;
	v1 =	vmul.u32 $0x100, v2;
	v2 =	vimm.s32 $0x1  }
.LBB2_15:
0x216: {  	s2 =	sshra.s32 s1, $0x2  }
0x217: {  	v3 =	vld [tilespmem:s2+$0x0];
	_ =	sdelay $0x4  }
0x218: {  	v4 =	vshrl.u32 v3, $0x17;
	v3 =	vshrl.u32 v3, $0xF  }
0x219: {  	vm0 =	veq.s32 v4, v0;
	v3 =	vand.u32 $0xFF, v3  }
0x21a: {  	v3 =	vor.u32 v1, v3;
	_ =	sdelay $0x4  }
0x21b: {  	[tilespmem:v3+s3+$0x0] =	vst.idx.add.s32.msk vm0, v2  }
0x21c: {  	v3 =	vld [tilespmem:s2+$0x10];
	_ =	sdelay $0x4  }
0x21d: {  	v57 =	vshrl.u32 v3, $0x17;
	v3 =	vshrl.u32 v3, $0xF  }
0x21e: {  	vm9 =	veq.s32 v57, v0;
	v3 =	vand.u32 $0xFF, v3  }
0x21f: {  	v3 =	vor.u32 v1, v3;
	_ =	sdelay $0x4  }
0x220: {  	[tilespmem:v3+s3+$0x0] =	vst.idx.add.s32.msk vm9, v2  }
0x221: {  	v3 =	vld [tilespmem:s2+$0x20];
	_ =	sdelay $0x4  }
0x222: {  	v58 =	vshrl.u32 v3, $0x17;
	v3 =	vshrl.u32 v3, $0xF  }
0x223: {  	vm10 =	veq.s32 v58, v0;
	v3 =	vand.u32 $0xFF, v3  }
0x224: {  	v3 =	vor.u32 v1, v3;
	_ =	sdelay $0x4  }
0x225: {  	[tilespmem:v3+s3+$0x0] =	vst.idx.add.s32.msk vm10, v2  }
0x226: {  	v3 =	vld [tilespmem:s2+$0x30];
	_ =	sdelay $0x4  }
0x227: {  	v59 =	vshrl.u32 v3, $0x17;
	v3 =	vshrl.u32 v3, $0xF  }
0x228: {  	vm11 =	veq.s32 v59, v0;
	v3 =	vand.u32 $0xFF, v3  }
0x229: {  	v3 =	vor.u32 v1, v3;
	_ =	sdelay $0x4  }
0x22a: {  	[tilespmem:v3+s3+$0x0] =	vst.idx.add.s32.msk vm11, v2  }
0x22b: {  	v3 =	vld [tilespmem:s2+$0x40];
	_ =	sdelay $0x4  }
0x22c: {  	v60 =	vshrl.u32 v3, $0x17;
	v3 =	vshrl.u32 v3, $0xF  }
0x22d: {  	vm12 =	veq.s32 v60, v0;
	v3 =	vand.u32 $0xFF, v3  }
0x22e: {  	v3 =	vor.u32 v1, v3;
	_ =	sdelay $0x4  }
0x22f: {  	[tilespmem:v3+s3+$0x0] =	vst.idx.add.s32.msk vm12, v2  }
0x230: {  	v3 =	vld [tilespmem:s2+$0x50];
	_ =	sdelay $0x4  }
0x231: {  	v61 =	vshrl.u32 v3, $0x17;
	v3 =	vshrl.u32 v3, $0xF  }
0x232: {  	vm13 =	veq.s32 v61, v0;
	v3 =	vand.u32 $0xFF, v3  }
0x233: {  	v3 =	vor.u32 v1, v3;
	_ =	sdelay $0x4  }
0x234: {  	[tilespmem:v3+s3+$0x0] =	vst.idx.add.s32.msk vm13, v2  }
0x235: {  	v3 =	vld [tilespmem:s2+$0x60];
	_ =	sdelay $0x4  }
0x236: {  	v62 =	vshrl.u32 v3, $0x17;
	v3 =	vshrl.u32 v3, $0xF  }
0x237: {  	vm14 =	veq.s32 v62, v0;
	v3 =	vand.u32 $0xFF, v3  }
0x238: {  	v3 =	vor.u32 v1, v3;
	_ =	sdelay $0x4  }
0x239: {  	[tilespmem:v3+s3+$0x0] =	vst.idx.add.s32.msk vm14, v2  }
0x23a: {  	v3 =	vld [tilespmem:s2+$0x70];
	_ =	sdelay $0x4  }
0x23b: {  	v63 =	vshrl.u32 v3, $0x17;
	v3 =	vshrl.u32 v3, $0xF  }
0x23c: {  	vm15 =	veq.s32 v63, v0;
	v3 =	vand.u32 $0xFF, v3  }
0x23d: {  	p0 =	sne.s32 s1, $0x3FE00;
	v3 =	vor.u32 v1, v3  }
.Ltmp7:
0x23e: {  	_ = 	snop;
	(pc) =	sbr.rel @p0 .LBB2_15-.Ltmp7, $2  }
0x23f: {  	_ =	sdelay $0x2  }
0x240: {  	s1 =	sadd.s32 $0x200, s1;
	[tilespmem:v3+s3+$0x0] =	vst.idx.add.s32.msk vm15, v2  }
0x241: {  	s0 =	sand.u32 $0xF0, s0;
	v2 =	vld [tilespmem:s3+$0x0]  }
0x242: {  	v1 =	vld [tilespmem:s0+$0x10100]  }
0x243: {  	v3 =	vld [tilespmem:s0+$0x10200]  }
0x244: {  	v4 =	vld [tilespmem:s0+$0x10300]  }
0x245: {  	v5 =	vld [tilespmem:s0+$0x10400]  }
0x246: {  	v6 =	vld [tilespmem:s0+$0x10500]  }
0x247: {  	v1 =	vadd.s32 v2, v1;
	v2 =	vld [tilespmem:s0+$0x10600]  }
0x248: {  	v1 =	vadd.s32 v3, v1;
	v3 =	vld [tilespmem:s0+$0x10700]  }
0x249: {  	v58 =	vld [tilespmem:s0+$0x10800];
	v1 =	vadd.s32 v4, v1  }
0x24a: {  	v59 =	vld [tilespmem:s0+$0x10900];
	v1 =	vadd.s32 v5, v1  }
0x24b: {  	v60 =	vld [tilespmem:s0+$0x10A00];
	v1 =	vadd.s32 v6, v1  }
0x24c: {  	v1 =	vadd.s32 v2, v1;
	v2 =	vld [tilespmem:s0+$0x10B00]  }
0x24d: {  	v1 =	vadd.s32 v3, v1;
	v3 =	vld [tilespmem:s0+$0x10C00]  }
0x24e: {  	v61 =	vld [tilespmem:s0+$0x10D00];
	v1 =	vadd.s32 v58, v1  }
0x24f: {  	v62 =	vld [tilespmem:s0+$0x10E00];
	v1 =	vadd.s32 v59, v1  }
0x250: {  	v63 =	vld [tilespmem:s0+$0x10F00];
	v1 =	vadd.s32 v60, v1  }
0x251: {  	v1 =	vadd.s32 v2, v1  }
0x252: {  	v1 =	vadd.s32 v3, v1  }
0x253: {  	v1 =	vadd.s32 v61, v1  }
0x254: {  	v1 =	vadd.s32 v62, v1  }
0x255: {  	s10 =	simm.s32 $0x11000;
	s31 =	simm.s32 $0x10;
	v1 =	vadd.s32 v63, v1  }
0x256: {  	s11 =	sand.u32 $0xF0, s31;
	[tilespmem:s10+$0x0] =	vst v1  }
0x257: {  	s1 =	simm.s32 $0x20;
	s0 =	simm.s32 $0x10010;
	v1 =	vld [tilespmem:s11+$0x10100]  }
.LBB2_17:
0x258: {  	p0 =	sne.s32 s1, $0xF0;
	v2 =	vld [tilespmem:s0+$0x0]  }
0x259: {  	v3 =	vld [tilespmem:s11+$0x10200]  }
0x25a: {  	v4 =	vld [tilespmem:s11+$0x10300]  }
0x25b: {  	v5 =	vld [tilespmem:s11+$0x10400]  }
0x25c: {  	v6 =	vld [tilespmem:s11+$0x10500]  }
0x25d: {  	v1 =	vadd.s32 v2, v1;
	v2 =	vld [tilespmem:s11+$0x10600]  }
0x25e: {  	v1 =	vadd.s32 v3, v1;
	v3 =	vld [tilespmem:s11+$0x10700]  }
0x25f: {  	v1 =	vadd.s32 v4, v1;
	v4 =	vld [tilespmem:s11+$0x10800]  }
0x260: {  	v1 =	vadd.s32 v5, v1;
	v5 =	vld [tilespmem:s11+$0x10900]  }
0x261: {  	v1 =	vadd.s32 v6, v1;
	v6 =	vld [tilespmem:s11+$0x10A00]  }
0x262: {  	v1 =	vadd.s32 v2, v1;
	v2 =	vld [tilespmem:s11+$0x10B00]  }
0x263: {  	v1 =	vadd.s32 v3, v1;
	v3 =	vld [tilespmem:s11+$0x10C00]  }
0x264: {  	v1 =	vadd.s32 v4, v1;
	v4 =	vld [tilespmem:s11+$0x10D00]  }
0x265: {  	v1 =	vadd.s32 v5, v1;
	v5 =	vld [tilespmem:s11+$0x10E00]  }
0x266: {  	v1 =	vadd.s32 v6, v1;
	v6 =	vld [tilespmem:s11+$0x10F00]  }
0x267: {  	v1 =	vadd.s32 v2, v1  }
0x268: {  	v1 =	vadd.s32 v3, v1  }
.Ltmp8:
0x269: {  	v1 =	vadd.s32 v4, v1;
	(pc) =	sbr.rel @p0 .LBB2_17-.Ltmp8, $4  }
0x26a: {  	v1 =	vadd.s32 v5, v1  }
0x26b: {  	s10 =	sadd.s32 $0x80, s10;
	v1 =	vadd.s32 v6, v1  }
0x26c: {  	s11 =	sand.u32 $0xF0, s1;
	[tilespmem:s10+$0x0] =	vst v1  }
0x26d: {  	s0 =	sadd.s32 $0x10, s0;
	s1 =	sadd.s32 $0x10, s1;
	v1 =	vld [tilespmem:s11+$0x10100]  }
0x26e: {  	v2 =	vld [tilespmem:s0+$0x0]  }
0x26f: {  	v3 =	vld [tilespmem:s11+$0x10200]  }
0x270: {  	v4 =	vld [tilespmem:s11+$0x10300]  }
0x271: {  	v5 =	vld [tilespmem:s11+$0x10400]  }
0x272: {  	v6 =	vld [tilespmem:s11+$0x10500]  }
0x273: {  	v1 =	vadd.s32 v2, v1;
	v2 =	vld [tilespmem:s11+$0x10600]  }
0x274: {  	v1 =	vadd.s32 v3, v1;
	v3 =	vld [tilespmem:s11+$0x10700]  }
0x275: {  	v58 =	vld [tilespmem:s11+$0x10800];
	v1 =	vadd.s32 v4, v1  }
0x276: {  	v59 =	vld [tilespmem:s11+$0x10900];
	v1 =	vadd.s32 v5, v1  }
0x277: {  	v60 =	vld [tilespmem:s11+$0x10A00];
	v1 =	vadd.s32 v6, v1  }
0x278: {  	v1 =	vadd.s32 v2, v1;
	v2 =	vld [tilespmem:s11+$0x10B00]  }
0x279: {  	v1 =	vadd.s32 v3, v1;
	v3 =	vld [tilespmem:s11+$0x10C00]  }
0x27a: {  	v61 =	vld [tilespmem:s11+$0x10D00];
	v1 =	vadd.s32 v58, v1  }
0x27b: {  	v62 =	vld [tilespmem:s11+$0x10E00];
	v1 =	vadd.s32 v59, v1  }
0x27c: {  	v63 =	vld [tilespmem:s11+$0x10F00];
	v1 =	vadd.s32 v60, v1  }
0x27d: {  	v1 =	vadd.s32 v2, v1  }
0x27e: {  	v1 =	vadd.s32 v3, v1  }
0x27f: {  	v1 =	vadd.s32 v61, v1  }
0x280: {  	v1 =	vadd.s32 v62, v1  }
0x281: {  	s31 =	sadd.s32 $0x80, s10;
	v1 =	vadd.s32 v63, v1  }
0x282: {  	s0 =	simm.s32 $0x0;
	s1 =	simm.s32 $0x11000;
	s10 =	simm.s32 $0x1;
	[tilespmem:s31+$0x0] =	vst v1  }
0x283: {  	[hbm4b:s4+s0] =	stream.linear.scatter [tilespmem:s1], [sflag:$0x1], $0x800, $0x38;
	[tilespmem:$0x1AA40] =	vst v63  }
.Ltmp9:
0x284: {  	_ =	swait.ge [sflag:s10], $0x800;
	(pc) =	sbr.rel @p1 .LBB2_24-.Ltmp9, $3  }
0x285: {  	[sflag:s10] =	ssyncset.done $0x0  }
0x286: {  	[sflag:s10] =	ssyncadd.s32 $0xFFFFF800  }
0x287: {  	[bflag:$0x0] =	sbarrier.arrive $0xFFFF;
	_ =	sdelay $0x1  }
0x288: {  	s1 =	simm.s32 $0x11800  }
0x289: {  	[tilespmem:s1], [sflag:$0x1] =	stream.linear.gather [hbm4b:s5+s0], $0x8000, $0x38;
	[tilespmem:$0x1AA40] =	vst v63  }
0x28a: {  	_ =	swait.ge [sflag:s10], $0x8000  }
0x28b: {  	[sflag:s10] =	ssyncset.done $0x0  }
0x28c: {  	[sflag:s10] =	ssyncadd.s32 $0xFFFF8000  }
0x28d: {  	v16 =	vld [tilespmem:$0x11800]  }
0x28e: {  	v15 =	vld [tilespmem:$0x11880]  }
0x28f: {  	v14 =	vld [tilespmem:$0x11900]  }
0x290: {  	v13 =	vld [tilespmem:$0x11980]  }
0x291: {  	v12 =	vld [tilespmem:$0x11A00]  }
0x292: {  	v11 =	vld [tilespmem:$0x11A80];
	[tilespmem:$0x11000] =	vst v16  }
0x293: {  	v10 =	vld [tilespmem:$0x11B00];
	[tilespmem:$0x11080] =	vst v15  }
0x294: {  	v9 =	vld [tilespmem:$0x11B80];
	[tilespmem:$0x11100] =	vst v14  }
0x295: {  	v8 =	vld [tilespmem:$0x11C00];
	[tilespmem:$0x11180] =	vst v13  }
0x296: {  	v7 =	vld [tilespmem:$0x11C80];
	[tilespmem:$0x11200] =	vst v12  }
0x297: {  	v6 =	vld [tilespmem:$0x11D00];
	[tilespmem:$0x11280] =	vst v11  }
0x298: {  	v5 =	vld [tilespmem:$0x11D80];
	[tilespmem:$0x11300] =	vst v10  }
0x299: {  	v4 =	vld [tilespmem:$0x11E00];
	[tilespmem:$0x11380] =	vst v9  }
0x29a: {  	v3 =	vld [tilespmem:$0x11E80];
	[tilespmem:$0x11400] =	vst v8  }
0x29b: {  	v2 =	vld [tilespmem:$0x11F00];
	[tilespmem:$0x11480] =	vst v7  }
0x29c: {  	v1 =	vld [tilespmem:$0x11F80];
	[tilespmem:$0x11500] =	vst v6  }
0x29d: {  	[tilespmem:$0x11580] =	vst v5  }
0x29e: {  	[tilespmem:$0x11600] =	vst v4  }
0x29f: {  	[tilespmem:$0x11680] =	vst v3  }
0x2a0: {  	[tilespmem:$0x11700] =	vst v2  }
0x2a1: {  	s7 =	smov.u32 s6;
	s11 =	simm.s32 $0x0;
	s12 =	simm.s32 $0x2000;
	[tilespmem:$0x11780] =	vst v1  }
.LBB2_20:
0x2a2: {  	p1 =	sne.s32 s12, $0x1C000;
	v17 =	vld [tilespmem:s11+$0x12000];
	_ =	sdelay $0x4  }
0x2a3: {  	v16 =	vadd.s32 v16, v17  }
0x2a4: {  	[tilespmem:$0x11000] =	vst v16  }
0x2a5: {  	v17 =	vld [tilespmem:s11+$0x12080];
	_ =	sdelay $0x4  }
0x2a6: {  	v15 =	vadd.s32 v15, v17  }
0x2a7: {  	[tilespmem:$0x11080] =	vst v15  }
0x2a8: {  	v17 =	vld [tilespmem:s11+$0x12100];
	_ =	sdelay $0x4  }
0x2a9: {  	v14 =	vadd.s32 v14, v17  }
0x2aa: {  	[tilespmem:$0x11100] =	vst v14  }
0x2ab: {  	v17 =	vld [tilespmem:s11+$0x12180];
	_ =	sdelay $0x4  }
0x2ac: {  	v13 =	vadd.s32 v13, v17  }
0x2ad: {  	[tilespmem:$0x11180] =	vst v13  }
0x2ae: {  	v17 =	vld [tilespmem:s11+$0x12200];
	_ =	sdelay $0x4  }
0x2af: {  	v12 =	vadd.s32 v12, v17  }
0x2b0: {  	[tilespmem:$0x11200] =	vst v12  }
0x2b1: {  	v17 =	vld [tilespmem:s11+$0x12280];
	_ =	sdelay $0x4  }
0x2b2: {  	v11 =	vadd.s32 v11, v17  }
0x2b3: {  	[tilespmem:$0x11280] =	vst v11  }
0x2b4: {  	v17 =	vld [tilespmem:s11+$0x12300];
	_ =	sdelay $0x4  }
0x2b5: {  	v10 =	vadd.s32 v10, v17  }
0x2b6: {  	[tilespmem:$0x11300] =	vst v10  }
0x2b7: {  	v17 =	vld [tilespmem:s11+$0x12380];
	_ =	sdelay $0x4  }
0x2b8: {  	v9 =	vadd.s32 v9, v17  }
0x2b9: {  	[tilespmem:$0x11380] =	vst v9  }
0x2ba: {  	v17 =	vld [tilespmem:s11+$0x12400];
	_ =	sdelay $0x4  }
0x2bb: {  	v8 =	vadd.s32 v8, v17  }
0x2bc: {  	[tilespmem:$0x11400] =	vst v8  }
0x2bd: {  	v17 =	vld [tilespmem:s11+$0x12480];
	_ =	sdelay $0x4  }
0x2be: {  	v7 =	vadd.s32 v7, v17  }
0x2bf: {  	[tilespmem:$0x11480] =	vst v7  }
0x2c0: {  	v17 =	vld [tilespmem:s11+$0x12500];
	_ =	sdelay $0x4  }
0x2c1: {  	v6 =	vadd.s32 v6, v17  }
0x2c2: {  	[tilespmem:$0x11500] =	vst v6  }
0x2c3: {  	v17 =	vld [tilespmem:s11+$0x12580];
	_ =	sdelay $0x4  }
0x2c4: {  	v5 =	vadd.s32 v5, v17  }
0x2c5: {  	[tilespmem:$0x11580] =	vst v5  }
0x2c6: {  	v17 =	vld [tilespmem:s11+$0x12600];
	_ =	sdelay $0x4  }
0x2c7: {  	v4 =	vadd.s32 v4, v17  }
0x2c8: {  	[tilespmem:$0x11600] =	vst v4  }
0x2c9: {  	v17 =	vld [tilespmem:s11+$0x12680];
	_ =	sdelay $0x4  }
0x2ca: {  	v3 =	vadd.s32 v3, v17  }
0x2cb: {  	[tilespmem:$0x11680] =	vst v3  }
0x2cc: {  	v17 =	vld [tilespmem:s11+$0x12700];
	_ =	sdelay $0x4  }
0x2cd: {  	v2 =	vadd.s32 v2, v17  }
0x2ce: {  	[tilespmem:$0x11700] =	vst v2  }
0x2cf: {  	v17 =	vld [tilespmem:s11+$0x12780];
	_ =	sdelay $0x1  }
.Ltmp10:
0x2d0: {  	(pc) =	sbr.rel @p1 .LBB2_20-.Ltmp10, $3  }
0x2d1: {  	_ =	sdelay $0x1  }
0x2d2: {  	v1 =	vadd.s32 v1, v17  }
0x2d3: {  	s11 =	sshra.s32 s12, $0x2;
	s12 =	sadd.s32 $0x2000, s12;
	[tilespmem:$0x11780] =	vst v1  }
0x2d4: {  	v17 =	vld [tilespmem:s11+$0x12000];
	_ =	sdelay $0x4  }
0x2d5: {  	v16 =	vadd.s32 v16, v17  }
0x2d6: {  	[tilespmem:$0x11000] =	vst v16  }
0x2d7: {  	v16 =	vld [tilespmem:s11+$0x12080];
	_ =	sdelay $0x4  }
0x2d8: {  	v15 =	vadd.s32 v15, v16  }
0x2d9: {  	[tilespmem:$0x11080] =	vst v15  }
0x2da: {  	v15 =	vld [tilespmem:s11+$0x12100];
	_ =	sdelay $0x4  }
0x2db: {  	v14 =	vadd.s32 v14, v15  }
0x2dc: {  	[tilespmem:$0x11100] =	vst v14  }
0x2dd: {  	v14 =	vld [tilespmem:s11+$0x12180];
	_ =	sdelay $0x4  }
0x2de: {  	v13 =	vadd.s32 v13, v14  }
0x2df: {  	[tilespmem:$0x11180] =	vst v13  }
0x2e0: {  	v13 =	vld [tilespmem:s11+$0x12200];
	_ =	sdelay $0x4  }
0x2e1: {  	v12 =	vadd.s32 v12, v13  }
0x2e2: {  	[tilespmem:$0x11200] =	vst v12  }
0x2e3: {  	v12 =	vld [tilespmem:s11+$0x12280];
	_ =	sdelay $0x4  }
0x2e4: {  	v11 =	vadd.s32 v11, v12  }
0x2e5: {  	[tilespmem:$0x11280] =	vst v11  }
0x2e6: {  	v11 =	vld [tilespmem:s11+$0x12300];
	_ =	sdelay $0x4  }
0x2e7: {  	v10 =	vadd.s32 v10, v11  }
0x2e8: {  	[tilespmem:$0x11300] =	vst v10  }
0x2e9: {  	v10 =	vld [tilespmem:s11+$0x12380];
	_ =	sdelay $0x4  }
0x2ea: {  	v9 =	vadd.s32 v9, v10  }
0x2eb: {  	[tilespmem:$0x11380] =	vst v9  }
0x2ec: {  	v9 =	vld [tilespmem:s11+$0x12400];
	_ =	sdelay $0x4  }
0x2ed: {  	v8 =	vadd.s32 v8, v9  }
0x2ee: {  	[tilespmem:$0x11400] =	vst v8  }
0x2ef: {  	v8 =	vld [tilespmem:s11+$0x12480];
	_ =	sdelay $0x4  }
0x2f0: {  	v7 =	vadd.s32 v7, v8  }
0x2f1: {  	[tilespmem:$0x11480] =	vst v7  }
0x2f2: {  	v7 =	vld [tilespmem:s11+$0x12500];
	_ =	sdelay $0x4  }
0x2f3: {  	v6 =	vadd.s32 v6, v7  }
0x2f4: {  	[tilespmem:$0x11500] =	vst v6  }
0x2f5: {  	v6 =	vld [tilespmem:s11+$0x12580];
	_ =	sdelay $0x4  }
0x2f6: {  	v5 =	vadd.s32 v5, v6  }
0x2f7: {  	[tilespmem:$0x11580] =	vst v5  }
0x2f8: {  	v5 =	vld [tilespmem:s11+$0x12600];
	_ =	sdelay $0x4  }
0x2f9: {  	v4 =	vadd.s32 v4, v5  }
0x2fa: {  	[tilespmem:$0x11600] =	vst v4  }
0x2fb: {  	v4 =	vld [tilespmem:s11+$0x12680];
	_ =	sdelay $0x4  }
0x2fc: {  	v3 =	vadd.s32 v3, v4  }
0x2fd: {  	[tilespmem:$0x11680] =	vst v3  }
0x2fe: {  	v3 =	vld [tilespmem:s11+$0x12700];
	_ =	sdelay $0x4  }
0x2ff: {  	v2 =	vadd.s32 v2, v3  }
0x300: {  	[tilespmem:$0x11700] =	vst v2  }
0x301: {  	v2 =	vld [tilespmem:s11+$0x12780];
	_ =	sdelay $0x4  }
0x302: {  	v1 =	vadd.s32 v1, v2  }
0x303: {  	s0 =	simm.s32 $0x11780;
	[tilespmem:$0x11780] =	vst v1;
	v1 =	vld [tilespmem:$0x1A080]  }
0x304: {  	v2 =	vld [tilespmem:s0+$0x0];
	_ =	sdelay $0x3  }
0x305: {  	(v2sf) =	vpush v1, $0x0  }
0x306: {  	(v2sf) =	vpush v2, $0xA  }
0x307: {  	(v2sf) =	vpush v2, $0xC  }
0x308: {  	(v2sf) =	vpush v2, $0xD  }
0x309: {  	(v2sf) =	vpush v2, $0xF;
	_ =	sdelay $0x3  }
0x30a: {  	(v2sf) =	vpush v2, $0xE;
	_ =	sdelay $0x6  }
0x30b: {  	s11 =	spop (v2sf)  }
0x30c: {  	s16 =	spop (v2sf)  }
0x30d: {  	s17 =	spop (v2sf)  }
0x30e: {  	s18 =	spop (v2sf)  }
0x30f: {  	s3 =	spop (v2sf)  }
0x310: {  	(v2sf) =	vpush v2, $0xB;
	s1 =	sadd.s32 $0x0, s3  }
0x311: {  	p0 =	por $0x1, $0x1;
	p1 =	sge.s32 s1, s11  }
0x312: {  	p0 =	por !p0, !p1  }
0x313: {  	s12 =	simm.s32 $0x0;
	s22 =	spop (v2sf);
	p4 =	por !p0, !p0  }
0x314: {  	s2 =	sadd.s32 s22, s1;
	s12 =	simm.s32 @p4 $0x1  }
0x315: {  	p2 =	sge.s32 s2, s11;
	p1 =	seq.s32 s12, $0x0  }
0x316: {  	p0 =	por !p2, !p1  }
0x317: {  	(v2sf) =	vpush v2, $0x9;
	p6 =	por !p0, !p0  }
0x318: {  	s23 =	sadd.s32 s18, s2;
	s12 =	simm.s32 @p6 $0x1  }
0x319: {  	p5 =	sge.s32 s23, s11;
	p3 =	seq.s32 s12, $0x0  }
0x31a: {  	p0 =	por !p5, !p3  }
0x31b: {  	(v2sf) =	vpush v2, $0x7;
	p3 =	por !p0, !p0  }
0x31c: {  	(v2sf) =	vpush v2, $0x8;
	s5 =	sadd.s32 s17, s23;
	s12 =	simm.s32 @p3 $0x1  }
0x31d: {  	p5 =	sge.s32 s5, s11;
	p2 =	seq.s32 s12, $0x0  }
0x31e: {  	s13 =	simm.s32 $0x0;
	p0 =	por !p5, !p2  }
0x31f: {  	s14 =	simm.s32 $0x0;
	s20 =	spop (v2sf);
	p0 =	por !p0, !p0  }
0x320: {  	s6 =	sadd.s32 s20, s5;
	s0 =	simm.s32 @!p0 $0x0;
	s12 =	simm.s32 @p0 $0x1  }
0x321: {  	p2 =	sge.s32 s6, s11;
	s0 =	simm.s32 @p0 $0x1;
	p0 =	seq.s32 s12, $0x0  }
0x322: {  	s15 =	simm.s32 $0x0;
	s9 =	simm.s32 $0xFF;
	p0 =	por !p2, !p0  }
0x323: {  	s14 =	smov.u32 @p4 s1;
	s8 =	sadd.s32 s16, s6;
	p0 =	por !p0, !p0  }
0x324: {  	[smem:$0x7E8] =	sst s0;
	s0 =	simm.s32 @!p0 $0x0;
	s12 =	simm.s32 @p0 $0x1  }
0x325: {  	(v2sf) =	vpush v2, $0x6;
	p5 =	sge.s32 s8, s11;
	s0 =	simm.s32 @p0 $0x1;
	p0 =	seq.s32 s12, $0x0  }
0x326: {  	(v2sf) =	vpush v2, $0x5;
	s15 =	smov.u32 @p4 s3;
	s4 =	spop (v2sf);
	p0 =	por !p5, !p0  }
0x327: {  	s13 =	smov.u32 @p4 s9;
	s21 =	sadd.s32 s4, s8;
	p0 =	por !p0, !p0  }
0x328: {  	[smem:$0x7E9] =	sst s0;
	s0 =	simm.s32 @!p0 $0x0;
	s12 =	simm.s32 @p0 $0x1  }
0x329: {  	p2 =	sge.s32 s21, s11;
	s0 =	simm.s32 @p0 $0x1;
	p1 =	seq.s32 s12, $0x0  }
0x32a: {  	[smem:$0x7EA] =	sst s0;
	p0 =	por !p2, !p1;
	s0 =	spop (v2sf)  }
0x32b: {  	s3 =	simm.s32 $0xFE;
	s1 =	spop (v2sf);
	p5 =	por !p0, !p0  }
0x32c: {  	s9 =	simm.s32 $0xFD;
	(v2sf) =	vpush v2, $0x0;
	s19 =	sadd.s32 s1, s21;
	s12 =	simm.s32 @p5 $0x1  }
0x32d: {  	s14 =	smov.u32 @p6 s2;
	p0 =	seq.s32 s12, $0x0;
	p2 =	sge.s32 s19, s11  }
0x32e: {  	s15 =	smov.u32 @p6 s22;
	s13 =	smov.u32 @p6 s3;
	(v2sf) =	vpush v2, $0x4;
	p0 =	por !p2, !p0  }
0x32f: {  	s22 =	simm.s32 $0xF2;
	s15 =	smov.u32 @p3 s18;
	p0 =	por !p0, !p0  }
0x330: {  	s14 =	smov.u32 @p3 s23;
	s13 =	smov.u32 @p3 s9;
	s2 =	simm.s32 @!p0 $0x0  }
0x331: {  	s18 =	simm.s32 $0xF0;
	s28 =	sld [smem:$0x7E8];
	(v2sf) =	vpush v2, $0x1;
	s2 =	simm.s32 @p0 $0x1  }
0x332: {  	s12 =	simm.s32 @p0 $0x1;
	[smem:$0x7EB] =	sst s2;
	s2 =	sadd.s32 s0, s19  }
0x333: {  	s29 =	sld [smem:$0x7E9];
	p0 =	seq.s32 s12, $0x0;
	p2 =	sge.s32 s2, s11  }
0x334: {  	s30 =	sld [smem:$0x7EA];
	s3 =	spop (v2sf);
	p0 =	por !p2, !p0  }
0x335: {  	s9 =	spop (v2sf);
	p2 =	seq.s32 s28, $0x1;
	p6 =	por !p0, !p0  }
0x336: {  	s14 =	smov.u32 @p2 s5;
	s5 =	sadd.s32 s3, s2;
	s12 =	simm.s32 @p6 $0x1  }
0x337: {  	s31 =	sld [smem:$0x7EB];
	p4 =	sge.s32 s5, s11;
	p3 =	seq.s32 s12, $0x0  }
0x338: {  	(v2sf) =	vpush v2, $0x3;
	s15 =	smov.u32 @p2 s17;
	p1 =	por !p4, !p3;
	p4 =	seq.s32 s29, $0x1  }
0x339: {  	p0 =	seq.s32 s30, $0x1;
	s17 =	simm.s32 $0x11700;
	s14 =	smov.u32 @p4 s6  }
0x33a: {  	(v2sf) =	vpush v2, $0x2;
	s15 =	smov.u32 @p4 s20;
	s6 =	simm.s32 $0xFC;
	p3 =	por !p1, !p1  }
0x33b: {  	s20 =	spop (v2sf);
	s14 =	smov.u32 @p0 s8;
	s8 =	simm.s32 $0xFB  }
0x33c: {  	s12 =	simm.s32 @p3 $0x1;
	s13 =	smov.u32 @p2 s6;
	s6 =	sadd.s32 s9, s5  }
0x33d: {  	s15 =	smov.u32 @p0 s16;
	s16 =	spop (v2sf);
	p1 =	seq.s32 s12, $0x0  }
0x33e: {  	s13 =	smov.u32 @p4 s8;
	p4 =	sge.s32 s6, s11;
	s14 =	smov.u32 @p5 s21  }
0x33f: {  	s15 =	smov.u32 @p5 s4;
	s4 =	simm.s32 $0xF9;
	p1 =	por !p4, !p1  }
0x340: {  	s8 =	simm.s32 $0xFA;
	s23 =	spop (v2sf);
	p1 =	por !p1, !p1  }
0x341: {  	s13 =	smov.u32 @p0 s8;
	s8 =	sadd.s32 s16, s6;
	s12 =	simm.s32 @p1 $0x1  }
0x342: {  	s21 =	simm.s32 $0xF1;
	p4 =	sge.s32 s8, s11;
	p2 =	seq.s32 s12, $0x0  }
0x343: {  	s13 =	smov.u32 @p5 s4;
	p0 =	por !p4, !p2;
	p2 =	seq.s32 s31, $0x1  }
0x344: {  	s4 =	simm.s32 $0xF8;
	s15 =	smov.u32 @p2 s1;
	s14 =	smov.u32 @p2 s19  }
0x345: {  	s1 =	simm.s32 $0xF7;
	p0 =	por !p0, !p0;
	s13 =	smov.u32 @p2 s4  }
0x346: {  	s19 =	simm.s32 $0xD0;
	s14 =	smov.u32 @p6 s2;
	s15 =	smov.u32 @p6 s0  }
0x347: {  	v1 =	vld [tilespmem:s17+$0x0];
	s0 =	spop (v2sf);
	s12 =	simm.s32 @p0 $0x1;
	s13 =	smov.u32 @p6 s1  }
0x348: {  	s1 =	simm.s32 $0xF6;
	s15 =	smov.u32 @p3 s3;
	s2 =	sadd.s32 s0, s8  }
0x349: {  	p5 =	seq.s32 s12, $0x0;
	s3 =	spop (v2sf);
	p6 =	sge.s32 s2, s11  }
0x34a: {  	s14 =	smov.u32 @p3 s5;
	s13 =	smov.u32 @p3 s1;
	p2 =	por !p6, !p5  }
0x34b: {  	s1 =	simm.s32 $0xF5;
	s15 =	smov.u32 @p1 s9;
	p2 =	por !p2, !p2  }
0x34c: {  	(v2sf) =	vpush v1, $0xA;
	s4 =	sadd.s32 s3, s2;
	s13 =	smov.u32 @p1 s1;
	s12 =	simm.s32 @p2 $0x1  }
0x34d: {  	(v2sf) =	vpush v1, $0xC;
	s14 =	smov.u32 @p1 s6;
	p5 =	sge.s32 s4, s11;
	p6 =	seq.s32 s12, $0x0  }
0x34e: {  	(v2sf) =	vpush v1, $0xD;
	s1 =	simm.s32 $0xF4;
	s15 =	smov.u32 @p0 s16;
	p3 =	por !p5, !p6  }
0x34f: {  	(v2sf) =	vpush v1, $0xF;
	s24 =	sadd.s32 s23, s4;
	s13 =	smov.u32 @p0 s1;
	p5 =	por !p3, !p3  }
0x350: {  	(v2sf) =	vpush v1, $0xE;
	s14 =	smov.u32 @p0 s8;
	s1 =	simm.s32 $0xF3;
	s12 =	simm.s32 @p5 $0x1  }
0x351: {  	(v2sf) =	vpush v1, $0xB;
	s16 =	simm.s32 $0xE0;
	p4 =	sge.s32 s24, s11;
	p6 =	seq.s32 s12, $0x0  }
0x352: {  	(v2sf) =	vpush v1, $0x9;
	s26 =	sadd.s32 s20, s24;
	s15 =	smov.u32 @p2 s0;
	p0 =	por !p4, !p6  }
0x353: {  	s13 =	smov.u32 @p2 s1;
	s14 =	smov.u32 @p2 s2;
	(v2sf) =	vpush v1, $0x7;
	p2 =	por !p0, !p0  }
0x354: {  	(v2sf) =	vpush v1, $0x8;
	s15 =	smov.u32 @p5 s3;
	s14 =	smov.u32 @p5 s4;
	s12 =	simm.s32 @p2 $0x1  }
.LBB2_22:
0x355: {  	_ =	sdelay $0x4  }
0x356: {  	s13 =	smov.u32 @p5 s22;
	p0 =	sge.s32 s26, s11  }
0x357: {  	s0 =	smov.u32 s19;
	s15 =	smov.u32 @p2 s23;
	s25 =	spop (v2sf)  }
0x358: {  	p1 =	seq.s32 s12, $0x0;
	s14 =	smov.u32 @p2 s24;
	s22 =	spop (v2sf)  }
0x359: {  	s17 =	sadd.s32 $0xFFFFFF80, s17;
	p0 =	por !p0, !p1;
	s2 =	spop (v2sf)  }
0x35a: {  	s13 =	smov.u32 @p2 s21;
	p0 =	por !p0, !p0;
	s1 =	spop (v2sf)  }
0x35b: {  	s12 =	simm.s32 @p0 $0x1;
	s15 =	smov.u32 @p0 s20;
	s3 =	sadd.s32 s26, s1  }
0x35c: {  	s13 =	smov.u32 @p0 s18;
	p3 =	seq.s32 s12, $0x0;
	p4 =	sge.s32 s3, s11  }
0x35d: {  	s14 =	smov.u32 @p0 s26;
	s18 =	smov.u32 s16;
	p1 =	por !p3, !p4  }
0x35e: {  	s16 =	smov.u32 s0;
	s4 =	spop (v2sf);
	p2 =	por !p1, !p1  }
0x35f: {  	s5 =	sadd.s32 s4, s3;
	s6 =	spop (v2sf);
	s12 =	simm.s32 @p2 $0x1  }
0x360: {  	p6 =	sge.s32 s5, s11;
	s26 =	spop (v2sf);
	p5 =	seq.s32 s12, $0x0  }
0x361: {  	s20 =	spop (v2sf);
	s14 =	smov.u32 @p2 s3;
	p0 =	por !p6, !p5  }
0x362: {  	s3 =	sadd.s32 s2, s5;
	s15 =	smov.u32 @p2 s1;
	p3 =	por !p0, !p0  }
0x363: {  	s24 =	spop (v2sf);
	s8 =	sadd.s32 s22, s3;
	s12 =	simm.s32 @p3 $0x1  }
0x364: {  	p4 =	sge.s32 s3, s11;
	s9 =	sadd.s32 s6, s8;
	p1 =	seq.s32 s12, $0x0  }
0x365: {  	p6 =	sge.s32 s8, s11;
	s21 =	sadd.s32 s25, s9;
	p0 =	por !p4, !p1  }
0x366: {  	s1 =	simm.s32 @!p3 $0x0;
	s14 =	smov.u32 @p3 s5;
	p1 =	por !p0, !p0  }
0x367: {  	s15 =	smov.u32 @p3 s4;
	p0 =	sne.s32 s19, $0x0;
	s12 =	simm.s32 @p1 $0x1  }
0x368: {  	s1 =	simm.s32 @p3 $0x1;
	s4 =	simm.s32 @!p0 $0x0;
	p5 =	seq.s32 s12, $0x0  }
0x369: {  	[smem:$0x7E0] =	sst s1;
	s4 =	simm.s32 @p0 $0x1;
	p0 =	por !p6, !p5  }
0x36a: {  	s1 =	sadd.s32 s26, s21;
	p4 =	sge.s32 s9, s11;
	p0 =	por !p0, !p0  }
0x36b: {  	s15 =	smov.u32 @p1 s2;
	s14 =	smov.u32 @p1 s3;
	s12 =	simm.s32 @p0 $0x1  }
0x36c: {  	s2 =	simm.s32 @!p0 $0x0;
	s14 =	smov.u32 @p0 s8;
	p3 =	seq.s32 s12, $0x0  }
0x36d: {  	s15 =	smov.u32 @p0 s22;
	s2 =	simm.s32 @p0 $0x1;
	p0 =	por !p4, !p3  }
0x36e: {  	(v2sf) =	vpush v1, $0x6;
	[smem:$0x7E7] =	sst s4;
	s4 =	simm.s32 @!p1 $0x0;
	p0 =	por !p0, !p0  }
0x36f: {  	p6 =	sge.s32 s21, s11;
	s4 =	simm.s32 @p1 $0x1;
	s12 =	simm.s32 @p0 $0x1  }
0x370: {  	(v2sf) =	vpush v1, $0x5;
	s0 =	simm.s32 @!p0 $0x0;
	s15 =	smov.u32 @p0 s6;
	p5 =	seq.s32 s12, $0x0  }
0x371: {  	(v2sf) =	vpush v1, $0x0;
	s14 =	smov.u32 @p0 s9;
	s0 =	simm.s32 @p0 $0x1;
	p0 =	por !p6, !p5  }
0x372: {  	(v2sf) =	vpush v1, $0x4;
	s30 =	sadd.s32 s24, s1;
	[smem:$0x7E1] =	sst s4;
	p0 =	por !p0, !p0  }
0x373: {  	p4 =	sge.s32 s1, s11;
	[smem:$0x7E3] =	sst s0;
	s12 =	simm.s32 @p0 $0x1  }
0x374: {  	s0 =	simm.s32 @!p0 $0x0;
	s15 =	smov.u32 @p0 s25;
	p3 =	seq.s32 s12, $0x0  }
0x375: {  	s14 =	smov.u32 @p0 s21;
	s0 =	simm.s32 @p0 $0x1;
	p0 =	por !p4, !p3  }
0x376: {  	s23 =	sadd.s32 s20, s30;
	[smem:$0x7E2] =	sst s2;
	p0 =	por !p0, !p0  }
0x377: {  	p6 =	sge.s32 s30, s11;
	[smem:$0x7E4] =	sst s0;
	s12 =	simm.s32 @p0 $0x1  }
0x378: {  	s0 =	simm.s32 @!p0 $0x0;
	s14 =	smov.u32 @p0 s1;
	p5 =	seq.s32 s12, $0x0  }
0x379: {  	s15 =	smov.u32 @p0 s26;
	s0 =	simm.s32 @p0 $0x1;
	p0 =	por !p6, !p5  }
0x37a: {  	p3 =	sge.s32 s23, s11;
	[smem:$0x7E5] =	sst s0;
	p0 =	por !p0, !p0  }
0x37b: {  	s0 =	simm.s32 @!p0 $0x0;
	s12 =	simm.s32 @p0 $0x1;
	s15 =	smov.u32 @p0 s24  }
0x37c: {  	s14 =	smov.u32 @p0 s30;
	s0 =	simm.s32 @p0 $0x1;
	p1 =	seq.s32 s12, $0x0  }
0x37d: {  	[smem:$0x7E6] =	sst s0;
	p0 =	por !p3, !p1;
	s0 =	spop (v2sf)  }
0x37e: {  	s1 =	sadd.s32 $0x8, s18;
	p6 =	por !p0, !p0;
	s30 =	sadd.s32 s0, s23  }
0x37f: {  	(v2sf) =	vpush v1, $0x1;
	s8 =	spop (v2sf);
	s12 =	simm.s32 @p6 $0x1;
	s15 =	smov.u32 @p6 s20  }
0x380: {  	(v2sf) =	vpush v1, $0x3;
	p5 =	sge.s32 s30, s11;
	s20 =	spop (v2sf);
	p4 =	seq.s32 s12, $0x0  }
0x381: {  	(v2sf) =	vpush v1, $0x2;
	v1 =	vld [tilespmem:s17+$0x0];
	s31 =	spop (v2sf);
	[smem:$0x7F0] =	sst s1;
	p0 =	por !p5, !p4  }
0x382: {  	s3 =	sadd.s32 $0xF, s18;
	s1 =	sld [smem:$0x7E0];
	p5 =	por !p0, !p0  }
0x383: {  	s12 =	simm.s32 @p5 $0x1;
	s15 =	smov.u32 @p5 s0;
	s0 =	sadd.s32 s8, s30  }
0x384: {  	s13 =	smov.u32 @p2 s3;
	p3 =	seq.s32 s12, $0x0;
	p4 =	sge.s32 s0, s11  }
0x385: {  	s14 =	smov.u32 @p6 s23;
	s23 =	sadd.s32 $0xE, s18;
	p0 =	por !p4, !p3  }
0x386: {  	p3 =	por !p0, !p0;
	p0 =	seq.s32 s1, $0x1;
	s1 =	sld [smem:$0x7F0]  }
0x387: {  	s13 =	smov.u32 @p0 s23;
	s23 =	sld [smem:$0x7E1];
	_ =	sdelay $0x2  }
0x388: {  	s9 =	sadd.s32 $0xD, s18;
	p2 =	seq.s32 s23, $0x1  }
0x389: {  	s13 =	smov.u32 @p2 s9;
	s9 =	sld [smem:$0x7E2];
	_ =	sdelay $0x1  }
0x38a: {  	s3 =	sadd.s32 s31, s0  }
0x38b: {  	s12 =	simm.s32 @p3 $0x1;
	p1 =	seq.s32 s9, $0x1;
	s9 =	sld [smem:$0x7E3]  }
0x38c: {  	p4 =	sge.s32 s3, s11;
	p0 =	seq.s32 s12, $0x0  }
0x38d: {  	p0 =	por !p4, !p0  }
0x38e: {  	p2 =	por !p0, !p0;
	p0 =	seq.s32 s9, $0x1;
	s9 =	sld [smem:$0x7E4]  }
0x38f: {  	s29 =	sadd.s32 $0x6, s18;
	s5 =	sadd.s32 $0xC, s18  }
0x390: {  	s28 =	sadd.s32 $0x5, s18;
	s6 =	sadd.s32 $0xB, s18;
	s13 =	smov.u32 @p1 s5  }
0x391: {  	s13 =	smov.u32 @p0 s6;
	p0 =	seq.s32 s9, $0x1;
	s9 =	sld [smem:$0x7E5]  }
0x392: {  	s4 =	sadd.s32 $0x9, s18;
	s2 =	sadd.s32 $0xA, s18;
	s23 =	spop (v2sf)  }
0x393: {  	s26 =	sadd.s32 $0x4, s18;
	s12 =	simm.s32 @p2 $0x1;
	s5 =	spop (v2sf)  }
0x394: {  	s6 =	sadd.s32 s5, s3;
	p4 =	seq.s32 s9, $0x1;
	s9 =	sld [smem:$0x7E6]  }
0x395: {  	p1 =	seq.s32 s12, $0x0;
	s13 =	smov.u32 @p0 s2;
	p0 =	sge.s32 s6, s11  }
0x396: {  	s24 =	sadd.s32 $0x7, s18;
	s2 =	spop (v2sf);
	p0 =	por !p0, !p1  }
0x397: {  	s13 =	smov.u32 @p4 s4;
	p4 =	por !p0, !p0;
	p1 =	seq.s32 s9, $0x1  }
0x398: {  	s12 =	simm.s32 @p4 $0x1;
	s13 =	smov.u32 @p1 s1;
	s1 =	sadd.s32 s2, s6  }
0x399: {  	s13 =	smov.u32 @p6 s24;
	p1 =	sge.s32 s1, s11;
	p6 =	seq.s32 s12, $0x0  }
0x39a: {  	s14 =	smov.u32 @p5 s30;
	s15 =	smov.u32 @p3 s8;
	p0 =	por !p1, !p6  }
0x39b: {  	s15 =	smov.u32 @p2 s31;
	s13 =	smov.u32 @p5 s29;
	p5 =	por !p0, !p0  }
0x39c: {  	(v2sf) =	vpush v1, $0xA;
	s31 =	sld [smem:$0x7E7];
	s24 =	sadd.s32 s23, s1;
	s12 =	simm.s32 @p5 $0x1  }
0x39d: {  	s14 =	smov.u32 @p3 s0;
	(v2sf) =	vpush v1, $0xC;
	p1 =	sge.s32 s24, s11;
	p6 =	seq.s32 s12, $0x0  }
0x39e: {  	s14 =	smov.u32 @p2 s3;
	(v2sf) =	vpush v1, $0xD;
	s13 =	smov.u32 @p3 s28;
	p0 =	por !p1, !p6  }
0x39f: {  	(v2sf) =	vpush v1, $0xF;
	s13 =	smov.u32 @p2 s26;
	p2 =	por !p0, !p0;
	p0 =	seq.s32 s31, $0x1  }
.Ltmp11:
0x3a0: {  	(v2sf) =	vpush v1, $0xE;
	(pc) =	sbr.rel @p0 .LBB2_22-.Ltmp11, $4  }
0x3a1: {  	s19 =	sadd.s32 $0xFFFFFFF0, s19;
	s22 =	sadd.s32 $0x2, s18;
	(v2sf) =	vpush v1, $0xB  }
0x3a2: {  	s21 =	sadd.s32 $0x1, s18;
	(v2sf) =	vpush v1, $0x9;
	s15 =	smov.u32 @p4 s5;
	s14 =	smov.u32 @p4 s6  }
0x3a3: {  	s25 =	sadd.s32 $0x3, s18;
	(v2sf) =	vpush v1, $0x7;
	s15 =	smov.u32 @p5 s2;
	s14 =	smov.u32 @p5 s1  }
0x3a4: {  	(v2sf) =	vpush v1, $0x8;
	s26 =	sadd.s32 s20, s24;
	s13 =	smov.u32 @p4 s25;
	s12 =	simm.s32 @p2 $0x1  }
0x3a5: {  	_ =	sdelay $0x5  }
0x3a6: {  	s17 =	spop (v2sf)  }
0x3a7: {  	p0 =	sge.s32 s26, s11;
	p1 =	seq.s32 s12, $0x0;
	s19 =	spop (v2sf)  }
0x3a8: {  	p0 =	por !p0, !p1;
	s25 =	spop (v2sf)  }
0x3a9: {  	p0 =	por !p0, !p0;
	s2 =	spop (v2sf)  }
0x3aa: {  	s12 =	simm.s32 @p0 $0x1;
	s5 =	sadd.s32 s26, s2  }
0x3ab: {  	p4 =	seq.s32 s12, $0x0;
	p3 =	sge.s32 s5, s11  }
0x3ac: {  	p1 =	por !p4, !p3  }
0x3ad: {  	s3 =	spop (v2sf);
	p1 =	por !p1, !p1  }
0x3ae: {  	s6 =	sadd.s32 s3, s5;
	s12 =	simm.s32 @p1 $0x1  }
0x3af: {  	p4 =	sge.s32 s6, s11;
	p6 =	seq.s32 s12, $0x0  }
0x3b0: {  	p3 =	por !p4, !p6  }
0x3b1: {  	p6 =	por !p3, !p3  }
0x3b2: {  	s8 =	sadd.s32 s25, s6;
	s12 =	simm.s32 @p6 $0x1  }
0x3b3: {  	p4 =	sge.s32 s8, s11;
	p3 =	seq.s32 s12, $0x0  }
0x3b4: {  	p3 =	por !p4, !p3  }
0x3b5: {  	p3 =	por !p3, !p3  }
0x3b6: {  	s9 =	sadd.s32 s19, s8;
	s0 =	simm.s32 @!p3 $0x0;
	s12 =	simm.s32 @p3 $0x1  }
0x3b7: {  	p4 =	sge.s32 s9, s11;
	s0 =	simm.s32 @p3 $0x1;
	p3 =	seq.s32 s12, $0x0  }
0x3b8: {  	s4 =	spop (v2sf);
	p3 =	por !p4, !p3  }
0x3b9: {  	s28 =	sadd.s32 s4, s9;
	p3 =	por !p3, !p3  }
0x3ba: {  	[smem:$0x7DC] =	sst s0;
	s0 =	simm.s32 @!p3 $0x0;
	s12 =	simm.s32 @p3 $0x1  }
0x3bb: {  	(v2sf) =	vpush v1, $0x6;
	s0 =	simm.s32 @p3 $0x1;
	p4 =	seq.s32 s12, $0x0;
	p3 =	sge.s32 s28, s11  }
0x3bc: {  	s13 =	smov.u32 @p5 s22;
	s15 =	smov.u32 @p2 s23;
	p3 =	por !p3, !p4  }
0x3bd: {  	s14 =	smov.u32 @p2 s24;
	s13 =	smov.u32 @p2 s21;
	p3 =	por !p3, !p3  }
0x3be: {  	s15 =	smov.u32 @p0 s20;
	[smem:$0x7DD] =	sst s0;
	s0 =	simm.s32 @!p3 $0x0  }
0x3bf: {  	s13 =	smov.u32 @p0 s18;
	s14 =	smov.u32 @p0 s26;
	s0 =	simm.s32 @p3 $0x1  }
0x3c0: {  	s12 =	simm.s32 @p3 $0x1;
	[smem:$0x7DE] =	sst s0;
	s0 =	sadd.s32 s17, s28  }
0x3c1: {  	s21 =	spop (v2sf);
	p3 =	seq.s32 s12, $0x0;
	p5 =	sge.s32 s0, s11  }
0x3c2: {  	s18 =	spop (v2sf);
	s14 =	smov.u32 @p1 s5;
	p3 =	por !p5, !p3  }
0x3c3: {  	s20 =	spop (v2sf);
	s15 =	smov.u32 @p1 s2;
	p4 =	por !p3, !p3  }
0x3c4: {  	s5 =	sadd.s32 $0xF, s16;
	s1 =	sadd.s32 s21, s0;
	s12 =	simm.s32 @p4 $0x1  }
0x3c5: {  	s13 =	smov.u32 @p1 s5;
	p5 =	sge.s32 s1, s11;
	p3 =	seq.s32 s12, $0x0  }
0x3c6: {  	s5 =	sadd.s32 $0xE, s16;
	s14 =	smov.u32 @p6 s6;
	p2 =	por !p5, !p3  }
0x3c7: {  	(v2sf) =	vpush v1, $0x5;
	s15 =	smov.u32 @p6 s3;
	s13 =	smov.u32 @p6 s5;
	p2 =	por !p2, !p2  }
0x3c8: {  	s6 =	sld [smem:$0x7DC];
	s2 =	sadd.s32 s20, s1;
	s12 =	simm.s32 @p2 $0x1  }
0x3c9: {  	s22 =	sld [smem:$0x7DD];
	p5 =	sge.s32 s2, s11;
	p3 =	seq.s32 s12, $0x0  }
0x3ca: {  	(v2sf) =	vpush v1, $0x0;
	s5 =	spop (v2sf);
	s24 =	sld [smem:$0x7DD];
	p0 =	por !p5, !p3  }
0x3cb: {  	s23 =	sld [smem:$0x7DE];
	s3 =	sadd.s32 s18, s2;
	p5 =	por !p0, !p0  }
0x3cc: {  	(v2sf) =	vpush v1, $0x4;
	p6 =	sge.s32 s3, s11;
	p3 =	seq.s32 s6, $0x1;
	s12 =	simm.s32 @p5 $0x1  }
0x3cd: {  	s6 =	sadd.s32 s5, s3;
	s14 =	smov.u32 @p3 s8;
	p1 =	seq.s32 s12, $0x0  }
0x3ce: {  	(v2sf) =	vpush v1, $0x1;
	s15 =	smov.u32 @p3 s25;
	s8 =	sadd.s32 $0xD, s16;
	p0 =	por !p6, !p1  }
0x3cf: {  	s25 =	sld [smem:$0x7DE];
	s13 =	smov.u32 @p3 s8;
	p0 =	por !p0, !p0  }
0x3d0: {  	s8 =	sadd.s32 $0xC, s16;
	p1 =	seq.s32 s22, $0x1;
	s12 =	simm.s32 @p0 $0x1  }
0x3d1: {  	(v2sf) =	vpush v1, $0x3;
	p6 =	sge.s32 s6, s11;
	s14 =	smov.u32 @p1 s9;
	p3 =	seq.s32 s12, $0x0  }
0x3d2: {  	s15 =	smov.u32 @p1 s19;
	p1 =	por !p6, !p3;
	p3 =	seq.s32 s23, $0x1  }
0x3d3: {  	p6 =	por p4, p4;
	s15 =	smov.u32 @p3 s4;
	s4 =	simm.s32 @!p4 $0x0  }
0x3d4: {  	s14 =	smov.u32 @p3 s28;
	s4 =	simm.s32 @p4 $0x1;
	s15 =	smov.u32 @p4 s17  }
0x3d5: {  	p4 =	por !p1, !p1;
	p1 =	seq.s32 s24, $0x1;
	s14 =	smov.u32 @p6 s0  }
0x3d6: {  	(v2sf) =	vpush v1, $0x2;
	s17 =	sadd.s32 $0xB, s16;
	[smem:$0x7DF] =	sst s4;
	s4 =	spop (v2sf)  }
0x3d7: {  	s12 =	simm.s32 @p4 $0x1;
	s13 =	smov.u32 @p1 s8;
	s15 =	smov.u32 @p2 s21  }
0x3d8: {  	s14 =	smov.u32 @p2 s1;
	s1 =	sadd.s32 $0x9, s16;
	s9 =	sadd.s32 s4, s6  }
0x3d9: {  	p1 =	seq.s32 s12, $0x0;
	s0 =	spop (v2sf);
	s15 =	smov.u32 @p5 s20  }
0x3da: {  	s14 =	smov.u32 @p5 s2;
	s26 =	sld [smem:$0x7DF];
	p3 =	sge.s32 s9, s11  }
0x3db: {  	s8 =	spop (v2sf);
	s14 =	smov.u32 @p0 s3;
	s15 =	smov.u32 @p0 s18  }
0x3dc: {  	s3 =	sadd.s32 $0x8, s16;
	p1 =	por !p3, !p1;
	s19 =	sadd.s32 s8, s9  }
0x3dd: {  	s2 =	spop (v2sf);
	s15 =	smov.u32 @p4 s5;
	p3 =	por !p1, !p1  }
0x3de: {  	s14 =	smov.u32 @p4 s6;
	p1 =	seq.s32 s25, $0x1;
	s12 =	simm.s32 @p3 $0x1  }
0x3df: {  	p6 =	sge.s32 s19, s11;
	s13 =	smov.u32 @p1 s17;
	p1 =	seq.s32 s12, $0x0  }
0x3e0: {  	s20 =	spop (v2sf);
	s17 =	sadd.s32 $0xA, s16;
	p1 =	por !p6, !p1  }
0x3e1: {  	s15 =	smov.u32 @p3 s4;
	p6 =	seq.s32 s26, $0x1;
	p1 =	por !p1, !p1  }
0x3e2: {  	s13 =	smov.u32 @p6 s17;
	s17 =	sadd.s32 s20, s19;
	s12 =	simm.s32 @p1 $0x1  }
0x3e3: {  	s13 =	smov.u32 @p2 s1;
	p6 =	sge.s32 s17, s11;
	p2 =	seq.s32 s12, $0x0  }
0x3e4: {  	s4 =	sadd.s32 $0x6, s16;
	s1 =	sadd.s32 $0x7, s16;
	p2 =	por !p6, !p2  }
0x3e5: {  	s13 =	smov.u32 @p5 s3;
	s3 =	spop (v2sf);
	p2 =	por !p2, !p2  }
0x3e6: {  	s13 =	smov.u32 @p0 s1;
	s1 =	sadd.s32 s3, s17;
	s12 =	simm.s32 @p2 $0x1  }
0x3e7: {  	s14 =	smov.u32 @p3 s9;
	p5 =	sge.s32 s1, s11;
	p6 =	seq.s32 s12, $0x0  }
0x3e8: {  	s15 =	smov.u32 @p1 s8;
	s14 =	smov.u32 @p1 s19;
	p0 =	por !p5, !p6  }
0x3e9: {  	s13 =	smov.u32 @p4 s4;
	s15 =	smov.u32 @p2 s20;
	p0 =	por !p0, !p0  }
0x3ea: {  	s15 =	smov.u32 @p0 s3;
	s3 =	sadd.s32 s2, s1;
	s12 =	simm.s32 @p0 $0x1  }
0x3eb: {  	s4 =	sadd.s32 $0x5, s16;
	p5 =	sge.s32 s3, s11;
	p6 =	seq.s32 s12, $0x0  }
0x3ec: {  	s13 =	smov.u32 @p3 s4;
	s4 =	sadd.s32 $0x4, s16;
	p4 =	por !p5, !p6  }
0x3ed: {  	s13 =	smov.u32 @p1 s4;
	s4 =	sadd.s32 $0x3, s16;
	p1 =	por !p4, !p4  }
0x3ee: {  	s13 =	smov.u32 @p2 s4;
	s4 =	sadd.s32 s0, s3;
	s12 =	simm.s32 @p1 $0x1  }
0x3ef: {  	s14 =	smov.u32 @p2 s17;
	p6 =	sge.s32 s4, s11;
	p5 =	seq.s32 s12, $0x0  }
0x3f0: {  	s14 =	smov.u32 @p0 s1;
	s1 =	sadd.s32 $0x2, s16;
	p2 =	por !p6, !p5  }
0x3f1: {  	s13 =	smov.u32 @p0 s1;
	s14 =	smov.u32 @p1 s3;
	p0 =	por !p2, !p2  }
0x3f2: {  	s15 =	smov.u32 @p1 s2;
	s14 =	smov.u32 @p0 s4  }
0x3f3: {  	s1 =	sadd.s32 $0x1, s16;
	s15 =	smov.u32 @p0 s0;
	s28 =	ssub.s32 s11, s14  }
0x3f4: {  	s13 =	smov.u32 @p1 s1;
	s0 =	sadd.s32 s15, s28  }
0x3f5: {  	s13 =	smov.u32 @p0 s16;
	v1 =	vmov s0  }
0x3f6: {  	[tilespmem:$0x1A080] =	vst v1;
	v1 =	vmov s13  }
0x3f7: {  	s29 =	simm.s32 $0x19880;
	s30 =	simm.s32 $0x1;
	[tilespmem:$0x19880] =	vst v1  }
0x3f8: {  	[spmem:s7] =	stream.linear.scatter [tilespmem:s29], [sflag:$0x1], $0x800, $0x38;
	[tilespmem:$0x1AA40] =	vst v63  }
0x3f9: {  	_ =	swait.ge [sflag:s30], $0x800  }
0x3fa: {  	s31 =	sld [smem:$0x7FD]  }
0x3fb: {  	[sflag:s30] =	ssyncset.done $0x0;
	s5 =	rddreg [dreg:$0x9]  }
0x3fc: {  	s4 =	rddreg [dreg:$0xb];
	[sflag:s30] =	ssyncadd.s32 $0xFFFFF800  }
0x3fd: {  	s6 =	smov.u32 s7;
	s7 =	rddreg [dreg:$0x4];
	p1 =	seq.s32 s31, $0x1  }
.LBB2_24:
0x3fe: {  	[bflag:$0x0] =	sbarrier.arrive $0xFFFF;
	s0 =	simm.s32 $0x19880  }
0x3ff: {  	[tilespmem:s0], [sflag:$0x1] =	stream.linear.gather [spmem:s6], $0x800, $0x38;
	[tilespmem:$0x1AA40] =	vst v63  }
0x400: {  	_ =	swait.ge [sflag:s10], $0x800  }
0x401: {  	[sflag:s10] =	ssyncset.done $0x0  }
0x402: {  	[sflag:s10] =	ssyncadd.s32 $0xFFFFF800  }
0x403: {  	v2 =	vimm.s32 $0x0;
	s1 =	simm.s32 $0x100;
	s0 =	simm.s32 $0x0;
	v1 =	vld [tilespmem:$0x19880]  }
.LBB2_25:
0x404: {  	p0 =	sne.s32 s1, $0x3F00;
	[tilespmem:s0+$0x10030] =	vst v2;
	s2 =	smov.u32 s1;
	s1 =	sadd.s32 $0x100, s1  }
.Ltmp12:
0x405: {  	[tilespmem:s0+$0x10020] =	vst v2;
	(pc) =	sbr.rel @p0 .LBB2_25-.Ltmp12, $3  }
0x406: {  	[tilespmem:s0+$0x10000] =	vst v2  }
0x407: {  	[tilespmem:s0+$0x10010] =	vst v2;
	_ =	sdelay $0x1  }
0x408: {  	s0 =	sshra.s32 s2, $0x2  }
0x409: {  	[tilespmem:s0+$0x10030] =	vst v2  }
0x40a: {  	[tilespmem:s0+$0x10020] =	vst v2  }
0x40b: {  	[tilespmem:s0+$0x10000] =	vst v2;
	v0 =	vshll.u32 v0, $0x8;
	v3 =	vlaneseq.u32  }
0x40c: {  	[tilespmem:s0+$0x10010] =	vst v2;
	s0 =	simm.s32 $0x0;
	v2 =	vimm.s32 $0x1;
	s1 =	simm.s32 $0x0;
	s3 =	simm.s32 $0x10000;
	v0 =	vor.u32 v0, v1;
	v1 =	vmul.u32 $0x100, v3  }
.LBB2_27:
0x40d: {  	s2 =	sshra.s32 s1, $0x2  }
0x40e: {  	v3 =	vld [tilespmem:s2+$0x0];
	_ =	sdelay $0x4  }
0x40f: {  	v4 =	vshrl.u32 v3, $0xF;
	v3 =	vshrl.u32 v3, $0x7  }
0x410: {  	vm0 =	veq.s32 v4, v0;
	v3 =	vand.u32 $0xFF, v3  }
0x411: {  	v3 =	vor.u32 v1, v3;
	_ =	sdelay $0x4  }
0x412: {  	[tilespmem:v3+s3+$0x0] =	vst.idx.add.s32.msk vm0, v2  }
0x413: {  	v3 =	vld [tilespmem:s2+$0x10];
	_ =	sdelay $0x4  }
0x414: {  	v57 =	vshrl.u32 v3, $0xF;
	v3 =	vshrl.u32 v3, $0x7  }
0x415: {  	vm9 =	veq.s32 v57, v0;
	v3 =	vand.u32 $0xFF, v3  }
0x416: {  	v3 =	vor.u32 v1, v3;
	_ =	sdelay $0x4  }
0x417: {  	[tilespmem:v3+s3+$0x0] =	vst.idx.add.s32.msk vm9, v2  }
0x418: {  	v3 =	vld [tilespmem:s2+$0x20];
	_ =	sdelay $0x4  }
0x419: {  	v58 =	vshrl.u32 v3, $0xF;
	v3 =	vshrl.u32 v3, $0x7  }
0x41a: {  	vm10 =	veq.s32 v58, v0;
	v3 =	vand.u32 $0xFF, v3  }
0x41b: {  	v3 =	vor.u32 v1, v3;
	_ =	sdelay $0x4  }
0x41c: {  	[tilespmem:v3+s3+$0x0] =	vst.idx.add.s32.msk vm10, v2  }
0x41d: {  	v3 =	vld [tilespmem:s2+$0x30];
	_ =	sdelay $0x4  }
0x41e: {  	v59 =	vshrl.u32 v3, $0xF;
	v3 =	vshrl.u32 v3, $0x7  }
0x41f: {  	vm11 =	veq.s32 v59, v0;
	v3 =	vand.u32 $0xFF, v3  }
0x420: {  	v3 =	vor.u32 v1, v3;
	_ =	sdelay $0x4  }
0x421: {  	[tilespmem:v3+s3+$0x0] =	vst.idx.add.s32.msk vm11, v2  }
0x422: {  	v3 =	vld [tilespmem:s2+$0x40];
	_ =	sdelay $0x4  }
0x423: {  	v60 =	vshrl.u32 v3, $0xF;
	v3 =	vshrl.u32 v3, $0x7  }
0x424: {  	vm12 =	veq.s32 v60, v0;
	v3 =	vand.u32 $0xFF, v3  }
0x425: {  	v3 =	vor.u32 v1, v3;
	_ =	sdelay $0x4  }
0x426: {  	[tilespmem:v3+s3+$0x0] =	vst.idx.add.s32.msk vm12, v2  }
0x427: {  	v3 =	vld [tilespmem:s2+$0x50];
	_ =	sdelay $0x4  }
0x428: {  	v61 =	vshrl.u32 v3, $0xF;
	v3 =	vshrl.u32 v3, $0x7  }
0x429: {  	vm13 =	veq.s32 v61, v0;
	v3 =	vand.u32 $0xFF, v3  }
0x42a: {  	v3 =	vor.u32 v1, v3;
	_ =	sdelay $0x4  }
0x42b: {  	[tilespmem:v3+s3+$0x0] =	vst.idx.add.s32.msk vm13, v2  }
0x42c: {  	v3 =	vld [tilespmem:s2+$0x60];
	_ =	sdelay $0x4  }
0x42d: {  	v62 =	vshrl.u32 v3, $0xF;
	v3 =	vshrl.u32 v3, $0x7  }
0x42e: {  	vm14 =	veq.s32 v62, v0;
	v3 =	vand.u32 $0xFF, v3  }
0x42f: {  	v3 =	vor.u32 v1, v3;
	_ =	sdelay $0x4  }
0x430: {  	[tilespmem:v3+s3+$0x0] =	vst.idx.add.s32.msk vm14, v2  }
0x431: {  	v3 =	vld [tilespmem:s2+$0x70];
	_ =	sdelay $0x4  }
0x432: {  	v63 =	vshrl.u32 v3, $0xF;
	v3 =	vshrl.u32 v3, $0x7  }
0x433: {  	vm15 =	veq.s32 v63, v0;
	v3 =	vand.u32 $0xFF, v3  }
0x434: {  	p0 =	sne.s32 s1, $0x3FE00;
	v3 =	vor.u32 v1, v3  }
.Ltmp13:
0x435: {  	_ = 	snop;
	(pc) =	sbr.rel @p0 .LBB2_27-.Ltmp13, $2  }
0x436: {  	_ =	sdelay $0x2  }
0x437: {  	s1 =	sadd.s32 $0x200, s1;
	[tilespmem:v3+s3+$0x0] =	vst.idx.add.s32.msk vm15, v2  }
0x438: {  	s0 =	sand.u32 $0xF0, s0;
	v2 =	vld [tilespmem:s3+$0x0]  }
0x439: {  	v1 =	vld [tilespmem:s0+$0x10100]  }
0x43a: {  	v3 =	vld [tilespmem:s0+$0x10200]  }
0x43b: {  	v4 =	vld [tilespmem:s0+$0x10300]  }
0x43c: {  	v5 =	vld [tilespmem:s0+$0x10400]  }
0x43d: {  	v6 =	vld [tilespmem:s0+$0x10500]  }
0x43e: {  	v1 =	vadd.s32 v2, v1;
	v2 =	vld [tilespmem:s0+$0x10600]  }
0x43f: {  	v1 =	vadd.s32 v3, v1;
	v3 =	vld [tilespmem:s0+$0x10700]  }
0x440: {  	v58 =	vld [tilespmem:s0+$0x10800];
	v1 =	vadd.s32 v4, v1  }
0x441: {  	v59 =	vld [tilespmem:s0+$0x10900];
	v1 =	vadd.s32 v5, v1  }
0x442: {  	v60 =	vld [tilespmem:s0+$0x10A00];
	v1 =	vadd.s32 v6, v1  }
0x443: {  	v1 =	vadd.s32 v2, v1;
	v2 =	vld [tilespmem:s0+$0x10B00]  }
0x444: {  	v1 =	vadd.s32 v3, v1;
	v3 =	vld [tilespmem:s0+$0x10C00]  }
0x445: {  	v61 =	vld [tilespmem:s0+$0x10D00];
	v1 =	vadd.s32 v58, v1  }
0x446: {  	v62 =	vld [tilespmem:s0+$0x10E00];
	v1 =	vadd.s32 v59, v1  }
0x447: {  	v63 =	vld [tilespmem:s0+$0x10F00];
	v1 =	vadd.s32 v60, v1  }
0x448: {  	v1 =	vadd.s32 v2, v1  }
0x449: {  	v1 =	vadd.s32 v3, v1  }
0x44a: {  	v1 =	vadd.s32 v61, v1  }
0x44b: {  	v1 =	vadd.s32 v62, v1  }
0x44c: {  	s9 =	simm.s32 $0x11000;
	s31 =	simm.s32 $0x10;
	v1 =	vadd.s32 v63, v1  }
0x44d: {  	s10 =	sand.u32 $0xF0, s31;
	[tilespmem:s9+$0x0] =	vst v1  }
0x44e: {  	s1 =	simm.s32 $0x20;
	s0 =	simm.s32 $0x10010;
	v1 =	vld [tilespmem:s10+$0x10100]  }
.LBB2_29:
0x44f: {  	p0 =	sne.s32 s1, $0xF0;
	v2 =	vld [tilespmem:s0+$0x0]  }
0x450: {  	v3 =	vld [tilespmem:s10+$0x10200]  }
0x451: {  	v4 =	vld [tilespmem:s10+$0x10300]  }
0x452: {  	v5 =	vld [tilespmem:s10+$0x10400]  }
0x453: {  	v6 =	vld [tilespmem:s10+$0x10500]  }
0x454: {  	v1 =	vadd.s32 v2, v1;
	v2 =	vld [tilespmem:s10+$0x10600]  }
0x455: {  	v1 =	vadd.s32 v3, v1;
	v3 =	vld [tilespmem:s10+$0x10700]  }
0x456: {  	v1 =	vadd.s32 v4, v1;
	v4 =	vld [tilespmem:s10+$0x10800]  }
0x457: {  	v1 =	vadd.s32 v5, v1;
	v5 =	vld [tilespmem:s10+$0x10900]  }
0x458: {  	v1 =	vadd.s32 v6, v1;
	v6 =	vld [tilespmem:s10+$0x10A00]  }
0x459: {  	v1 =	vadd.s32 v2, v1;
	v2 =	vld [tilespmem:s10+$0x10B00]  }
0x45a: {  	v1 =	vadd.s32 v3, v1;
	v3 =	vld [tilespmem:s10+$0x10C00]  }
0x45b: {  	v1 =	vadd.s32 v4, v1;
	v4 =	vld [tilespmem:s10+$0x10D00]  }
0x45c: {  	v1 =	vadd.s32 v5, v1;
	v5 =	vld [tilespmem:s10+$0x10E00]  }
0x45d: {  	v1 =	vadd.s32 v6, v1;
	v6 =	vld [tilespmem:s10+$0x10F00]  }
0x45e: {  	v1 =	vadd.s32 v2, v1  }
0x45f: {  	v1 =	vadd.s32 v3, v1  }
.Ltmp14:
0x460: {  	v1 =	vadd.s32 v4, v1;
	(pc) =	sbr.rel @p0 .LBB2_29-.Ltmp14, $4  }
0x461: {  	v1 =	vadd.s32 v5, v1  }
0x462: {  	s9 =	sadd.s32 $0x80, s9;
	v1 =	vadd.s32 v6, v1  }
0x463: {  	s10 =	sand.u32 $0xF0, s1;
	[tilespmem:s9+$0x0] =	vst v1  }
0x464: {  	s0 =	sadd.s32 $0x10, s0;
	s1 =	sadd.s32 $0x10, s1;
	v1 =	vld [tilespmem:s10+$0x10100]  }
0x465: {  	v2 =	vld [tilespmem:s0+$0x0]  }
0x466: {  	v3 =	vld [tilespmem:s10+$0x10200]  }
0x467: {  	v4 =	vld [tilespmem:s10+$0x10300]  }
0x468: {  	v5 =	vld [tilespmem:s10+$0x10400]  }
0x469: {  	v6 =	vld [tilespmem:s10+$0x10500]  }
0x46a: {  	v1 =	vadd.s32 v2, v1;
	v2 =	vld [tilespmem:s10+$0x10600]  }
0x46b: {  	v1 =	vadd.s32 v3, v1;
	v3 =	vld [tilespmem:s10+$0x10700]  }
0x46c: {  	v58 =	vld [tilespmem:s10+$0x10800];
	v1 =	vadd.s32 v4, v1  }
0x46d: {  	v59 =	vld [tilespmem:s10+$0x10900];
	v1 =	vadd.s32 v5, v1  }
0x46e: {  	v60 =	vld [tilespmem:s10+$0x10A00];
	v1 =	vadd.s32 v6, v1  }
0x46f: {  	v1 =	vadd.s32 v2, v1;
	v2 =	vld [tilespmem:s10+$0x10B00]  }
0x470: {  	v1 =	vadd.s32 v3, v1;
	v3 =	vld [tilespmem:s10+$0x10C00]  }
0x471: {  	v61 =	vld [tilespmem:s10+$0x10D00];
	v1 =	vadd.s32 v58, v1  }
0x472: {  	v62 =	vld [tilespmem:s10+$0x10E00];
	v1 =	vadd.s32 v59, v1  }
0x473: {  	v63 =	vld [tilespmem:s10+$0x10F00];
	v1 =	vadd.s32 v60, v1  }
0x474: {  	v1 =	vadd.s32 v2, v1  }
0x475: {  	v1 =	vadd.s32 v3, v1  }
0x476: {  	v1 =	vadd.s32 v61, v1  }
0x477: {  	v1 =	vadd.s32 v62, v1  }
0x478: {  	s31 =	sadd.s32 $0x80, s9;
	v1 =	vadd.s32 v63, v1  }
0x479: {  	s0 =	simm.s32 $0x0;
	s1 =	simm.s32 $0x11000;
	s9 =	simm.s32 $0x1;
	[tilespmem:s31+$0x0] =	vst v1  }
0x47a: {  	[hbm4b:s4+s0] =	stream.linear.scatter [tilespmem:s1], [sflag:$0x1], $0x800, $0x38;
	[tilespmem:$0x1AA40] =	vst v63  }
.Ltmp15:
0x47b: {  	_ =	swait.ge [sflag:s9], $0x800;
	(pc) =	sbr.rel @p1 .LBB2_36-.Ltmp15, $3  }
0x47c: {  	[sflag:s9] =	ssyncset.done $0x0  }
0x47d: {  	[sflag:s9] =	ssyncadd.s32 $0xFFFFF800  }
0x47e: {  	[bflag:$0x0] =	sbarrier.arrive $0xFFFF;
	_ =	sdelay $0x1  }
0x47f: {  	s1 =	simm.s32 $0x11800  }
0x480: {  	[tilespmem:s1], [sflag:$0x1] =	stream.linear.gather [hbm4b:s5+s0], $0x8000, $0x38;
	[tilespmem:$0x1AA40] =	vst v63  }
0x481: {  	_ =	swait.ge [sflag:s9], $0x8000  }
0x482: {  	[sflag:s9] =	ssyncset.done $0x0  }
0x483: {  	[sflag:s9] =	ssyncadd.s32 $0xFFFF8000  }
0x484: {  	v16 =	vld [tilespmem:$0x11800]  }
0x485: {  	v15 =	vld [tilespmem:$0x11880]  }
0x486: {  	v14 =	vld [tilespmem:$0x11900]  }
0x487: {  	v13 =	vld [tilespmem:$0x11980]  }
0x488: {  	v12 =	vld [tilespmem:$0x11A00]  }
0x489: {  	v11 =	vld [tilespmem:$0x11A80];
	[tilespmem:$0x11000] =	vst v16  }
0x48a: {  	v10 =	vld [tilespmem:$0x11B00];
	[tilespmem:$0x11080] =	vst v15  }
0x48b: {  	v9 =	vld [tilespmem:$0x11B80];
	[tilespmem:$0x11100] =	vst v14  }
0x48c: {  	v8 =	vld [tilespmem:$0x11C00];
	[tilespmem:$0x11180] =	vst v13  }
0x48d: {  	v7 =	vld [tilespmem:$0x11C80];
	[tilespmem:$0x11200] =	vst v12  }
0x48e: {  	v6 =	vld [tilespmem:$0x11D00];
	[tilespmem:$0x11280] =	vst v11  }
0x48f: {  	v5 =	vld [tilespmem:$0x11D80];
	[tilespmem:$0x11300] =	vst v10  }
0x490: {  	v4 =	vld [tilespmem:$0x11E00];
	[tilespmem:$0x11380] =	vst v9  }
0x491: {  	v3 =	vld [tilespmem:$0x11E80];
	[tilespmem:$0x11400] =	vst v8  }
0x492: {  	v2 =	vld [tilespmem:$0x11F00];
	[tilespmem:$0x11480] =	vst v7  }
0x493: {  	v1 =	vld [tilespmem:$0x11F80];
	[tilespmem:$0x11500] =	vst v6  }
0x494: {  	[tilespmem:$0x11580] =	vst v5  }
0x495: {  	[tilespmem:$0x11600] =	vst v4  }
0x496: {  	[tilespmem:$0x11680] =	vst v3  }
0x497: {  	[tilespmem:$0x11700] =	vst v2  }
0x498: {  	s10 =	simm.s32 $0x0;
	s11 =	simm.s32 $0x2000;
	[tilespmem:$0x11780] =	vst v1  }
.LBB2_32:
0x499: {  	p1 =	sne.s32 s11, $0x1C000;
	v17 =	vld [tilespmem:s10+$0x12000];
	_ =	sdelay $0x4  }
0x49a: {  	v16 =	vadd.s32 v16, v17  }
0x49b: {  	[tilespmem:$0x11000] =	vst v16  }
0x49c: {  	v17 =	vld [tilespmem:s10+$0x12080];
	_ =	sdelay $0x4  }
0x49d: {  	v15 =	vadd.s32 v15, v17  }
0x49e: {  	[tilespmem:$0x11080] =	vst v15  }
0x49f: {  	v17 =	vld [tilespmem:s10+$0x12100];
	_ =	sdelay $0x4  }
0x4a0: {  	v14 =	vadd.s32 v14, v17  }
0x4a1: {  	[tilespmem:$0x11100] =	vst v14  }
0x4a2: {  	v17 =	vld [tilespmem:s10+$0x12180];
	_ =	sdelay $0x4  }
0x4a3: {  	v13 =	vadd.s32 v13, v17  }
0x4a4: {  	[tilespmem:$0x11180] =	vst v13  }
0x4a5: {  	v17 =	vld [tilespmem:s10+$0x12200];
	_ =	sdelay $0x4  }
0x4a6: {  	v12 =	vadd.s32 v12, v17  }
0x4a7: {  	[tilespmem:$0x11200] =	vst v12  }
0x4a8: {  	v17 =	vld [tilespmem:s10+$0x12280];
	_ =	sdelay $0x4  }
0x4a9: {  	v11 =	vadd.s32 v11, v17  }
0x4aa: {  	[tilespmem:$0x11280] =	vst v11  }
0x4ab: {  	v17 =	vld [tilespmem:s10+$0x12300];
	_ =	sdelay $0x4  }
0x4ac: {  	v10 =	vadd.s32 v10, v17  }
0x4ad: {  	[tilespmem:$0x11300] =	vst v10  }
0x4ae: {  	v17 =	vld [tilespmem:s10+$0x12380];
	_ =	sdelay $0x4  }
0x4af: {  	v9 =	vadd.s32 v9, v17  }
0x4b0: {  	[tilespmem:$0x11380] =	vst v9  }
0x4b1: {  	v17 =	vld [tilespmem:s10+$0x12400];
	_ =	sdelay $0x4  }
0x4b2: {  	v8 =	vadd.s32 v8, v17  }
0x4b3: {  	[tilespmem:$0x11400] =	vst v8  }
0x4b4: {  	v17 =	vld [tilespmem:s10+$0x12480];
	_ =	sdelay $0x4  }
0x4b5: {  	v7 =	vadd.s32 v7, v17  }
0x4b6: {  	[tilespmem:$0x11480] =	vst v7  }
0x4b7: {  	v17 =	vld [tilespmem:s10+$0x12500];
	_ =	sdelay $0x4  }
0x4b8: {  	v6 =	vadd.s32 v6, v17  }
0x4b9: {  	[tilespmem:$0x11500] =	vst v6  }
0x4ba: {  	v17 =	vld [tilespmem:s10+$0x12580];
	_ =	sdelay $0x4  }
0x4bb: {  	v5 =	vadd.s32 v5, v17  }
0x4bc: {  	[tilespmem:$0x11580] =	vst v5  }
0x4bd: {  	v17 =	vld [tilespmem:s10+$0x12600];
	_ =	sdelay $0x4  }
0x4be: {  	v4 =	vadd.s32 v4, v17  }
0x4bf: {  	[tilespmem:$0x11600] =	vst v4  }
0x4c0: {  	v17 =	vld [tilespmem:s10+$0x12680];
	_ =	sdelay $0x4  }
0x4c1: {  	v3 =	vadd.s32 v3, v17  }
0x4c2: {  	[tilespmem:$0x11680] =	vst v3  }
0x4c3: {  	v17 =	vld [tilespmem:s10+$0x12700];
	_ =	sdelay $0x4  }
0x4c4: {  	v2 =	vadd.s32 v2, v17  }
0x4c5: {  	[tilespmem:$0x11700] =	vst v2  }
0x4c6: {  	v17 =	vld [tilespmem:s10+$0x12780];
	_ =	sdelay $0x1  }
.Ltmp16:
0x4c7: {  	(pc) =	sbr.rel @p1 .LBB2_32-.Ltmp16, $3  }
0x4c8: {  	_ =	sdelay $0x1  }
0x4c9: {  	v1 =	vadd.s32 v1, v17  }
0x4ca: {  	s10 =	sshra.s32 s11, $0x2;
	s11 =	sadd.s32 $0x2000, s11;
	[tilespmem:$0x11780] =	vst v1  }
0x4cb: {  	v17 =	vld [tilespmem:s10+$0x12000];
	_ =	sdelay $0x4  }
0x4cc: {  	v16 =	vadd.s32 v16, v17  }
0x4cd: {  	[tilespmem:$0x11000] =	vst v16  }
0x4ce: {  	v16 =	vld [tilespmem:s10+$0x12080];
	_ =	sdelay $0x4  }
0x4cf: {  	v15 =	vadd.s32 v15, v16  }
0x4d0: {  	[tilespmem:$0x11080] =	vst v15  }
0x4d1: {  	v15 =	vld [tilespmem:s10+$0x12100];
	_ =	sdelay $0x4  }
0x4d2: {  	v14 =	vadd.s32 v14, v15  }
0x4d3: {  	[tilespmem:$0x11100] =	vst v14  }
0x4d4: {  	v14 =	vld [tilespmem:s10+$0x12180];
	_ =	sdelay $0x4  }
0x4d5: {  	v13 =	vadd.s32 v13, v14  }
0x4d6: {  	[tilespmem:$0x11180] =	vst v13  }
0x4d7: {  	v13 =	vld [tilespmem:s10+$0x12200];
	_ =	sdelay $0x4  }
0x4d8: {  	v12 =	vadd.s32 v12, v13  }
0x4d9: {  	[tilespmem:$0x11200] =	vst v12  }
0x4da: {  	v12 =	vld [tilespmem:s10+$0x12280];
	_ =	sdelay $0x4  }
0x4db: {  	v11 =	vadd.s32 v11, v12  }
0x4dc: {  	[tilespmem:$0x11280] =	vst v11  }
0x4dd: {  	v11 =	vld [tilespmem:s10+$0x12300];
	_ =	sdelay $0x4  }
0x4de: {  	v10 =	vadd.s32 v10, v11  }
0x4df: {  	[tilespmem:$0x11300] =	vst v10  }
0x4e0: {  	v10 =	vld [tilespmem:s10+$0x12380];
	_ =	sdelay $0x4  }
0x4e1: {  	v9 =	vadd.s32 v9, v10  }
0x4e2: {  	[tilespmem:$0x11380] =	vst v9  }
0x4e3: {  	v9 =	vld [tilespmem:s10+$0x12400];
	_ =	sdelay $0x4  }
0x4e4: {  	v8 =	vadd.s32 v8, v9  }
0x4e5: {  	[tilespmem:$0x11400] =	vst v8  }
0x4e6: {  	v8 =	vld [tilespmem:s10+$0x12480];
	_ =	sdelay $0x4  }
0x4e7: {  	v7 =	vadd.s32 v7, v8  }
0x4e8: {  	[tilespmem:$0x11480] =	vst v7  }
0x4e9: {  	v7 =	vld [tilespmem:s10+$0x12500];
	_ =	sdelay $0x4  }
0x4ea: {  	v6 =	vadd.s32 v6, v7  }
0x4eb: {  	[tilespmem:$0x11500] =	vst v6  }
0x4ec: {  	v6 =	vld [tilespmem:s10+$0x12580];
	_ =	sdelay $0x4  }
0x4ed: {  	v5 =	vadd.s32 v5, v6  }
0x4ee: {  	[tilespmem:$0x11580] =	vst v5  }
0x4ef: {  	v5 =	vld [tilespmem:s10+$0x12600];
	_ =	sdelay $0x4  }
0x4f0: {  	v4 =	vadd.s32 v4, v5  }
0x4f1: {  	[tilespmem:$0x11600] =	vst v4  }
0x4f2: {  	v4 =	vld [tilespmem:s10+$0x12680];
	_ =	sdelay $0x4  }
0x4f3: {  	v3 =	vadd.s32 v3, v4  }
0x4f4: {  	[tilespmem:$0x11680] =	vst v3  }
0x4f5: {  	v3 =	vld [tilespmem:s10+$0x12700];
	_ =	sdelay $0x4  }
0x4f6: {  	v2 =	vadd.s32 v2, v3  }
0x4f7: {  	[tilespmem:$0x11700] =	vst v2  }
0x4f8: {  	v2 =	vld [tilespmem:s10+$0x12780];
	_ =	sdelay $0x4  }
0x4f9: {  	v1 =	vadd.s32 v1, v2  }
0x4fa: {  	s0 =	simm.s32 $0x11780;
	[tilespmem:$0x11780] =	vst v1;
	v1 =	vld [tilespmem:$0x1A080]  }
0x4fb: {  	v2 =	vld [tilespmem:s0+$0x0];
	_ =	sdelay $0x3  }
0x4fc: {  	(v2sf) =	vpush v1, $0x0  }
0x4fd: {  	(v2sf) =	vpush v2, $0xA  }
0x4fe: {  	(v2sf) =	vpush v2, $0xC  }
0x4ff: {  	(v2sf) =	vpush v2, $0xD  }
0x500: {  	(v2sf) =	vpush v2, $0xF;
	_ =	sdelay $0x3  }
0x501: {  	(v2sf) =	vpush v2, $0xE;
	_ =	sdelay $0x6  }
0x502: {  	s10 =	spop (v2sf)  }
0x503: {  	s15 =	spop (v2sf)  }
0x504: {  	s16 =	spop (v2sf)  }
0x505: {  	s17 =	spop (v2sf)  }
0x506: {  	s3 =	spop (v2sf)  }
0x507: {  	(v2sf) =	vpush v2, $0xB;
	s1 =	sadd.s32 $0x0, s3  }
0x508: {  	p0 =	por $0x1, $0x1;
	p1 =	sge.s32 s1, s10  }
0x509: {  	p0 =	por !p0, !p1  }
0x50a: {  	s11 =	simm.s32 $0x0;
	s21 =	spop (v2sf);
	p4 =	por !p0, !p0  }
0x50b: {  	s2 =	sadd.s32 s21, s1;
	s11 =	simm.s32 @p4 $0x1  }
0x50c: {  	p2 =	sge.s32 s2, s10;
	p1 =	seq.s32 s11, $0x0  }
0x50d: {  	p0 =	por !p2, !p1  }
0x50e: {  	(v2sf) =	vpush v2, $0x9;
	p6 =	por !p0, !p0  }
0x50f: {  	s22 =	sadd.s32 s17, s2;
	s11 =	simm.s32 @p6 $0x1  }
0x510: {  	p5 =	sge.s32 s22, s10;
	p3 =	seq.s32 s11, $0x0  }
0x511: {  	p0 =	por !p5, !p3  }
0x512: {  	(v2sf) =	vpush v2, $0x7;
	p3 =	por !p0, !p0  }
0x513: {  	(v2sf) =	vpush v2, $0x8;
	s5 =	sadd.s32 s16, s22;
	s11 =	simm.s32 @p3 $0x1  }
0x514: {  	p5 =	sge.s32 s5, s10;
	p2 =	seq.s32 s11, $0x0  }
0x515: {  	s12 =	simm.s32 $0x0;
	p0 =	por !p5, !p2  }
0x516: {  	s13 =	simm.s32 $0x0;
	s19 =	spop (v2sf);
	p0 =	por !p0, !p0  }
0x517: {  	s6 =	sadd.s32 s19, s5;
	s0 =	simm.s32 @!p0 $0x0;
	s11 =	simm.s32 @p0 $0x1  }
0x518: {  	p2 =	sge.s32 s6, s10;
	s0 =	simm.s32 @p0 $0x1;
	p0 =	seq.s32 s11, $0x0  }
0x519: {  	s14 =	simm.s32 $0x0;
	s23 =	simm.s32 $0xFF;
	p0 =	por !p2, !p0  }
0x51a: {  	s13 =	smov.u32 @p4 s1;
	s8 =	sadd.s32 s15, s6;
	p0 =	por !p0, !p0  }
0x51b: {  	(v2sf) =	vpush v2, $0x6;
	[smem:$0x7D8] =	sst s0;
	s0 =	simm.s32 @!p0 $0x0;
	s11 =	simm.s32 @p0 $0x1  }
0x51c: {  	(v2sf) =	vpush v2, $0x5;
	p5 =	sge.s32 s8, s10;
	s0 =	simm.s32 @p0 $0x1;
	p0 =	seq.s32 s11, $0x0  }
0x51d: {  	s14 =	smov.u32 @p4 s3;
	s4 =	spop (v2sf);
	p0 =	por !p5, !p0  }
0x51e: {  	s12 =	smov.u32 @p4 s23;
	s20 =	sadd.s32 s4, s8;
	p0 =	por !p0, !p0  }
0x51f: {  	[smem:$0x7D9] =	sst s0;
	s0 =	simm.s32 @!p0 $0x0;
	s11 =	simm.s32 @p0 $0x1  }
0x520: {  	p2 =	sge.s32 s20, s10;
	s0 =	simm.s32 @p0 $0x1;
	p1 =	seq.s32 s11, $0x0  }
0x521: {  	[smem:$0x7DA] =	sst s0;
	p0 =	por !p2, !p1;
	s0 =	spop (v2sf)  }
0x522: {  	s3 =	simm.s32 $0xFE;
	(v2sf) =	vpush v2, $0x0;
	s1 =	spop (v2sf);
	p5 =	por !p0, !p0  }
0x523: {  	s13 =	smov.u32 @p6 s2;
	s18 =	sadd.s32 s1, s20;
	s11 =	simm.s32 @p5 $0x1  }
0x524: {  	s14 =	smov.u32 @p6 s21;
	p0 =	seq.s32 s11, $0x0;
	p2 =	sge.s32 s18, s10  }
0x525: {  	s12 =	smov.u32 @p6 s3;
	s21 =	simm.s32 $0xF2;
	(v2sf) =	vpush v2, $0x4;
	p0 =	por !p2, !p0  }
0x526: {  	s14 =	smov.u32 @p3 s17;
	s13 =	smov.u32 @p3 s22;
	p0 =	por !p0, !p0  }
0x527: {  	s17 =	simm.s32 $0xFD;
	s28 =	sld [smem:$0x7D8];
	s2 =	simm.s32 @!p0 $0x0  }
0x528: {  	s12 =	smov.u32 @p3 s17;
	s29 =	sld [smem:$0x7D9];
	(v2sf) =	vpush v2, $0x1;
	s2 =	simm.s32 @p0 $0x1  }
0x529: {  	s11 =	simm.s32 @p0 $0x1;
	[smem:$0x7DB] =	sst s2;
	s2 =	sadd.s32 s0, s18  }
0x52a: {  	s3 =	spop (v2sf);
	p0 =	seq.s32 s11, $0x0;
	p2 =	sge.s32 s2, s10  }
0x52b: {  	s30 =	sld [smem:$0x7DA];
	s17 =	spop (v2sf);
	p0 =	por !p2, !p0  }
0x52c: {  	s31 =	sld [smem:$0x7DB];
	p2 =	seq.s32 s28, $0x1;
	p6 =	por !p0, !p0  }
0x52d: {  	s13 =	smov.u32 @p2 s5;
	s5 =	sadd.s32 s3, s2;
	s11 =	simm.s32 @p6 $0x1  }
0x52e: {  	(v2sf) =	vpush v2, $0x3;
	s14 =	smov.u32 @p2 s16;
	p4 =	sge.s32 s5, s10;
	p3 =	seq.s32 s11, $0x0  }
0x52f: {  	p0 =	seq.s32 s30, $0x1;
	p1 =	por !p4, !p3;
	p4 =	seq.s32 s29, $0x1  }
0x530: {  	s16 =	simm.s32 $0x11700;
	s13 =	smov.u32 @p4 s6;
	s14 =	smov.u32 @p4 s19  }
0x531: {  	(v2sf) =	vpush v2, $0x2;
	s6 =	simm.s32 $0xFC;
	p3 =	por !p1, !p1;
	s19 =	spop (v2sf)  }
0x532: {  	s13 =	smov.u32 @p0 s8;
	s8 =	simm.s32 $0xFB;
	s11 =	simm.s32 @p3 $0x1  }
0x533: {  	s12 =	smov.u32 @p2 s6;
	s6 =	sadd.s32 s17, s5;
	s14 =	smov.u32 @p0 s15  }
0x534: {  	s15 =	spop (v2sf);
	p1 =	seq.s32 s11, $0x0;
	s12 =	smov.u32 @p4 s8  }
0x535: {  	p4 =	sge.s32 s6, s10;
	s13 =	smov.u32 @p5 s20;
	s14 =	smov.u32 @p5 s4  }
0x536: {  	s4 =	simm.s32 $0xF9;
	s8 =	simm.s32 $0xFA;
	p1 =	por !p4, !p1  }
0x537: {  	s22 =	spop (v2sf);
	s20 =	simm.s32 $0xF1;
	p1 =	por !p1, !p1  }
0x538: {  	s12 =	smov.u32 @p0 s8;
	s8 =	sadd.s32 s15, s6;
	s11 =	simm.s32 @p1 $0x1  }
0x539: {  	s12 =	smov.u32 @p5 s4;
	p4 =	sge.s32 s8, s10;
	p2 =	seq.s32 s11, $0x0  }
0x53a: {  	s4 =	simm.s32 $0xF8;
	p0 =	por !p4, !p2;
	p2 =	seq.s32 s31, $0x1  }
0x53b: {  	s14 =	smov.u32 @p2 s1;
	s13 =	smov.u32 @p2 s18;
	s1 =	simm.s32 $0xF7  }
0x53c: {  	p0 =	por !p0, !p0;
	s12 =	smov.u32 @p2 s4;
	s18 =	simm.s32 $0xD0  }
0x53d: {  	s13 =	smov.u32 @p6 s2;
	s14 =	smov.u32 @p6 s0;
	s0 =	spop (v2sf)  }
0x53e: {  	v1 =	vld [tilespmem:s16+$0x0];
	s11 =	simm.s32 @p0 $0x1;
	s12 =	smov.u32 @p6 s1;
	s1 =	simm.s32 $0xF6  }
0x53f: {  	s14 =	smov.u32 @p3 s3;
	s2 =	sadd.s32 s0, s8;
	p5 =	seq.s32 s11, $0x0  }
0x540: {  	s3 =	spop (v2sf);
	s13 =	smov.u32 @p3 s5;
	p6 =	sge.s32 s2, s10  }
0x541: {  	s12 =	smov.u32 @p3 s1;
	s1 =	simm.s32 $0xF5;
	p2 =	por !p6, !p5  }
0x542: {  	s14 =	smov.u32 @p1 s17;
	s4 =	sadd.s32 s3, s2;
	p2 =	por !p2, !p2  }
0x543: {  	(v2sf) =	vpush v1, $0xA;
	s12 =	smov.u32 @p1 s1;
	s13 =	smov.u32 @p1 s6;
	s11 =	simm.s32 @p2 $0x1  }
0x544: {  	(v2sf) =	vpush v1, $0xC;
	s1 =	simm.s32 $0xF4;
	p5 =	sge.s32 s4, s10;
	p6 =	seq.s32 s11, $0x0  }
0x545: {  	(v2sf) =	vpush v1, $0xD;
	s17 =	simm.s32 $0xF0;
	s14 =	smov.u32 @p0 s15;
	p3 =	por !p5, !p6  }
0x546: {  	(v2sf) =	vpush v1, $0xF;
	s23 =	sadd.s32 s22, s4;
	s12 =	smov.u32 @p0 s1;
	p5 =	por !p3, !p3  }
0x547: {  	(v2sf) =	vpush v1, $0xE;
	s13 =	smov.u32 @p0 s8;
	s1 =	simm.s32 $0xF3;
	s11 =	simm.s32 @p5 $0x1  }
0x548: {  	(v2sf) =	vpush v1, $0xB;
	s15 =	simm.s32 $0xE0;
	p4 =	sge.s32 s23, s10;
	p6 =	seq.s32 s11, $0x0  }
0x549: {  	(v2sf) =	vpush v1, $0x9;
	s25 =	sadd.s32 s19, s23;
	s14 =	smov.u32 @p2 s0;
	p0 =	por !p4, !p6  }
0x54a: {  	s12 =	smov.u32 @p2 s1;
	s13 =	smov.u32 @p2 s2;
	(v2sf) =	vpush v1, $0x7;
	p2 =	por !p0, !p0  }
0x54b: {  	(v2sf) =	vpush v1, $0x8;
	s14 =	smov.u32 @p5 s3;
	s13 =	smov.u32 @p5 s4;
	s11 =	simm.s32 @p2 $0x1  }
.LBB2_34:
0x54c: {  	_ =	sdelay $0x4  }
0x54d: {  	s12 =	smov.u32 @p5 s21;
	p0 =	sge.s32 s25, s10  }
0x54e: {  	s0 =	smov.u32 s18;
	s14 =	smov.u32 @p2 s22;
	s24 =	spop (v2sf)  }
0x54f: {  	p1 =	seq.s32 s11, $0x0;
	s13 =	smov.u32 @p2 s23;
	s21 =	spop (v2sf)  }
0x550: {  	s16 =	sadd.s32 $0xFFFFFF80, s16;
	p0 =	por !p0, !p1;
	s2 =	spop (v2sf)  }
0x551: {  	s12 =	smov.u32 @p2 s20;
	p0 =	por !p0, !p0;
	s1 =	spop (v2sf)  }
0x552: {  	s11 =	simm.s32 @p0 $0x1;
	s14 =	smov.u32 @p0 s19;
	s3 =	sadd.s32 s25, s1  }
0x553: {  	s12 =	smov.u32 @p0 s17;
	p3 =	seq.s32 s11, $0x0;
	p4 =	sge.s32 s3, s10  }
0x554: {  	s13 =	smov.u32 @p0 s25;
	s17 =	smov.u32 s15;
	p1 =	por !p3, !p4  }
0x555: {  	s15 =	smov.u32 s0;
	s4 =	spop (v2sf);
	p2 =	por !p1, !p1  }
0x556: {  	s5 =	sadd.s32 s4, s3;
	s6 =	spop (v2sf);
	s11 =	simm.s32 @p2 $0x1  }
0x557: {  	p6 =	sge.s32 s5, s10;
	s25 =	spop (v2sf);
	p5 =	seq.s32 s11, $0x0  }
0x558: {  	s19 =	spop (v2sf);
	s13 =	smov.u32 @p2 s3;
	p0 =	por !p6, !p5  }
0x559: {  	s3 =	sadd.s32 s2, s5;
	s14 =	smov.u32 @p2 s1;
	p3 =	por !p0, !p0  }
0x55a: {  	s23 =	spop (v2sf);
	s8 =	sadd.s32 s21, s3;
	s11 =	simm.s32 @p3 $0x1  }
0x55b: {  	p4 =	sge.s32 s3, s10;
	s20 =	sadd.s32 s6, s8;
	p1 =	seq.s32 s11, $0x0  }
0x55c: {  	p6 =	sge.s32 s8, s10;
	s26 =	sadd.s32 s24, s20;
	p0 =	por !p4, !p1  }
0x55d: {  	s1 =	simm.s32 @!p3 $0x0;
	s13 =	smov.u32 @p3 s5;
	p1 =	por !p0, !p0  }
0x55e: {  	s14 =	smov.u32 @p3 s4;
	p0 =	sne.s32 s18, $0x0;
	s11 =	simm.s32 @p1 $0x1  }
0x55f: {  	s1 =	simm.s32 @p3 $0x1;
	s4 =	simm.s32 @!p0 $0x0;
	p5 =	seq.s32 s11, $0x0  }
0x560: {  	[smem:$0x7D0] =	sst s1;
	s4 =	simm.s32 @p0 $0x1;
	p0 =	por !p6, !p5  }
0x561: {  	s1 =	sadd.s32 s25, s26;
	p4 =	sge.s32 s20, s10;
	p0 =	por !p0, !p0  }
0x562: {  	s14 =	smov.u32 @p1 s2;
	s13 =	smov.u32 @p1 s3;
	s11 =	simm.s32 @p0 $0x1  }
0x563: {  	s2 =	simm.s32 @!p0 $0x0;
	s13 =	smov.u32 @p0 s8;
	p3 =	seq.s32 s11, $0x0  }
0x564: {  	s14 =	smov.u32 @p0 s21;
	s2 =	simm.s32 @p0 $0x1;
	p0 =	por !p4, !p3  }
0x565: {  	(v2sf) =	vpush v1, $0x6;
	[smem:$0x7D7] =	sst s4;
	s4 =	simm.s32 @!p1 $0x0;
	p0 =	por !p0, !p0  }
0x566: {  	p6 =	sge.s32 s26, s10;
	s4 =	simm.s32 @p1 $0x1;
	s11 =	simm.s32 @p0 $0x1  }
0x567: {  	(v2sf) =	vpush v1, $0x5;
	s0 =	simm.s32 @!p0 $0x0;
	s14 =	smov.u32 @p0 s6;
	p5 =	seq.s32 s11, $0x0  }
0x568: {  	(v2sf) =	vpush v1, $0x0;
	s13 =	smov.u32 @p0 s20;
	s0 =	simm.s32 @p0 $0x1;
	p0 =	por !p6, !p5  }
0x569: {  	(v2sf) =	vpush v1, $0x4;
	s29 =	sadd.s32 s23, s1;
	[smem:$0x7D1] =	sst s4;
	p0 =	por !p0, !p0  }
0x56a: {  	p4 =	sge.s32 s1, s10;
	[smem:$0x7D3] =	sst s0;
	s11 =	simm.s32 @p0 $0x1  }
0x56b: {  	s0 =	simm.s32 @!p0 $0x0;
	s14 =	smov.u32 @p0 s24;
	p3 =	seq.s32 s11, $0x0  }
0x56c: {  	s13 =	smov.u32 @p0 s26;
	s0 =	simm.s32 @p0 $0x1;
	p0 =	por !p4, !p3  }
0x56d: {  	s22 =	sadd.s32 s19, s29;
	[smem:$0x7D2] =	sst s2;
	p0 =	por !p0, !p0  }
0x56e: {  	p6 =	sge.s32 s29, s10;
	[smem:$0x7D4] =	sst s0;
	s11 =	simm.s32 @p0 $0x1  }
0x56f: {  	s0 =	simm.s32 @!p0 $0x0;
	s13 =	smov.u32 @p0 s1;
	p5 =	seq.s32 s11, $0x0  }
0x570: {  	s14 =	smov.u32 @p0 s25;
	s0 =	simm.s32 @p0 $0x1;
	p0 =	por !p6, !p5  }
0x571: {  	p3 =	sge.s32 s22, s10;
	[smem:$0x7D5] =	sst s0;
	p0 =	por !p0, !p0  }
0x572: {  	s0 =	simm.s32 @!p0 $0x0;
	s11 =	simm.s32 @p0 $0x1;
	s14 =	smov.u32 @p0 s23  }
0x573: {  	s13 =	smov.u32 @p0 s29;
	s0 =	simm.s32 @p0 $0x1;
	p1 =	seq.s32 s11, $0x0  }
0x574: {  	[smem:$0x7D6] =	sst s0;
	p0 =	por !p3, !p1;
	s0 =	spop (v2sf)  }
0x575: {  	s1 =	sadd.s32 $0x8, s17;
	p6 =	por !p0, !p0;
	s29 =	sadd.s32 s0, s22  }
0x576: {  	(v2sf) =	vpush v1, $0x1;
	s8 =	spop (v2sf);
	s11 =	simm.s32 @p6 $0x1;
	s14 =	smov.u32 @p6 s19  }
0x577: {  	(v2sf) =	vpush v1, $0x3;
	p5 =	sge.s32 s29, s10;
	s19 =	spop (v2sf);
	p4 =	seq.s32 s11, $0x0  }
0x578: {  	(v2sf) =	vpush v1, $0x2;
	v1 =	vld [tilespmem:s16+$0x0];
	s31 =	spop (v2sf);
	[smem:$0x7F0] =	sst s1;
	p0 =	por !p5, !p4  }
0x579: {  	s1 =	sld [smem:$0x7D0];
	p5 =	por !p0, !p0  }
0x57a: {  	s11 =	simm.s32 @p5 $0x1;
	s14 =	smov.u32 @p5 s0;
	s0 =	sadd.s32 s8, s29  }
0x57b: {  	s3 =	sadd.s32 $0xF, s17;
	p3 =	seq.s32 s11, $0x0;
	p4 =	sge.s32 s0, s10  }
0x57c: {  	s30 =	sadd.s32 $0xE, s17;
	s12 =	smov.u32 @p2 s3;
	p0 =	por !p4, !p3  }
0x57d: {  	p3 =	por !p0, !p0;
	p0 =	seq.s32 s1, $0x1;
	s1 =	sld [smem:$0x7F0]  }
0x57e: {  	s12 =	smov.u32 @p0 s30;
	s30 =	sld [smem:$0x7D1];
	_ =	sdelay $0x2  }
0x57f: {  	p2 =	seq.s32 s30, $0x1;
	s30 =	sld [smem:$0x7D2];
	_ =	sdelay $0x1  }
0x580: {  	s13 =	smov.u32 @p6 s22;
	s3 =	sadd.s32 s31, s0  }
0x581: {  	s11 =	simm.s32 @p3 $0x1;
	p1 =	seq.s32 s30, $0x1;
	s30 =	sld [smem:$0x7D3]  }
0x582: {  	s22 =	sadd.s32 $0xD, s17;
	p4 =	sge.s32 s3, s10;
	p0 =	seq.s32 s11, $0x0  }
0x583: {  	p0 =	por !p4, !p0;
	s12 =	smov.u32 @p2 s22  }
0x584: {  	p2 =	por !p0, !p0;
	p0 =	seq.s32 s30, $0x1;
	s30 =	sld [smem:$0x7D4]  }
0x585: {  	s28 =	sadd.s32 $0x6, s17;
	s5 =	sadd.s32 $0xC, s17  }
0x586: {  	s4 =	sadd.s32 $0x9, s17;
	s6 =	sadd.s32 $0xB, s17;
	s12 =	smov.u32 @p1 s5  }
0x587: {  	s12 =	smov.u32 @p0 s6;
	p0 =	seq.s32 s30, $0x1;
	s30 =	sld [smem:$0x7D5]  }
0x588: {  	s2 =	sadd.s32 $0xA, s17;
	s26 =	sadd.s32 $0x5, s17;
	s22 =	spop (v2sf)  }
0x589: {  	s25 =	sadd.s32 $0x4, s17;
	s11 =	simm.s32 @p2 $0x1;
	s5 =	spop (v2sf)  }
0x58a: {  	s6 =	sadd.s32 s5, s3;
	p4 =	seq.s32 s30, $0x1;
	s30 =	sld [smem:$0x7D6]  }
0x58b: {  	p1 =	seq.s32 s11, $0x0;
	s12 =	smov.u32 @p0 s2;
	p0 =	sge.s32 s6, s10  }
0x58c: {  	s23 =	sadd.s32 $0x7, s17;
	s2 =	spop (v2sf);
	p0 =	por !p0, !p1  }
0x58d: {  	s12 =	smov.u32 @p4 s4;
	p4 =	por !p0, !p0;
	p1 =	seq.s32 s30, $0x1  }
0x58e: {  	s11 =	simm.s32 @p4 $0x1;
	s12 =	smov.u32 @p1 s1;
	s1 =	sadd.s32 s2, s6  }
0x58f: {  	s12 =	smov.u32 @p6 s23;
	p1 =	sge.s32 s1, s10;
	p6 =	seq.s32 s11, $0x0  }
0x590: {  	s13 =	smov.u32 @p5 s29;
	s14 =	smov.u32 @p3 s8;
	p0 =	por !p1, !p6  }
0x591: {  	s14 =	smov.u32 @p2 s31;
	s12 =	smov.u32 @p5 s28;
	p5 =	por !p0, !p0  }
0x592: {  	(v2sf) =	vpush v1, $0xA;
	s31 =	sld [smem:$0x7D7];
	s23 =	sadd.s32 s22, s1;
	s11 =	simm.s32 @p5 $0x1  }
0x593: {  	s13 =	smov.u32 @p3 s0;
	(v2sf) =	vpush v1, $0xC;
	p1 =	sge.s32 s23, s10;
	p6 =	seq.s32 s11, $0x0  }
0x594: {  	s13 =	smov.u32 @p2 s3;
	(v2sf) =	vpush v1, $0xD;
	s12 =	smov.u32 @p3 s26;
	p0 =	por !p1, !p6  }
0x595: {  	(v2sf) =	vpush v1, $0xF;
	s12 =	smov.u32 @p2 s25;
	p2 =	por !p0, !p0;
	p0 =	seq.s32 s31, $0x1  }
.Ltmp17:
0x596: {  	(v2sf) =	vpush v1, $0xE;
	(pc) =	sbr.rel @p0 .LBB2_34-.Ltmp17, $4  }
0x597: {  	s18 =	sadd.s32 $0xFFFFFFF0, s18;
	s21 =	sadd.s32 $0x2, s17;
	(v2sf) =	vpush v1, $0xB  }
0x598: {  	s20 =	sadd.s32 $0x1, s17;
	(v2sf) =	vpush v1, $0x9;
	s14 =	smov.u32 @p4 s5;
	s13 =	smov.u32 @p4 s6  }
0x599: {  	s24 =	sadd.s32 $0x3, s17;
	(v2sf) =	vpush v1, $0x7;
	s14 =	smov.u32 @p5 s2;
	s13 =	smov.u32 @p5 s1  }
0x59a: {  	(v2sf) =	vpush v1, $0x8;
	s25 =	sadd.s32 s19, s23;
	s12 =	smov.u32 @p4 s24;
	s11 =	simm.s32 @p2 $0x1  }
0x59b: {  	_ =	sdelay $0x5  }
0x59c: {  	s16 =	spop (v2sf)  }
0x59d: {  	p0 =	sge.s32 s25, s10;
	p1 =	seq.s32 s11, $0x0;
	s18 =	spop (v2sf)  }
0x59e: {  	p0 =	por !p0, !p1;
	s24 =	spop (v2sf)  }
0x59f: {  	p0 =	por !p0, !p0;
	s2 =	spop (v2sf)  }
0x5a0: {  	s11 =	simm.s32 @p0 $0x1;
	s5 =	sadd.s32 s25, s2  }
0x5a1: {  	p4 =	seq.s32 s11, $0x0;
	p3 =	sge.s32 s5, s10  }
0x5a2: {  	p1 =	por !p4, !p3  }
0x5a3: {  	s3 =	spop (v2sf);
	p1 =	por !p1, !p1  }
0x5a4: {  	s6 =	sadd.s32 s3, s5;
	s11 =	simm.s32 @p1 $0x1  }
0x5a5: {  	p4 =	sge.s32 s6, s10;
	p6 =	seq.s32 s11, $0x0  }
0x5a6: {  	p3 =	por !p4, !p6  }
0x5a7: {  	p6 =	por !p3, !p3  }
0x5a8: {  	s8 =	sadd.s32 s24, s6;
	s11 =	simm.s32 @p6 $0x1  }
0x5a9: {  	p4 =	sge.s32 s8, s10;
	p3 =	seq.s32 s11, $0x0  }
0x5aa: {  	p3 =	por !p4, !p3  }
0x5ab: {  	p3 =	por !p3, !p3  }
0x5ac: {  	s28 =	sadd.s32 s18, s8;
	s0 =	simm.s32 @!p3 $0x0;
	s11 =	simm.s32 @p3 $0x1  }
0x5ad: {  	p4 =	sge.s32 s28, s10;
	s0 =	simm.s32 @p3 $0x1;
	p3 =	seq.s32 s11, $0x0  }
0x5ae: {  	s4 =	spop (v2sf);
	p3 =	por !p4, !p3  }
0x5af: {  	s26 =	sadd.s32 s4, s28;
	p3 =	por !p3, !p3  }
0x5b0: {  	[smem:$0x7CC] =	sst s0;
	s0 =	simm.s32 @!p3 $0x0;
	s11 =	simm.s32 @p3 $0x1  }
0x5b1: {  	(v2sf) =	vpush v1, $0x6;
	s0 =	simm.s32 @p3 $0x1;
	p4 =	seq.s32 s11, $0x0;
	p3 =	sge.s32 s26, s10  }
0x5b2: {  	s12 =	smov.u32 @p5 s21;
	s14 =	smov.u32 @p2 s22;
	p3 =	por !p3, !p4  }
0x5b3: {  	s13 =	smov.u32 @p2 s23;
	s12 =	smov.u32 @p2 s20;
	p3 =	por !p3, !p3  }
0x5b4: {  	s14 =	smov.u32 @p0 s19;
	[smem:$0x7CD] =	sst s0;
	s0 =	simm.s32 @!p3 $0x0  }
0x5b5: {  	s12 =	smov.u32 @p0 s17;
	s13 =	smov.u32 @p0 s25;
	s0 =	simm.s32 @p3 $0x1  }
0x5b6: {  	s11 =	simm.s32 @p3 $0x1;
	[smem:$0x7CE] =	sst s0;
	s0 =	sadd.s32 s16, s26  }
0x5b7: {  	s20 =	spop (v2sf);
	p3 =	seq.s32 s11, $0x0;
	p5 =	sge.s32 s0, s10  }
0x5b8: {  	s17 =	spop (v2sf);
	s13 =	smov.u32 @p1 s5;
	p3 =	por !p5, !p3  }
0x5b9: {  	s19 =	spop (v2sf);
	s14 =	smov.u32 @p1 s2;
	p4 =	por !p3, !p3  }
0x5ba: {  	s5 =	sadd.s32 $0xF, s15;
	s1 =	sadd.s32 s20, s0;
	s11 =	simm.s32 @p4 $0x1  }
0x5bb: {  	s12 =	smov.u32 @p1 s5;
	p5 =	sge.s32 s1, s10;
	p3 =	seq.s32 s11, $0x0  }
0x5bc: {  	s5 =	sadd.s32 $0xE, s15;
	s13 =	smov.u32 @p6 s6;
	p2 =	por !p5, !p3  }
0x5bd: {  	(v2sf) =	vpush v1, $0x5;
	s14 =	smov.u32 @p6 s3;
	s12 =	smov.u32 @p6 s5;
	p2 =	por !p2, !p2  }
0x5be: {  	s21 =	sld [smem:$0x7CC];
	s2 =	sadd.s32 s19, s1;
	s11 =	simm.s32 @p2 $0x1  }
0x5bf: {  	s22 =	sld [smem:$0x7CD];
	p5 =	sge.s32 s2, s10;
	p3 =	seq.s32 s11, $0x0  }
0x5c0: {  	(v2sf) =	vpush v1, $0x0;
	s5 =	spop (v2sf);
	s23 =	sld [smem:$0x7CE];
	p0 =	por !p5, !p3  }
0x5c1: {  	s25 =	sld [smem:$0x7CE];
	s3 =	sadd.s32 s17, s2;
	p5 =	por !p0, !p0  }
0x5c2: {  	(v2sf) =	vpush v1, $0x4;
	p6 =	sge.s32 s3, s10;
	p3 =	seq.s32 s21, $0x1;
	s11 =	simm.s32 @p5 $0x1  }
0x5c3: {  	s6 =	sadd.s32 s5, s3;
	s13 =	smov.u32 @p3 s8;
	p1 =	seq.s32 s11, $0x0  }
0x5c4: {  	(v2sf) =	vpush v1, $0x1;
	s14 =	smov.u32 @p3 s24;
	s8 =	sadd.s32 $0xD, s15;
	p0 =	por !p6, !p1  }
0x5c5: {  	s24 =	sld [smem:$0x7CD];
	s12 =	smov.u32 @p3 s8;
	p0 =	por !p0, !p0  }
0x5c6: {  	s8 =	sadd.s32 $0xC, s15;
	p1 =	seq.s32 s22, $0x1;
	s11 =	simm.s32 @p0 $0x1  }
0x5c7: {  	(v2sf) =	vpush v1, $0x3;
	p6 =	sge.s32 s6, s10;
	s13 =	smov.u32 @p1 s28;
	p3 =	seq.s32 s11, $0x0  }
0x5c8: {  	s14 =	smov.u32 @p1 s18;
	p1 =	por !p6, !p3;
	p3 =	seq.s32 s23, $0x1  }
0x5c9: {  	s18 =	sadd.s32 $0xB, s15;
	s14 =	smov.u32 @p3 s4;
	s4 =	simm.s32 @!p4 $0x0  }
0x5ca: {  	p6 =	por p4, p4;
	s13 =	smov.u32 @p3 s26;
	s4 =	simm.s32 @p4 $0x1  }
0x5cb: {  	s14 =	smov.u32 @p4 s16;
	p4 =	por !p1, !p1;
	p1 =	seq.s32 s24, $0x1  }
0x5cc: {  	(v2sf) =	vpush v1, $0x2;
	s13 =	smov.u32 @p6 s0;
	[smem:$0x7CF] =	sst s4;
	s4 =	spop (v2sf)  }
0x5cd: {  	s11 =	simm.s32 @p4 $0x1;
	s12 =	smov.u32 @p1 s8;
	s14 =	smov.u32 @p2 s20  }
0x5ce: {  	s13 =	smov.u32 @p2 s1;
	s1 =	sadd.s32 $0x9, s15;
	s16 =	sadd.s32 s4, s6  }
0x5cf: {  	p1 =	seq.s32 s11, $0x0;
	s0 =	spop (v2sf);
	s14 =	smov.u32 @p5 s19  }
0x5d0: {  	s13 =	smov.u32 @p5 s2;
	s26 =	sld [smem:$0x7CF];
	p3 =	sge.s32 s16, s10  }
0x5d1: {  	s8 =	spop (v2sf);
	s13 =	smov.u32 @p0 s3;
	s14 =	smov.u32 @p0 s17  }
0x5d2: {  	s3 =	sadd.s32 $0x8, s15;
	p1 =	por !p3, !p1;
	s20 =	sadd.s32 s8, s16  }
0x5d3: {  	s2 =	spop (v2sf);
	s14 =	smov.u32 @p4 s5;
	p3 =	por !p1, !p1  }
0x5d4: {  	s13 =	smov.u32 @p4 s6;
	p1 =	seq.s32 s25, $0x1;
	s11 =	simm.s32 @p3 $0x1  }
0x5d5: {  	p6 =	sge.s32 s20, s10;
	s12 =	smov.u32 @p1 s18;
	p1 =	seq.s32 s11, $0x0  }
0x5d6: {  	s19 =	spop (v2sf);
	s18 =	sadd.s32 $0xA, s15;
	p1 =	por !p6, !p1  }
0x5d7: {  	s14 =	smov.u32 @p3 s4;
	p6 =	seq.s32 s26, $0x1;
	p1 =	por !p1, !p1  }
0x5d8: {  	s12 =	smov.u32 @p6 s18;
	s18 =	sadd.s32 s19, s20;
	s11 =	simm.s32 @p1 $0x1  }
0x5d9: {  	s12 =	smov.u32 @p2 s1;
	p6 =	sge.s32 s18, s10;
	p2 =	seq.s32 s11, $0x0  }
0x5da: {  	s4 =	sadd.s32 $0x6, s15;
	s1 =	sadd.s32 $0x7, s15;
	p2 =	por !p6, !p2  }
0x5db: {  	s12 =	smov.u32 @p5 s3;
	s3 =	spop (v2sf);
	p2 =	por !p2, !p2  }
0x5dc: {  	s12 =	smov.u32 @p0 s1;
	s1 =	sadd.s32 s3, s18;
	s11 =	simm.s32 @p2 $0x1  }
0x5dd: {  	s13 =	smov.u32 @p3 s16;
	p5 =	sge.s32 s1, s10;
	p6 =	seq.s32 s11, $0x0  }
0x5de: {  	s14 =	smov.u32 @p1 s8;
	s13 =	smov.u32 @p1 s20;
	p0 =	por !p5, !p6  }
0x5df: {  	s12 =	smov.u32 @p4 s4;
	s14 =	smov.u32 @p2 s19;
	p0 =	por !p0, !p0  }
0x5e0: {  	s14 =	smov.u32 @p0 s3;
	s3 =	sadd.s32 s2, s1;
	s11 =	simm.s32 @p0 $0x1  }
0x5e1: {  	s4 =	sadd.s32 $0x5, s15;
	p5 =	sge.s32 s3, s10;
	p6 =	seq.s32 s11, $0x0  }
0x5e2: {  	s12 =	smov.u32 @p3 s4;
	s4 =	sadd.s32 $0x4, s15;
	p4 =	por !p5, !p6  }
0x5e3: {  	s12 =	smov.u32 @p1 s4;
	s4 =	sadd.s32 $0x3, s15;
	p1 =	por !p4, !p4  }
0x5e4: {  	s12 =	smov.u32 @p2 s4;
	s4 =	sadd.s32 s0, s3;
	s11 =	simm.s32 @p1 $0x1  }
0x5e5: {  	s13 =	smov.u32 @p2 s18;
	p6 =	sge.s32 s4, s10;
	p5 =	seq.s32 s11, $0x0  }
0x5e6: {  	s13 =	smov.u32 @p0 s1;
	s1 =	sadd.s32 $0x2, s15;
	p2 =	por !p6, !p5  }
0x5e7: {  	s12 =	smov.u32 @p0 s1;
	s13 =	smov.u32 @p1 s3;
	p0 =	por !p2, !p2  }
0x5e8: {  	s14 =	smov.u32 @p1 s2;
	s13 =	smov.u32 @p0 s4  }
0x5e9: {  	s1 =	sadd.s32 $0x1, s15;
	s14 =	smov.u32 @p0 s0;
	s28 =	ssub.s32 s10, s13  }
0x5ea: {  	s12 =	smov.u32 @p1 s1;
	s0 =	sadd.s32 s14, s28  }
0x5eb: {  	s12 =	smov.u32 @p0 s15;
	v1 =	vmov s0  }
0x5ec: {  	[tilespmem:$0x1A080] =	vst v1;
	v1 =	vmov s12  }
0x5ed: {  	s29 =	simm.s32 $0x19880;
	s30 =	simm.s32 $0x1;
	[tilespmem:$0x19880] =	vst v1  }
0x5ee: {  	[spmem:s7] =	stream.linear.scatter [tilespmem:s29], [sflag:$0x1], $0x800, $0x38;
	[tilespmem:$0x1AA40] =	vst v63  }
0x5ef: {  	_ =	swait.ge [sflag:s30], $0x800  }
0x5f0: {  	s31 =	sld [smem:$0x7FD];
	_ =	sdelay $0x1  }
0x5f1: {  	[sflag:s30] =	ssyncset.done $0x0;
	s5 =	rddreg [dreg:$0x9]  }
0x5f2: {  	s4 =	rddreg [dreg:$0xb];
	[sflag:s30] =	ssyncadd.s32 $0xFFFFF800;
	p1 =	seq.s32 s31, $0x1  }
.LBB2_36:
0x5f3: {  	[bflag:$0x0] =	sbarrier.arrive $0xFFFF;
	s0 =	simm.s32 $0x19880  }
0x5f4: {  	[tilespmem:s0], [sflag:$0x1] =	stream.linear.gather [spmem:s7], $0x800, $0x38;
	[tilespmem:$0x1AA40] =	vst v63  }
0x5f5: {  	_ =	swait.ge [sflag:s9], $0x800  }
0x5f6: {  	[sflag:s9] =	ssyncset.done $0x0  }
0x5f7: {  	[sflag:s9] =	ssyncadd.s32 $0xFFFFF800  }
0x5f8: {  	v2 =	vimm.s32 $0x0;
	s1 =	simm.s32 $0x100;
	s0 =	simm.s32 $0x0;
	v1 =	vld [tilespmem:$0x19880]  }
.LBB2_37:
0x5f9: {  	p0 =	sne.s32 s1, $0x1F00;
	[tilespmem:s0+$0x10030] =	vst v2;
	s2 =	smov.u32 s1;
	s1 =	sadd.s32 $0x100, s1  }
.Ltmp18:
0x5fa: {  	[tilespmem:s0+$0x10020] =	vst v2;
	(pc) =	sbr.rel @p0 .LBB2_37-.Ltmp18, $3  }
0x5fb: {  	[tilespmem:s0+$0x10000] =	vst v2  }
0x5fc: {  	[tilespmem:s0+$0x10010] =	vst v2;
	_ =	sdelay $0x1  }
0x5fd: {  	s0 =	sshra.s32 s2, $0x2  }
0x5fe: {  	[tilespmem:s0+$0x10030] =	vst v2  }
0x5ff: {  	[tilespmem:s0+$0x10020] =	vst v2  }
0x600: {  	[tilespmem:s0+$0x10000] =	vst v2;
	v0 =	vshll.u32 v0, $0x8;
	v3 =	vlaneseq.u32  }
0x601: {  	[tilespmem:s0+$0x10010] =	vst v2;
	s6 =	simm.s32 $0x0;
	v2 =	vimm.s32 $0x1;
	s0 =	simm.s32 $0x10000;
	s1 =	simm.s32 $0x0;
	v0 =	vor.u32 v0, v1;
	v1 =	vmul.u32 $0x80, v3  }
.LBB2_39:
0x602: {  	s2 =	sshra.s32 s1, $0x2  }
0x603: {  	v3 =	vld [tilespmem:s2+$0x0];
	_ =	sdelay $0x4  }
0x604: {  	v4 =	vshrl.u32 v3, $0x7  }
0x605: {  	v3 =	vand.u32 $0x7F, v3;
	vm0 =	veq.s32 v4, v0  }
0x606: {  	v3 =	vor.u32 v1, v3;
	_ =	sdelay $0x4  }
0x607: {  	[tilespmem:v3+s0+$0x0] =	vst.idx.add.s32.msk vm0, v2  }
0x608: {  	v3 =	vld [tilespmem:s2+$0x10];
	_ =	sdelay $0x4  }
0x609: {  	v57 =	vshrl.u32 v3, $0x7  }
0x60a: {  	v3 =	vand.u32 $0x7F, v3;
	vm9 =	veq.s32 v57, v0  }
0x60b: {  	v3 =	vor.u32 v1, v3;
	_ =	sdelay $0x4  }
0x60c: {  	[tilespmem:v3+s0+$0x0] =	vst.idx.add.s32.msk vm9, v2  }
0x60d: {  	v3 =	vld [tilespmem:s2+$0x20];
	_ =	sdelay $0x4  }
0x60e: {  	v58 =	vshrl.u32 v3, $0x7  }
0x60f: {  	v3 =	vand.u32 $0x7F, v3;
	vm10 =	veq.s32 v58, v0  }
0x610: {  	v3 =	vor.u32 v1, v3;
	_ =	sdelay $0x4  }
0x611: {  	[tilespmem:v3+s0+$0x0] =	vst.idx.add.s32.msk vm10, v2  }
0x612: {  	v3 =	vld [tilespmem:s2+$0x30];
	_ =	sdelay $0x4  }
0x613: {  	v59 =	vshrl.u32 v3, $0x7  }
0x614: {  	v3 =	vand.u32 $0x7F, v3;
	vm11 =	veq.s32 v59, v0  }
0x615: {  	v3 =	vor.u32 v1, v3;
	_ =	sdelay $0x4  }
0x616: {  	[tilespmem:v3+s0+$0x0] =	vst.idx.add.s32.msk vm11, v2  }
0x617: {  	v3 =	vld [tilespmem:s2+$0x40];
	_ =	sdelay $0x4  }
0x618: {  	v60 =	vshrl.u32 v3, $0x7  }
0x619: {  	v3 =	vand.u32 $0x7F, v3;
	vm12 =	veq.s32 v60, v0  }
0x61a: {  	v3 =	vor.u32 v1, v3;
	_ =	sdelay $0x4  }
0x61b: {  	[tilespmem:v3+s0+$0x0] =	vst.idx.add.s32.msk vm12, v2  }
0x61c: {  	v3 =	vld [tilespmem:s2+$0x50];
	_ =	sdelay $0x4  }
0x61d: {  	v61 =	vshrl.u32 v3, $0x7  }
0x61e: {  	v3 =	vand.u32 $0x7F, v3;
	vm13 =	veq.s32 v61, v0  }
0x61f: {  	v3 =	vor.u32 v1, v3;
	_ =	sdelay $0x4  }
0x620: {  	[tilespmem:v3+s0+$0x0] =	vst.idx.add.s32.msk vm13, v2  }
0x621: {  	v3 =	vld [tilespmem:s2+$0x60];
	_ =	sdelay $0x4  }
0x622: {  	v62 =	vshrl.u32 v3, $0x7  }
0x623: {  	v3 =	vand.u32 $0x7F, v3;
	vm14 =	veq.s32 v62, v0  }
0x624: {  	v3 =	vor.u32 v1, v3;
	_ =	sdelay $0x4  }
0x625: {  	[tilespmem:v3+s0+$0x0] =	vst.idx.add.s32.msk vm14, v2  }
0x626: {  	v3 =	vld [tilespmem:s2+$0x70];
	_ =	sdelay $0x4  }
0x627: {  	v63 =	vshrl.u32 v3, $0x7  }
0x628: {  	v3 =	vand.u32 $0x7F, v3;
	vm15 =	veq.s32 v63, v0  }
0x629: {  	p0 =	sne.s32 s1, $0x3FE00;
	v3 =	vor.u32 v1, v3  }
.Ltmp19:
0x62a: {  	_ = 	snop;
	(pc) =	sbr.rel @p0 .LBB2_39-.Ltmp19, $2  }
0x62b: {  	_ =	sdelay $0x2  }
0x62c: {  	s1 =	sadd.s32 $0x200, s1;
	[tilespmem:v3+s0+$0x0] =	vst.idx.add.s32.msk vm15, v2  }
0x62d: {  	s9 =	simm.s32 $0x10400  }
0x62e: {  	v1 =	vld [tilespmem:s9+$0xFFFFFC80]  }
0x62f: {  	s0 =	simm.s32 $0x200;
	v2 =	vld [tilespmem:s9+$0xFFFFFC00]  }
.LBB2_41:
0x630: {  	p0 =	sne.s32 s0, $0xE00;
	v3 =	vld [tilespmem:s9+$0xFFFFFD00]  }
0x631: {  	v4 =	vld [tilespmem:s9+$0xFFFFFD80]  }
0x632: {  	v5 =	vld [tilespmem:s9+$0xFFFFFE00]  }
0x633: {  	v6 =	vld [tilespmem:s9+$0xFFFFFE80]  }
0x634: {  	v1 =	vadd.s32 v2, v1;
	v2 =	vld [tilespmem:s9+$0xFFFFFF00]  }
0x635: {  	v1 =	vadd.s32 v3, v1;
	v3 =	vld [tilespmem:s9+$0xFFFFFF80]  }
0x636: {  	v1 =	vadd.s32 v4, v1;
	v4 =	vld [tilespmem:s9+$0x0]  }
0x637: {  	v1 =	vadd.s32 v5, v1;
	v5 =	vld [tilespmem:s9+$0x80]  }
0x638: {  	v1 =	vadd.s32 v6, v1;
	v6 =	vld [tilespmem:s9+$0x100]  }
0x639: {  	v1 =	vadd.s32 v2, v1;
	v2 =	vld [tilespmem:s9+$0x180]  }
0x63a: {  	v1 =	vadd.s32 v3, v1;
	v3 =	vld [tilespmem:s9+$0x200]  }
0x63b: {  	v1 =	vadd.s32 v4, v1;
	v4 =	vld [tilespmem:s9+$0x280]  }
0x63c: {  	v1 =	vadd.s32 v5, v1;
	v5 =	vld [tilespmem:s9+$0x300]  }
0x63d: {  	v1 =	vadd.s32 v6, v1;
	v6 =	vld [tilespmem:s9+$0x380]  }
0x63e: {  	v1 =	vadd.s32 v2, v1  }
0x63f: {  	v1 =	vadd.s32 v3, v1  }
0x640: {  	v1 =	vadd.s32 v4, v1  }
.Ltmp20:
0x641: {  	v1 =	vadd.s32 v5, v1;
	(pc) =	sbr.rel @p0 .LBB2_41-.Ltmp20, $4  }
0x642: {  	s1 =	sshra.s32 s6, $0x2;
	s6 =	smov.u32 s0;
	v1 =	vadd.s32 v6, v1  }
0x643: {  	s9 =	sadd.s32 $0x10, s9;
	[tilespmem:s1+$0x11000] =	vst v1  }
0x644: {  	v1 =	vld [tilespmem:s9+$0xFFFFFC80]  }
0x645: {  	s0 =	sadd.s32 $0x200, s0;
	v2 =	vld [tilespmem:s9+$0xFFFFFC00]  }
0x646: {  	v3 =	vld [tilespmem:s9+$0xFFFFFD00]  }
0x647: {  	v4 =	vld [tilespmem:s9+$0xFFFFFD80]  }
0x648: {  	v5 =	vld [tilespmem:s9+$0xFFFFFE00]  }
0x649: {  	v6 =	vld [tilespmem:s9+$0xFFFFFE80]  }
0x64a: {  	v1 =	vadd.s32 v2, v1;
	v2 =	vld [tilespmem:s9+$0xFFFFFF00]  }
0x64b: {  	v1 =	vadd.s32 v3, v1;
	v3 =	vld [tilespmem:s9+$0xFFFFFF80]  }
0x64c: {  	v58 =	vld [tilespmem:s9+$0x0];
	v1 =	vadd.s32 v4, v1  }
0x64d: {  	v59 =	vld [tilespmem:s9+$0x80];
	v1 =	vadd.s32 v5, v1  }
0x64e: {  	v60 =	vld [tilespmem:s9+$0x100];
	v1 =	vadd.s32 v6, v1  }
0x64f: {  	v1 =	vadd.s32 v2, v1;
	v2 =	vld [tilespmem:s9+$0x180]  }
0x650: {  	v1 =	vadd.s32 v3, v1;
	v3 =	vld [tilespmem:s9+$0x200]  }
0x651: {  	v61 =	vld [tilespmem:s9+$0x280];
	v1 =	vadd.s32 v58, v1  }
0x652: {  	v62 =	vld [tilespmem:s9+$0x300];
	v1 =	vadd.s32 v59, v1  }
0x653: {  	v63 =	vld [tilespmem:s9+$0x380];
	v1 =	vadd.s32 v60, v1  }
0x654: {  	v1 =	vadd.s32 v2, v1  }
0x655: {  	v1 =	vadd.s32 v3, v1  }
0x656: {  	v1 =	vadd.s32 v61, v1  }
0x657: {  	v1 =	vadd.s32 v62, v1  }
0x658: {  	s0 =	sshra.s32 s6, $0x2;
	v1 =	vadd.s32 v63, v1  }
0x659: {  	s1 =	simm.s32 $0x11000;
	s6 =	simm.s32 $0x1;
	[tilespmem:s0+$0x11000] =	vst v1;
	s0 =	simm.s32 $0x0  }
0x65a: {  	[hbm4b:s4+s0] =	stream.linear.scatter [tilespmem:s1], [sflag:$0x1], $0x800, $0x38;
	[tilespmem:$0x1AA40] =	vst v63  }
.Ltmp21:
0x65b: {  	_ =	swait.ge [sflag:s6], $0x800;
	(pc) =	sbr.rel @p1 .LBB2_48-.Ltmp21, $3  }
0x65c: {  	[sflag:s6] =	ssyncset.done $0x0  }
0x65d: {  	[sflag:s6] =	ssyncadd.s32 $0xFFFFF800  }
0x65e: {  	[bflag:$0x0] =	sbarrier.arrive $0xFFFF;
	_ =	sdelay $0x1  }
0x65f: {  	s1 =	simm.s32 $0x11800  }
0x660: {  	[tilespmem:s1], [sflag:$0x1] =	stream.linear.gather [hbm4b:s5+s0], $0x8000, $0x38;
	[tilespmem:$0x1AA40] =	vst v63  }
0x661: {  	_ =	swait.ge [sflag:s6], $0x8000  }
0x662: {  	[sflag:s6] =	ssyncset.done $0x0  }
0x663: {  	[sflag:s6] =	ssyncadd.s32 $0xFFFF8000  }
0x664: {  	v8 =	vld [tilespmem:$0x11800]  }
0x665: {  	v7 =	vld [tilespmem:$0x11880]  }
0x666: {  	v6 =	vld [tilespmem:$0x11900]  }
0x667: {  	v5 =	vld [tilespmem:$0x11980]  }
0x668: {  	v4 =	vld [tilespmem:$0x11A00]  }
0x669: {  	v3 =	vld [tilespmem:$0x11A80];
	[tilespmem:$0x11000] =	vst v8  }
0x66a: {  	v2 =	vld [tilespmem:$0x11B00];
	[tilespmem:$0x11080] =	vst v7  }
0x66b: {  	v1 =	vld [tilespmem:$0x11B80];
	[tilespmem:$0x11100] =	vst v6  }
0x66c: {  	[tilespmem:$0x11180] =	vst v5  }
0x66d: {  	[tilespmem:$0x11200] =	vst v4  }
0x66e: {  	[tilespmem:$0x11280] =	vst v3  }
0x66f: {  	[tilespmem:$0x11300] =	vst v2  }
0x670: {  	s8 =	simm.s32 $0x2000;
	s5 =	simm.s32 $0x0;
	[tilespmem:$0x11380] =	vst v1  }
.LBB2_44:
0x671: {  	p0 =	sne.s32 s8, $0x1C000;
	v9 =	vld [tilespmem:s5+$0x12000];
	_ =	sdelay $0x4  }
0x672: {  	v8 =	vadd.s32 v8, v9  }
0x673: {  	[tilespmem:$0x11000] =	vst v8  }
0x674: {  	v9 =	vld [tilespmem:s5+$0x12080];
	_ =	sdelay $0x4  }
0x675: {  	v7 =	vadd.s32 v7, v9  }
0x676: {  	[tilespmem:$0x11080] =	vst v7  }
0x677: {  	v9 =	vld [tilespmem:s5+$0x12100];
	_ =	sdelay $0x4  }
0x678: {  	v6 =	vadd.s32 v6, v9  }
0x679: {  	[tilespmem:$0x11100] =	vst v6  }
0x67a: {  	v9 =	vld [tilespmem:s5+$0x12180];
	_ =	sdelay $0x4  }
0x67b: {  	v5 =	vadd.s32 v5, v9  }
0x67c: {  	[tilespmem:$0x11180] =	vst v5  }
0x67d: {  	v9 =	vld [tilespmem:s5+$0x12200];
	_ =	sdelay $0x4  }
0x67e: {  	v4 =	vadd.s32 v4, v9  }
0x67f: {  	[tilespmem:$0x11200] =	vst v4  }
0x680: {  	v9 =	vld [tilespmem:s5+$0x12280];
	_ =	sdelay $0x4  }
0x681: {  	v3 =	vadd.s32 v3, v9  }
0x682: {  	[tilespmem:$0x11280] =	vst v3  }
0x683: {  	v9 =	vld [tilespmem:s5+$0x12300];
	_ =	sdelay $0x4  }
0x684: {  	v2 =	vadd.s32 v2, v9  }
0x685: {  	[tilespmem:$0x11300] =	vst v2  }
0x686: {  	v9 =	vld [tilespmem:s5+$0x12380];
	_ =	sdelay $0x1  }
.Ltmp22:
0x687: {  	(pc) =	sbr.rel @p0 .LBB2_44-.Ltmp22, $3  }
0x688: {  	_ =	sdelay $0x1  }
0x689: {  	v1 =	vadd.s32 v1, v9  }
0x68a: {  	s5 =	sshra.s32 s8, $0x2;
	s8 =	sadd.s32 $0x2000, s8;
	[tilespmem:$0x11380] =	vst v1  }
0x68b: {  	v9 =	vld [tilespmem:s5+$0x12000];
	_ =	sdelay $0x4  }
0x68c: {  	v8 =	vadd.s32 v8, v9  }
0x68d: {  	[tilespmem:$0x11000] =	vst v8  }
0x68e: {  	v8 =	vld [tilespmem:s5+$0x12080];
	_ =	sdelay $0x4  }
0x68f: {  	v7 =	vadd.s32 v7, v8  }
0x690: {  	[tilespmem:$0x11080] =	vst v7  }
0x691: {  	v7 =	vld [tilespmem:s5+$0x12100];
	_ =	sdelay $0x4  }
0x692: {  	v6 =	vadd.s32 v6, v7  }
0x693: {  	[tilespmem:$0x11100] =	vst v6  }
0x694: {  	v6 =	vld [tilespmem:s5+$0x12180];
	_ =	sdelay $0x4  }
0x695: {  	v5 =	vadd.s32 v5, v6  }
0x696: {  	[tilespmem:$0x11180] =	vst v5  }
0x697: {  	v5 =	vld [tilespmem:s5+$0x12200];
	_ =	sdelay $0x4  }
0x698: {  	v4 =	vadd.s32 v4, v5  }
0x699: {  	[tilespmem:$0x11200] =	vst v4  }
0x69a: {  	v4 =	vld [tilespmem:s5+$0x12280];
	_ =	sdelay $0x4  }
0x69b: {  	v3 =	vadd.s32 v3, v4  }
0x69c: {  	[tilespmem:$0x11280] =	vst v3  }
0x69d: {  	v3 =	vld [tilespmem:s5+$0x12300];
	_ =	sdelay $0x4  }
0x69e: {  	v2 =	vadd.s32 v2, v3  }
0x69f: {  	[tilespmem:$0x11300] =	vst v2  }
0x6a0: {  	v2 =	vld [tilespmem:s5+$0x12380];
	_ =	sdelay $0x4  }
0x6a1: {  	v1 =	vadd.s32 v1, v2  }
0x6a2: {  	s0 =	simm.s32 $0x11380;
	[tilespmem:$0x11380] =	vst v1;
	v1 =	vld [tilespmem:$0x1A080]  }
0x6a3: {  	v2 =	vld [tilespmem:s0+$0x0];
	_ =	sdelay $0x3  }
0x6a4: {  	(v2sf) =	vpush v1, $0x0  }
0x6a5: {  	(v2sf) =	vpush v2, $0xA  }
0x6a6: {  	(v2sf) =	vpush v2, $0xC  }
0x6a7: {  	(v2sf) =	vpush v2, $0xD  }
0x6a8: {  	(v2sf) =	vpush v2, $0xF;
	_ =	sdelay $0x3  }
0x6a9: {  	(v2sf) =	vpush v2, $0xE;
	_ =	sdelay $0x6  }
0x6aa: {  	s5 =	spop (v2sf)  }
0x6ab: {  	s12 =	spop (v2sf)  }
0x6ac: {  	s13 =	spop (v2sf)  }
0x6ad: {  	s14 =	spop (v2sf)  }
0x6ae: {  	s3 =	spop (v2sf)  }
0x6af: {  	(v2sf) =	vpush v2, $0xB;
	s1 =	sadd.s32 $0x0, s3  }
0x6b0: {  	p0 =	por $0x1, $0x1;
	p1 =	sge.s32 s1, s5  }
0x6b1: {  	p0 =	por !p0, !p1  }
0x6b2: {  	s8 =	simm.s32 $0x0;
	s18 =	spop (v2sf);
	p4 =	por !p0, !p0  }
0x6b3: {  	s2 =	sadd.s32 s18, s1;
	s8 =	simm.s32 @p4 $0x1  }
0x6b4: {  	p2 =	sge.s32 s2, s5;
	p1 =	seq.s32 s8, $0x0  }
0x6b5: {  	p0 =	por !p2, !p1  }
0x6b6: {  	(v2sf) =	vpush v2, $0x9;
	p6 =	por !p0, !p0  }
0x6b7: {  	s19 =	sadd.s32 s14, s2;
	s8 =	simm.s32 @p6 $0x1  }
0x6b8: {  	p5 =	sge.s32 s19, s5;
	p3 =	seq.s32 s8, $0x0  }
0x6b9: {  	p0 =	por !p5, !p3  }
0x6ba: {  	(v2sf) =	vpush v2, $0x7;
	p3 =	por !p0, !p0  }
0x6bb: {  	(v2sf) =	vpush v2, $0x8;
	s20 =	sadd.s32 s13, s19;
	s8 =	simm.s32 @p3 $0x1  }
0x6bc: {  	p5 =	sge.s32 s20, s5;
	p2 =	seq.s32 s8, $0x0  }
0x6bd: {  	s9 =	simm.s32 $0x0;
	p0 =	por !p5, !p2  }
0x6be: {  	s10 =	simm.s32 $0x0;
	s16 =	spop (v2sf);
	p0 =	por !p0, !p0  }
0x6bf: {  	s21 =	sadd.s32 s16, s20;
	s0 =	simm.s32 @!p0 $0x0;
	s8 =	simm.s32 @p0 $0x1  }
0x6c0: {  	p2 =	sge.s32 s21, s5;
	s0 =	simm.s32 @p0 $0x1;
	p0 =	seq.s32 s8, $0x0  }
0x6c1: {  	s11 =	simm.s32 $0x0;
	s23 =	simm.s32 $0x7F;
	p0 =	por !p2, !p0  }
0x6c2: {  	s10 =	smov.u32 @p4 s1;
	s22 =	sadd.s32 s12, s21;
	p0 =	por !p0, !p0  }
0x6c3: {  	(v2sf) =	vpush v2, $0x6;
	[smem:$0x7C8] =	sst s0;
	s0 =	simm.s32 @!p0 $0x0;
	s8 =	simm.s32 @p0 $0x1  }
0x6c4: {  	(v2sf) =	vpush v2, $0x5;
	p5 =	sge.s32 s22, s5;
	s0 =	simm.s32 @p0 $0x1;
	p0 =	seq.s32 s8, $0x0  }
0x6c5: {  	s11 =	smov.u32 @p4 s3;
	s4 =	spop (v2sf);
	p0 =	por !p5, !p0  }
0x6c6: {  	s9 =	smov.u32 @p4 s23;
	s17 =	sadd.s32 s4, s22;
	p0 =	por !p0, !p0  }
0x6c7: {  	[smem:$0x7C9] =	sst s0;
	s0 =	simm.s32 @!p0 $0x0;
	s8 =	simm.s32 @p0 $0x1  }
0x6c8: {  	p2 =	sge.s32 s17, s5;
	s0 =	simm.s32 @p0 $0x1;
	p1 =	seq.s32 s8, $0x0  }
0x6c9: {  	[smem:$0x7CA] =	sst s0;
	p0 =	por !p2, !p1;
	s0 =	spop (v2sf)  }
0x6ca: {  	s3 =	simm.s32 $0x7E;
	s1 =	spop (v2sf);
	p5 =	por !p0, !p0  }
0x6cb: {  	s10 =	smov.u32 @p6 s2;
	s15 =	sadd.s32 s1, s17;
	s8 =	simm.s32 @p5 $0x1  }
0x6cc: {  	s11 =	smov.u32 @p6 s18;
	p0 =	seq.s32 s8, $0x0;
	p2 =	sge.s32 s15, s5  }
0x6cd: {  	s9 =	smov.u32 @p6 s3;
	s18 =	simm.s32 $0x7D;
	(v2sf) =	vpush v2, $0x0;
	p0 =	por !p2, !p0  }
0x6ce: {  	s11 =	smov.u32 @p3 s14;
	s29 =	sld [smem:$0x7C8];
	p0 =	por !p0, !p0  }
0x6cf: {  	s10 =	smov.u32 @p3 s19;
	(v2sf) =	vpush v2, $0x4;
	s7 =	sld [smem:$0x7C9];
	s2 =	simm.s32 @!p0 $0x0  }
0x6d0: {  	s9 =	smov.u32 @p3 s18;
	s30 =	sld [smem:$0x7CA];
	s2 =	simm.s32 @p0 $0x1  }
0x6d1: {  	s8 =	simm.s32 @p0 $0x1;
	[smem:$0x7CB] =	sst s2;
	s2 =	sadd.s32 s0, s15  }
0x6d2: {  	s3 =	spop (v2sf);
	p0 =	seq.s32 s8, $0x0;
	p2 =	sge.s32 s2, s5  }
0x6d3: {  	(v2sf) =	vpush v2, $0x1;
	s18 =	spop (v2sf);
	s14 =	sadd.s32 s3, s2;
	p0 =	por !p2, !p0  }
0x6d4: {  	s31 =	sld [smem:$0x7CB];
	p2 =	seq.s32 s29, $0x1;
	p6 =	por !p0, !p0  }
0x6d5: {  	p4 =	sge.s32 s14, s5;
	s10 =	smov.u32 @p2 s20;
	s8 =	simm.s32 @p6 $0x1  }
0x6d6: {  	(v2sf) =	vpush v2, $0x3;
	s11 =	smov.u32 @p2 s13;
	p0 =	seq.s32 s30, $0x1;
	p3 =	seq.s32 s8, $0x0  }
0x6d7: {  	s13 =	simm.s32 $0x7C;
	p1 =	por !p4, !p3;
	p4 =	seq.s32 s7, $0x1  }
0x6d8: {  	(v2sf) =	vpush v2, $0x2;
	s9 =	smov.u32 @p2 s13;
	s13 =	simm.s32 $0x11300;
	s10 =	smov.u32 @p4 s21  }
0x6d9: {  	s11 =	smov.u32 @p4 s16;
	s16 =	simm.s32 $0x7B;
	p3 =	por !p1, !p1  }
0x6da: {  	s21 =	sadd.s32 s18, s14;
	s10 =	smov.u32 @p0 s22;
	s8 =	simm.s32 @p3 $0x1  }
0x6db: {  	s9 =	smov.u32 @p4 s16;
	p4 =	sge.s32 s21, s5;
	s11 =	smov.u32 @p0 s12  }
0x6dc: {  	s16 =	spop (v2sf);
	s12 =	simm.s32 $0x7A;
	p1 =	seq.s32 s8, $0x0  }
0x6dd: {  	s10 =	smov.u32 @p5 s17;
	s11 =	smov.u32 @p5 s4;
	p1 =	por !p4, !p1  }
0x6de: {  	s4 =	simm.s32 $0x79;
	s17 =	spop (v2sf);
	p1 =	por !p1, !p1  }
0x6df: {  	s9 =	smov.u32 @p0 s12;
	s12 =	sadd.s32 s17, s21;
	s8 =	simm.s32 @p1 $0x1  }
0x6e0: {  	s9 =	smov.u32 @p5 s4;
	p4 =	sge.s32 s12, s5;
	p2 =	seq.s32 s8, $0x0  }
0x6e1: {  	s4 =	simm.s32 $0x78;
	p0 =	por !p4, !p2;
	p2 =	seq.s32 s31, $0x1  }
0x6e2: {  	s19 =	spop (v2sf);
	s11 =	smov.u32 @p2 s1;
	s10 =	smov.u32 @p2 s15  }
0x6e3: {  	s1 =	simm.s32 $0x77;
	p0 =	por !p0, !p0;
	s9 =	smov.u32 @p2 s4  }
0x6e4: {  	s15 =	simm.s32 $0x50;
	s10 =	smov.u32 @p6 s2;
	s11 =	smov.u32 @p6 s0  }
0x6e5: {  	s0 =	spop (v2sf);
	s8 =	simm.s32 @p0 $0x1;
	s9 =	smov.u32 @p6 s1  }
0x6e6: {  	v1 =	vld [tilespmem:s13+$0x0];
	s1 =	simm.s32 $0x76;
	s11 =	smov.u32 @p3 s3;
	s2 =	sadd.s32 s0, s12  }
0x6e7: {  	p5 =	seq.s32 s8, $0x0;
	s3 =	spop (v2sf);
	s10 =	smov.u32 @p3 s14  }
0x6e8: {  	s9 =	smov.u32 @p3 s1;
	s1 =	simm.s32 $0x75;
	p6 =	sge.s32 s2, s5  }
0x6e9: {  	s14 =	simm.s32 $0x70;
	s11 =	smov.u32 @p1 s18;
	p2 =	por !p6, !p5  }
0x6ea: {  	s4 =	sadd.s32 s3, s2;
	s9 =	smov.u32 @p1 s1;
	p2 =	por !p2, !p2  }
0x6eb: {  	(v2sf) =	vpush v1, $0xA;
	s10 =	smov.u32 @p1 s21;
	s1 =	simm.s32 $0x74;
	s8 =	simm.s32 @p2 $0x1  }
0x6ec: {  	(v2sf) =	vpush v1, $0xC;
	s18 =	simm.s32 $0x72;
	p5 =	sge.s32 s4, s5;
	p6 =	seq.s32 s8, $0x0  }
0x6ed: {  	(v2sf) =	vpush v1, $0xD;
	s11 =	smov.u32 @p0 s17;
	s20 =	sadd.s32 s19, s4;
	p3 =	por !p5, !p6  }
0x6ee: {  	(v2sf) =	vpush v1, $0xF;
	s9 =	smov.u32 @p0 s1;
	s10 =	smov.u32 @p0 s12;
	p5 =	por !p3, !p3  }
0x6ef: {  	(v2sf) =	vpush v1, $0xE;
	s1 =	simm.s32 $0x73;
	s12 =	simm.s32 $0x60;
	s8 =	simm.s32 @p5 $0x1  }
0x6f0: {  	(v2sf) =	vpush v1, $0xB;
	s17 =	simm.s32 $0x71;
	p4 =	sge.s32 s20, s5;
	p6 =	seq.s32 s8, $0x0  }
0x6f1: {  	(v2sf) =	vpush v1, $0x9;
	s22 =	sadd.s32 s16, s20;
	s11 =	smov.u32 @p2 s0;
	p0 =	por !p4, !p6  }
0x6f2: {  	s9 =	smov.u32 @p2 s1;
	s10 =	smov.u32 @p2 s2;
	(v2sf) =	vpush v1, $0x7;
	p2 =	por !p0, !p0  }
0x6f3: {  	(v2sf) =	vpush v1, $0x8;
	s11 =	smov.u32 @p5 s3;
	s10 =	smov.u32 @p5 s4;
	s8 =	simm.s32 @p2 $0x1  }
.LBB2_46:
0x6f4: {  	_ =	sdelay $0x5  }
0x6f5: {  	s9 =	smov.u32 @p5 s18;
	s21 =	spop (v2sf)  }
0x6f6: {  	p0 =	sge.s32 s22, s5;
	p1 =	seq.s32 s8, $0x0;
	s18 =	spop (v2sf)  }
0x6f7: {  	p0 =	por !p0, !p1;
	s2 =	spop (v2sf)  }
0x6f8: {  	s0 =	smov.u32 s15;
	p0 =	por !p0, !p0;
	s1 =	spop (v2sf)  }
0x6f9: {  	s11 =	smov.u32 @p2 s19;
	s8 =	simm.s32 @p0 $0x1;
	s3 =	sadd.s32 s22, s1  }
0x6fa: {  	s10 =	smov.u32 @p2 s20;
	p3 =	seq.s32 s8, $0x0;
	p4 =	sge.s32 s3, s5  }
0x6fb: {  	s9 =	smov.u32 @p2 s17;
	s11 =	smov.u32 @p0 s16;
	p1 =	por !p3, !p4  }
0x6fc: {  	s9 =	smov.u32 @p0 s14;
	s4 =	spop (v2sf);
	p2 =	por !p1, !p1  }
0x6fd: {  	s10 =	smov.u32 @p0 s22;
	s17 =	sadd.s32 s4, s3;
	s8 =	simm.s32 @p2 $0x1  }
0x6fe: {  	s23 =	spop (v2sf);
	p6 =	sge.s32 s17, s5;
	p5 =	seq.s32 s8, $0x0  }
0x6ff: {  	s14 =	smov.u32 s12;
	s22 =	spop (v2sf);
	p0 =	por !p6, !p5  }
0x700: {  	s12 =	smov.u32 s0;
	s16 =	spop (v2sf);
	p3 =	por !p0, !p0  }
0x701: {  	s10 =	smov.u32 @p2 s3;
	s3 =	sadd.s32 s2, s17;
	s8 =	simm.s32 @p3 $0x1  }
0x702: {  	s11 =	smov.u32 @p2 s1;
	p4 =	sge.s32 s3, s5;
	p1 =	seq.s32 s8, $0x0  }
0x703: {  	s20 =	spop (v2sf);
	s24 =	sadd.s32 s18, s3;
	p0 =	por !p4, !p1  }
0x704: {  	s26 =	sadd.s32 s23, s24;
	p6 =	sge.s32 s24, s5;
	p1 =	por !p0, !p0  }
0x705: {  	s1 =	simm.s32 @!p3 $0x0;
	p0 =	sne.s32 s15, $0x0;
	s8 =	simm.s32 @p1 $0x1  }
0x706: {  	s11 =	smov.u32 @p3 s4;
	s4 =	simm.s32 @!p0 $0x0;
	p5 =	seq.s32 s8, $0x0  }
0x707: {  	s10 =	smov.u32 @p3 s17;
	s4 =	simm.s32 @p0 $0x1;
	p0 =	por !p6, !p5  }
0x708: {  	s1 =	simm.s32 @p3 $0x1;
	p4 =	sge.s32 s26, s5;
	p0 =	por !p0, !p0  }
0x709: {  	s11 =	smov.u32 @p1 s2;
	s10 =	smov.u32 @p1 s3;
	s8 =	simm.s32 @p0 $0x1  }
0x70a: {  	s2 =	simm.s32 @!p0 $0x0;
	s10 =	smov.u32 @p0 s24;
	p3 =	seq.s32 s8, $0x0  }
0x70b: {  	s11 =	smov.u32 @p0 s18;
	s2 =	simm.s32 @p0 $0x1;
	p0 =	por !p4, !p3  }
0x70c: {  	s28 =	sadd.s32 s21, s26;
	[smem:$0x7C0] =	sst s1;
	p0 =	por !p0, !p0  }
0x70d: {  	(v2sf) =	vpush v1, $0x6;
	s1 =	sadd.s32 s22, s28;
	p6 =	sge.s32 s28, s5;
	s8 =	simm.s32 @p0 $0x1  }
0x70e: {  	s0 =	simm.s32 @!p0 $0x0;
	s11 =	smov.u32 @p0 s23;
	p5 =	seq.s32 s8, $0x0  }
0x70f: {  	s10 =	smov.u32 @p0 s26;
	s0 =	simm.s32 @p0 $0x1;
	p0 =	por !p6, !p5  }
0x710: {  	s25 =	sadd.s32 s20, s1;
	p0 =	por !p0, !p0  }
0x711: {  	(v2sf) =	vpush v1, $0x5;
	p4 =	sge.s32 s1, s5;
	[smem:$0x7C3] =	sst s0;
	s8 =	simm.s32 @p0 $0x1  }
0x712: {  	s0 =	simm.s32 @!p0 $0x0;
	s11 =	smov.u32 @p0 s21;
	p3 =	seq.s32 s8, $0x0  }
0x713: {  	s10 =	smov.u32 @p0 s28;
	s0 =	simm.s32 @p0 $0x1;
	p0 =	por !p4, !p3  }
0x714: {  	[smem:$0x7C7] =	sst s4;
	s4 =	simm.s32 @!p1 $0x0;
	p0 =	por !p0, !p0  }
0x715: {  	p6 =	sge.s32 s25, s5;
	[smem:$0x7C4] =	sst s0;
	s8 =	simm.s32 @p0 $0x1  }
0x716: {  	s0 =	simm.s32 @!p0 $0x0;
	s10 =	smov.u32 @p0 s1;
	p5 =	seq.s32 s8, $0x0  }
0x717: {  	s11 =	smov.u32 @p0 s22;
	s0 =	simm.s32 @p0 $0x1;
	p0 =	por !p6, !p5  }
0x718: {  	s19 =	sadd.s32 s16, s25;
	s4 =	simm.s32 @p1 $0x1;
	p0 =	por !p0, !p0  }
0x719: {  	(v2sf) =	vpush v1, $0x0;
	p3 =	sge.s32 s19, s5;
	[smem:$0x7C5] =	sst s0;
	s8 =	simm.s32 @p0 $0x1  }
0x71a: {  	(v2sf) =	vpush v1, $0x4;
	s0 =	simm.s32 @!p0 $0x0;
	s11 =	smov.u32 @p0 s20;
	p1 =	seq.s32 s8, $0x0  }
0x71b: {  	s10 =	smov.u32 @p0 s25;
	s0 =	simm.s32 @p0 $0x1;
	p0 =	por !p3, !p1  }
0x71c: {  	[smem:$0x7C6] =	sst s0;
	s0 =	spop (v2sf);
	p6 =	por !p0, !p0  }
0x71d: {  	s25 =	sadd.s32 s0, s19;
	s8 =	simm.s32 @p6 $0x1  }
0x71e: {  	p5 =	sge.s32 s25, s5;
	p4 =	seq.s32 s8, $0x0  }
0x71f: {  	s7 =	sld [smem:$0x7C0];
	p0 =	por !p5, !p4  }
0x720: {  	(v2sf) =	vpush v1, $0x1;
	s29 =	spop (v2sf);
	s11 =	smov.u32 @p6 s16;
	p5 =	por !p0, !p0  }
0x721: {  	(v2sf) =	vpush v1, $0x3;
	s8 =	simm.s32 @p5 $0x1;
	s11 =	smov.u32 @p5 s0;
	s0 =	sadd.s32 s29, s25  }
0x722: {  	s3 =	sadd.s32 $0xF, s14;
	p3 =	seq.s32 s8, $0x0;
	p4 =	sge.s32 s0, s5  }
0x723: {  	s30 =	sadd.s32 $0xE, s14;
	s9 =	smov.u32 @p2 s3;
	p0 =	por !p4, !p3  }
0x724: {  	[smem:$0x7C1] =	sst s4;
	(v2sf) =	vpush v1, $0x2;
	p3 =	por !p0, !p0;
	p0 =	seq.s32 s7, $0x1  }
0x725: {  	s13 =	sadd.s32 $0xFFFFFF80, s13;
	s9 =	smov.u32 @p0 s30;
	s30 =	sld [smem:$0x7C1]  }
0x726: {  	s24 =	sadd.s32 $0x6, s14;
	s4 =	sadd.s32 $0x9, s14;
	[smem:$0x7C2] =	sst s2  }
0x727: {  	s2 =	sadd.s32 $0xA, s14;
	s23 =	sadd.s32 $0x5, s14;
	s26 =	sadd.s32 $0xC, s14  }
0x728: {  	s16 =	spop (v2sf);
	p2 =	seq.s32 s30, $0x1;
	s30 =	sld [smem:$0x7C2]  }
0x729: {  	s28 =	sadd.s32 $0xB, s14;
	s22 =	sadd.s32 $0x4, s14;
	s31 =	spop (v2sf)  }
0x72a: {  	s1 =	sadd.s32 $0x8, s14;
	s10 =	smov.u32 @p6 s19;
	s3 =	sadd.s32 s31, s0  }
0x72b: {  	s8 =	simm.s32 @p3 $0x1;
	p1 =	seq.s32 s30, $0x1;
	s30 =	sld [smem:$0x7C3]  }
0x72c: {  	s19 =	sadd.s32 $0xD, s14;
	p4 =	sge.s32 s3, s5;
	p0 =	seq.s32 s8, $0x0  }
0x72d: {  	s20 =	sadd.s32 $0x7, s14;
	p0 =	por !p4, !p0;
	s9 =	smov.u32 @p2 s19  }
0x72e: {  	p2 =	por !p0, !p0;
	p0 =	seq.s32 s30, $0x1;
	s30 =	sld [smem:$0x7C4]  }
0x72f: {  	s7 =	sld [smem:$0x7C5];
	s19 =	spop (v2sf);
	s9 =	smov.u32 @p1 s26  }
0x730: {  	s8 =	simm.s32 @p2 $0x1;
	s26 =	spop (v2sf);
	s9 =	smov.u32 @p0 s28  }
0x731: {  	s28 =	sadd.s32 s26, s3;
	p0 =	seq.s32 s30, $0x1;
	s30 =	sld [smem:$0x7C6]  }
0x732: {  	p1 =	seq.s32 s8, $0x0;
	s9 =	smov.u32 @p0 s2;
	p0 =	sge.s32 s28, s5  }
0x733: {  	p4 =	seq.s32 s7, $0x1;
	s2 =	spop (v2sf);
	p0 =	por !p0, !p1  }
0x734: {  	v1 =	vld [tilespmem:s13+$0x0];
	s9 =	smov.u32 @p4 s4;
	p1 =	seq.s32 s30, $0x1;
	p4 =	por !p0, !p0  }
0x735: {  	s9 =	smov.u32 @p1 s1;
	s1 =	sadd.s32 s2, s28;
	s8 =	simm.s32 @p4 $0x1  }
0x736: {  	s9 =	smov.u32 @p6 s20;
	p1 =	sge.s32 s1, s5;
	p6 =	seq.s32 s8, $0x0  }
0x737: {  	s10 =	smov.u32 @p5 s25;
	s11 =	smov.u32 @p3 s29;
	p0 =	por !p1, !p6  }
0x738: {  	s11 =	smov.u32 @p2 s31;
	s9 =	smov.u32 @p5 s24;
	p5 =	por !p0, !p0  }
0x739: {  	(v2sf) =	vpush v1, $0xA;
	s31 =	sld [smem:$0x7C7];
	s20 =	sadd.s32 s19, s1;
	s8 =	simm.s32 @p5 $0x1  }
0x73a: {  	s10 =	smov.u32 @p3 s0;
	(v2sf) =	vpush v1, $0xC;
	p1 =	sge.s32 s20, s5;
	p6 =	seq.s32 s8, $0x0  }
0x73b: {  	s10 =	smov.u32 @p2 s3;
	(v2sf) =	vpush v1, $0xD;
	s9 =	smov.u32 @p3 s23;
	p0 =	por !p1, !p6  }
0x73c: {  	(v2sf) =	vpush v1, $0xF;
	s9 =	smov.u32 @p2 s22;
	p2 =	por !p0, !p0;
	p0 =	seq.s32 s31, $0x1  }
.Ltmp23:
0x73d: {  	(v2sf) =	vpush v1, $0xE;
	(pc) =	sbr.rel @p0 .LBB2_46-.Ltmp23, $4  }
0x73e: {  	s17 =	sadd.s32 $0x1, s14;
	s15 =	sadd.s32 $0xFFFFFFF0, s15;
	(v2sf) =	vpush v1, $0xB  }
0x73f: {  	s18 =	sadd.s32 $0x2, s14;
	(v2sf) =	vpush v1, $0x9;
	s11 =	smov.u32 @p4 s26;
	s10 =	smov.u32 @p4 s28  }
0x740: {  	s21 =	sadd.s32 $0x3, s14;
	(v2sf) =	vpush v1, $0x7;
	s11 =	smov.u32 @p5 s2;
	s10 =	smov.u32 @p5 s1  }
0x741: {  	(v2sf) =	vpush v1, $0x8;
	s22 =	sadd.s32 s16, s20;
	s9 =	smov.u32 @p4 s21;
	s8 =	simm.s32 @p2 $0x1  }
0x742: {  	_ =	sdelay $0x5  }
0x743: {  	s13 =	spop (v2sf)  }
0x744: {  	p0 =	sge.s32 s22, s5;
	p1 =	seq.s32 s8, $0x0;
	s15 =	spop (v2sf)  }
0x745: {  	p0 =	por !p0, !p1;
	s21 =	spop (v2sf)  }
0x746: {  	p0 =	por !p0, !p0;
	s2 =	spop (v2sf)  }
0x747: {  	s8 =	simm.s32 @p0 $0x1;
	s24 =	sadd.s32 s22, s2  }
0x748: {  	p4 =	seq.s32 s8, $0x0;
	p3 =	sge.s32 s24, s5  }
0x749: {  	p1 =	por !p4, !p3  }
0x74a: {  	s3 =	spop (v2sf);
	p1 =	por !p1, !p1  }
0x74b: {  	s25 =	sadd.s32 s3, s24;
	s8 =	simm.s32 @p1 $0x1  }
0x74c: {  	p4 =	sge.s32 s25, s5;
	p6 =	seq.s32 s8, $0x0  }
0x74d: {  	p3 =	por !p4, !p6  }
0x74e: {  	p6 =	por !p3, !p3  }
0x74f: {  	s26 =	sadd.s32 s21, s25;
	s8 =	simm.s32 @p6 $0x1  }
0x750: {  	p4 =	sge.s32 s26, s5;
	p3 =	seq.s32 s8, $0x0  }
0x751: {  	p3 =	por !p4, !p3  }
0x752: {  	p3 =	por !p3, !p3  }
0x753: {  	s28 =	sadd.s32 s15, s26;
	s0 =	simm.s32 @!p3 $0x0;
	s8 =	simm.s32 @p3 $0x1  }
0x754: {  	p4 =	sge.s32 s28, s5;
	s0 =	simm.s32 @p3 $0x1;
	p3 =	seq.s32 s8, $0x0  }
0x755: {  	s4 =	spop (v2sf);
	p3 =	por !p4, !p3  }
0x756: {  	s23 =	sadd.s32 s4, s28;
	p3 =	por !p3, !p3  }
0x757: {  	[smem:$0x7BC] =	sst s0;
	s0 =	simm.s32 @!p3 $0x0;
	s8 =	simm.s32 @p3 $0x1  }
0x758: {  	s0 =	simm.s32 @p3 $0x1;
	p4 =	seq.s32 s8, $0x0;
	p3 =	sge.s32 s23, s5  }
0x759: {  	p3 =	por !p3, !p4  }
0x75a: {  	s9 =	smov.u32 @p5 s18;
	p3 =	por !p3, !p3  }
0x75b: {  	s11 =	smov.u32 @p2 s19;
	[smem:$0x7BD] =	sst s0;
	s0 =	simm.s32 @!p3 $0x0  }
0x75c: {  	s10 =	smov.u32 @p2 s20;
	s18 =	sadd.s32 $0xF, s12;
	s0 =	simm.s32 @p3 $0x1  }
0x75d: {  	(v2sf) =	vpush v1, $0x6;
	s8 =	simm.s32 @p3 $0x1;
	[smem:$0x7BE] =	sst s0;
	s0 =	sadd.s32 s13, s23  }
0x75e: {  	s19 =	sadd.s32 $0xD, s12;
	p3 =	seq.s32 s8, $0x0;
	p5 =	sge.s32 s0, s5  }
0x75f: {  	s9 =	smov.u32 @p2 s17;
	s11 =	smov.u32 @p0 s16;
	p3 =	por !p5, !p3  }
0x760: {  	s9 =	smov.u32 @p0 s14;
	s17 =	spop (v2sf);
	p4 =	por !p3, !p3  }
0x761: {  	s10 =	smov.u32 @p0 s22;
	s1 =	sadd.s32 s17, s0;
	s8 =	simm.s32 @p4 $0x1  }
0x762: {  	s14 =	spop (v2sf);
	p5 =	sge.s32 s1, s5;
	p3 =	seq.s32 s8, $0x0  }
0x763: {  	s10 =	smov.u32 @p1 s24;
	s16 =	spop (v2sf);
	p2 =	por !p5, !p3  }
0x764: {  	s11 =	smov.u32 @p1 s2;
	s7 =	sld [smem:$0x7BC];
	p2 =	por !p2, !p2  }
0x765: {  	(v2sf) =	vpush v1, $0x5;
	s9 =	smov.u32 @p1 s18;
	s2 =	sadd.s32 s16, s1;
	s8 =	simm.s32 @p2 $0x1  }
0x766: {  	s18 =	sadd.s32 $0xE, s12;
	p5 =	sge.s32 s2, s5;
	p3 =	seq.s32 s8, $0x0  }
0x767: {  	(v2sf) =	vpush v1, $0x0;
	s11 =	smov.u32 @p6 s3;
	p0 =	por !p5, !p3;
	p3 =	seq.s32 s7, $0x1  }
0x768: {  	p5 =	por !p0, !p0;
	s11 =	smov.u32 @p3 s21;
	s21 =	sld [smem:$0x7BD]  }
0x769: {  	s10 =	smov.u32 @p6 s25;
	s3 =	sadd.s32 s14, s2;
	s8 =	simm.s32 @p5 $0x1  }
0x76a: {  	(v2sf) =	vpush v1, $0x4;
	s9 =	smov.u32 @p6 s18;
	p6 =	sge.s32 s3, s5;
	p1 =	seq.s32 s8, $0x0  }
0x76b: {  	s22 =	sld [smem:$0x7BE];
	p0 =	por !p6, !p1;
	p1 =	seq.s32 s21, $0x1  }
0x76c: {  	(v2sf) =	vpush v1, $0x1;
	s11 =	smov.u32 @p1 s15;
	p0 =	por !p0, !p0;
	s15 =	spop (v2sf)  }
0x76d: {  	s10 =	smov.u32 @p3 s26;
	s8 =	simm.s32 @p0 $0x1;
	s18 =	sadd.s32 s15, s3  }
0x76e: {  	s9 =	smov.u32 @p3 s19;
	p3 =	seq.s32 s8, $0x0;
	p6 =	sge.s32 s18, s5  }
0x76f: {  	(v2sf) =	vpush v1, $0x3;
	s10 =	smov.u32 @p1 s28;
	p1 =	por !p6, !p3;
	p3 =	seq.s32 s22, $0x1  }
0x770: {  	s24 =	sld [smem:$0x7BE];
	p6 =	por p4, p4;
	s11 =	smov.u32 @p3 s4  }
0x771: {  	s10 =	smov.u32 @p3 s23;
	s4 =	simm.s32 @!p4 $0x0;
	s23 =	sld [smem:$0x7BD]  }
0x772: {  	s4 =	simm.s32 @p4 $0x1;
	s11 =	smov.u32 @p4 s13;
	p4 =	por !p1, !p1  }
0x773: {  	s13 =	sadd.s32 $0xC, s12;
	s10 =	smov.u32 @p6 s0;
	[smem:$0x7BF] =	sst s4  }
0x774: {  	(v2sf) =	vpush v1, $0x2;
	s4 =	spop (v2sf);
	s8 =	simm.s32 @p4 $0x1;
	s11 =	smov.u32 @p2 s17  }
0x775: {  	s17 =	sadd.s32 $0xB, s12;
	s10 =	smov.u32 @p2 s1;
	s1 =	sadd.s32 $0x9, s12  }
0x776: {  	s19 =	sadd.s32 s4, s18;
	p1 =	seq.s32 s23, $0x1;
	s0 =	spop (v2sf)  }
0x777: {  	s11 =	smov.u32 @p5 s16;
	s10 =	smov.u32 @p5 s2;
	s16 =	sadd.s32 $0xA, s12  }
0x778: {  	s25 =	sld [smem:$0x7BF];
	s9 =	smov.u32 @p1 s13;
	p1 =	seq.s32 s8, $0x0  }
0x779: {  	p3 =	sge.s32 s19, s5;
	s13 =	spop (v2sf);
	s10 =	smov.u32 @p0 s3  }
0x77a: {  	s11 =	smov.u32 @p0 s14;
	s3 =	sadd.s32 $0x8, s12;
	p1 =	por !p3, !p1  }
0x77b: {  	s20 =	sadd.s32 s13, s19;
	s2 =	spop (v2sf);
	p3 =	por !p1, !p1  }
0x77c: {  	s11 =	smov.u32 @p4 s15;
	p1 =	seq.s32 s24, $0x1;
	s8 =	simm.s32 @p3 $0x1  }
0x77d: {  	p6 =	sge.s32 s20, s5;
	s9 =	smov.u32 @p1 s17;
	p1 =	seq.s32 s8, $0x0  }
0x77e: {  	s10 =	smov.u32 @p4 s18;
	s17 =	spop (v2sf);
	p1 =	por !p6, !p1  }
0x77f: {  	s11 =	smov.u32 @p3 s4;
	p6 =	seq.s32 s25, $0x1;
	p1 =	por !p1, !p1  }
0x780: {  	s9 =	smov.u32 @p6 s16;
	s16 =	sadd.s32 s17, s20;
	s8 =	simm.s32 @p1 $0x1  }
0x781: {  	s9 =	smov.u32 @p2 s1;
	p6 =	sge.s32 s16, s5;
	p2 =	seq.s32 s8, $0x0  }
0x782: {  	s4 =	sadd.s32 $0x6, s12;
	s1 =	sadd.s32 $0x7, s12;
	p2 =	por !p6, !p2  }
0x783: {  	s9 =	smov.u32 @p5 s3;
	s3 =	spop (v2sf);
	p2 =	por !p2, !p2  }
0x784: {  	s9 =	smov.u32 @p0 s1;
	s1 =	sadd.s32 s3, s16;
	s8 =	simm.s32 @p2 $0x1  }
0x785: {  	s10 =	smov.u32 @p3 s19;
	p5 =	sge.s32 s1, s5;
	p6 =	seq.s32 s8, $0x0  }
0x786: {  	s11 =	smov.u32 @p1 s13;
	s10 =	smov.u32 @p1 s20;
	p0 =	por !p5, !p6  }
0x787: {  	s9 =	smov.u32 @p4 s4;
	s11 =	smov.u32 @p2 s17;
	p0 =	por !p0, !p0  }
0x788: {  	s11 =	smov.u32 @p0 s3;
	s3 =	sadd.s32 s2, s1;
	s8 =	simm.s32 @p0 $0x1  }
0x789: {  	s4 =	sadd.s32 $0x5, s12;
	p5 =	sge.s32 s3, s5;
	p6 =	seq.s32 s8, $0x0  }
0x78a: {  	s9 =	smov.u32 @p3 s4;
	s4 =	sadd.s32 $0x4, s12;
	p4 =	por !p5, !p6  }
0x78b: {  	s9 =	smov.u32 @p1 s4;
	s4 =	sadd.s32 $0x3, s12;
	p1 =	por !p4, !p4  }
0x78c: {  	s9 =	smov.u32 @p2 s4;
	s4 =	sadd.s32 s0, s3;
	s8 =	simm.s32 @p1 $0x1  }
0x78d: {  	s10 =	smov.u32 @p2 s16;
	p6 =	sge.s32 s4, s5;
	p5 =	seq.s32 s8, $0x0  }
0x78e: {  	s10 =	smov.u32 @p0 s1;
	s1 =	sadd.s32 $0x2, s12;
	p2 =	por !p6, !p5  }
0x78f: {  	s9 =	smov.u32 @p0 s1;
	s10 =	smov.u32 @p1 s3;
	p0 =	por !p2, !p2  }
0x790: {  	s11 =	smov.u32 @p1 s2;
	s10 =	smov.u32 @p0 s4  }
0x791: {  	s1 =	sadd.s32 $0x1, s12;
	s11 =	smov.u32 @p0 s0;
	s26 =	ssub.s32 s5, s10  }
0x792: {  	s9 =	smov.u32 @p1 s1;
	s0 =	sadd.s32 s11, s26  }
0x793: {  	s9 =	smov.u32 @p0 s12;
	v1 =	vmov s0  }
0x794: {  	[tilespmem:$0x1A080] =	vst v1;
	v1 =	vmov s9  }
0x795: {  	s29 =	rddreg [dreg:$0x5];
	s30 =	simm.s32 $0x1;
	s28 =	simm.s32 $0x19880;
	[tilespmem:$0x19880] =	vst v1  }
0x796: {  	[spmem:s29] =	stream.linear.scatter [tilespmem:s28], [sflag:$0x1], $0x800, $0x38;
	[tilespmem:$0x1AA40] =	vst v63  }
0x797: {  	_ =	swait.ge [sflag:s30], $0x800  }
0x798: {  	s31 =	sld [smem:$0x7FD];
	_ =	sdelay $0x1  }
0x799: {  	[sflag:s30] =	ssyncset.done $0x0  }
0x79a: {  	[sflag:s30] =	ssyncadd.s32 $0xFFFFF800;
	p1 =	seq.s32 s31, $0x1  }
.LBB2_48:
0x79b: {  	[bflag:$0x0] =	sbarrier.arrive $0xFFFF  }
0x79c: {  	s0 =	simm.s32 $0x19880;
	s1 =	rddreg [dreg:$0x5]  }
0x79d: {  	[tilespmem:s0], [sflag:$0x1] =	stream.linear.gather [spmem:s1], $0x800, $0x38;
	[tilespmem:$0x1AA40] =	vst v63  }
0x79e: {  	_ =	swait.ge [sflag:s6], $0x800  }
0x79f: {  	[sflag:s6] =	ssyncset.done $0x0  }
0x7a0: {  	[sflag:s6] =	ssyncadd.s32 $0xFFFFF800  }
0x7a1: {  	s31 =	simm.s32 $0x0;
	v1 =	vld [tilespmem:$0x19880]  }
0x7a2: {  	v2 =	vld [tilespmem:s31+$0x0];
	_ =	sdelay $0x1  }
0x7a3: {  	v3 =	vld [tilespmem:s31+$0x10]  }
0x7a4: {  	v0 =	vshll.u32 v0, $0x7  }
0x7a5: {  	v0 =	vor.u32 v0, v1;
	v1 =	vld [tilespmem:s31+$0x20]  }
0x7a6: {  	vm0 =	vgt.s32 v2, v0  }
0x7a7: {  	v4 =	vimm.f32 $0.0e+00;
	v5 =	vld [tilespmem:s31+$0x30];
	v2 =	vnsel vm0, $0x0, v2  }
0x7a8: {  	vm0 =	vgt.s32 v3, v0;
	v2 =	vadd.f32 v2, v4  }
0x7a9: {  	v3 =	vnsel vm0, $0x0, v3  }
0x7aa: {  	v4 =	vld [tilespmem:s31+$0x40];
	v2 =	vadd.f32 v3, v2;
	vm0 =	vgt.s32 v1, v0  }
0x7ab: {  	v3 =	vnsel vm0, $0x0, v1  }
0x7ac: {  	v1 =	vld [tilespmem:s31+$0x50];
	vm0 =	vgt.s32 v5, v0;
	v2 =	vadd.f32 v3, v2  }
0x7ad: {  	v3 =	vnsel vm0, $0x0, v5  }
0x7ae: {  	v5 =	vadd.f32 v3, v2;
	v3 =	vld [tilespmem:s31+$0x60]  }
0x7af: {  	vm0 =	vgt.s32 v4, v0  }
0x7b0: {  	v4 =	vnsel vm0, $0x0, v4;
	v2 =	vld [tilespmem:s31+$0x70]  }
0x7b1: {  	s4 =	simm.s32 $0x80;
	s0 =	simm.s32 $0x400;
	v4 =	vadd.f32 v4, v5;
	vm0 =	vgt.s32 v1, v0  }
.LBB2_49:
0x7b2: {  	p0 =	sne.s32 s0, $0x3FE00;
	v5 =	vld [tilespmem:s4+$0x0];
	v1 =	vnsel vm0, $0x0, v1  }
0x7b3: {  	v1 =	vadd.f32 v1, v4;
	vm0 =	vgt.s32 v3, v0  }
0x7b4: {  	v4 =	vld [tilespmem:s4+$0x10];
	v3 =	vnsel vm0, $0x0, v3  }
0x7b5: {  	v1 =	vadd.f32 v3, v1;
	vm0 =	vgt.s32 v2, v0  }
0x7b6: {  	v3 =	vld [tilespmem:s4+$0x20];
	v2 =	vnsel vm0, $0x0, v2  }
0x7b7: {  	vm0 =	vgt.s32 v5, v0;
	v1 =	vadd.f32 v2, v1  }
0x7b8: {  	v2 =	vnsel vm0, $0x0, v5;
	v5 =	vld [tilespmem:s4+$0x30]  }
0x7b9: {  	v1 =	vadd.f32 v2, v1;
	vm0 =	vgt.s32 v4, v0  }
0x7ba: {  	v2 =	vnsel vm0, $0x0, v4;
	v4 =	vld [tilespmem:s4+$0x40]  }
0x7bb: {  	v2 =	vadd.f32 v2, v1;
	vm0 =	vgt.s32 v3, v0  }
0x7bc: {  	v3 =	vnsel vm0, $0x0, v3;
	v1 =	vld [tilespmem:s4+$0x50]  }
.Ltmp24:
0x7bd: {  	v2 =	vadd.f32 v3, v2;
	vm0 =	vgt.s32 v5, v0;
	(pc) =	sbr.rel @p0 .LBB2_49-.Ltmp24, $4  }
0x7be: {  	v5 =	vnsel vm0, $0x0, v5;
	v3 =	vld [tilespmem:s4+$0x60]  }
0x7bf: {  	v5 =	vadd.f32 v5, v2;
	vm0 =	vgt.s32 v4, v0  }
0x7c0: {  	v4 =	vnsel vm0, $0x0, v4;
	v2 =	vld [tilespmem:s4+$0x70]  }
0x7c1: {  	s4 =	sshra.s32 s0, $0x2;
	s0 =	sadd.s32 $0x200, s0;
	v4 =	vadd.f32 v4, v5;
	vm0 =	vgt.s32 v1, v0  }
0x7c2: {  	v5 =	vld [tilespmem:s4+$0x0];
	v1 =	vnsel vm0, $0x0, v1  }
0x7c3: {  	v1 =	vadd.f32 v1, v4;
	vm6 =	vgt.s32 v3, v0  }
0x7c4: {  	v50 =	vld [tilespmem:s4+$0x10];
	v3 =	vnsel vm6, $0x0, v3  }
0x7c5: {  	v1 =	vadd.f32 v3, v1;
	vm7 =	vgt.s32 v2, v0  }
0x7c6: {  	v51 =	vld [tilespmem:s4+$0x20];
	v2 =	vnsel vm7, $0x0, v2  }
0x7c7: {  	vm8 =	vgt.s32 v5, v0;
	v1 =	vadd.f32 v2, v1  }
0x7c8: {  	v53 =	vld [tilespmem:s4+$0x30];
	v52 =	vnsel vm8, $0x0, v5  }
0x7c9: {  	vm9 =	vgt.s32 v50, v0;
	v1 =	vadd.f32 v52, v1  }
0x7ca: {  	v55 =	vld [tilespmem:s4+$0x40];
	v54 =	vnsel vm9, $0x0, v50  }
0x7cb: {  	vm10 =	vgt.s32 v51, v0;
	v1 =	vadd.f32 v54, v1  }
0x7cc: {  	v57 =	vld [tilespmem:s4+$0x50];
	v56 =	vnsel vm10, $0x0, v51  }
0x7cd: {  	vm11 =	vgt.s32 v53, v0;
	v1 =	vadd.f32 v56, v1  }
0x7ce: {  	v59 =	vld [tilespmem:s4+$0x60];
	v58 =	vnsel vm11, $0x0, v53  }
0x7cf: {  	vm12 =	vgt.s32 v55, v0;
	v1 =	vadd.f32 v58, v1  }
0x7d0: {  	v61 =	vld [tilespmem:s4+$0x70];
	v60 =	vnsel vm12, $0x0, v55  }
0x7d1: {  	vm13 =	vgt.s32 v57, v0;
	v1 =	vadd.f32 v60, v1  }
0x7d2: {  	v62 =	vnsel vm13, $0x0, v57  }
0x7d3: {  	vm14 =	vgt.s32 v59, v0;
	v1 =	vadd.f32 v62, v1  }
0x7d4: {  	v63 =	vnsel vm14, $0x0, v59  }
0x7d5: {  	vm15 =	vgt.s32 v61, v0;
	v1 =	vadd.f32 v63, v1  }
0x7d6: {  	v0 =	vnsel vm15, $0x0, v61  }
0x7d7: {  	v0 =	vadd.f32 v0, v1  }
0x7d8: {  	s4 =	simm.s32 $0x0  }
0x7d9: {  	s0 =	simm.s32 $0x1A100;
	s1 =	rddreg [dreg:$0xa];
	s5 =	simm.s32 $0x1;
	[tilespmem:$0x1A100] =	vst v0  }
0x7da: {  	[hbm4b:s1+s4] =	stream.linear.scatter [tilespmem:s0], [sflag:$0x1], $0x80, $0x38;
	[tilespmem:$0x1AA40] =	vst v63  }
0x7db: {  	_ =	swait.ge [sflag:s5], $0x80  }
0x7dc: {  	[sflag:s5] =	ssyncset.done $0x0  }
0x7dd: {  	[sflag:s5] =	ssyncadd.s32 $0xFFFFFF80  }
0x7de: {  	[bflag:$0x0] =	sbarrier.arrive $0xFFFF  }
0x7df: {  	_ =	sfence.sel @p1 $0x180000  }
0x7e0: {  	[bflag:$0x0] =	sbarrier.arrive @p1 $0xFFFF  }
0x7e1: {  	_ =	strace @p1 $0x90000047  }
0x7e2: {  	[bflag:$0x2] =	sbarrier.arrive @p1 $0xFFFF  }
0x7e3: {  	_ =	shalt @p1  }
.LBB2_51:
0x7e4: {  	s0 =	simm.s32 $0x19800;
	s1 =	rddreg [dreg:$0x8]  }
0x7e5: {  	[tilespmem:s0], [sflag:$0x1] =	stream.linear.gather [hbm4b:s1+s4], $0x80, $0x38;
	[tilespmem:$0x1AA40] =	vst v63  }
0x7e6: {  	_ =	swait.ge [sflag:s5], $0x80  }
0x7e7: {  	[sflag:s5] =	ssyncset.done $0x0  }
0x7e8: {  	s10 =	simm.s32 $0x1A180;
	s11 =	rddreg [dreg:$0x7];
	[sflag:s5] =	ssyncadd.s32 $0xFFFFFF80  }
0x7e9: {  	v0 =	vld [tilespmem:$0x19800];
	[tilespmem:s10], [sflag:$0x1] =	stream.linear.gather [hbm4b:s11+s4], $0x800, $0x38  }
0x7ea: {  	_ =	swait.ge [sflag:s5], $0x800  }
0x7eb: {  	[sflag:s5] =	ssyncset.done $0x0  }
0x7ec: {  	[sflag:s5] =	ssyncadd.s32 $0xFFFFF800  }
0x7ed: {  	v1 =	vld [tilespmem:$0x1A180];
	_ =	sdelay $0x1  }
0x7ee: {  	v2 =	vld [tilespmem:$0x1A200];
	_ =	sdelay $0x1  }
0x7ef: {  	v3 =	vld [tilespmem:$0x1A280]  }
0x7f0: {  	v1 =	vadd.f32 $0.0e+00, v1  }
0x7f1: {  	v4 =	vld [tilespmem:$0x1A300]  }
0x7f2: {  	v1 =	vadd.f32 v2, v1  }
0x7f3: {  	v51 =	vld [tilespmem:$0x1A380]  }
0x7f4: {  	v1 =	vadd.f32 v3, v1  }
0x7f5: {  	v52 =	vld [tilespmem:$0x1A400]  }
0x7f6: {  	v1 =	vadd.f32 v4, v1  }
0x7f7: {  	v53 =	vld [tilespmem:$0x1A480]  }
0x7f8: {  	v1 =	vadd.f32 v51, v1  }
0x7f9: {  	v54 =	vld [tilespmem:$0x1A500]  }
0x7fa: {  	v1 =	vadd.f32 v52, v1  }
0x7fb: {  	v55 =	vld [tilespmem:$0x1A580]  }
0x7fc: {  	v1 =	vadd.f32 v53, v1  }
0x7fd: {  	v56 =	vld [tilespmem:$0x1A600]  }
0x7fe: {  	v1 =	vadd.f32 v54, v1  }
0x7ff: {  	v57 =	vld [tilespmem:$0x1A680]  }
0x800: {  	v1 =	vadd.f32 v55, v1  }
0x801: {  	v58 =	vld [tilespmem:$0x1A700]  }
0x802: {  	v1 =	vadd.f32 v56, v1  }
0x803: {  	v59 =	vld [tilespmem:$0x1A780]  }
0x804: {  	v1 =	vadd.f32 v57, v1  }
0x805: {  	v60 =	vld [tilespmem:$0x1A800]  }
0x806: {  	v1 =	vadd.f32 v58, v1  }
0x807: {  	v61 =	vld [tilespmem:$0x1A880]  }
0x808: {  	v1 =	vadd.f32 v59, v1  }
0x809: {  	v62 =	vld [tilespmem:$0x1A900]  }
0x80a: {  	v1 =	vadd.f32 v60, v1;
	_ =	sdelay $0x1  }
0x80b: {  	v1 =	vadd.f32 v61, v1;
	_ =	sdelay $0x1  }
0x80c: {  	v1 =	vadd.f32 v62, v1;
	_ =	sdelay $0x1  }
0x80d: {  	(v2sf) =	vpush v1, $0x0  }
0x80e: {  	(v2sf) =	vpush v1, $0x1;
	_ =	sdelay $0x1  }
0x80f: {  	(v2sf) =	vpush v1, $0x2;
	_ =	sdelay $0x1  }
0x810: {  	(v2sf) =	vpush v1, $0x3;
	_ =	sdelay $0x1  }
0x811: {  	(v2sf) =	vpush v1, $0x4;
	_ =	sdelay $0x1  }
0x812: {  	(v2sf) =	vpush v1, $0x5;
	_ =	sdelay $0x1  }
0x813: {  	(v2sf) =	vpush v1, $0x6;
	_ =	sdelay $0x1  }
0x814: {  	(v2sf) =	vpush v1, $0x7;
	_ =	sdelay $0x1  }
0x815: {  	s12 =	spop (v2sf);
	(v2sf) =	vpush v1, $0x8  }
0x816: {  	s13 =	spop (v2sf)  }
0x817: {  	(v2sf) =	vpush v1, $0x9;
	s0 =	sadd.f32 s13, s12  }
0x818: {  	s14 =	spop (v2sf)  }
0x819: {  	(v2sf) =	vpush v1, $0xA;
	s0 =	sadd.f32 s0, s14  }
0x81a: {  	s15 =	spop (v2sf)  }
0x81b: {  	(v2sf) =	vpush v1, $0xB;
	s0 =	sadd.f32 s0, s15  }
0x81c: {  	s16 =	spop (v2sf)  }
0x81d: {  	(v2sf) =	vpush v1, $0xC;
	s0 =	sadd.f32 s0, s16  }
0x81e: {  	s17 =	spop (v2sf)  }
0x81f: {  	(v2sf) =	vpush v1, $0xD;
	s0 =	sadd.f32 s0, s17  }
0x820: {  	s18 =	spop (v2sf)  }
0x821: {  	(v2sf) =	vpush v1, $0xE;
	s0 =	sadd.f32 s0, s18  }
0x822: {  	s19 =	spop (v2sf)  }
0x823: {  	(v2sf) =	vpush v1, $0xF;
	s0 =	sadd.f32 s0, s19  }
0x824: {  	s20 =	spop (v2sf)  }
0x825: {  	s0 =	sadd.f32 s0, s20  }
0x826: {  	s21 =	spop (v2sf)  }
0x827: {  	s0 =	sadd.f32 s0, s21  }
0x828: {  	s22 =	spop (v2sf)  }
0x829: {  	s0 =	sadd.f32 s0, s22  }
0x82a: {  	s23 =	spop (v2sf)  }
0x82b: {  	s0 =	sadd.f32 s0, s23  }
0x82c: {  	s24 =	spop (v2sf)  }
0x82d: {  	s0 =	sadd.f32 s0, s24  }
0x82e: {  	s25 =	spop (v2sf)  }
0x82f: {  	s0 =	sadd.f32 s0, s25  }
0x830: {  	s26 =	spop (v2sf)  }
0x831: {  	s0 =	sadd.f32 s0, s26  }
0x832: {  	s28 =	spop (v2sf)  }
0x833: {  	s0 =	sadd.f32 s0, s28;
	_ =	sdelay $0x1  }
0x834: {  	v63 =	vmov s0  }
0x835: {  	v0 =	vsub.f32 v0, v63;
	_ =	sdelay $0x1  }
0x836: {  	v0 =	vmul.f32 $9.536743160e-07, v0;
	_ =	sdelay $0x1  }
0x837: {  	s29 =	simm.s32 $0x1A980;
	s30 =	rddreg [dreg:$0x1];
	[tilespmem:$0x1A980] =	vst v0  }
0x838: {  	[hbm4b:s30+s4] =	stream.linear.scatter [tilespmem:s29], [sflag:$0x1], $0x80, $0x38;
	[tilespmem:$0x1AA40] =	vst v63  }
0x839: {  	_ =	swait.ge [sflag:s5], $0x80  }
0x83a: {  	[sflag:s5] =	ssyncset.done $0x0  }
0x83b: {  	[sflag:s5] =	ssyncadd.s32 $0xFFFFFF80  }
0x83c: {  	_ =	sfence.sel $0x180000  }
0x83d: {  	[bflag:$0x0] =	sbarrier.arrive $0xFFFF  }
0x83e: {  	_ =	strace $0x90000047  }
0x83f: {  	[bflag:$0x2] =	sbarrier.arrive $0xFFFF  }
0x840: {  	s31 =	rddreg [dreg:$0x6]  }
0x841: {  	s0 =	sadd.s32 $0x100000, s31  }
0x842: {  	[sflag:s0] =	ssyncadd.tile.s32 $0x1;
	_ =	shalt  }
.Lfunc_end2:
_tile_overlayer_lowered:
.L_overlay_start_2:
0x843: {  	(tag) =	ssettag $0x2  }
0x844: {  	s0 =	rddreg [dreg:$0x0];
	s2 =	stileid.u32  }
0x845: {  	s1 =	rddreg [dreg:$0x1];
	p0 =	sne.s32 s2, $0x0  }
0x846: {  	s3 =	rddreg [dreg:$0x2];
	[bflag:$0x3] =	sbarrier.arrive $0xFFFF;
	s2 =	simm.s32 @!p0 $0x1C01  }
0x847: {  	[timem:s3], [sflag:s2] =	dma.local @!p0 [hbm:s0], s1  }
0x848: {  	s0 =	simm.s32 @!p0 $0x1  }
0x849: {  	_ =	swait.ge @!p0 [sflag:s0], s1  }
0x84a: {  	s1 =	ssub.s32 @!p0 $0x0, s1;
	[sflag:s0] =	ssyncset.done @!p0 $0x0  }
0x84b: {  	[sflag:s0] =	ssyncadd.s32 @!p0 s1  }
0x84c: {  	[bflag:$0x3] =	sbarrier.arrive $0xFFFF  }
0x84d: {  	_ =	shalt  }

</sc_bundles>
